<compile_context>
chip_gen: v7x
topology: tpu7x:2x2x1
jax: 0.10.2.dev20260603
libtpu: 0.0.44.dev20260713+nightly
codegen_flags: <defaults>
</compile_context>

<pallas_src>
import jax
import jax.numpy as jnp
from jax import lax
from jax.experimental import pallas as pl
from jax.experimental.pallas import tpu as pltpu
from jax.experimental.pallas import tpu_sc as plsc

N = 10000
NP = 10112
E = 320000
NC = 2
NS = 16
RPS = NP // NS

EPC = 64
NCH = 5120
PADE = NCH * EPC - E
DUMP = N
SS = 8
RBA = 3
RB = 4
PB = 2

NP16 = 640
RPS16 = NP16 // NS

_F32 = jnp.float32


def _mesh():
    return plsc.VectorSubcoreMesh(
        core_axis_name="c", subcore_axis_name="s", num_cores=NC, num_subcores=NS
    )


def _seg_a_body(x_hbm, src_hbm, dstr_hbm, z128_hbm, pat_hbm,
                p_hbm, dg_hbm,
                sblk, dblk, d16blk, m16blk, rows, prow, acc, dacc,
                s0, s1, s2, q0, q1, w0, w1, w2, v0, v1):
    rsem = [s0, s1, s2]
    qsem = [q0, q1]
    wsem = [w0, w1, w2]
    vsem = [v0, v1]
    c = lax.axis_index("c")
    s = lax.axis_index("s")
    row0 = s * RPS
    dr0 = s * RPS16
    pltpu.sync_copy(z128_hbm.at[pl.ds(row0, RPS)], acc.at[pl.ds(row0, RPS)])
    pltpu.sync_copy(z128_hbm.at[pl.ds(dr0, RPS16)], dacc.at[pl.ds(dr0, RPS16)])
    plsc.subcore_barrier()

    w = c * NS + s
    w16 = w * 16
    cpw = NCH // (NC * NS)
    r0 = w * cpw

    def step(t, carry):
        base = r0 + t * SS
        pltpu.sync_copy(src_hbm.at[pl.ds(base * EPC, SS * EPC)], sblk)
        pltpu.sync_copy(dstr_hbm.at[pl.ds(base, SS)], dblk)
        for j in range(SS):
            for k in range(EPC // 16):
                dv = dblk[j, pl.ds(k * 16, 16)]
                d16blk[j, pl.ds(k * 16, 16)] = lax.shift_right_logical(dv, 4)
                m16blk[j, pl.ds(k * 16, 16)] = lax.bitwise_and(dv, 15) + w16
        cps = {}
        cqs = {}
        ws = {}
        vs = {}
        for j in range(RBA):
            cps[j] = pltpu.async_copy(x_hbm.at[sblk.at[pl.ds(j * EPC, EPC)]],
                                      rows.at[j % RBA], rsem[j % RBA])
        for j in range(PB):
            cqs[j] = pltpu.async_copy(pat_hbm.at[m16blk.at[j]], prow.at[j % PB],
                                      qsem[j % PB])
        for j in range(SS):
            if j >= 1:
                ws[j - 1].wait()
                if j - 1 + RBA < SS:
                    cps[j - 1 + RBA] = pltpu.async_copy(
                        x_hbm.at[sblk.at[pl.ds((j - 1 + RBA) * EPC, EPC)]],
                        rows.at[(j - 1) % RBA], rsem[(j - 1) % RBA])
                vs[j - 1].wait()
                if j - 1 + PB < SS:
                    cqs[j - 1 + PB] = pltpu.async_copy(
                        pat_hbm.at[m16blk.at[j - 1 + PB]],
                        prow.at[(j - 1) % PB], qsem[(j - 1) % PB])
            cps[j].wait()
            ws[j] = pltpu.async_copy(rows.at[j % RBA], acc.at[dblk.at[j]],
                                     wsem[j % RBA], add=True)
            cqs[j].wait()
            vs[j] = pltpu.async_copy(prow.at[j % PB], dacc.at[d16blk.at[j]],
                                     vsem[j % PB], add=True)
        ws[SS - 1].wait()
        vs[SS - 1].wait()
        return carry

    lax.fori_loop(0, cpw // SS, step, 0)
    plsc.subcore_barrier()
    pltpu.sync_copy(acc.at[pl.ds(row0, RPS)], p_hbm.at[c, pl.ds(row0, RPS)])
    pltpu.sync_copy(dacc.at[pl.ds(dr0, RPS16)], dg_hbm.at[c, pl.ds(dr0, RPS16)])


_seg_a = pl.kernel(
    _seg_a_body,
    out_type=[jax.ShapeDtypeStruct((NC, NP, 128), _F32),
              jax.ShapeDtypeStruct((NC, NP16, 128), _F32)],
    mesh=_mesh(),
    scratch_types=[pltpu.VMEM((SS * EPC,), jnp.int32),
                   pltpu.VMEM((SS, EPC), jnp.int32),
                   pltpu.VMEM((SS, EPC), jnp.int32),
                   pltpu.VMEM((SS, EPC), jnp.int32),
                   pltpu.VMEM((RBA, EPC, 128), _F32),
                   pltpu.VMEM((PB, EPC, 128), _F32),
                   pltpu.VMEM_SHARED((NP, 128), _F32),
                   pltpu.VMEM_SHARED((NP16, 128), _F32),
                   pltpu.SemaphoreType.DMA, pltpu.SemaphoreType.DMA,
                   pltpu.SemaphoreType.DMA,
                   pltpu.SemaphoreType.DMA, pltpu.SemaphoreType.DMA,
                   pltpu.SemaphoreType.DMA, pltpu.SemaphoreType.DMA,
                   pltpu.SemaphoreType.DMA,
                   pltpu.SemaphoreType.DMA, pltpu.SemaphoreType.DMA],
)


def _make_seg_body(col_split):
    def body(t_hbm, src_hbm, dstr_hbm, z128_hbm,
             p_hbm,
             sblk, dblk, rows, acc, s0, s1, s2, s3, w0, w1, w2, w3):
        rsem = [s0, s1, s2, s3]
        wsem = [w0, w1, w2, w3]
        c = lax.axis_index("c")
        s = lax.axis_index("s")
        row0 = s * RPS
        pltpu.sync_copy(z128_hbm.at[pl.ds(row0, RPS)], acc.at[pl.ds(row0, RPS)])
        plsc.subcore_barrier()

        if col_split:
            cpw = NCH // NS
            r0 = s * cpw
        else:
            cpw = NCH // (NC * NS)
            r0 = (c * NS + s) * cpw

        def step(t, carry):
            base = r0 + t * SS
            if col_split:
                pltpu.sync_copy(src_hbm.at[c, pl.ds(base * EPC, SS * EPC)], sblk)
            else:
                pltpu.sync_copy(src_hbm.at[pl.ds(base * EPC, SS * EPC)], sblk)
            pltpu.sync_copy(dstr_hbm.at[pl.ds(base, SS)], dblk)
            cps = {}
            ws = {}
            for j in range(RB):
                cps[j] = pltpu.async_copy(t_hbm.at[sblk.at[pl.ds(j * EPC, EPC)]],
                                          rows.at[j % RB], rsem[j % RB])
            for j in range(SS):
                if j >= 1:
                    ws[j - 1].wait()
                    if j - 1 + RB < SS:
                        cps[j - 1 + RB] = pltpu.async_copy(
                            t_hbm.at[sblk.at[pl.ds((j - 1 + RB) * EPC, EPC)]],
                            rows.at[(j - 1) % RB], rsem[(j - 1) % RB])
                cps[j].wait()
                ws[j] = pltpu.async_copy(rows.at[j % RB], acc.at[dblk.at[j]],
                                         wsem[j % RB], add=True)
            ws[SS - 1].wait()
            return carry

        lax.fori_loop(0, cpw // SS, step, 0)
        plsc.subcore_barrier()
        pltpu.sync_copy(acc.at[pl.ds(row0, RPS)], p_hbm.at[c, pl.ds(row0, RPS)])

    return body


_seg_scratch = [pltpu.VMEM((SS * EPC,), jnp.int32),
                pltpu.VMEM((SS, EPC), jnp.int32),
                pltpu.VMEM((RB, EPC, 128), _F32),
                pltpu.VMEM_SHARED((NP, 128), _F32),
                pltpu.SemaphoreType.DMA, pltpu.SemaphoreType.DMA,
                pltpu.SemaphoreType.DMA, pltpu.SemaphoreType.DMA,
                pltpu.SemaphoreType.DMA, pltpu.SemaphoreType.DMA,
                pltpu.SemaphoreType.DMA, pltpu.SemaphoreType.DMA]

_seg_b = pl.kernel(
    _make_seg_body(col_split=True),
    out_type=[jax.ShapeDtypeStruct((NC, NP, 128), _F32)],
    mesh=_mesh(),
    scratch_types=list(_seg_scratch),
)

_seg_c = pl.kernel(
    _make_seg_body(col_split=False),
    out_type=[jax.ShapeDtypeStruct((NC, NP, 128), _F32)],
    mesh=_mesh(),
    scratch_types=list(_seg_scratch),
)


BN = 2000

_HI = lax.Precision.HIGHEST


def _tc1_body(p_ref, d0_ref, d1_ref, w_ref, b_ref, h_ref, inv_ref):
    agg = p_ref[0] + p_ref[1]
    deg = d0_ref[:, 0:1] + d1_ref[:, 0:1]
    inv = 1.0 / jnp.maximum(deg, 1.0)
    inv_ref[...] = jnp.broadcast_to(inv, (BN, 16))
    h = jnp.dot(agg * inv, w_ref[...], preferred_element_type=_F32, precision=_HI)
    h = jnp.maximum(h + b_ref[...] + 0.01, 0.0)
    h_ref[0] = h[:, :128]
    h_ref[1] = h[:, 128:]


_tc1 = pl.pallas_call(
    _tc1_body,
    grid=(N // BN,),
    in_specs=[pl.BlockSpec((NC, BN, 128), lambda i: (0, i, 0)),
              pl.BlockSpec((BN, 8), lambda i: (i, 0)),
              pl.BlockSpec((BN, 8), lambda i: (i, 0)),
              pl.BlockSpec((128, 256), lambda i: (0, 0)),
              pl.BlockSpec((1, 256), lambda i: (0, 0))],
    out_specs=[pl.BlockSpec((NC, BN, 128), lambda i: (0, i, 0)),
               pl.BlockSpec((BN, 16), lambda i: (i, 0))],
    out_shape=[jax.ShapeDtypeStruct((NC, N, 128), _F32),
               jax.ShapeDtypeStruct((N, 16), _F32)],
)


def _tc2_body(a_ref, inv_ref, w2_ref, b2_ref, w3_ref, t_ref):
    inv = inv_ref[:, 0:1]
    a0 = a_ref[0] * inv
    a1 = a_ref[1] * inv
    h = (jnp.dot(a0, w2_ref[0:128], preferred_element_type=_F32, precision=_HI)
         + jnp.dot(a1, w2_ref[128:256], preferred_element_type=_F32, precision=_HI)
         + b2_ref[...] + 0.01)
    h = jnp.maximum(h, 0.0)
    t_ref[...] = jnp.dot(h, w3_ref[...], preferred_element_type=_F32, precision=_HI)


_tc2 = pl.pallas_call(
    _tc2_body,
    grid=(N // BN,),
    in_specs=[pl.BlockSpec((NC, BN, 128), lambda i: (0, i, 0)),
              pl.BlockSpec((BN, 16), lambda i: (i, 0)),
              pl.BlockSpec((256, 256), lambda i: (0, 0)),
              pl.BlockSpec((1, 256), lambda i: (0, 0)),
              pl.BlockSpec((256, 128), lambda i: (0, 0))],
    out_specs=pl.BlockSpec((BN, 128), lambda i: (i, 0)),
    out_shape=jax.ShapeDtypeStruct((N, 128), _F32),
)


def _tc3_body(p_ref, inv_ref, b_ref, o_ref):
    o_ref[...] = (p_ref[0] + p_ref[1]) * inv_ref[:, 0:1] + b_ref[...] + 0.01


_tc3 = pl.pallas_call(
    _tc3_body,
    grid=(N // BN,),
    in_specs=[pl.BlockSpec((NC, BN, 128), lambda i: (0, i, 0)),
              pl.BlockSpec((BN, 16), lambda i: (i, 0)),
              pl.BlockSpec((1, 128), lambda i: (0, 0))],
    out_specs=pl.BlockSpec((BN, 128), lambda i: (i, 0)),
    out_shape=jax.ShapeDtypeStruct((N, 128), _F32),
)


def kernel(x, edge_index, W1, b1, W2, b2, W3, b3):
    src = edge_index[0].astype(jnp.int32)
    dst = edge_index[1].astype(jnp.int32)
    srcp = jnp.concatenate([src, jnp.zeros((PADE,), jnp.int32)])
    dstr = jnp.concatenate([dst, jnp.full((PADE,), DUMP, jnp.int32)]).reshape(NCH, EPC)
    srcb = jnp.stack([srcp, srcp + N])
    z128 = jnp.zeros((NP, 128), _F32)
    pat = jnp.tile(jnp.kron(jnp.eye(16, dtype=_F32), jnp.ones((1, 8), _F32)),
                   (NC * NS, 1))

    p1, degp = _seg_a(x, srcp, dstr, z128, pat)
    d0 = degp[0].reshape(NP16 * 16, 8)[:N]
    d1 = degp[1].reshape(NP16 * 16, 8)[:N]
    h1s, invd = _tc1(p1, d0, d1, W1, b1.reshape(1, 256))
    agg2 = _seg_b(h1s.reshape(2 * N, 128), srcb, dstr, z128)[0]
    t3 = _tc2(agg2, invd, W2, b2.reshape(1, 256), W3)
    p3 = _seg_c(t3, srcp, dstr, z128)[0]
    return _tc3(p3, invd, b3.reshape(1, 128))

# --- scband reference (transcript-rebuilt; emitter-appended) ---
"""Pipeline reference for scband-graph-sage-91225105367499 (READ-ONLY COPY).

The authoritative reference and input builder live on the scoring server;
editing this copy changes nothing except your own understanding.
"""

import jax, jax.numpy as jnp
import numpy as np

N = 10000
E = 320000
D_IN = 128
D_H = 256
D_OUT = 128


def setup_inputs(seed: int = 0) -> dict:
    key = jax.random.key(seed)
    ks = jax.random.split(key, 9)
    x = jax.random.normal(ks[0], (N, D_IN), dtype=jnp.float32)
    edge_index = jax.random.randint(ks[1], (2, E), 0, N)
    # xavier-uniform-like init with relu gain, stored as [in, out] (transposed vs torch)
    def xavier(k, fin, fout):
        gain = float(np.sqrt(2.0))
        a = gain * float(np.sqrt(6.0 / (fin + fout)))
        return jax.random.uniform(k, (fin, fout), dtype=jnp.float32, minval=-a, maxval=a)
    W1 = xavier(ks[2], D_IN, D_H)
    b1 = jnp.zeros((D_H,), dtype=jnp.float32)
    W2 = xavier(ks[3], D_H, D_H)
    b2 = jnp.zeros((D_H,), dtype=jnp.float32)
    W3 = xavier(ks[4], D_H, D_OUT)
    b3 = jnp.zeros((D_OUT,), dtype=jnp.float32)
    return {"x": x, "edge_index": edge_index, "W1": W1, "b1": b1, "W2": W2, "b2": b2, "W3": W3, "b3": b3}


def _sage_layer(h, src, dst, W, b):
    # copy_u('h','m') then mean('m','neigh'): mean of source features over incoming edges per dst
    msgs = jnp.take(h, src, axis=0)                                  # gather [E, d]
    summed = jax.ops.segment_sum(msgs, dst, num_segments=N)          # scatter-add [N, d]
    deg = jax.ops.segment_sum(jnp.ones((src.shape[0],), dtype=h.dtype), dst, num_segments=N)
    neigh = summed / jnp.clip(deg, 1.0)[:, None]
    # rst = fc_neigh(h_neigh) + 0.01  (fc_self is unused in the original forward)
    return neigh @ W + b + 0.01


def reference(x, edge_index, W1, b1, W2, b2, W3, b3):
    src = edge_index[0]
    dst = edge_index[1]
    # dropout p=0.0 -> identity; per-layer activation/norm are None in SAGEConv
    h = _sage_layer(x, src, dst, W1, b1)
    h = jax.nn.relu(h)
    h = _sage_layer(h, src, dst, W2, b2)
    h = jax.nn.relu(h)
    h = _sage_layer(h, src, dst, W3, b3)
    return h

if __name__ == "__main__":
    import jax
    _d = setup_inputs()
    print(jax.jit(kernel)(*tuple(_d.values())))

</pallas_src>

<mosaic_0001>
#map = affine_map<(d0, d1) -> (0, 0)>
#map1 = affine_map<(d0, d1) -> (0)>
#map2 = affine_map<(d0, d1) -> (0, 0, 0)>
module attributes {stable_mosaic.version = 14 : i64} {
  func.func @body(%arg0: i32, %arg1: i32, %arg2: memref<10000x128xf32, #tpu.memory_space<hbm>>, %arg3: memref<327680xi32, #tpu.memory_space<hbm>>, %arg4: memref<5120x64xi32, #tpu.memory_space<hbm>>, %arg5: memref<10112x128xf32, #tpu.memory_space<hbm>>, %arg6: memref<2x10112x128xf32, #tpu.memory_space<hbm>>, %arg7: memref<512xi32, #tpu.memory_space<vmem>>, %arg8: memref<8x64xi32, #tpu.memory_space<vmem>>, %arg9: memref<4x64x128xf32, #tpu.memory_space<vmem>>, %arg10: memref<10112x128xf32, #tpu.memory_space<vmem_shared>>, %arg11: memref<!tpu.dma_semaphore, #tpu.memory_space<semaphore_mem>>, %arg12: memref<!tpu.dma_semaphore, #tpu.memory_space<semaphore_mem>>, %arg13: memref<!tpu.dma_semaphore, #tpu.memory_space<semaphore_mem>>, %arg14: memref<!tpu.dma_semaphore, #tpu.memory_space<semaphore_mem>>, %arg15: memref<!tpu.dma_semaphore, #tpu.memory_space<semaphore_mem>>, %arg16: memref<!tpu.dma_semaphore, #tpu.memory_space<semaphore_mem>>, %arg17: memref<!tpu.dma_semaphore, #tpu.memory_space<semaphore_mem>>, %arg18: memref<!tpu.dma_semaphore, #tpu.memory_space<semaphore_mem>>) attributes {dimension_semantics = [#tpu.dimension_semantics<core_parallel>, #tpu.dimension_semantics<subcore_parallel>], iteration_bounds = array<i64: 2, 16>, scalar_prefetch = 0 : i64, scratch_operands = 12 : i64, tpu.core_type = #tpu.core_type<sc_vector_subcore>, window_params = [{transform_indices = #map}, {transform_indices = #map1}, {transform_indices = #map}, {transform_indices = #map}, {transform_indices = #map2}]} {
    %mul3A = arith.constant 632 : i32
    %mul3A_0 = arith.muli %arg1, %mul3A : i32
    "tpu.region"() ({
      %run_scoped3A = tpu.sem_alloc : memref<!tpu.dma_semaphore, #tpu.memory_space<semaphore_mem>>
      %dma_start3A = arith.constant 0 : i32
      %dma_start3A_11 = tpu.memref_slice %arg10[%mul3A_0, %dma_start3A] : memref<10112x128xf32, #tpu.memory_space<vmem_shared>> -> memref<632x128xf32, #tpu.memory_space<vmem_shared>>
      %dma_start3A_12 = arith.constant 0 : i32
      %dma_start3A_13 = tpu.memref_slice %arg5[%mul3A_0, %dma_start3A_12] : memref<10112x128xf32, #tpu.memory_space<hbm>> -> memref<632x128xf32, #tpu.memory_space<hbm>>
      tpu.enqueue_dma source(%dma_start3A_13 : memref<632x128xf32, #tpu.memory_space<hbm>>) target(%dma_start3A_11 : memref<632x128xf32, #tpu.memory_space<vmem_shared>>) target_semaphore(%run_scoped3A : memref<!tpu.dma_semaphore, #tpu.memory_space<semaphore_mem>>)
      %dma_wait3A = arith.constant 0 : i32
      %dma_wait3A_14 = tpu.memref_slice %arg10[%mul3A_0, %dma_wait3A] : memref<10112x128xf32, #tpu.memory_space<vmem_shared>> -> memref<632x128xf32, #tpu.memory_space<vmem_shared>>
      %dma_wait3A_15 = arith.constant 0 : i32
      %dma_wait3A_16 = tpu.memref_slice %arg5[%mul3A_0, %dma_wait3A_15] : memref<10112x128xf32, #tpu.memory_space<hbm>> -> memref<632x128xf32, #tpu.memory_space<hbm>>
      tpu.wait_dma2 semaphore(%run_scoped3A : memref<!tpu.dma_semaphore, #tpu.memory_space<semaphore_mem>>) src(%dma_wait3A_16 : memref<632x128xf32, #tpu.memory_space<hbm>>) dst(%dma_wait3A_14 : memref<632x128xf32, #tpu.memory_space<vmem_shared>>)
      tpu.yield
    }) : () -> ()
    %barrier3A = arith.constant 0 : index
    tpu.barrier barrier_id(%barrier3A)
    %mul3A_1 = arith.constant 16 : i32
    %mul3A_2 = arith.muli %arg0, %mul3A_1 : i32
    %add3A = arith.addi %mul3A_2, %arg1 : i32
    %mul3A_3 = arith.constant 160 : i32
    %mul3A_4 = arith.muli %add3A, %mul3A_3 : i32
    %scan3A = arith.constant 0 : i32
    %scan3A_5 = arith.constant 0 : i32
    %scan3A_6 = arith.constant 20 : i32
    %scan3A_7 = arith.addi %scan3A_5, %scan3A_6 : i32
    %scan3A_8 = arith.constant 1 : i32
    scf.for %scan3A_11 = %scan3A_5 to %scan3A_7 step %scan3A_8  : i32 {
      %mul3A_12 = arith.constant 8 : i32
      %mul3A_13 = arith.muli %scan3A_11, %mul3A_12 : i32
      %add3A_14 = arith.addi %mul3A_4, %mul3A_13 : i32
      %mul3A_15 = arith.constant 64 : i32
      %mul3A_16 = arith.muli %add3A_14, %mul3A_15 : i32
      "tpu.region"() ({
        %run_scoped3A = tpu.sem_alloc : memref<!tpu.dma_semaphore, #tpu.memory_space<semaphore_mem>>
        %dma_start3A_367 = tpu.memref_slice %arg3[%mul3A_16] : memref<327680xi32, #tpu.memory_space<hbm>> -> memref<512xi32, #tpu.memory_space<hbm>>
        %dma_start3A_368 = tpu.memref_slice %arg3[%mul3A_16] : memref<327680xi32, #tpu.memory_space<hbm>> -> memref<512xi32, #tpu.memory_space<hbm>>
        tpu.enqueue_dma source(%dma_start3A_368 : memref<512xi32, #tpu.memory_space<hbm>>) target(%arg7 : memref<512xi32, #tpu.memory_space<vmem>>) target_semaphore(%run_scoped3A : memref<!tpu.dma_semaphore, #tpu.memory_space<semaphore_mem>>)
        %dma_wait3A_369 = tpu.memref_slice %arg3[%mul3A_16] : memref<327680xi32, #tpu.memory_space<hbm>> -> memref<512xi32, #tpu.memory_space<hbm>>
        %dma_wait3A_370 = tpu.memref_slice %arg3[%mul3A_16] : memref<327680xi32, #tpu.memory_space<hbm>> -> memref<512xi32, #tpu.memory_space<hbm>>
        tpu.wait_dma2 semaphore(%run_scoped3A : memref<!tpu.dma_semaphore, #tpu.memory_space<semaphore_mem>>) src(%dma_wait3A_370 : memref<512xi32, #tpu.memory_space<hbm>>) dst(%arg7 : memref<512xi32, #tpu.memory_space<vmem>>)
        tpu.yield
      }) : () -> ()
      "tpu.region"() ({
        %run_scoped3A = tpu.sem_alloc : memref<!tpu.dma_semaphore, #tpu.memory_space<semaphore_mem>>
        %dma_start3A_367 = arith.constant 0 : i32
        %dma_start3A_368 = tpu.memref_slice %arg4[%add3A_14, %dma_start3A_367] : memref<5120x64xi32, #tpu.memory_space<hbm>> -> memref<8x64xi32, #tpu.memory_space<hbm>>
        %dma_start3A_369 = arith.constant 0 : i32
        %dma_start3A_370 = tpu.memref_slice %arg4[%add3A_14, %dma_start3A_369] : memref<5120x64xi32, #tpu.memory_space<hbm>> -> memref<8x64xi32, #tpu.memory_space<hbm>>
        tpu.enqueue_dma source(%dma_start3A_370 : memref<8x64xi32, #tpu.memory_space<hbm>>) target(%arg8 : memref<8x64xi32, #tpu.memory_space<vmem>>) target_semaphore(%run_scoped3A : memref<!tpu.dma_semaphore, #tpu.memory_space<semaphore_mem>>)
        %dma_wait3A_371 = arith.constant 0 : i32
        %dma_wait3A_372 = tpu.memref_slice %arg4[%add3A_14, %dma_wait3A_371] : memref<5120x64xi32, #tpu.memory_space<hbm>> -> memref<8x64xi32, #tpu.memory_space<hbm>>
        %dma_wait3A_373 = arith.constant 0 : i32
        %dma_wait3A_374 = tpu.memref_slice %arg4[%add3A_14, %dma_wait3A_373] : memref<5120x64xi32, #tpu.memory_space<hbm>> -> memref<8x64xi32, #tpu.memory_space<hbm>>
        tpu.wait_dma2 semaphore(%run_scoped3A : memref<!tpu.dma_semaphore, #tpu.memory_space<semaphore_mem>>) src(%dma_wait3A_374 : memref<8x64xi32, #tpu.memory_space<hbm>>) dst(%arg8 : memref<8x64xi32, #tpu.memory_space<vmem>>)
        tpu.yield
      }) : () -> ()
      %dma_start3A = arith.constant 0 : i32
      %dma_start3A_17 = arith.constant 0 : i32
      %dma_start3A_18 = arith.constant 0 : i32
      %dma_start3A_19 = tpu.memref_slice %arg9[%dma_start3A, %dma_start3A_17, %dma_start3A_18] : memref<4x64x128xf32, #tpu.memory_space<vmem>> -> memref<1x64x128xf32, #tpu.memory_space<vmem>>
      %dma_start3A_20 = tpu.memref_squeeze %dma_start3A_19 : memref<1x64x128xf32, #tpu.memory_space<vmem>> -> memref<64x128xf32, #tpu.memory_space<vmem>>
      %dma_start3A_21 = arith.constant 0 : i32
      %dma_start3A_22 = tpu.memref_slice %arg7[%dma_start3A_21] : memref<512xi32, #tpu.memory_space<vmem>> -> memref<64xi32, #tpu.memory_space<vmem>>
      %dma_start3A_23 = arith.constant 0 : i32
      %dma_start3A_24 = arith.constant 0 : i32
      %dma_start3A_25 = tpu.memref_slice %arg2[%dma_start3A_23, %dma_start3A_24] : memref<10000x128xf32, #tpu.memory_space<hbm>> -> memref<10000x128xf32, #tpu.memory_space<hbm>>
      tpu.enqueue_indirect_dma source(%dma_start3A_25 : memref<10000x128xf32, #tpu.memory_space<hbm>>) target(%dma_start3A_20 : memref<64x128xf32, #tpu.memory_space<vmem>>) offsets(%dma_start3A_22 : memref<64xi32, #tpu.memory_space<vmem>>) semaphore(%arg11 : memref<!tpu.dma_semaphore, #tpu.memory_space<semaphore_mem>>)
      %dma_start3A_26 = arith.constant 1 : i32
      %dma_start3A_27 = arith.constant 0 : i32
      %dma_start3A_28 = arith.constant 0 : i32
      %dma_start3A_29 = tpu.memref_slice %arg9[%dma_start3A_26, %dma_start3A_27, %dma_start3A_28] : memref<4x64x128xf32, #tpu.memory_space<vmem>> -> memref<1x64x128xf32, #tpu.memory_space<vmem>>
      %dma_start3A_30 = tpu.memref_squeeze %dma_start3A_29 : memref<1x64x128xf32, #tpu.memory_space<vmem>> -> memref<64x128xf32, #tpu.memory_space<vmem>>
      %dma_start3A_31 = arith.constant 64 : i32
      %dma_start3A_32 = tpu.memref_slice %arg7[%dma_start3A_31] : memref<512xi32, #tpu.memory_space<vmem>> -> memref<64xi32, #tpu.memory_space<vmem>>
      %dma_start3A_33 = arith.constant 0 : i32
      %dma_start3A_34 = arith.constant 0 : i32
      %dma_start3A_35 = tpu.memref_slice %arg2[%dma_start3A_33, %dma_start3A_34] : memref<10000x128xf32, #tpu.memory_space<hbm>> -> memref<10000x128xf32, #tpu.memory_space<hbm>>
      tpu.enqueue_indirect_dma source(%dma_start3A_35 : memref<10000x128xf32, #tpu.memory_space<hbm>>) target(%dma_start3A_30 : memref<64x128xf32, #tpu.memory_space<vmem>>) offsets(%dma_start3A_32 : memref<64xi32, #tpu.memory_space<vmem>>) semaphore(%arg12 : memref<!tpu.dma_semaphore, #tpu.memory_space<semaphore_mem>>)
      %dma_start3A_36 = arith.constant 2 : i32
      %dma_start3A_37 = arith.constant 0 : i32
      %dma_start3A_38 = arith.constant 0 : i32
      %dma_start3A_39 = tpu.memref_slice %arg9[%dma_start3A_36, %dma_start3A_37, %dma_start3A_38] : memref<4x64x128xf32, #tpu.memory_space<vmem>> -> memref<1x64x128xf32, #tpu.memory_space<vmem>>
      %dma_start3A_40 = tpu.memref_squeeze %dma_start3A_39 : memref<1x64x128xf32, #tpu.memory_space<vmem>> -> memref<64x128xf32, #tpu.memory_space<vmem>>
      %dma_start3A_41 = arith.constant 128 : i32
      %dma_start3A_42 = tpu.memref_slice %arg7[%dma_start3A_41] : memref<512xi32, #tpu.memory_space<vmem>> -> memref<64xi32, #tpu.memory_space<vmem>>
      %dma_start3A_43 = arith.constant 0 : i32
      %dma_start3A_44 = arith.constant 0 : i32
      %dma_start3A_45 = tpu.memref_slice %arg2[%dma_start3A_43, %dma_start3A_44] : memref<10000x128xf32, #tpu.memory_space<hbm>> -> memref<10000x128xf32, #tpu.memory_space<hbm>>
      tpu.enqueue_indirect_dma source(%dma_start3A_45 : memref<10000x128xf32, #tpu.memory_space<hbm>>) target(%dma_start3A_40 : memref<64x128xf32, #tpu.memory_space<vmem>>) offsets(%dma_start3A_42 : memref<64xi32, #tpu.memory_space<vmem>>) semaphore(%arg13 : memref<!tpu.dma_semaphore, #tpu.memory_space<semaphore_mem>>)
      %dma_start3A_46 = arith.constant 3 : i32
      %dma_start3A_47 = arith.constant 0 : i32
      %dma_start3A_48 = arith.constant 0 : i32
      %dma_start3A_49 = tpu.memref_slice %arg9[%dma_start3A_46, %dma_start3A_47, %dma_start3A_48] : memref<4x64x128xf32, #tpu.memory_space<vmem>> -> memref<1x64x128xf32, #tpu.memory_space<vmem>>
      %dma_start3A_50 = tpu.memref_squeeze %dma_start3A_49 : memref<1x64x128xf32, #tpu.memory_space<vmem>> -> memref<64x128xf32, #tpu.memory_space<vmem>>
      %dma_start3A_51 = arith.constant 192 : i32
      %dma_start3A_52 = tpu.memref_slice %arg7[%dma_start3A_51] : memref<512xi32, #tpu.memory_space<vmem>> -> memref<64xi32, #tpu.memory_space<vmem>>
      %dma_start3A_53 = arith.constant 0 : i32
      %dma_start3A_54 = arith.constant 0 : i32
      %dma_start3A_55 = tpu.memref_slice %arg2[%dma_start3A_53, %dma_start3A_54] : memref<10000x128xf32, #tpu.memory_space<hbm>> -> memref<10000x128xf32, #tpu.memory_space<hbm>>
      tpu.enqueue_indirect_dma source(%dma_start3A_55 : memref<10000x128xf32, #tpu.memory_space<hbm>>) target(%dma_start3A_50 : memref<64x128xf32, #tpu.memory_space<vmem>>) offsets(%dma_start3A_52 : memref<64xi32, #tpu.memory_space<vmem>>) semaphore(%arg14 : memref<!tpu.dma_semaphore, #tpu.memory_space<semaphore_mem>>)
      %dma_wait3A = arith.constant 0 : i32
      %dma_wait3A_56 = arith.constant 0 : i32
      %dma_wait3A_57 = arith.constant 0 : i32
      %dma_wait3A_58 = tpu.memref_slice %arg9[%dma_wait3A, %dma_wait3A_56, %dma_wait3A_57] : memref<4x64x128xf32, #tpu.memory_space<vmem>> -> memref<1x64x128xf32, #tpu.memory_space<vmem>>
      %dma_wait3A_59 = tpu.memref_squeeze %dma_wait3A_58 : memref<1x64x128xf32, #tpu.memory_space<vmem>> -> memref<64x128xf32, #tpu.memory_space<vmem>>
      %dma_wait3A_60 = arith.constant 0 : i32
      %dma_wait3A_61 = tpu.memref_slice %arg7[%dma_wait3A_60] : memref<512xi32, #tpu.memory_space<vmem>> -> memref<64xi32, #tpu.memory_space<vmem>>
      %dma_wait3A_62 = arith.constant 0 : i32
      %dma_wait3A_63 = arith.constant 0 : i32
      %dma_wait3A_64 = tpu.memref_slice %arg2[%dma_wait3A_62, %dma_wait3A_63] : memref<10000x128xf32, #tpu.memory_space<hbm>> -> memref<10000x128xf32, #tpu.memory_space<hbm>>
      tpu.wait_indirect_dma semaphore(%arg11 : memref<!tpu.dma_semaphore, #tpu.memory_space<semaphore_mem>>) src(%dma_wait3A_64 : memref<10000x128xf32, #tpu.memory_space<hbm>>) dst(%dma_wait3A_59 : memref<64x128xf32, #tpu.memory_space<vmem>>)
      %dma_start3A_65 = arith.constant 0 : i32
      %dma_start3A_66 = arith.constant 0 : i32
      %dma_start3A_67 = arith.constant 0 : i32
      %dma_start3A_68 = arith.constant 0 : i32
      %dma_start3A_69 = tpu.memref_slice %arg9[%dma_start3A_65, %dma_start3A_67, %dma_start3A_68] : memref<4x64x128xf32, #tpu.memory_space<vmem>> -> memref<1x64x128xf32, #tpu.memory_space<vmem>>
      %dma_start3A_70 = tpu.memref_squeeze %dma_start3A_69 : memref<1x64x128xf32, #tpu.memory_space<vmem>> -> memref<64x128xf32, #tpu.memory_space<vmem>>
      %dma_start3A_71 = arith.constant 0 : i32
      %dma_start3A_72 = tpu.memref_slice %arg8[%dma_start3A_66, %dma_start3A_71] : memref<8x64xi32, #tpu.memory_space<vmem>> -> memref<1x64xi32, #tpu.memory_space<vmem>>
      %dma_start3A_73 = tpu.memref_squeeze %dma_start3A_72 : memref<1x64xi32, #tpu.memory_space<vmem>> -> memref<64xi32, #tpu.memory_space<vmem>>
      %dma_start3A_74 = arith.constant 0 : i32
      %dma_start3A_75 = arith.constant 0 : i32
      %dma_start3A_76 = tpu.memref_slice %arg10[%dma_start3A_74, %dma_start3A_75] : memref<10112x128xf32, #tpu.memory_space<vmem_shared>> -> memref<10112x128xf32, #tpu.memory_space<vmem_shared>>
      tpu.enqueue_indirect_dma source(%dma_start3A_70 : memref<64x128xf32, #tpu.memory_space<vmem>>) target(%dma_start3A_76 : memref<10112x128xf32, #tpu.memory_space<vmem_shared>>) offsets(%dma_start3A_73 : memref<64xi32, #tpu.memory_space<vmem>>) semaphore(%arg15 : memref<!tpu.dma_semaphore, #tpu.memory_space<semaphore_mem>>) {add = true}
      %dma_wait3A_77 = arith.constant 0 : i32
      %dma_wait3A_78 = arith.constant 0 : i32
      %dma_wait3A_79 = arith.constant 0 : i32
      %dma_wait3A_80 = arith.constant 0 : i32
      %dma_wait3A_81 = tpu.memref_slice %arg9[%dma_wait3A_77, %dma_wait3A_79, %dma_wait3A_80] : memref<4x64x128xf32, #tpu.memory_space<vmem>> -> memref<1x64x128xf32, #tpu.memory_space<vmem>>
      %dma_wait3A_82 = tpu.memref_squeeze %dma_wait3A_81 : memref<1x64x128xf32, #tpu.memory_space<vmem>> -> memref<64x128xf32, #tpu.memory_space<vmem>>
      %dma_wait3A_83 = arith.constant 0 : i32
      %dma_wait3A_84 = tpu.memref_slice %arg8[%dma_wait3A_78, %dma_wait3A_83] : memref<8x64xi32, #tpu.memory_space<vmem>> -> memref<1x64xi32, #tpu.memory_space<vmem>>
      %dma_wait3A_85 = tpu.memref_squeeze %dma_wait3A_84 : memref<1x64xi32, #tpu.memory_space<vmem>> -> memref<64xi32, #tpu.memory_space<vmem>>
      %dma_wait3A_86 = arith.constant 0 : i32
      %dma_wait3A_87 = arith.constant 0 : i32
      %dma_wait3A_88 = tpu.memref_slice %arg10[%dma_wait3A_86, %dma_wait3A_87] : memref<10112x128xf32, #tpu.memory_space<vmem_shared>> -> memref<10112x128xf32, #tpu.memory_space<vmem_shared>>
      tpu.wait_indirect_dma semaphore(%arg15 : memref<!tpu.dma_semaphore, #tpu.memory_space<semaphore_mem>>) src(%dma_wait3A_82 : memref<64x128xf32, #tpu.memory_space<vmem>>) dst(%dma_wait3A_88 : memref<10112x128xf32, #tpu.memory_space<vmem_shared>>)
      %dma_start3A_89 = arith.constant 0 : i32
      %dma_start3A_90 = arith.constant 0 : i32
      %dma_start3A_91 = arith.constant 0 : i32
      %dma_start3A_92 = tpu.memref_slice %arg9[%dma_start3A_89, %dma_start3A_90, %dma_start3A_91] : memref<4x64x128xf32, #tpu.memory_space<vmem>> -> memref<1x64x128xf32, #tpu.memory_space<vmem>>
      %dma_start3A_93 = tpu.memref_squeeze %dma_start3A_92 : memref<1x64x128xf32, #tpu.memory_space<vmem>> -> memref<64x128xf32, #tpu.memory_space<vmem>>
      %dma_start3A_94 = arith.constant 256 : i32
      %dma_start3A_95 = tpu.memref_slice %arg7[%dma_start3A_94] : memref<512xi32, #tpu.memory_space<vmem>> -> memref<64xi32, #tpu.memory_space<vmem>>
      %dma_start3A_96 = arith.constant 0 : i32
      %dma_start3A_97 = arith.constant 0 : i32
      %dma_start3A_98 = tpu.memref_slice %arg2[%dma_start3A_96, %dma_start3A_97] : memref<10000x128xf32, #tpu.memory_space<hbm>> -> memref<10000x128xf32, #tpu.memory_space<hbm>>
      tpu.enqueue_indirect_dma source(%dma_start3A_98 : memref<10000x128xf32, #tpu.memory_space<hbm>>) target(%dma_start3A_93 : memref<64x128xf32, #tpu.memory_space<vmem>>) offsets(%dma_start3A_95 : memref<64xi32, #tpu.memory_space<vmem>>) semaphore(%arg11 : memref<!tpu.dma_semaphore, #tpu.memory_space<semaphore_mem>>)
      %dma_wait3A_99 = arith.constant 1 : i32
      %dma_wait3A_100 = arith.constant 0 : i32
      %dma_wait3A_101 = arith.constant 0 : i32
      %dma_wait3A_102 = tpu.memref_slice %arg9[%dma_wait3A_99, %dma_wait3A_100, %dma_wait3A_101] : memref<4x64x128xf32, #tpu.memory_space<vmem>> -> memref<1x64x128xf32, #tpu.memory_space<vmem>>
      %dma_wait3A_103 = tpu.memref_squeeze %dma_wait3A_102 : memref<1x64x128xf32, #tpu.memory_space<vmem>> -> memref<64x128xf32, #tpu.memory_space<vmem>>
      %dma_wait3A_104 = arith.constant 64 : i32
      %dma_wait3A_105 = tpu.memref_slice %arg7[%dma_wait3A_104] : memref<512xi32, #tpu.memory_space<vmem>> -> memref<64xi32, #tpu.memory_space<vmem>>
      %dma_wait3A_106 = arith.constant 0 : i32
      %dma_wait3A_107 = arith.constant 0 : i32
      %dma_wait3A_108 = tpu.memref_slice %arg2[%dma_wait3A_106, %dma_wait3A_107] : memref<10000x128xf32, #tpu.memory_space<hbm>> -> memref<10000x128xf32, #tpu.memory_space<hbm>>
      tpu.wait_indirect_dma semaphore(%arg12 : memref<!tpu.dma_semaphore, #tpu.memory_space<semaphore_mem>>) src(%dma_wait3A_108 : memref<10000x128xf32, #tpu.memory_space<hbm>>) dst(%dma_wait3A_103 : memref<64x128xf32, #tpu.memory_space<vmem>>)
      %dma_start3A_109 = arith.constant 1 : i32
      %dma_start3A_110 = arith.constant 1 : i32
      %dma_start3A_111 = arith.constant 0 : i32
      %dma_start3A_112 = arith.constant 0 : i32
      %dma_start3A_113 = tpu.memref_slice %arg9[%dma_start3A_109, %dma_start3A_111, %dma_start3A_112] : memref<4x64x128xf32, #tpu.memory_space<vmem>> -> memref<1x64x128xf32, #tpu.memory_space<vmem>>
      %dma_start3A_114 = tpu.memref_squeeze %dma_start3A_113 : memref<1x64x128xf32, #tpu.memory_space<vmem>> -> memref<64x128xf32, #tpu.memory_space<vmem>>
      %dma_start3A_115 = arith.constant 0 : i32
      %dma_start3A_116 = tpu.memref_slice %arg8[%dma_start3A_110, %dma_start3A_115] : memref<8x64xi32, #tpu.memory_space<vmem>> -> memref<1x64xi32, #tpu.memory_space<vmem>>
      %dma_start3A_117 = tpu.memref_squeeze %dma_start3A_116 : memref<1x64xi32, #tpu.memory_space<vmem>> -> memref<64xi32, #tpu.memory_space<vmem>>
      %dma_start3A_118 = arith.constant 0 : i32
      %dma_start3A_119 = arith.constant 0 : i32
      %dma_start3A_120 = tpu.memref_slice %arg10[%dma_start3A_118, %dma_start3A_119] : memref<10112x128xf32, #tpu.memory_space<vmem_shared>> -> memref<10112x128xf32, #tpu.memory_space<vmem_shared>>
      tpu.enqueue_indirect_dma source(%dma_start3A_114 : memref<64x128xf32, #tpu.memory_space<vmem>>) target(%dma_start3A_120 : memref<10112x128xf32, #tpu.memory_space<vmem_shared>>) offsets(%dma_start3A_117 : memref<64xi32, #tpu.memory_space<vmem>>) semaphore(%arg16 : memref<!tpu.dma_semaphore, #tpu.memory_space<semaphore_mem>>) {add = true}
      %dma_wait3A_121 = arith.constant 1 : i32
      %dma_wait3A_122 = arith.constant 1 : i32
      %dma_wait3A_123 = arith.constant 0 : i32
      %dma_wait3A_124 = arith.constant 0 : i32
      %dma_wait3A_125 = tpu.memref_slice %arg9[%dma_wait3A_121, %dma_wait3A_123, %dma_wait3A_124] : memref<4x64x128xf32, #tpu.memory_space<vmem>> -> memref<1x64x128xf32, #tpu.memory_space<vmem>>
      %dma_wait3A_126 = tpu.memref_squeeze %dma_wait3A_125 : memref<1x64x128xf32, #tpu.memory_space<vmem>> -> memref<64x128xf32, #tpu.memory_space<vmem>>
      %dma_wait3A_127 = arith.constant 0 : i32
      %dma_wait3A_128 = tpu.memref_slice %arg8[%dma_wait3A_122, %dma_wait3A_127] : memref<8x64xi32, #tpu.memory_space<vmem>> -> memref<1x64xi32, #tpu.memory_space<vmem>>
      %dma_wait3A_129 = tpu.memref_squeeze %dma_wait3A_128 : memref<1x64xi32, #tpu.memory_space<vmem>> -> memref<64xi32, #tpu.memory_space<vmem>>
      %dma_wait3A_130 = arith.constant 0 : i32
      %dma_wait3A_131 = arith.constant 0 : i32
      %dma_wait3A_132 = tpu.memref_slice %arg10[%dma_wait3A_130, %dma_wait3A_131] : memref<10112x128xf32, #tpu.memory_space<vmem_shared>> -> memref<10112x128xf32, #tpu.memory_space<vmem_shared>>
      tpu.wait_indirect_dma semaphore(%arg16 : memref<!tpu.dma_semaphore, #tpu.memory_space<semaphore_mem>>) src(%dma_wait3A_126 : memref<64x128xf32, #tpu.memory_space<vmem>>) dst(%dma_wait3A_132 : memref<10112x128xf32, #tpu.memory_space<vmem_shared>>)
      %dma_start3A_133 = arith.constant 1 : i32
      %dma_start3A_134 = arith.constant 0 : i32
      %dma_start3A_135 = arith.constant 0 : i32
      %dma_start3A_136 = tpu.memref_slice %arg9[%dma_start3A_133, %dma_start3A_134, %dma_start3A_135] : memref<4x64x128xf32, #tpu.memory_space<vmem>> -> memref<1x64x128xf32, #tpu.memory_space<vmem>>
      %dma_start3A_137 = tpu.memref_squeeze %dma_start3A_136 : memref<1x64x128xf32, #tpu.memory_space<vmem>> -> memref<64x128xf32, #tpu.memory_space<vmem>>
      %dma_start3A_138 = arith.constant 320 : i32
      %dma_start3A_139 = tpu.memref_slice %arg7[%dma_start3A_138] : memref<512xi32, #tpu.memory_space<vmem>> -> memref<64xi32, #tpu.memory_space<vmem>>
      %dma_start3A_140 = arith.constant 0 : i32
      %dma_start3A_141 = arith.constant 0 : i32
      %dma_start3A_142 = tpu.memref_slice %arg2[%dma_start3A_140, %dma_start3A_141] : memref<10000x128xf32, #tpu.memory_space<hbm>> -> memref<10000x128xf32, #tpu.memory_space<hbm>>
      tpu.enqueue_indirect_dma source(%dma_start3A_142 : memref<10000x128xf32, #tpu.memory_space<hbm>>) target(%dma_start3A_137 : memref<64x128xf32, #tpu.memory_space<vmem>>) offsets(%dma_start3A_139 : memref<64xi32, #tpu.memory_space<vmem>>) semaphore(%arg12 : memref<!tpu.dma_semaphore, #tpu.memory_space<semaphore_mem>>)
      %dma_wait3A_143 = arith.constant 2 : i32
      %dma_wait3A_144 = arith.constant 0 : i32
      %dma_wait3A_145 = arith.constant 0 : i32
      %dma_wait3A_146 = tpu.memref_slice %arg9[%dma_wait3A_143, %dma_wait3A_144, %dma_wait3A_145] : memref<4x64x128xf32, #tpu.memory_space<vmem>> -> memref<1x64x128xf32, #tpu.memory_space<vmem>>
      %dma_wait3A_147 = tpu.memref_squeeze %dma_wait3A_146 : memref<1x64x128xf32, #tpu.memory_space<vmem>> -> memref<64x128xf32, #tpu.memory_space<vmem>>
      %dma_wait3A_148 = arith.constant 128 : i32
      %dma_wait3A_149 = tpu.memref_slice %arg7[%dma_wait3A_148] : memref<512xi32, #tpu.memory_space<vmem>> -> memref<64xi32, #tpu.memory_space<vmem>>
      %dma_wait3A_150 = arith.constant 0 : i32
      %dma_wait3A_151 = arith.constant 0 : i32
      %dma_wait3A_152 = tpu.memref_slice %arg2[%dma_wait3A_150, %dma_wait3A_151] : memref<10000x128xf32, #tpu.memory_space<hbm>> -> memref<10000x128xf32, #tpu.memory_space<hbm>>
      tpu.wait_indirect_dma semaphore(%arg13 : memref<!tpu.dma_semaphore, #tpu.memory_space<semaphore_mem>>) src(%dma_wait3A_152 : memref<10000x128xf32, #tpu.memory_space<hbm>>) dst(%dma_wait3A_147 : memref<64x128xf32, #tpu.memory_space<vmem>>)
      %dma_start3A_153 = arith.constant 2 : i32
      %dma_start3A_154 = arith.constant 2 : i32
      %dma_start3A_155 = arith.constant 0 : i32
      %dma_start3A_156 = arith.constant 0 : i32
      %dma_start3A_157 = tpu.memref_slice %arg9[%dma_start3A_153, %dma_start3A_155, %dma_start3A_156] : memref<4x64x128xf32, #tpu.memory_space<vmem>> -> memref<1x64x128xf32, #tpu.memory_space<vmem>>
      %dma_start3A_158 = tpu.memref_squeeze %dma_start3A_157 : memref<1x64x128xf32, #tpu.memory_space<vmem>> -> memref<64x128xf32, #tpu.memory_space<vmem>>
      %dma_start3A_159 = arith.constant 0 : i32
      %dma_start3A_160 = tpu.memref_slice %arg8[%dma_start3A_154, %dma_start3A_159] : memref<8x64xi32, #tpu.memory_space<vmem>> -> memref<1x64xi32, #tpu.memory_space<vmem>>
      %dma_start3A_161 = tpu.memref_squeeze %dma_start3A_160 : memref<1x64xi32, #tpu.memory_space<vmem>> -> memref<64xi32, #tpu.memory_space<vmem>>
      %dma_start3A_162 = arith.constant 0 : i32
      %dma_start3A_163 = arith.constant 0 : i32
      %dma_start3A_164 = tpu.memref_slice %arg10[%dma_start3A_162, %dma_start3A_163] : memref<10112x128xf32, #tpu.memory_space<vmem_shared>> -> memref<10112x128xf32, #tpu.memory_space<vmem_shared>>
      tpu.enqueue_indirect_dma source(%dma_start3A_158 : memref<64x128xf32, #tpu.memory_space<vmem>>) target(%dma_start3A_164 : memref<10112x128xf32, #tpu.memory_space<vmem_shared>>) offsets(%dma_start3A_161 : memref<64xi32, #tpu.memory_space<vmem>>) semaphore(%arg17 : memref<!tpu.dma_semaphore, #tpu.memory_space<semaphore_mem>>) {add = true}
      %dma_wait3A_165 = arith.constant 2 : i32
      %dma_wait3A_166 = arith.constant 2 : i32
      %dma_wait3A_167 = arith.constant 0 : i32
      %dma_wait3A_168 = arith.constant 0 : i32
      %dma_wait3A_169 = tpu.memref_slice %arg9[%dma_wait3A_165, %dma_wait3A_167, %dma_wait3A_168] : memref<4x64x128xf32, #tpu.memory_space<vmem>> -> memref<1x64x128xf32, #tpu.memory_space<vmem>>
      %dma_wait3A_170 = tpu.memref_squeeze %dma_wait3A_169 : memref<1x64x128xf32, #tpu.memory_space<vmem>> -> memref<64x128xf32, #tpu.memory_space<vmem>>
      %dma_wait3A_171 = arith.constant 0 : i32
      %dma_wait3A_172 = tpu.memref_slice %arg8[%dma_wait3A_166, %dma_wait3A_171] : memref<8x64xi32, #tpu.memory_space<vmem>> -> memref<1x64xi32, #tpu.memory_space<vmem>>
      %dma_wait3A_173 = tpu.memref_squeeze %dma_wait3A_172 : memref<1x64xi32, #tpu.memory_space<vmem>> -> memref<64xi32, #tpu.memory_space<vmem>>
      %dma_wait3A_174 = arith.constant 0 : i32
      %dma_wait3A_175 = arith.constant 0 : i32
      %dma_wait3A_176 = tpu.memref_slice %arg10[%dma_wait3A_174, %dma_wait3A_175] : memref<10112x128xf32, #tpu.memory_space<vmem_shared>> -> memref<10112x128xf32, #tpu.memory_space<vmem_shared>>
      tpu.wait_indirect_dma semaphore(%arg17 : memref<!tpu.dma_semaphore, #tpu.memory_space<semaphore_mem>>) src(%dma_wait3A_170 : memref<64x128xf32, #tpu.memory_space<vmem>>) dst(%dma_wait3A_176 : memref<10112x128xf32, #tpu.memory_space<vmem_shared>>)
      %dma_start3A_177 = arith.constant 2 : i32
      %dma_start3A_178 = arith.constant 0 : i32
      %dma_start3A_179 = arith.constant 0 : i32
      %dma_start3A_180 = tpu.memref_slice %arg9[%dma_start3A_177, %dma_start3A_178, %dma_start3A_179] : memref<4x64x128xf32, #tpu.memory_space<vmem>> -> memref<1x64x128xf32, #tpu.memory_space<vmem>>
      %dma_start3A_181 = tpu.memref_squeeze %dma_start3A_180 : memref<1x64x128xf32, #tpu.memory_space<vmem>> -> memref<64x128xf32, #tpu.memory_space<vmem>>
      %dma_start3A_182 = arith.constant 384 : i32
      %dma_start3A_183 = tpu.memref_slice %arg7[%dma_start3A_182] : memref<512xi32, #tpu.memory_space<vmem>> -> memref<64xi32, #tpu.memory_space<vmem>>
      %dma_start3A_184 = arith.constant 0 : i32
      %dma_start3A_185 = arith.constant 0 : i32
      %dma_start3A_186 = tpu.memref_slice %arg2[%dma_start3A_184, %dma_start3A_185] : memref<10000x128xf32, #tpu.memory_space<hbm>> -> memref<10000x128xf32, #tpu.memory_space<hbm>>
      tpu.enqueue_indirect_dma source(%dma_start3A_186 : memref<10000x128xf32, #tpu.memory_space<hbm>>) target(%dma_start3A_181 : memref<64x128xf32, #tpu.memory_space<vmem>>) offsets(%dma_start3A_183 : memref<64xi32, #tpu.memory_space<vmem>>) semaphore(%arg13 : memref<!tpu.dma_semaphore, #tpu.memory_space<semaphore_mem>>)
      %dma_wait3A_187 = arith.constant 3 : i32
      %dma_wait3A_188 = arith.constant 0 : i32
      %dma_wait3A_189 = arith.constant 0 : i32
      %dma_wait3A_190 = tpu.memref_slice %arg9[%dma_wait3A_187, %dma_wait3A_188, %dma_wait3A_189] : memref<4x64x128xf32, #tpu.memory_space<vmem>> -> memref<1x64x128xf32, #tpu.memory_space<vmem>>
      %dma_wait3A_191 = tpu.memref_squeeze %dma_wait3A_190 : memref<1x64x128xf32, #tpu.memory_space<vmem>> -> memref<64x128xf32, #tpu.memory_space<vmem>>
      %dma_wait3A_192 = arith.constant 192 : i32
      %dma_wait3A_193 = tpu.memref_slice %arg7[%dma_wait3A_192] : memref<512xi32, #tpu.memory_space<vmem>> -> memref<64xi32, #tpu.memory_space<vmem>>
      %dma_wait3A_194 = arith.constant 0 : i32
      %dma_wait3A_195 = arith.constant 0 : i32
      %dma_wait3A_196 = tpu.memref_slice %arg2[%dma_wait3A_194, %dma_wait3A_195] : memref<10000x128xf32, #tpu.memory_space<hbm>> -> memref<10000x128xf32, #tpu.memory_space<hbm>>
      tpu.wait_indirect_dma semaphore(%arg14 : memref<!tpu.dma_semaphore, #tpu.memory_space<semaphore_mem>>) src(%dma_wait3A_196 : memref<10000x128xf32, #tpu.memory_space<hbm>>) dst(%dma_wait3A_191 : memref<64x128xf32, #tpu.memory_space<vmem>>)
      %dma_start3A_197 = arith.constant 3 : i32
      %dma_start3A_198 = arith.constant 3 : i32
      %dma_start3A_199 = arith.constant 0 : i32
      %dma_start3A_200 = arith.constant 0 : i32
      %dma_start3A_201 = tpu.memref_slice %arg9[%dma_start3A_197, %dma_start3A_199, %dma_start3A_200] : memref<4x64x128xf32, #tpu.memory_space<vmem>> -> memref<1x64x128xf32, #tpu.memory_space<vmem>>
      %dma_start3A_202 = tpu.memref_squeeze %dma_start3A_201 : memref<1x64x128xf32, #tpu.memory_space<vmem>> -> memref<64x128xf32, #tpu.memory_space<vmem>>
      %dma_start3A_203 = arith.constant 0 : i32
      %dma_start3A_204 = tpu.memref_slice %arg8[%dma_start3A_198, %dma_start3A_203] : memref<8x64xi32, #tpu.memory_space<vmem>> -> memref<1x64xi32, #tpu.memory_space<vmem>>
      %dma_start3A_205 = tpu.memref_squeeze %dma_start3A_204 : memref<1x64xi32, #tpu.memory_space<vmem>> -> memref<64xi32, #tpu.memory_space<vmem>>
      %dma_start3A_206 = arith.constant 0 : i32
      %dma_start3A_207 = arith.constant 0 : i32
      %dma_start3A_208 = tpu.memref_slice %arg10[%dma_start3A_206, %dma_start3A_207] : memref<10112x128xf32, #tpu.memory_space<vmem_shared>> -> memref<10112x128xf32, #tpu.memory_space<vmem_shared>>
      tpu.enqueue_indirect_dma source(%dma_start3A_202 : memref<64x128xf32, #tpu.memory_space<vmem>>) target(%dma_start3A_208 : memref<10112x128xf32, #tpu.memory_space<vmem_shared>>) offsets(%dma_start3A_205 : memref<64xi32, #tpu.memory_space<vmem>>) semaphore(%arg18 : memref<!tpu.dma_semaphore, #tpu.memory_space<semaphore_mem>>) {add = true}
      %dma_wait3A_209 = arith.constant 3 : i32
      %dma_wait3A_210 = arith.constant 3 : i32
      %dma_wait3A_211 = arith.constant 0 : i32
      %dma_wait3A_212 = arith.constant 0 : i32
      %dma_wait3A_213 = tpu.memref_slice %arg9[%dma_wait3A_209, %dma_wait3A_211, %dma_wait3A_212] : memref<4x64x128xf32, #tpu.memory_space<vmem>> -> memref<1x64x128xf32, #tpu.memory_space<vmem>>
      %dma_wait3A_214 = tpu.memref_squeeze %dma_wait3A_213 : memref<1x64x128xf32, #tpu.memory_space<vmem>> -> memref<64x128xf32, #tpu.memory_space<vmem>>
      %dma_wait3A_215 = arith.constant 0 : i32
      %dma_wait3A_216 = tpu.memref_slice %arg8[%dma_wait3A_210, %dma_wait3A_215] : memref<8x64xi32, #tpu.memory_space<vmem>> -> memref<1x64xi32, #tpu.memory_space<vmem>>
      %dma_wait3A_217 = tpu.memref_squeeze %dma_wait3A_216 : memref<1x64xi32, #tpu.memory_space<vmem>> -> memref<64xi32, #tpu.memory_space<vmem>>
      %dma_wait3A_218 = arith.constant 0 : i32
      %dma_wait3A_219 = arith.constant 0 : i32
      %dma_wait3A_220 = tpu.memref_slice %arg10[%dma_wait3A_218, %dma_wait3A_219] : memref<10112x128xf32, #tpu.memory_space<vmem_shared>> -> memref<10112x128xf32, #tpu.memory_space<vmem_shared>>
      tpu.wait_indirect_dma semaphore(%arg18 : memref<!tpu.dma_semaphore, #tpu.memory_space<semaphore_mem>>) src(%dma_wait3A_214 : memref<64x128xf32, #tpu.memory_space<vmem>>) dst(%dma_wait3A_220 : memref<10112x128xf32, #tpu.memory_space<vmem_shared>>)
      %dma_start3A_221 = arith.constant 3 : i32
      %dma_start3A_222 = arith.constant 0 : i32
      %dma_start3A_223 = arith.constant 0 : i32
      %dma_start3A_224 = tpu.memref_slice %arg9[%dma_start3A_221, %dma_start3A_222, %dma_start3A_223] : memref<4x64x128xf32, #tpu.memory_space<vmem>> -> memref<1x64x128xf32, #tpu.memory_space<vmem>>
      %dma_start3A_225 = tpu.memref_squeeze %dma_start3A_224 : memref<1x64x128xf32, #tpu.memory_space<vmem>> -> memref<64x128xf32, #tpu.memory_space<vmem>>
      %dma_start3A_226 = arith.constant 448 : i32
      %dma_start3A_227 = tpu.memref_slice %arg7[%dma_start3A_226] : memref<512xi32, #tpu.memory_space<vmem>> -> memref<64xi32, #tpu.memory_space<vmem>>
      %dma_start3A_228 = arith.constant 0 : i32
      %dma_start3A_229 = arith.constant 0 : i32
      %dma_start3A_230 = tpu.memref_slice %arg2[%dma_start3A_228, %dma_start3A_229] : memref<10000x128xf32, #tpu.memory_space<hbm>> -> memref<10000x128xf32, #tpu.memory_space<hbm>>
      tpu.enqueue_indirect_dma source(%dma_start3A_230 : memref<10000x128xf32, #tpu.memory_space<hbm>>) target(%dma_start3A_225 : memref<64x128xf32, #tpu.memory_space<vmem>>) offsets(%dma_start3A_227 : memref<64xi32, #tpu.memory_space<vmem>>) semaphore(%arg14 : memref<!tpu.dma_semaphore, #tpu.memory_space<semaphore_mem>>)
      %dma_wait3A_231 = arith.constant 0 : i32
      %dma_wait3A_232 = arith.constant 0 : i32
      %dma_wait3A_233 = arith.constant 0 : i32
      %dma_wait3A_234 = tpu.memref_slice %arg9[%dma_wait3A_231, %dma_wait3A_232, %dma_wait3A_233] : memref<4x64x128xf32, #tpu.memory_space<vmem>> -> memref<1x64x128xf32, #tpu.memory_space<vmem>>
      %dma_wait3A_235 = tpu.memref_squeeze %dma_wait3A_234 : memref<1x64x128xf32, #tpu.memory_space<vmem>> -> memref<64x128xf32, #tpu.memory_space<vmem>>
      %dma_wait3A_236 = arith.constant 256 : i32
      %dma_wait3A_237 = tpu.memref_slice %arg7[%dma_wait3A_236] : memref<512xi32, #tpu.memory_space<vmem>> -> memref<64xi32, #tpu.memory_space<vmem>>
      %dma_wait3A_238 = arith.constant 0 : i32
      %dma_wait3A_239 = arith.constant 0 : i32
      %dma_wait3A_240 = tpu.memref_slice %arg2[%dma_wait3A_238, %dma_wait3A_239] : memref<10000x128xf32, #tpu.memory_space<hbm>> -> memref<10000x128xf32, #tpu.memory_space<hbm>>
      tpu.wait_indirect_dma semaphore(%arg11 : memref<!tpu.dma_semaphore, #tpu.memory_space<semaphore_mem>>) src(%dma_wait3A_240 : memref<10000x128xf32, #tpu.memory_space<hbm>>) dst(%dma_wait3A_235 : memref<64x128xf32, #tpu.memory_space<vmem>>)
      %dma_start3A_241 = arith.constant 0 : i32
      %dma_start3A_242 = arith.constant 4 : i32
      %dma_start3A_243 = arith.constant 0 : i32
      %dma_start3A_244 = arith.constant 0 : i32
      %dma_start3A_245 = tpu.memref_slice %arg9[%dma_start3A_241, %dma_start3A_243, %dma_start3A_244] : memref<4x64x128xf32, #tpu.memory_space<vmem>> -> memref<1x64x128xf32, #tpu.memory_space<vmem>>
      %dma_start3A_246 = tpu.memref_squeeze %dma_start3A_245 : memref<1x64x128xf32, #tpu.memory_space<vmem>> -> memref<64x128xf32, #tpu.memory_space<vmem>>
      %dma_start3A_247 = arith.constant 0 : i32
      %dma_start3A_248 = tpu.memref_slice %arg8[%dma_start3A_242, %dma_start3A_247] : memref<8x64xi32, #tpu.memory_space<vmem>> -> memref<1x64xi32, #tpu.memory_space<vmem>>
      %dma_start3A_249 = tpu.memref_squeeze %dma_start3A_248 : memref<1x64xi32, #tpu.memory_space<vmem>> -> memref<64xi32, #tpu.memory_space<vmem>>
      %dma_start3A_250 = arith.constant 0 : i32
      %dma_start3A_251 = arith.constant 0 : i32
      %dma_start3A_252 = tpu.memref_slice %arg10[%dma_start3A_250, %dma_start3A_251] : memref<10112x128xf32, #tpu.memory_space<vmem_shared>> -> memref<10112x128xf32, #tpu.memory_space<vmem_shared>>
      tpu.enqueue_indirect_dma source(%dma_start3A_246 : memref<64x128xf32, #tpu.memory_space<vmem>>) target(%dma_start3A_252 : memref<10112x128xf32, #tpu.memory_space<vmem_shared>>) offsets(%dma_start3A_249 : memref<64xi32, #tpu.memory_space<vmem>>) semaphore(%arg15 : memref<!tpu.dma_semaphore, #tpu.memory_space<semaphore_mem>>) {add = true}
      %dma_wait3A_253 = arith.constant 0 : i32
      %dma_wait3A_254 = arith.constant 4 : i32
      %dma_wait3A_255 = arith.constant 0 : i32
      %dma_wait3A_256 = arith.constant 0 : i32
      %dma_wait3A_257 = tpu.memref_slice %arg9[%dma_wait3A_253, %dma_wait3A_255, %dma_wait3A_256] : memref<4x64x128xf32, #tpu.memory_space<vmem>> -> memref<1x64x128xf32, #tpu.memory_space<vmem>>
      %dma_wait3A_258 = tpu.memref_squeeze %dma_wait3A_257 : memref<1x64x128xf32, #tpu.memory_space<vmem>> -> memref<64x128xf32, #tpu.memory_space<vmem>>
      %dma_wait3A_259 = arith.constant 0 : i32
      %dma_wait3A_260 = tpu.memref_slice %arg8[%dma_wait3A_254, %dma_wait3A_259] : memref<8x64xi32, #tpu.memory_space<vmem>> -> memref<1x64xi32, #tpu.memory_space<vmem>>
      %dma_wait3A_261 = tpu.memref_squeeze %dma_wait3A_260 : memref<1x64xi32, #tpu.memory_space<vmem>> -> memref<64xi32, #tpu.memory_space<vmem>>
      %dma_wait3A_262 = arith.constant 0 : i32
      %dma_wait3A_263 = arith.constant 0 : i32
      %dma_wait3A_264 = tpu.memref_slice %arg10[%dma_wait3A_262, %dma_wait3A_263] : memref<10112x128xf32, #tpu.memory_space<vmem_shared>> -> memref<10112x128xf32, #tpu.memory_space<vmem_shared>>
      tpu.wait_indirect_dma semaphore(%arg15 : memref<!tpu.dma_semaphore, #tpu.memory_space<semaphore_mem>>) src(%dma_wait3A_258 : memref<64x128xf32, #tpu.memory_space<vmem>>) dst(%dma_wait3A_264 : memref<10112x128xf32, #tpu.memory_space<vmem_shared>>)
      %dma_wait3A_265 = arith.constant 1 : i32
      %dma_wait3A_266 = arith.constant 0 : i32
      %dma_wait3A_267 = arith.constant 0 : i32
      %dma_wait3A_268 = tpu.memref_slice %arg9[%dma_wait3A_265, %dma_wait3A_266, %dma_wait3A_267] : memref<4x64x128xf32, #tpu.memory_space<vmem>> -> memref<1x64x128xf32, #tpu.memory_space<vmem>>
      %dma_wait3A_269 = tpu.memref_squeeze %dma_wait3A_268 : memref<1x64x128xf32, #tpu.memory_space<vmem>> -> memref<64x128xf32, #tpu.memory_space<vmem>>
      %dma_wait3A_270 = arith.constant 320 : i32
      %dma_wait3A_271 = tpu.memref_slice %arg7[%dma_wait3A_270] : memref<512xi32, #tpu.memory_space<vmem>> -> memref<64xi32, #tpu.memory_space<vmem>>
      %dma_wait3A_272 = arith.constant 0 : i32
      %dma_wait3A_273 = arith.constant 0 : i32
      %dma_wait3A_274 = tpu.memref_slice %arg2[%dma_wait3A_272, %dma_wait3A_273] : memref<10000x128xf32, #tpu.memory_space<hbm>> -> memref<10000x128xf32, #tpu.memory_space<hbm>>
      tpu.wait_indirect_dma semaphore(%arg12 : memref<!tpu.dma_semaphore, #tpu.memory_space<semaphore_mem>>) src(%dma_wait3A_274 : memref<10000x128xf32, #tpu.memory_space<hbm>>) dst(%dma_wait3A_269 : memref<64x128xf32, #tpu.memory_space<vmem>>)
      %dma_start3A_275 = arith.constant 1 : i32
      %dma_start3A_276 = arith.constant 5 : i32
      %dma_start3A_277 = arith.constant 0 : i32
      %dma_start3A_278 = arith.constant 0 : i32
      %dma_start3A_279 = tpu.memref_slice %arg9[%dma_start3A_275, %dma_start3A_277, %dma_start3A_278] : memref<4x64x128xf32, #tpu.memory_space<vmem>> -> memref<1x64x128xf32, #tpu.memory_space<vmem>>
      %dma_start3A_280 = tpu.memref_squeeze %dma_start3A_279 : memref<1x64x128xf32, #tpu.memory_space<vmem>> -> memref<64x128xf32, #tpu.memory_space<vmem>>
      %dma_start3A_281 = arith.constant 0 : i32
      %dma_start3A_282 = tpu.memref_slice %arg8[%dma_start3A_276, %dma_start3A_281] : memref<8x64xi32, #tpu.memory_space<vmem>> -> memref<1x64xi32, #tpu.memory_space<vmem>>
      %dma_start3A_283 = tpu.memref_squeeze %dma_start3A_282 : memref<1x64xi32, #tpu.memory_space<vmem>> -> memref<64xi32, #tpu.memory_space<vmem>>
      %dma_start3A_284 = arith.constant 0 : i32
      %dma_start3A_285 = arith.constant 0 : i32
      %dma_start3A_286 = tpu.memref_slice %arg10[%dma_start3A_284, %dma_start3A_285] : memref<10112x128xf32, #tpu.memory_space<vmem_shared>> -> memref<10112x128xf32, #tpu.memory_space<vmem_shared>>
      tpu.enqueue_indirect_dma source(%dma_start3A_280 : memref<64x128xf32, #tpu.memory_space<vmem>>) target(%dma_start3A_286 : memref<10112x128xf32, #tpu.memory_space<vmem_shared>>) offsets(%dma_start3A_283 : memref<64xi32, #tpu.memory_space<vmem>>) semaphore(%arg16 : memref<!tpu.dma_semaphore, #tpu.memory_space<semaphore_mem>>) {add = true}
      %dma_wait3A_287 = arith.constant 1 : i32
      %dma_wait3A_288 = arith.constant 5 : i32
      %dma_wait3A_289 = arith.constant 0 : i32
      %dma_wait3A_290 = arith.constant 0 : i32
      %dma_wait3A_291 = tpu.memref_slice %arg9[%dma_wait3A_287, %dma_wait3A_289, %dma_wait3A_290] : memref<4x64x128xf32, #tpu.memory_space<vmem>> -> memref<1x64x128xf32, #tpu.memory_space<vmem>>
      %dma_wait3A_292 = tpu.memref_squeeze %dma_wait3A_291 : memref<1x64x128xf32, #tpu.memory_space<vmem>> -> memref<64x128xf32, #tpu.memory_space<vmem>>
      %dma_wait3A_293 = arith.constant 0 : i32
      %dma_wait3A_294 = tpu.memref_slice %arg8[%dma_wait3A_288, %dma_wait3A_293] : memref<8x64xi32, #tpu.memory_space<vmem>> -> memref<1x64xi32, #tpu.memory_space<vmem>>
      %dma_wait3A_295 = tpu.memref_squeeze %dma_wait3A_294 : memref<1x64xi32, #tpu.memory_space<vmem>> -> memref<64xi32, #tpu.memory_space<vmem>>
      %dma_wait3A_296 = arith.constant 0 : i32
      %dma_wait3A_297 = arith.constant 0 : i32
      %dma_wait3A_298 = tpu.memref_slice %arg10[%dma_wait3A_296, %dma_wait3A_297] : memref<10112x128xf32, #tpu.memory_space<vmem_shared>> -> memref<10112x128xf32, #tpu.memory_space<vmem_shared>>
      tpu.wait_indirect_dma semaphore(%arg16 : memref<!tpu.dma_semaphore, #tpu.memory_space<semaphore_mem>>) src(%dma_wait3A_292 : memref<64x128xf32, #tpu.memory_space<vmem>>) dst(%dma_wait3A_298 : memref<10112x128xf32, #tpu.memory_space<vmem_shared>>)
      %dma_wait3A_299 = arith.constant 2 : i32
      %dma_wait3A_300 = arith.constant 0 : i32
      %dma_wait3A_301 = arith.constant 0 : i32
      %dma_wait3A_302 = tpu.memref_slice %arg9[%dma_wait3A_299, %dma_wait3A_300, %dma_wait3A_301] : memref<4x64x128xf32, #tpu.memory_space<vmem>> -> memref<1x64x128xf32, #tpu.memory_space<vmem>>
      %dma_wait3A_303 = tpu.memref_squeeze %dma_wait3A_302 : memref<1x64x128xf32, #tpu.memory_space<vmem>> -> memref<64x128xf32, #tpu.memory_space<vmem>>
      %dma_wait3A_304 = arith.constant 384 : i32
      %dma_wait3A_305 = tpu.memref_slice %arg7[%dma_wait3A_304] : memref<512xi32, #tpu.memory_space<vmem>> -> memref<64xi32, #tpu.memory_space<vmem>>
      %dma_wait3A_306 = arith.constant 0 : i32
      %dma_wait3A_307 = arith.constant 0 : i32
      %dma_wait3A_308 = tpu.memref_slice %arg2[%dma_wait3A_306, %dma_wait3A_307] : memref<10000x128xf32, #tpu.memory_space<hbm>> -> memref<10000x128xf32, #tpu.memory_space<hbm>>
      tpu.wait_indirect_dma semaphore(%arg13 : memref<!tpu.dma_semaphore, #tpu.memory_space<semaphore_mem>>) src(%dma_wait3A_308 : memref<10000x128xf32, #tpu.memory_space<hbm>>) dst(%dma_wait3A_303 : memref<64x128xf32, #tpu.memory_space<vmem>>)
      %dma_start3A_309 = arith.constant 2 : i32
      %dma_start3A_310 = arith.constant 6 : i32
      %dma_start3A_311 = arith.constant 0 : i32
      %dma_start3A_312 = arith.constant 0 : i32
      %dma_start3A_313 = tpu.memref_slice %arg9[%dma_start3A_309, %dma_start3A_311, %dma_start3A_312] : memref<4x64x128xf32, #tpu.memory_space<vmem>> -> memref<1x64x128xf32, #tpu.memory_space<vmem>>
      %dma_start3A_314 = tpu.memref_squeeze %dma_start3A_313 : memref<1x64x128xf32, #tpu.memory_space<vmem>> -> memref<64x128xf32, #tpu.memory_space<vmem>>
      %dma_start3A_315 = arith.constant 0 : i32
      %dma_start3A_316 = tpu.memref_slice %arg8[%dma_start3A_310, %dma_start3A_315] : memref<8x64xi32, #tpu.memory_space<vmem>> -> memref<1x64xi32, #tpu.memory_space<vmem>>
      %dma_start3A_317 = tpu.memref_squeeze %dma_start3A_316 : memref<1x64xi32, #tpu.memory_space<vmem>> -> memref<64xi32, #tpu.memory_space<vmem>>
      %dma_start3A_318 = arith.constant 0 : i32
      %dma_start3A_319 = arith.constant 0 : i32
      %dma_start3A_320 = tpu.memref_slice %arg10[%dma_start3A_318, %dma_start3A_319] : memref<10112x128xf32, #tpu.memory_space<vmem_shared>> -> memref<10112x128xf32, #tpu.memory_space<vmem_shared>>
      tpu.enqueue_indirect_dma source(%dma_start3A_314 : memref<64x128xf32, #tpu.memory_space<vmem>>) target(%dma_start3A_320 : memref<10112x128xf32, #tpu.memory_space<vmem_shared>>) offsets(%dma_start3A_317 : memref<64xi32, #tpu.memory_space<vmem>>) semaphore(%arg17 : memref<!tpu.dma_semaphore, #tpu.memory_space<semaphore_mem>>) {add = true}
      %dma_wait3A_321 = arith.constant 2 : i32
      %dma_wait3A_322 = arith.constant 6 : i32
      %dma_wait3A_323 = arith.constant 0 : i32
      %dma_wait3A_324 = arith.constant 0 : i32
      %dma_wait3A_325 = tpu.memref_slice %arg9[%dma_wait3A_321, %dma_wait3A_323, %dma_wait3A_324] : memref<4x64x128xf32, #tpu.memory_space<vmem>> -> memref<1x64x128xf32, #tpu.memory_space<vmem>>
      %dma_wait3A_326 = tpu.memref_squeeze %dma_wait3A_325 : memref<1x64x128xf32, #tpu.memory_space<vmem>> -> memref<64x128xf32, #tpu.memory_space<vmem>>
      %dma_wait3A_327 = arith.constant 0 : i32
      %dma_wait3A_328 = tpu.memref_slice %arg8[%dma_wait3A_322, %dma_wait3A_327] : memref<8x64xi32, #tpu.memory_space<vmem>> -> memref<1x64xi32, #tpu.memory_space<vmem>>
      %dma_wait3A_329 = tpu.memref_squeeze %dma_wait3A_328 : memref<1x64xi32, #tpu.memory_space<vmem>> -> memref<64xi32, #tpu.memory_space<vmem>>
      %dma_wait3A_330 = arith.constant 0 : i32
      %dma_wait3A_331 = arith.constant 0 : i32
      %dma_wait3A_332 = tpu.memref_slice %arg10[%dma_wait3A_330, %dma_wait3A_331] : memref<10112x128xf32, #tpu.memory_space<vmem_shared>> -> memref<10112x128xf32, #tpu.memory_space<vmem_shared>>
      tpu.wait_indirect_dma semaphore(%arg17 : memref<!tpu.dma_semaphore, #tpu.memory_space<semaphore_mem>>) src(%dma_wait3A_326 : memref<64x128xf32, #tpu.memory_space<vmem>>) dst(%dma_wait3A_332 : memref<10112x128xf32, #tpu.memory_space<vmem_shared>>)
      %dma_wait3A_333 = arith.constant 3 : i32
      %dma_wait3A_334 = arith.constant 0 : i32
      %dma_wait3A_335 = arith.constant 0 : i32
      %dma_wait3A_336 = tpu.memref_slice %arg9[%dma_wait3A_333, %dma_wait3A_334, %dma_wait3A_335] : memref<4x64x128xf32, #tpu.memory_space<vmem>> -> memref<1x64x128xf32, #tpu.memory_space<vmem>>
      %dma_wait3A_337 = tpu.memref_squeeze %dma_wait3A_336 : memref<1x64x128xf32, #tpu.memory_space<vmem>> -> memref<64x128xf32, #tpu.memory_space<vmem>>
      %dma_wait3A_338 = arith.constant 448 : i32
      %dma_wait3A_339 = tpu.memref_slice %arg7[%dma_wait3A_338] : memref<512xi32, #tpu.memory_space<vmem>> -> memref<64xi32, #tpu.memory_space<vmem>>
      %dma_wait3A_340 = arith.constant 0 : i32
      %dma_wait3A_341 = arith.constant 0 : i32
      %dma_wait3A_342 = tpu.memref_slice %arg2[%dma_wait3A_340, %dma_wait3A_341] : memref<10000x128xf32, #tpu.memory_space<hbm>> -> memref<10000x128xf32, #tpu.memory_space<hbm>>
      tpu.wait_indirect_dma semaphore(%arg14 : memref<!tpu.dma_semaphore, #tpu.memory_space<semaphore_mem>>) src(%dma_wait3A_342 : memref<10000x128xf32, #tpu.memory_space<hbm>>) dst(%dma_wait3A_337 : memref<64x128xf32, #tpu.memory_space<vmem>>)
      %dma_start3A_343 = arith.constant 3 : i32
      %dma_start3A_344 = arith.constant 7 : i32
      %dma_start3A_345 = arith.constant 0 : i32
      %dma_start3A_346 = arith.constant 0 : i32
      %dma_start3A_347 = tpu.memref_slice %arg9[%dma_start3A_343, %dma_start3A_345, %dma_start3A_346] : memref<4x64x128xf32, #tpu.memory_space<vmem>> -> memref<1x64x128xf32, #tpu.memory_space<vmem>>
      %dma_start3A_348 = tpu.memref_squeeze %dma_start3A_347 : memref<1x64x128xf32, #tpu.memory_space<vmem>> -> memref<64x128xf32, #tpu.memory_space<vmem>>
      %dma_start3A_349 = arith.constant 0 : i32
      %dma_start3A_350 = tpu.memref_slice %arg8[%dma_start3A_344, %dma_start3A_349] : memref<8x64xi32, #tpu.memory_space<vmem>> -> memref<1x64xi32, #tpu.memory_space<vmem>>
      %dma_start3A_351 = tpu.memref_squeeze %dma_start3A_350 : memref<1x64xi32, #tpu.memory_space<vmem>> -> memref<64xi32, #tpu.memory_space<vmem>>
      %dma_start3A_352 = arith.constant 0 : i32
      %dma_start3A_353 = arith.constant 0 : i32
      %dma_start3A_354 = tpu.memref_slice %arg10[%dma_start3A_352, %dma_start3A_353] : memref<10112x128xf32, #tpu.memory_space<vmem_shared>> -> memref<10112x128xf32, #tpu.memory_space<vmem_shared>>
      tpu.enqueue_indirect_dma source(%dma_start3A_348 : memref<64x128xf32, #tpu.memory_space<vmem>>) target(%dma_start3A_354 : memref<10112x128xf32, #tpu.memory_space<vmem_shared>>) offsets(%dma_start3A_351 : memref<64xi32, #tpu.memory_space<vmem>>) semaphore(%arg18 : memref<!tpu.dma_semaphore, #tpu.memory_space<semaphore_mem>>) {add = true}
      %dma_wait3A_355 = arith.constant 3 : i32
      %dma_wait3A_356 = arith.constant 7 : i32
      %dma_wait3A_357 = arith.constant 0 : i32
      %dma_wait3A_358 = arith.constant 0 : i32
      %dma_wait3A_359 = tpu.memref_slice %arg9[%dma_wait3A_355, %dma_wait3A_357, %dma_wait3A_358] : memref<4x64x128xf32, #tpu.memory_space<vmem>> -> memref<1x64x128xf32, #tpu.memory_space<vmem>>
      %dma_wait3A_360 = tpu.memref_squeeze %dma_wait3A_359 : memref<1x64x128xf32, #tpu.memory_space<vmem>> -> memref<64x128xf32, #tpu.memory_space<vmem>>
      %dma_wait3A_361 = arith.constant 0 : i32
      %dma_wait3A_362 = tpu.memref_slice %arg8[%dma_wait3A_356, %dma_wait3A_361] : memref<8x64xi32, #tpu.memory_space<vmem>> -> memref<1x64xi32, #tpu.memory_space<vmem>>
      %dma_wait3A_363 = tpu.memref_squeeze %dma_wait3A_362 : memref<1x64xi32, #tpu.memory_space<vmem>> -> memref<64xi32, #tpu.memory_space<vmem>>
      %dma_wait3A_364 = arith.constant 0 : i32
      %dma_wait3A_365 = arith.constant 0 : i32
      %dma_wait3A_366 = tpu.memref_slice %arg10[%dma_wait3A_364, %dma_wait3A_365] : memref<10112x128xf32, #tpu.memory_space<vmem_shared>> -> memref<10112x128xf32, #tpu.memory_space<vmem_shared>>
      tpu.wait_indirect_dma semaphore(%arg18 : memref<!tpu.dma_semaphore, #tpu.memory_space<semaphore_mem>>) src(%dma_wait3A_360 : memref<64x128xf32, #tpu.memory_space<vmem>>) dst(%dma_wait3A_366 : memref<10112x128xf32, #tpu.memory_space<vmem_shared>>)
    }
    %scan3A_9 = arith.constant 20 : i32
    %barrier3A_10 = arith.constant 0 : index
    tpu.barrier barrier_id(%barrier3A_10)
    "tpu.region"() ({
      %run_scoped3A = tpu.sem_alloc : memref<!tpu.dma_semaphore, #tpu.memory_space<semaphore_mem>>
      %dma_start3A = arith.constant 0 : i32
      %dma_start3A_11 = tpu.memref_slice %arg6[%arg0, %mul3A_0, %dma_start3A] : memref<2x10112x128xf32, #tpu.memory_space<hbm>> -> memref<1x632x128xf32, #tpu.memory_space<hbm>>
      %dma_start3A_12 = tpu.memref_squeeze %dma_start3A_11 : memref<1x632x128xf32, #tpu.memory_space<hbm>> -> memref<632x128xf32, #tpu.memory_space<hbm>>
      %dma_start3A_13 = arith.constant 0 : i32
      %dma_start3A_14 = tpu.memref_slice %arg10[%mul3A_0, %dma_start3A_13] : memref<10112x128xf32, #tpu.memory_space<vmem_shared>> -> memref<632x128xf32, #tpu.memory_space<vmem_shared>>
      tpu.enqueue_dma source(%dma_start3A_14 : memref<632x128xf32, #tpu.memory_space<vmem_shared>>) target(%dma_start3A_12 : memref<632x128xf32, #tpu.memory_space<hbm>>) target_semaphore(%run_scoped3A : memref<!tpu.dma_semaphore, #tpu.memory_space<semaphore_mem>>)
      %dma_wait3A = arith.constant 0 : i32
      %dma_wait3A_15 = tpu.memref_slice %arg6[%arg0, %mul3A_0, %dma_wait3A] : memref<2x10112x128xf32, #tpu.memory_space<hbm>> -> memref<1x632x128xf32, #tpu.memory_space<hbm>>
      %dma_wait3A_16 = tpu.memref_squeeze %dma_wait3A_15 : memref<1x632x128xf32, #tpu.memory_space<hbm>> -> memref<632x128xf32, #tpu.memory_space<hbm>>
      %dma_wait3A_17 = arith.constant 0 : i32
      %dma_wait3A_18 = tpu.memref_slice %arg10[%mul3A_0, %dma_wait3A_17] : memref<10112x128xf32, #tpu.memory_space<vmem_shared>> -> memref<632x128xf32, #tpu.memory_space<vmem_shared>>
      tpu.wait_dma2 semaphore(%run_scoped3A : memref<!tpu.dma_semaphore, #tpu.memory_space<semaphore_mem>>) src(%dma_wait3A_18 : memref<632x128xf32, #tpu.memory_space<vmem_shared>>) dst(%dma_wait3A_16 : memref<632x128xf32, #tpu.memory_space<hbm>>)
      tpu.yield
    }) : () -> ()
    return
  }
}

#map = affine_map<(d0, d1) -> (0, 0)>
#map1 = affine_map<(d0, d1) -> (0)>
#map2 = affine_map<(d0, d1) -> (0, 0, 0)>
module attributes {stable_mosaic.version = 14 : i64} {
  func.func @_seg_a_body(%arg0: i32, %arg1: i32, %arg2: memref<10000x128xf32, #tpu.memory_space<hbm>>, %arg3: memref<327680xi32, #tpu.memory_space<hbm>>, %arg4: memref<5120x64xi32, #tpu.memory_space<hbm>>, %arg5: memref<10112x128xf32, #tpu.memory_space<hbm>>, %arg6: memref<512x128xf32, #tpu.memory_space<hbm>>, %arg7: memref<2x10112x128xf32, #tpu.memory_space<hbm>>, %arg8: memref<2x640x128xf32, #tpu.memory_space<hbm>>, %arg9: memref<512xi32, #tpu.memory_space<vmem>>, %arg10: memref<8x64xi32, #tpu.memory_space<vmem>>, %arg11: memref<8x64xi32, #tpu.memory_space<vmem>>, %arg12: memref<8x64xi32, #tpu.memory_space<vmem>>, %arg13: memref<3x64x128xf32, #tpu.memory_space<vmem>>, %arg14: memref<2x64x128xf32, #tpu.memory_space<vmem>>, %arg15: memref<10112x128xf32, #tpu.memory_space<vmem_shared>>, %arg16: memref<640x128xf32, #tpu.memory_space<vmem_shared>>, %arg17: memref<!tpu.dma_semaphore, #tpu.memory_space<semaphore_mem>>, %arg18: memref<!tpu.dma_semaphore, #tpu.memory_space<semaphore_mem>>, %arg19: memref<!tpu.dma_semaphore, #tpu.memory_space<semaphore_mem>>, %arg20: memref<!tpu.dma_semaphore, #tpu.memory_space<semaphore_mem>>, %arg21: memref<!tpu.dma_semaphore, #tpu.memory_space<semaphore_mem>>, %arg22: memref<!tpu.dma_semaphore, #tpu.memory_space<semaphore_mem>>, %arg23: memref<!tpu.dma_semaphore, #tpu.memory_space<semaphore_mem>>, %arg24: memref<!tpu.dma_semaphore, #tpu.memory_space<semaphore_mem>>, %arg25: memref<!tpu.dma_semaphore, #tpu.memory_space<semaphore_mem>>, %arg26: memref<!tpu.dma_semaphore, #tpu.memory_space<semaphore_mem>>) attributes {dimension_semantics = [#tpu.dimension_semantics<core_parallel>, #tpu.dimension_semantics<subcore_parallel>], iteration_bounds = array<i64: 2, 16>, scalar_prefetch = 0 : i64, scratch_operands = 18 : i64, tpu.core_type = #tpu.core_type<sc_vector_subcore>, window_params = [{transform_indices = #map}, {transform_indices = #map1}, {transform_indices = #map}, {transform_indices = #map}, {transform_indices = #map}, {transform_indices = #map2}, {transform_indices = #map2}]} {
    %mul3A = arith.constant 632 : i32
    %mul3A_0 = arith.muli %arg1, %mul3A : i32
    %mul3A_1 = arith.constant 40 : i32
    %mul3A_2 = arith.muli %arg1, %mul3A_1 : i32
    "tpu.region"() ({
      %run_scoped3A = tpu.sem_alloc : memref<!tpu.dma_semaphore, #tpu.memory_space<semaphore_mem>>
      %dma_start3A = arith.constant 0 : i32
      %dma_start3A_15 = tpu.memref_slice %arg15[%mul3A_0, %dma_start3A] : memref<10112x128xf32, #tpu.memory_space<vmem_shared>> -> memref<632x128xf32, #tpu.memory_space<vmem_shared>>
      %dma_start3A_16 = arith.constant 0 : i32
      %dma_start3A_17 = tpu.memref_slice %arg5[%mul3A_0, %dma_start3A_16] : memref<10112x128xf32, #tpu.memory_space<hbm>> -> memref<632x128xf32, #tpu.memory_space<hbm>>
      tpu.enqueue_dma source(%dma_start3A_17 : memref<632x128xf32, #tpu.memory_space<hbm>>) target(%dma_start3A_15 : memref<632x128xf32, #tpu.memory_space<vmem_shared>>) target_semaphore(%run_scoped3A : memref<!tpu.dma_semaphore, #tpu.memory_space<semaphore_mem>>)
      %dma_wait3A = arith.constant 0 : i32
      %dma_wait3A_18 = tpu.memref_slice %arg15[%mul3A_0, %dma_wait3A] : memref<10112x128xf32, #tpu.memory_space<vmem_shared>> -> memref<632x128xf32, #tpu.memory_space<vmem_shared>>
      %dma_wait3A_19 = arith.constant 0 : i32
      %dma_wait3A_20 = tpu.memref_slice %arg5[%mul3A_0, %dma_wait3A_19] : memref<10112x128xf32, #tpu.memory_space<hbm>> -> memref<632x128xf32, #tpu.memory_space<hbm>>
      tpu.wait_dma2 semaphore(%run_scoped3A : memref<!tpu.dma_semaphore, #tpu.memory_space<semaphore_mem>>) src(%dma_wait3A_20 : memref<632x128xf32, #tpu.memory_space<hbm>>) dst(%dma_wait3A_18 : memref<632x128xf32, #tpu.memory_space<vmem_shared>>)
      tpu.yield
    }) : () -> ()
    "tpu.region"() ({
      %run_scoped3A = tpu.sem_alloc : memref<!tpu.dma_semaphore, #tpu.memory_space<semaphore_mem>>
      %dma_start3A = arith.constant 0 : i32
      %dma_start3A_15 = tpu.memref_slice %arg16[%mul3A_2, %dma_start3A] : memref<640x128xf32, #tpu.memory_space<vmem_shared>> -> memref<40x128xf32, #tpu.memory_space<vmem_shared>>
      %dma_start3A_16 = arith.constant 0 : i32
      %dma_start3A_17 = tpu.memref_slice %arg5[%mul3A_2, %dma_start3A_16] : memref<10112x128xf32, #tpu.memory_space<hbm>> -> memref<40x128xf32, #tpu.memory_space<hbm>>
      tpu.enqueue_dma source(%dma_start3A_17 : memref<40x128xf32, #tpu.memory_space<hbm>>) target(%dma_start3A_15 : memref<40x128xf32, #tpu.memory_space<vmem_shared>>) target_semaphore(%run_scoped3A : memref<!tpu.dma_semaphore, #tpu.memory_space<semaphore_mem>>)
      %dma_wait3A = arith.constant 0 : i32
      %dma_wait3A_18 = tpu.memref_slice %arg16[%mul3A_2, %dma_wait3A] : memref<640x128xf32, #tpu.memory_space<vmem_shared>> -> memref<40x128xf32, #tpu.memory_space<vmem_shared>>
      %dma_wait3A_19 = arith.constant 0 : i32
      %dma_wait3A_20 = tpu.memref_slice %arg5[%mul3A_2, %dma_wait3A_19] : memref<10112x128xf32, #tpu.memory_space<hbm>> -> memref<40x128xf32, #tpu.memory_space<hbm>>
      tpu.wait_dma2 semaphore(%run_scoped3A : memref<!tpu.dma_semaphore, #tpu.memory_space<semaphore_mem>>) src(%dma_wait3A_20 : memref<40x128xf32, #tpu.memory_space<hbm>>) dst(%dma_wait3A_18 : memref<40x128xf32, #tpu.memory_space<vmem_shared>>)
      tpu.yield
    }) : () -> ()
    %barrier3A = arith.constant 0 : index
    tpu.barrier barrier_id(%barrier3A)
    %mul3A_3 = arith.constant 16 : i32
    %mul3A_4 = arith.muli %arg0, %mul3A_3 : i32
    %add3A = arith.addi %mul3A_4, %arg1 : i32
    %mul3A_5 = arith.constant 16 : i32
    %mul3A_6 = arith.muli %add3A, %mul3A_5 : i32
    %mul3A_7 = arith.constant 160 : i32
    %mul3A_8 = arith.muli %add3A, %mul3A_7 : i32
    %scan3A = arith.constant 0 : i32
    %scan3A_9 = arith.constant 0 : i32
    %scan3A_10 = arith.constant 20 : i32
    %scan3A_11 = arith.addi %scan3A_9, %scan3A_10 : i32
    %scan3A_12 = arith.constant 1 : i32
    scf.for %scan3A_15 = %scan3A_9 to %scan3A_11 step %scan3A_12  : i32 {
      %mul3A_16 = arith.constant 8 : i32
      %mul3A_17 = arith.muli %scan3A_15, %mul3A_16 : i32
      %add3A_18 = arith.addi %mul3A_8, %mul3A_17 : i32
      %mul3A_19 = arith.constant 64 : i32
      %mul3A_20 = arith.muli %add3A_18, %mul3A_19 : i32
      "tpu.region"() ({
        %run_scoped3A = tpu.sem_alloc : memref<!tpu.dma_semaphore, #tpu.memory_space<semaphore_mem>>
        %dma_start3A_1551 = tpu.memref_slice %arg3[%mul3A_20] : memref<327680xi32, #tpu.memory_space<hbm>> -> memref<512xi32, #tpu.memory_space<hbm>>
        %dma_start3A_1552 = tpu.memref_slice %arg3[%mul3A_20] : memref<327680xi32, #tpu.memory_space<hbm>> -> memref<512xi32, #tpu.memory_space<hbm>>
        tpu.enqueue_dma source(%dma_start3A_1552 : memref<512xi32, #tpu.memory_space<hbm>>) target(%arg9 : memref<512xi32, #tpu.memory_space<vmem>>) target_semaphore(%run_scoped3A : memref<!tpu.dma_semaphore, #tpu.memory_space<semaphore_mem>>)
        %dma_wait3A_1553 = tpu.memref_slice %arg3[%mul3A_20] : memref<327680xi32, #tpu.memory_space<hbm>> -> memref<512xi32, #tpu.memory_space<hbm>>
        %dma_wait3A_1554 = tpu.memref_slice %arg3[%mul3A_20] : memref<327680xi32, #tpu.memory_space<hbm>> -> memref<512xi32, #tpu.memory_space<hbm>>
        tpu.wait_dma2 semaphore(%run_scoped3A : memref<!tpu.dma_semaphore, #tpu.memory_space<semaphore_mem>>) src(%dma_wait3A_1554 : memref<512xi32, #tpu.memory_space<hbm>>) dst(%arg9 : memref<512xi32, #tpu.memory_space<vmem>>)
        tpu.yield
      }) : () -> ()
      "tpu.region"() ({
        %run_scoped3A = tpu.sem_alloc : memref<!tpu.dma_semaphore, #tpu.memory_space<semaphore_mem>>
        %dma_start3A_1551 = arith.constant 0 : i32
        %dma_start3A_1552 = tpu.memref_slice %arg4[%add3A_18, %dma_start3A_1551] : memref<5120x64xi32, #tpu.memory_space<hbm>> -> memref<8x64xi32, #tpu.memory_space<hbm>>
        %dma_start3A_1553 = arith.constant 0 : i32
        %dma_start3A_1554 = tpu.memref_slice %arg4[%add3A_18, %dma_start3A_1553] : memref<5120x64xi32, #tpu.memory_space<hbm>> -> memref<8x64xi32, #tpu.memory_space<hbm>>
        tpu.enqueue_dma source(%dma_start3A_1554 : memref<8x64xi32, #tpu.memory_space<hbm>>) target(%arg10 : memref<8x64xi32, #tpu.memory_space<vmem>>) target_semaphore(%run_scoped3A : memref<!tpu.dma_semaphore, #tpu.memory_space<semaphore_mem>>)
        %dma_wait3A_1555 = arith.constant 0 : i32
        %dma_wait3A_1556 = tpu.memref_slice %arg4[%add3A_18, %dma_wait3A_1555] : memref<5120x64xi32, #tpu.memory_space<hbm>> -> memref<8x64xi32, #tpu.memory_space<hbm>>
        %dma_wait3A_1557 = arith.constant 0 : i32
        %dma_wait3A_1558 = tpu.memref_slice %arg4[%add3A_18, %dma_wait3A_1557] : memref<5120x64xi32, #tpu.memory_space<hbm>> -> memref<8x64xi32, #tpu.memory_space<hbm>>
        tpu.wait_dma2 semaphore(%run_scoped3A : memref<!tpu.dma_semaphore, #tpu.memory_space<semaphore_mem>>) src(%dma_wait3A_1558 : memref<8x64xi32, #tpu.memory_space<hbm>>) dst(%arg10 : memref<8x64xi32, #tpu.memory_space<vmem>>)
        tpu.yield
      }) : () -> ()
      %get3A = arith.constant 0 : i32
      %get3A_21 = arith.index_cast %get3A : i32 to index
      %get3A_22 = arith.constant 0 : index
      %get3A_23 = tpu.vector_load %arg10[%get3A_21, %get3A_22] {strides = array<i32>} : memref<8x64xi32, #tpu.memory_space<vmem>>, vector<1x16xi32>,
      %get3A_24 = vector.shape_cast %get3A_23 : vector<1x16xi32> to vector<16xi32>
      %shift_right_logical3A = arith.constant 4 : i32
      %shift_right_logical3A_25 = vector.broadcast %shift_right_logical3A : i32 to vector<16xi32>
      %shift_right_logical3A_26 = arith.shrui %get3A_24, %shift_right_logical3A_25 : vector<16xi32>
      %swap3A = arith.constant 0 : i32
      %swap3A_27 = arith.index_cast %swap3A : i32 to index
      %swap3A_28 = arith.constant 0 : index
      %swap3A_29 = tpu.vector_load %arg11[%swap3A_27, %swap3A_28] {strides = array<i32>} : memref<8x64xi32, #tpu.memory_space<vmem>>, vector<1x16xi32>,
      %swap3A_30 = vector.shape_cast %swap3A_29 : vector<1x16xi32> to vector<16xi32>
      %swap3A_31 = vector.shape_cast %shift_right_logical3A_26 : vector<16xi32> to vector<1x16xi32>
      tpu.vector_store %arg11[%swap3A_27, %swap3A_28], %swap3A_31 {strides = array<i32>} : memref<8x64xi32, #tpu.memory_space<vmem>>, vector<1x16xi32>,
      %and3A = arith.constant 15 : i32
      %and3A_32 = vector.broadcast %and3A : i32 to vector<16xi32>
      %and3A_33 = arith.andi %get3A_24, %and3A_32 : vector<16xi32>
      %add3A_34 = vector.broadcast %mul3A_6 : i32 to vector<16xi32>
      %add3A_35 = arith.addi %and3A_33, %add3A_34 : vector<16xi32>
      %swap3A_36 = arith.constant 0 : i32
      %swap3A_37 = arith.index_cast %swap3A_36 : i32 to index
      %swap3A_38 = arith.constant 0 : index
      %swap3A_39 = tpu.vector_load %arg12[%swap3A_37, %swap3A_38] {strides = array<i32>} : memref<8x64xi32, #tpu.memory_space<vmem>>, vector<1x16xi32>,
      %swap3A_40 = vector.shape_cast %swap3A_39 : vector<1x16xi32> to vector<16xi32>
      %swap3A_41 = vector.shape_cast %add3A_35 : vector<16xi32> to vector<1x16xi32>
      tpu.vector_store %arg12[%swap3A_37, %swap3A_38], %swap3A_41 {strides = array<i32>} : memref<8x64xi32, #tpu.memory_space<vmem>>, vector<1x16xi32>,
      %get3A_42 = arith.constant 0 : i32
      %get3A_43 = arith.index_cast %get3A_42 : i32 to index
      %get3A_44 = arith.constant 16 : index
      %get3A_45 = tpu.vector_load %arg10[%get3A_43, %get3A_44] {strides = array<i32>} : memref<8x64xi32, #tpu.memory_space<vmem>>, vector<1x16xi32>,
      %get3A_46 = vector.shape_cast %get3A_45 : vector<1x16xi32> to vector<16xi32>
      %shift_right_logical3A_47 = arith.constant 4 : i32
      %shift_right_logical3A_48 = vector.broadcast %shift_right_logical3A_47 : i32 to vector<16xi32>
      %shift_right_logical3A_49 = arith.shrui %get3A_46, %shift_right_logical3A_48 : vector<16xi32>
      %swap3A_50 = arith.constant 0 : i32
      %swap3A_51 = arith.index_cast %swap3A_50 : i32 to index
      %swap3A_52 = arith.constant 16 : index
      %swap3A_53 = tpu.vector_load %arg11[%swap3A_51, %swap3A_52] {strides = array<i32>} : memref<8x64xi32, #tpu.memory_space<vmem>>, vector<1x16xi32>,
      %swap3A_54 = vector.shape_cast %swap3A_53 : vector<1x16xi32> to vector<16xi32>
      %swap3A_55 = vector.shape_cast %shift_right_logical3A_49 : vector<16xi32> to vector<1x16xi32>
      tpu.vector_store %arg11[%swap3A_51, %swap3A_52], %swap3A_55 {strides = array<i32>} : memref<8x64xi32, #tpu.memory_space<vmem>>, vector<1x16xi32>,
      %and3A_56 = arith.constant 15 : i32
      %and3A_57 = vector.broadcast %and3A_56 : i32 to vector<16xi32>
      %and3A_58 = arith.andi %get3A_46, %and3A_57 : vector<16xi32>
      %add3A_59 = vector.broadcast %mul3A_6 : i32 to vector<16xi32>
      %add3A_60 = arith.addi %and3A_58, %add3A_59 : vector<16xi32>
      %swap3A_61 = arith.constant 0 : i32
      %swap3A_62 = arith.index_cast %swap3A_61 : i32 to index
      %swap3A_63 = arith.constant 16 : index
      %swap3A_64 = tpu.vector_load %arg12[%swap3A_62, %swap3A_63] {strides = array<i32>} : memref<8x64xi32, #tpu.memory_space<vmem>>, vector<1x16xi32>,
      %swap3A_65 = vector.shape_cast %swap3A_64 : vector<1x16xi32> to vector<16xi32>
      %swap3A_66 = vector.shape_cast %add3A_60 : vector<16xi32> to vector<1x16xi32>
      tpu.vector_store %arg12[%swap3A_62, %swap3A_63], %swap3A_66 {strides = array<i32>} : memref<8x64xi32, #tpu.memory_space<vmem>>, vector<1x16xi32>,
      %get3A_67 = arith.constant 0 : i32
      %get3A_68 = arith.index_cast %get3A_67 : i32 to index
      %get3A_69 = arith.constant 32 : index
      %get3A_70 = tpu.vector_load %arg10[%get3A_68, %get3A_69] {strides = array<i32>} : memref<8x64xi32, #tpu.memory_space<vmem>>, vector<1x16xi32>,
      %get3A_71 = vector.shape_cast %get3A_70 : vector<1x16xi32> to vector<16xi32>
      %shift_right_logical3A_72 = arith.constant 4 : i32
      %shift_right_logical3A_73 = vector.broadcast %shift_right_logical3A_72 : i32 to vector<16xi32>
      %shift_right_logical3A_74 = arith.shrui %get3A_71, %shift_right_logical3A_73 : vector<16xi32>
      %swap3A_75 = arith.constant 0 : i32
      %swap3A_76 = arith.index_cast %swap3A_75 : i32 to index
      %swap3A_77 = arith.constant 32 : index
      %swap3A_78 = tpu.vector_load %arg11[%swap3A_76, %swap3A_77] {strides = array<i32>} : memref<8x64xi32, #tpu.memory_space<vmem>>, vector<1x16xi32>,
      %swap3A_79 = vector.shape_cast %swap3A_78 : vector<1x16xi32> to vector<16xi32>
      %swap3A_80 = vector.shape_cast %shift_right_logical3A_74 : vector<16xi32> to vector<1x16xi32>
      tpu.vector_store %arg11[%swap3A_76, %swap3A_77], %swap3A_80 {strides = array<i32>} : memref<8x64xi32, #tpu.memory_space<vmem>>, vector<1x16xi32>,
      %and3A_81 = arith.constant 15 : i32
      %and3A_82 = vector.broadcast %and3A_81 : i32 to vector<16xi32>
      %and3A_83 = arith.andi %get3A_71, %and3A_82 : vector<16xi32>
      %add3A_84 = vector.broadcast %mul3A_6 : i32 to vector<16xi32>
      %add3A_85 = arith.addi %and3A_83, %add3A_84 : vector<16xi32>
      %swap3A_86 = arith.constant 0 : i32
      %swap3A_87 = arith.index_cast %swap3A_86 : i32 to index
      %swap3A_88 = arith.constant 32 : index
      %swap3A_89 = tpu.vector_load %arg12[%swap3A_87, %swap3A_88] {strides = array<i32>} : memref<8x64xi32, #tpu.memory_space<vmem>>, vector<1x16xi32>,
      %swap3A_90 = vector.shape_cast %swap3A_89 : vector<1x16xi32> to vector<16xi32>
      %swap3A_91 = vector.shape_cast %add3A_85 : vector<16xi32> to vector<1x16xi32>
      tpu.vector_store %arg12[%swap3A_87, %swap3A_88], %swap3A_91 {strides = array<i32>} : memref<8x64xi32, #tpu.memory_space<vmem>>, vector<1x16xi32>,
      %get3A_92 = arith.constant 0 : i32
      %get3A_93 = arith.index_cast %get3A_92 : i32 to index
      %get3A_94 = arith.constant 48 : index
      %get3A_95 = tpu.vector_load %arg10[%get3A_93, %get3A_94] {strides = array<i32>} : memref<8x64xi32, #tpu.memory_space<vmem>>, vector<1x16xi32>,
      %get3A_96 = vector.shape_cast %get3A_95 : vector<1x16xi32> to vector<16xi32>
      %shift_right_logical3A_97 = arith.constant 4 : i32
      %shift_right_logical3A_98 = vector.broadcast %shift_right_logical3A_97 : i32 to vector<16xi32>
      %shift_right_logical3A_99 = arith.shrui %get3A_96, %shift_right_logical3A_98 : vector<16xi32>
      %swap3A_100 = arith.constant 0 : i32
      %swap3A_101 = arith.index_cast %swap3A_100 : i32 to index
      %swap3A_102 = arith.constant 48 : index
      %swap3A_103 = tpu.vector_load %arg11[%swap3A_101, %swap3A_102] {strides = array<i32>} : memref<8x64xi32, #tpu.memory_space<vmem>>, vector<1x16xi32>,
      %swap3A_104 = vector.shape_cast %swap3A_103 : vector<1x16xi32> to vector<16xi32>
      %swap3A_105 = vector.shape_cast %shift_right_logical3A_99 : vector<16xi32> to vector<1x16xi32>
      tpu.vector_store %arg11[%swap3A_101, %swap3A_102], %swap3A_105 {strides = array<i32>} : memref<8x64xi32, #tpu.memory_space<vmem>>, vector<1x16xi32>,
      %and3A_106 = arith.constant 15 : i32
      %and3A_107 = vector.broadcast %and3A_106 : i32 to vector<16xi32>
      %and3A_108 = arith.andi %get3A_96, %and3A_107 : vector<16xi32>
      %add3A_109 = vector.broadcast %mul3A_6 : i32 to vector<16xi32>
      %add3A_110 = arith.addi %and3A_108, %add3A_109 : vector<16xi32>
      %swap3A_111 = arith.constant 0 : i32
      %swap3A_112 = arith.index_cast %swap3A_111 : i32 to index
      %swap3A_113 = arith.constant 48 : index
      %swap3A_114 = tpu.vector_load %arg12[%swap3A_112, %swap3A_113] {strides = array<i32>} : memref<8x64xi32, #tpu.memory_space<vmem>>, vector<1x16xi32>,
      %swap3A_115 = vector.shape_cast %swap3A_114 : vector<1x16xi32> to vector<16xi32>
      %swap3A_116 = vector.shape_cast %add3A_110 : vector<16xi32> to vector<1x16xi32>
      tpu.vector_store %arg12[%swap3A_112, %swap3A_113], %swap3A_116 {strides = array<i32>} : memref<8x64xi32, #tpu.memory_space<vmem>>, vector<1x16xi32>,
      %get3A_117 = arith.constant 1 : i32
      %get3A_118 = arith.index_cast %get3A_117 : i32 to index
      %get3A_119 = arith.constant 0 : index
      %get3A_120 = tpu.vector_load %arg10[%get3A_118, %get3A_119] {strides = array<i32>} : memref<8x64xi32, #tpu.memory_space<vmem>>, vector<1x16xi32>,
      %get3A_121 = vector.shape_cast %get3A_120 : vector<1x16xi32> to vector<16xi32>
      %shift_right_logical3A_122 = arith.constant 4 : i32
      %shift_right_logical3A_123 = vector.broadcast %shift_right_logical3A_122 : i32 to vector<16xi32>
      %shift_right_logical3A_124 = arith.shrui %get3A_121, %shift_right_logical3A_123 : vector<16xi32>
      %swap3A_125 = arith.constant 1 : i32
      %swap3A_126 = arith.index_cast %swap3A_125 : i32 to index
      %swap3A_127 = arith.constant 0 : index
      %swap3A_128 = tpu.vector_load %arg11[%swap3A_126, %swap3A_127] {strides = array<i32>} : memref<8x64xi32, #tpu.memory_space<vmem>>, vector<1x16xi32>,
      %swap3A_129 = vector.shape_cast %swap3A_128 : vector<1x16xi32> to vector<16xi32>
      %swap3A_130 = vector.shape_cast %shift_right_logical3A_124 : vector<16xi32> to vector<1x16xi32>
      tpu.vector_store %arg11[%swap3A_126, %swap3A_127], %swap3A_130 {strides = array<i32>} : memref<8x64xi32, #tpu.memory_space<vmem>>, vector<1x16xi32>,
      %and3A_131 = arith.constant 15 : i32
      %and3A_132 = vector.broadcast %and3A_131 : i32 to vector<16xi32>
      %and3A_133 = arith.andi %get3A_121, %and3A_132 : vector<16xi32>
      %add3A_134 = vector.broadcast %mul3A_6 : i32 to vector<16xi32>
      %add3A_135 = arith.addi %and3A_133, %add3A_134 : vector<16xi32>
      %swap3A_136 = arith.constant 1 : i32
      %swap3A_137 = arith.index_cast %swap3A_136 : i32 to index
      %swap3A_138 = arith.constant 0 : index
      %swap3A_139 = tpu.vector_load %arg12[%swap3A_137, %swap3A_138] {strides = array<i32>} : memref<8x64xi32, #tpu.memory_space<vmem>>, vector<1x16xi32>,
      %swap3A_140 = vector.shape_cast %swap3A_139 : vector<1x16xi32> to vector<16xi32>
      %swap3A_141 = vector.shape_cast %add3A_135 : vector<16xi32> to vector<1x16xi32>
      tpu.vector_store %arg12[%swap3A_137, %swap3A_138], %swap3A_141 {strides = array<i32>} : memref<8x64xi32, #tpu.memory_space<vmem>>, vector<1x16xi32>,
      %get3A_142 = arith.constant 1 : i32
      %get3A_143 = arith.index_cast %get3A_142 : i32 to index
      %get3A_144 = arith.constant 16 : index
      %get3A_145 = tpu.vector_load %arg10[%get3A_143, %get3A_144] {strides = array<i32>} : memref<8x64xi32, #tpu.memory_space<vmem>>, vector<1x16xi32>,
      %get3A_146 = vector.shape_cast %get3A_145 : vector<1x16xi32> to vector<16xi32>
      %shift_right_logical3A_147 = arith.constant 4 : i32
      %shift_right_logical3A_148 = vector.broadcast %shift_right_logical3A_147 : i32 to vector<16xi32>
      %shift_right_logical3A_149 = arith.shrui %get3A_146, %shift_right_logical3A_148 : vector<16xi32>
      %swap3A_150 = arith.constant 1 : i32
      %swap3A_151 = arith.index_cast %swap3A_150 : i32 to index
      %swap3A_152 = arith.constant 16 : index
      %swap3A_153 = tpu.vector_load %arg11[%swap3A_151, %swap3A_152] {strides = array<i32>} : memref<8x64xi32, #tpu.memory_space<vmem>>, vector<1x16xi32>,
      %swap3A_154 = vector.shape_cast %swap3A_153 : vector<1x16xi32> to vector<16xi32>
      %swap3A_155 = vector.shape_cast %shift_right_logical3A_149 : vector<16xi32> to vector<1x16xi32>
      tpu.vector_store %arg11[%swap3A_151, %swap3A_152], %swap3A_155 {strides = array<i32>} : memref<8x64xi32, #tpu.memory_space<vmem>>, vector<1x16xi32>,
      %and3A_156 = arith.constant 15 : i32
      %and3A_157 = vector.broadcast %and3A_156 : i32 to vector<16xi32>
      %and3A_158 = arith.andi %get3A_146, %and3A_157 : vector<16xi32>
      %add3A_159 = vector.broadcast %mul3A_6 : i32 to vector<16xi32>
      %add3A_160 = arith.addi %and3A_158, %add3A_159 : vector<16xi32>
      %swap3A_161 = arith.constant 1 : i32
      %swap3A_162 = arith.index_cast %swap3A_161 : i32 to index
      %swap3A_163 = arith.constant 16 : index
      %swap3A_164 = tpu.vector_load %arg12[%swap3A_162, %swap3A_163] {strides = array<i32>} : memref<8x64xi32, #tpu.memory_space<vmem>>, vector<1x16xi32>,
      %swap3A_165 = vector.shape_cast %swap3A_164 : vector<1x16xi32> to vector<16xi32>
      %swap3A_166 = vector.shape_cast %add3A_160 : vector<16xi32> to vector<1x16xi32>
      tpu.vector_store %arg12[%swap3A_162, %swap3A_163], %swap3A_166 {strides = array<i32>} : memref<8x64xi32, #tpu.memory_space<vmem>>, vector<1x16xi32>,
      %get3A_167 = arith.constant 1 : i32
      %get3A_168 = arith.index_cast %get3A_167 : i32 to index
      %get3A_169 = arith.constant 32 : index
      %get3A_170 = tpu.vector_load %arg10[%get3A_168, %get3A_169] {strides = array<i32>} : memref<8x64xi32, #tpu.memory_space<vmem>>, vector<1x16xi32>,
      %get3A_171 = vector.shape_cast %get3A_170 : vector<1x16xi32> to vector<16xi32>
      %shift_right_logical3A_172 = arith.constant 4 : i32
      %shift_right_logical3A_173 = vector.broadcast %shift_right_logical3A_172 : i32 to vector<16xi32>
      %shift_right_logical3A_174 = arith.shrui %get3A_171, %shift_right_logical3A_173 : vector<16xi32>
      %swap3A_175 = arith.constant 1 : i32
      %swap3A_176 = arith.index_cast %swap3A_175 : i32 to index
      %swap3A_177 = arith.constant 32 : index
      %swap3A_178 = tpu.vector_load %arg11[%swap3A_176, %swap3A_177] {strides = array<i32>} : memref<8x64xi32, #tpu.memory_space<vmem>>, vector<1x16xi32>,
      %swap3A_179 = vector.shape_cast %swap3A_178 : vector<1x16xi32> to vector<16xi32>
      %swap3A_180 = vector.shape_cast %shift_right_logical3A_174 : vector<16xi32> to vector<1x16xi32>
      tpu.vector_store %arg11[%swap3A_176, %swap3A_177], %swap3A_180 {strides = array<i32>} : memref<8x64xi32, #tpu.memory_space<vmem>>, vector<1x16xi32>,
      %and3A_181 = arith.constant 15 : i32
      %and3A_182 = vector.broadcast %and3A_181 : i32 to vector<16xi32>
      %and3A_183 = arith.andi %get3A_171, %and3A_182 : vector<16xi32>
      %add3A_184 = vector.broadcast %mul3A_6 : i32 to vector<16xi32>
      %add3A_185 = arith.addi %and3A_183, %add3A_184 : vector<16xi32>
      %swap3A_186 = arith.constant 1 : i32
      %swap3A_187 = arith.index_cast %swap3A_186 : i32 to index
      %swap3A_188 = arith.constant 32 : index
      %swap3A_189 = tpu.vector_load %arg12[%swap3A_187, %swap3A_188] {strides = array<i32>} : memref<8x64xi32, #tpu.memory_space<vmem>>, vector<1x16xi32>,
      %swap3A_190 = vector.shape_cast %swap3A_189 : vector<1x16xi32> to vector<16xi32>
      %swap3A_191 = vector.shape_cast %add3A_185 : vector<16xi32> to vector<1x16xi32>
      tpu.vector_store %arg12[%swap3A_187, %swap3A_188], %swap3A_191 {strides = array<i32>} : memref<8x64xi32, #tpu.memory_space<vmem>>, vector<1x16xi32>,
      %get3A_192 = arith.constant 1 : i32
      %get3A_193 = arith.index_cast %get3A_192 : i32 to index
      %get3A_194 = arith.constant 48 : index
      %get3A_195 = tpu.vector_load %arg10[%get3A_193, %get3A_194] {strides = array<i32>} : memref<8x64xi32, #tpu.memory_space<vmem>>, vector<1x16xi32>,
      %get3A_196 = vector.shape_cast %get3A_195 : vector<1x16xi32> to vector<16xi32>
      %shift_right_logical3A_197 = arith.constant 4 : i32
      %shift_right_logical3A_198 = vector.broadcast %shift_right_logical3A_197 : i32 to vector<16xi32>
      %shift_right_logical3A_199 = arith.shrui %get3A_196, %shift_right_logical3A_198 : vector<16xi32>
      %swap3A_200 = arith.constant 1 : i32
      %swap3A_201 = arith.index_cast %swap3A_200 : i32 to index
      %swap3A_202 = arith.constant 48 : index
      %swap3A_203 = tpu.vector_load %arg11[%swap3A_201, %swap3A_202] {strides = array<i32>} : memref<8x64xi32, #tpu.memory_space<vmem>>, vector<1x16xi32>,
      %swap3A_204 = vector.shape_cast %swap3A_203 : vector<1x16xi32> to vector<16xi32>
      %swap3A_205 = vector.shape_cast %shift_right_logical3A_199 : vector<16xi32> to vector<1x16xi32>
      tpu.vector_store %arg11[%swap3A_201, %swap3A_202], %swap3A_205 {strides = array<i32>} : memref<8x64xi32, #tpu.memory_space<vmem>>, vector<1x16xi32>,
      %and3A_206 = arith.constant 15 : i32
      %and3A_207 = vector.broadcast %and3A_206 : i32 to vector<16xi32>
      %and3A_208 = arith.andi %get3A_196, %and3A_207 : vector<16xi32>
      %add3A_209 = vector.broadcast %mul3A_6 : i32 to vector<16xi32>
      %add3A_210 = arith.addi %and3A_208, %add3A_209 : vector<16xi32>
      %swap3A_211 = arith.constant 1 : i32
      %swap3A_212 = arith.index_cast %swap3A_211 : i32 to index
      %swap3A_213 = arith.constant 48 : index
      %swap3A_214 = tpu.vector_load %arg12[%swap3A_212, %swap3A_213] {strides = array<i32>} : memref<8x64xi32, #tpu.memory_space<vmem>>, vector<1x16xi32>,
      %swap3A_215 = vector.shape_cast %swap3A_214 : vector<1x16xi32> to vector<16xi32>
      %swap3A_216 = vector.shape_cast %add3A_210 : vector<16xi32> to vector<1x16xi32>
      tpu.vector_store %arg12[%swap3A_212, %swap3A_213], %swap3A_216 {strides = array<i32>} : memref<8x64xi32, #tpu.memory_space<vmem>>, vector<1x16xi32>,
      %get3A_217 = arith.constant 2 : i32
      %get3A_218 = arith.index_cast %get3A_217 : i32 to index
      %get3A_219 = arith.constant 0 : index
      %get3A_220 = tpu.vector_load %arg10[%get3A_218, %get3A_219] {strides = array<i32>} : memref<8x64xi32, #tpu.memory_space<vmem>>, vector<1x16xi32>,
      %get3A_221 = vector.shape_cast %get3A_220 : vector<1x16xi32> to vector<16xi32>
      %shift_right_logical3A_222 = arith.constant 4 : i32
      %shift_right_logical3A_223 = vector.broadcast %shift_right_logical3A_222 : i32 to vector<16xi32>
      %shift_right_logical3A_224 = arith.shrui %get3A_221, %shift_right_logical3A_223 : vector<16xi32>
      %swap3A_225 = arith.constant 2 : i32
      %swap3A_226 = arith.index_cast %swap3A_225 : i32 to index
      %swap3A_227 = arith.constant 0 : index
      %swap3A_228 = tpu.vector_load %arg11[%swap3A_226, %swap3A_227] {strides = array<i32>} : memref<8x64xi32, #tpu.memory_space<vmem>>, vector<1x16xi32>,
      %swap3A_229 = vector.shape_cast %swap3A_228 : vector<1x16xi32> to vector<16xi32>
      %swap3A_230 = vector.shape_cast %shift_right_logical3A_224 : vector<16xi32> to vector<1x16xi32>
      tpu.vector_store %arg11[%swap3A_226, %swap3A_227], %swap3A_230 {strides = array<i32>} : memref<8x64xi32, #tpu.memory_space<vmem>>, vector<1x16xi32>,
      %and3A_231 = arith.constant 15 : i32
      %and3A_232 = vector.broadcast %and3A_231 : i32 to vector<16xi32>
      %and3A_233 = arith.andi %get3A_221, %and3A_232 : vector<16xi32>
      %add3A_234 = vector.broadcast %mul3A_6 : i32 to vector<16xi32>
      %add3A_235 = arith.addi %and3A_233, %add3A_234 : vector<16xi32>
      %swap3A_236 = arith.constant 2 : i32
      %swap3A_237 = arith.index_cast %swap3A_236 : i32 to index
      %swap3A_238 = arith.constant 0 : index
      %swap3A_239 = tpu.vector_load %arg12[%swap3A_237, %swap3A_238] {strides = array<i32>} : memref<8x64xi32, #tpu.memory_space<vmem>>, vector<1x16xi32>,
      %swap3A_240 = vector.shape_cast %swap3A_239 : vector<1x16xi32> to vector<16xi32>
      %swap3A_241 = vector.shape_cast %add3A_235 : vector<16xi32> to vector<1x16xi32>
      tpu.vector_store %arg12[%swap3A_237, %swap3A_238], %swap3A_241 {strides = array<i32>} : memref<8x64xi32, #tpu.memory_space<vmem>>, vector<1x16xi32>,
      %get3A_242 = arith.constant 2 : i32
      %get3A_243 = arith.index_cast %get3A_242 : i32 to index
      %get3A_244 = arith.constant 16 : index
      %get3A_245 = tpu.vector_load %arg10[%get3A_243, %get3A_244] {strides = array<i32>} : memref<8x64xi32, #tpu.memory_space<vmem>>, vector<1x16xi32>,
      %get3A_246 = vector.shape_cast %get3A_245 : vector<1x16xi32> to vector<16xi32>
      %shift_right_logical3A_247 = arith.constant 4 : i32
      %shift_right_logical3A_248 = vector.broadcast %shift_right_logical3A_247 : i32 to vector<16xi32>
      %shift_right_logical3A_249 = arith.shrui %get3A_246, %shift_right_logical3A_248 : vector<16xi32>
      %swap3A_250 = arith.constant 2 : i32
      %swap3A_251 = arith.index_cast %swap3A_250 : i32 to index
      %swap3A_252 = arith.constant 16 : index
      %swap3A_253 = tpu.vector_load %arg11[%swap3A_251, %swap3A_252] {strides = array<i32>} : memref<8x64xi32, #tpu.memory_space<vmem>>, vector<1x16xi32>,
      %swap3A_254 = vector.shape_cast %swap3A_253 : vector<1x16xi32> to vector<16xi32>
      %swap3A_255 = vector.shape_cast %shift_right_logical3A_249 : vector<16xi32> to vector<1x16xi32>
      tpu.vector_store %arg11[%swap3A_251, %swap3A_252], %swap3A_255 {strides = array<i32>} : memref<8x64xi32, #tpu.memory_space<vmem>>, vector<1x16xi32>,
      %and3A_256 = arith.constant 15 : i32
      %and3A_257 = vector.broadcast %and3A_256 : i32 to vector<16xi32>
      %and3A_258 = arith.andi %get3A_246, %and3A_257 : vector<16xi32>
      %add3A_259 = vector.broadcast %mul3A_6 : i32 to vector<16xi32>
      %add3A_260 = arith.addi %and3A_258, %add3A_259 : vector<16xi32>
      %swap3A_261 = arith.constant 2 : i32
      %swap3A_262 = arith.index_cast %swap3A_261 : i32 to index
      %swap3A_263 = arith.constant 16 : index
      %swap3A_264 = tpu.vector_load %arg12[%swap3A_262, %swap3A_263] {strides = array<i32>} : memref<8x64xi32, #tpu.memory_space<vmem>>, vector<1x16xi32>,
      %swap3A_265 = vector.shape_cast %swap3A_264 : vector<1x16xi32> to vector<16xi32>
      %swap3A_266 = vector.shape_cast %add3A_260 : vector<16xi32> to vector<1x16xi32>
      tpu.vector_store %arg12[%swap3A_262, %swap3A_263], %swap3A_266 {strides = array<i32>} : memref<8x64xi32, #tpu.memory_space<vmem>>, vector<1x16xi32>,
      %get3A_267 = arith.constant 2 : i32
      %get3A_268 = arith.index_cast %get3A_267 : i32 to index
      %get3A_269 = arith.constant 32 : index
      %get3A_270 = tpu.vector_load %arg10[%get3A_268, %get3A_269] {strides = array<i32>} : memref<8x64xi32, #tpu.memory_space<vmem>>, vector<1x16xi32>,
      %get3A_271 = vector.shape_cast %get3A_270 : vector<1x16xi32> to vector<16xi32>
      %shift_right_logical3A_272 = arith.constant 4 : i32
      %shift_right_logical3A_273 = vector.broadcast %shift_right_logical3A_272 : i32 to vector<16xi32>
      %shift_right_logical3A_274 = arith.shrui %get3A_271, %shift_right_logical3A_273 : vector<16xi32>
      %swap3A_275 = arith.constant 2 : i32
      %swap3A_276 = arith.index_cast %swap3A_275 : i32 to index
      %swap3A_277 = arith.constant 32 : index
      %swap3A_278 = tpu.vector_load %arg11[%swap3A_276, %swap3A_277] {strides = array<i32>} : memref<8x64xi32, #tpu.memory_space<vmem>>, vector<1x16xi32>,
      %swap3A_279 = vector.shape_cast %swap3A_278 : vector<1x16xi32> to vector<16xi32>
      %swap3A_280 = vector.shape_cast %shift_right_logical3A_274 : vector<16xi32> to vector<1x16xi32>
      tpu.vector_store %arg11[%swap3A_276, %swap3A_277], %swap3A_280 {strides = array<i32>} : memref<8x64xi32, #tpu.memory_space<vmem>>, vector<1x16xi32>,
      %and3A_281 = arith.constant 15 : i32
      %and3A_282 = vector.broadcast %and3A_281 : i32 to vector<16xi32>
      %and3A_283 = arith.andi %get3A_271, %and3A_282 : vector<16xi32>
      %add3A_284 = vector.broadcast %mul3A_6 : i32 to vector<16xi32>
      %add3A_285 = arith.addi %and3A_283, %add3A_284 : vector<16xi32>
      %swap3A_286 = arith.constant 2 : i32
      %swap3A_287 = arith.index_cast %swap3A_286 : i32 to index
      %swap3A_288 = arith.constant 32 : index
      %swap3A_289 = tpu.vector_load %arg12[%swap3A_287, %swap3A_288] {strides = array<i32>} : memref<8x64xi32, #tpu.memory_space<vmem>>, vector<1x16xi32>,
      %swap3A_290 = vector.shape_cast %swap3A_289 : vector<1x16xi32> to vector<16xi32>
      %swap3A_291 = vector.shape_cast %add3A_285 : vector<16xi32> to vector<1x16xi32>
      tpu.vector_store %arg12[%swap3A_287, %swap3A_288], %swap3A_291 {strides = array<i32>} : memref<8x64xi32, #tpu.memory_space<vmem>>, vector<1x16xi32>,
      %get3A_292 = arith.constant 2 : i32
      %get3A_293 = arith.index_cast %get3A_292 : i32 to index
      %get3A_294 = arith.constant 48 : index
      %get3A_295 = tpu.vector_load %arg10[%get3A_293, %get3A_294] {strides = array<i32>} : memref<8x64xi32, #tpu.memory_space<vmem>>, vector<1x16xi32>,
      %get3A_296 = vector.shape_cast %get3A_295 : vector<1x16xi32> to vector<16xi32>
      %shift_right_logical3A_297 = arith.constant 4 : i32
      %shift_right_logical3A_298 = vector.broadcast %shift_right_logical3A_297 : i32 to vector<16xi32>
      %shift_right_logical3A_299 = arith.shrui %get3A_296, %shift_right_logical3A_298 : vector<16xi32>
      %swap3A_300 = arith.constant 2 : i32
      %swap3A_301 = arith.index_cast %swap3A_300 : i32 to index
      %swap3A_302 = arith.constant 48 : index
      %swap3A_303 = tpu.vector_load %arg11[%swap3A_301, %swap3A_302] {strides = array<i32>} : memref<8x64xi32, #tpu.memory_space<vmem>>, vector<1x16xi32>,
      %swap3A_304 = vector.shape_cast %swap3A_303 : vector<1x16xi32> to vector<16xi32>
      %swap3A_305 = vector.shape_cast %shift_right_logical3A_299 : vector<16xi32> to vector<1x16xi32>
      tpu.vector_store %arg11[%swap3A_301, %swap3A_302], %swap3A_305 {strides = array<i32>} : memref<8x64xi32, #tpu.memory_space<vmem>>, vector<1x16xi32>,
      %and3A_306 = arith.constant 15 : i32
      %and3A_307 = vector.broadcast %and3A_306 : i32 to vector<16xi32>
      %and3A_308 = arith.andi %get3A_296, %and3A_307 : vector<16xi32>
      %add3A_309 = vector.broadcast %mul3A_6 : i32 to vector<16xi32>
      %add3A_310 = arith.addi %and3A_308, %add3A_309 : vector<16xi32>
      %swap3A_311 = arith.constant 2 : i32
      %swap3A_312 = arith.index_cast %swap3A_311 : i32 to index
      %swap3A_313 = arith.constant 48 : index
      %swap3A_314 = tpu.vector_load %arg12[%swap3A_312, %swap3A_313] {strides = array<i32>} : memref<8x64xi32, #tpu.memory_space<vmem>>, vector<1x16xi32>,
      %swap3A_315 = vector.shape_cast %swap3A_314 : vector<1x16xi32> to vector<16xi32>
      %swap3A_316 = vector.shape_cast %add3A_310 : vector<16xi32> to vector<1x16xi32>
      tpu.vector_store %arg12[%swap3A_312, %swap3A_313], %swap3A_316 {strides = array<i32>} : memref<8x64xi32, #tpu.memory_space<vmem>>, vector<1x16xi32>,
      %get3A_317 = arith.constant 3 : i32
      %get3A_318 = arith.index_cast %get3A_317 : i32 to index
      %get3A_319 = arith.constant 0 : index
      %get3A_320 = tpu.vector_load %arg10[%get3A_318, %get3A_319] {strides = array<i32>} : memref<8x64xi32, #tpu.memory_space<vmem>>, vector<1x16xi32>,
      %get3A_321 = vector.shape_cast %get3A_320 : vector<1x16xi32> to vector<16xi32>
      %shift_right_logical3A_322 = arith.constant 4 : i32
      %shift_right_logical3A_323 = vector.broadcast %shift_right_logical3A_322 : i32 to vector<16xi32>
      %shift_right_logical3A_324 = arith.shrui %get3A_321, %shift_right_logical3A_323 : vector<16xi32>
      %swap3A_325 = arith.constant 3 : i32
      %swap3A_326 = arith.index_cast %swap3A_325 : i32 to index
      %swap3A_327 = arith.constant 0 : index
      %swap3A_328 = tpu.vector_load %arg11[%swap3A_326, %swap3A_327] {strides = array<i32>} : memref<8x64xi32, #tpu.memory_space<vmem>>, vector<1x16xi32>,
      %swap3A_329 = vector.shape_cast %swap3A_328 : vector<1x16xi32> to vector<16xi32>
      %swap3A_330 = vector.shape_cast %shift_right_logical3A_324 : vector<16xi32> to vector<1x16xi32>
      tpu.vector_store %arg11[%swap3A_326, %swap3A_327], %swap3A_330 {strides = array<i32>} : memref<8x64xi32, #tpu.memory_space<vmem>>, vector<1x16xi32>,
      %and3A_331 = arith.constant 15 : i32
      %and3A_332 = vector.broadcast %and3A_331 : i32 to vector<16xi32>
      %and3A_333 = arith.andi %get3A_321, %and3A_332 : vector<16xi32>
      %add3A_334 = vector.broadcast %mul3A_6 : i32 to vector<16xi32>
      %add3A_335 = arith.addi %and3A_333, %add3A_334 : vector<16xi32>
      %swap3A_336 = arith.constant 3 : i32
      %swap3A_337 = arith.index_cast %swap3A_336 : i32 to index
      %swap3A_338 = arith.constant 0 : index
      %swap3A_339 = tpu.vector_load %arg12[%swap3A_337, %swap3A_338] {strides = array<i32>} : memref<8x64xi32, #tpu.memory_space<vmem>>, vector<1x16xi32>,
      %swap3A_340 = vector.shape_cast %swap3A_339 : vector<1x16xi32> to vector<16xi32>
      %swap3A_341 = vector.shape_cast %add3A_335 : vector<16xi32> to vector<1x16xi32>
      tpu.vector_store %arg12[%swap3A_337, %swap3A_338], %swap3A_341 {strides = array<i32>} : memref<8x64xi32, #tpu.memory_space<vmem>>, vector<1x16xi32>,
      %get3A_342 = arith.constant 3 : i32
      %get3A_343 = arith.index_cast %get3A_342 : i32 to index
      %get3A_344 = arith.constant 16 : index
      %get3A_345 = tpu.vector_load %arg10[%get3A_343, %get3A_344] {strides = array<i32>} : memref<8x64xi32, #tpu.memory_space<vmem>>, vector<1x16xi32>,
      %get3A_346 = vector.shape_cast %get3A_345 : vector<1x16xi32> to vector<16xi32>
      %shift_right_logical3A_347 = arith.constant 4 : i32
      %shift_right_logical3A_348 = vector.broadcast %shift_right_logical3A_347 : i32 to vector<16xi32>
      %shift_right_logical3A_349 = arith.shrui %get3A_346, %shift_right_logical3A_348 : vector<16xi32>
      %swap3A_350 = arith.constant 3 : i32
      %swap3A_351 = arith.index_cast %swap3A_350 : i32 to index
      %swap3A_352 = arith.constant 16 : index
      %swap3A_353 = tpu.vector_load %arg11[%swap3A_351, %swap3A_352] {strides = array<i32>} : memref<8x64xi32, #tpu.memory_space<vmem>>, vector<1x16xi32>,
      %swap3A_354 = vector.shape_cast %swap3A_353 : vector<1x16xi32> to vector<16xi32>
      %swap3A_355 = vector.shape_cast %shift_right_logical3A_349 : vector<16xi32> to vector<1x16xi32>
      tpu.vector_store %arg11[%swap3A_351, %swap3A_352], %swap3A_355 {strides = array<i32>} : memref<8x64xi32, #tpu.memory_space<vmem>>, vector<1x16xi32>,
      %and3A_356 = arith.constant 15 : i32
      %and3A_357 = vector.broadcast %and3A_356 : i32 to vector<16xi32>
      %and3A_358 = arith.andi %get3A_346, %and3A_357 : vector<16xi32>
      %add3A_359 = vector.broadcast %mul3A_6 : i32 to vector<16xi32>
      %add3A_360 = arith.addi %and3A_358, %add3A_359 : vector<16xi32>
      %swap3A_361 = arith.constant 3 : i32
      %swap3A_362 = arith.index_cast %swap3A_361 : i32 to index
      %swap3A_363 = arith.constant 16 : index
      %swap3A_364 = tpu.vector_load %arg12[%swap3A_362, %swap3A_363] {strides = array<i32>} : memref<8x64xi32, #tpu.memory_space<vmem>>, vector<1x16xi32>,
      %swap3A_365 = vector.shape_cast %swap3A_364 : vector<1x16xi32> to vector<16xi32>
      %swap3A_366 = vector.shape_cast %add3A_360 : vector<16xi32> to vector<1x16xi32>
      tpu.vector_store %arg12[%swap3A_362, %swap3A_363], %swap3A_366 {strides = array<i32>} : memref<8x64xi32, #tpu.memory_space<vmem>>, vector<1x16xi32>,
      %get3A_367 = arith.constant 3 : i32
      %get3A_368 = arith.index_cast %get3A_367 : i32 to index
      %get3A_369 = arith.constant 32 : index
      %get3A_370 = tpu.vector_load %arg10[%get3A_368, %get3A_369] {strides = array<i32>} : memref<8x64xi32, #tpu.memory_space<vmem>>, vector<1x16xi32>,
      %get3A_371 = vector.shape_cast %get3A_370 : vector<1x16xi32> to vector<16xi32>
      %shift_right_logical3A_372 = arith.constant 4 : i32
      %shift_right_logical3A_373 = vector.broadcast %shift_right_logical3A_372 : i32 to vector<16xi32>
      %shift_right_logical3A_374 = arith.shrui %get3A_371, %shift_right_logical3A_373 : vector<16xi32>
      %swap3A_375 = arith.constant 3 : i32
      %swap3A_376 = arith.index_cast %swap3A_375 : i32 to index
      %swap3A_377 = arith.constant 32 : index
      %swap3A_378 = tpu.vector_load %arg11[%swap3A_376, %swap3A_377] {strides = array<i32>} : memref<8x64xi32, #tpu.memory_space<vmem>>, vector<1x16xi32>,
      %swap3A_379 = vector.shape_cast %swap3A_378 : vector<1x16xi32> to vector<16xi32>
      %swap3A_380 = vector.shape_cast %shift_right_logical3A_374 : vector<16xi32> to vector<1x16xi32>
      tpu.vector_store %arg11[%swap3A_376, %swap3A_377], %swap3A_380 {strides = array<i32>} : memref<8x64xi32, #tpu.memory_space<vmem>>, vector<1x16xi32>,
      %and3A_381 = arith.constant 15 : i32
      %and3A_382 = vector.broadcast %and3A_381 : i32 to vector<16xi32>
      %and3A_383 = arith.andi %get3A_371, %and3A_382 : vector<16xi32>
      %add3A_384 = vector.broadcast %mul3A_6 : i32 to vector<16xi32>
      %add3A_385 = arith.addi %and3A_383, %add3A_384 : vector<16xi32>
      %swap3A_386 = arith.constant 3 : i32
      %swap3A_387 = arith.index_cast %swap3A_386 : i32 to index
      %swap3A_388 = arith.constant 32 : index
      %swap3A_389 = tpu.vector_load %arg12[%swap3A_387, %swap3A_388] {strides = array<i32>} : memref<8x64xi32, #tpu.memory_space<vmem>>, vector<1x16xi32>,
      %swap3A_390 = vector.shape_cast %swap3A_389 : vector<1x16xi32> to vector<16xi32>
      %swap3A_391 = vector.shape_cast %add3A_385 : vector<16xi32> to vector<1x16xi32>
      tpu.vector_store %arg12[%swap3A_387, %swap3A_388], %swap3A_391 {strides = array<i32>} : memref<8x64xi32, #tpu.memory_space<vmem>>, vector<1x16xi32>,
      %get3A_392 = arith.constant 3 : i32
      %get3A_393 = arith.index_cast %get3A_392 : i32 to index
      %get3A_394 = arith.constant 48 : index
      %get3A_395 = tpu.vector_load %arg10[%get3A_393, %get3A_394] {strides = array<i32>} : memref<8x64xi32, #tpu.memory_space<vmem>>, vector<1x16xi32>,
      %get3A_396 = vector.shape_cast %get3A_395 : vector<1x16xi32> to vector<16xi32>
      %shift_right_logical3A_397 = arith.constant 4 : i32
      %shift_right_logical3A_398 = vector.broadcast %shift_right_logical3A_397 : i32 to vector<16xi32>
      %shift_right_logical3A_399 = arith.shrui %get3A_396, %shift_right_logical3A_398 : vector<16xi32>
      %swap3A_400 = arith.constant 3 : i32
      %swap3A_401 = arith.index_cast %swap3A_400 : i32 to index
      %swap3A_402 = arith.constant 48 : index
      %swap3A_403 = tpu.vector_load %arg11[%swap3A_401, %swap3A_402] {strides = array<i32>} : memref<8x64xi32, #tpu.memory_space<vmem>>, vector<1x16xi32>,
      %swap3A_404 = vector.shape_cast %swap3A_403 : vector<1x16xi32> to vector<16xi32>
      %swap3A_405 = vector.shape_cast %shift_right_logical3A_399 : vector<16xi32> to vector<1x16xi32>
      tpu.vector_store %arg11[%swap3A_401, %swap3A_402], %swap3A_405 {strides = array<i32>} : memref<8x64xi32, #tpu.memory_space<vmem>>, vector<1x16xi32>,
      %and3A_406 = arith.constant 15 : i32
      %and3A_407 = vector.broadcast %and3A_406 : i32 to vector<16xi32>
      %and3A_408 = arith.andi %get3A_396, %and3A_407 : vector<16xi32>
      %add3A_409 = vector.broadcast %mul3A_6 : i32 to vector<16xi32>
      %add3A_410 = arith.addi %and3A_408, %add3A_409 : vector<16xi32>
      %swap3A_411 = arith.constant 3 : i32
      %swap3A_412 = arith.index_cast %swap3A_411 : i32 to index
      %swap3A_413 = arith.constant 48 : index
      %swap3A_414 = tpu.vector_load %arg12[%swap3A_412, %swap3A_413] {strides = array<i32>} : memref<8x64xi32, #tpu.memory_space<vmem>>, vector<1x16xi32>,
      %swap3A_415 = vector.shape_cast %swap3A_414 : vector<1x16xi32> to vector<16xi32>
      %swap3A_416 = vector.shape_cast %add3A_410 : vector<16xi32> to vector<1x16xi32>
      tpu.vector_store %arg12[%swap3A_412, %swap3A_413], %swap3A_416 {strides = array<i32>} : memref<8x64xi32, #tpu.memory_space<vmem>>, vector<1x16xi32>,
      %get3A_417 = arith.constant 4 : i32
      %get3A_418 = arith.index_cast %get3A_417 : i32 to index
      %get3A_419 = arith.constant 0 : index
      %get3A_420 = tpu.vector_load %arg10[%get3A_418, %get3A_419] {strides = array<i32>} : memref<8x64xi32, #tpu.memory_space<vmem>>, vector<1x16xi32>,
      %get3A_421 = vector.shape_cast %get3A_420 : vector<1x16xi32> to vector<16xi32>
      %shift_right_logical3A_422 = arith.constant 4 : i32
      %shift_right_logical3A_423 = vector.broadcast %shift_right_logical3A_422 : i32 to vector<16xi32>
      %shift_right_logical3A_424 = arith.shrui %get3A_421, %shift_right_logical3A_423 : vector<16xi32>
      %swap3A_425 = arith.constant 4 : i32
      %swap3A_426 = arith.index_cast %swap3A_425 : i32 to index
      %swap3A_427 = arith.constant 0 : index
      %swap3A_428 = tpu.vector_load %arg11[%swap3A_426, %swap3A_427] {strides = array<i32>} : memref<8x64xi32, #tpu.memory_space<vmem>>, vector<1x16xi32>,
      %swap3A_429 = vector.shape_cast %swap3A_428 : vector<1x16xi32> to vector<16xi32>
      %swap3A_430 = vector.shape_cast %shift_right_logical3A_424 : vector<16xi32> to vector<1x16xi32>
      tpu.vector_store %arg11[%swap3A_426, %swap3A_427], %swap3A_430 {strides = array<i32>} : memref<8x64xi32, #tpu.memory_space<vmem>>, vector<1x16xi32>,
      %and3A_431 = arith.constant 15 : i32
      %and3A_432 = vector.broadcast %and3A_431 : i32 to vector<16xi32>
      %and3A_433 = arith.andi %get3A_421, %and3A_432 : vector<16xi32>
      %add3A_434 = vector.broadcast %mul3A_6 : i32 to vector<16xi32>
      %add3A_435 = arith.addi %and3A_433, %add3A_434 : vector<16xi32>
      %swap3A_436 = arith.constant 4 : i32
      %swap3A_437 = arith.index_cast %swap3A_436 : i32 to index
      %swap3A_438 = arith.constant 0 : index
      %swap3A_439 = tpu.vector_load %arg12[%swap3A_437, %swap3A_438] {strides = array<i32>} : memref<8x64xi32, #tpu.memory_space<vmem>>, vector<1x16xi32>,
      %swap3A_440 = vector.shape_cast %swap3A_439 : vector<1x16xi32> to vector<16xi32>
      %swap3A_441 = vector.shape_cast %add3A_435 : vector<16xi32> to vector<1x16xi32>
      tpu.vector_store %arg12[%swap3A_437, %swap3A_438], %swap3A_441 {strides = array<i32>} : memref<8x64xi32, #tpu.memory_space<vmem>>, vector<1x16xi32>,
      %get3A_442 = arith.constant 4 : i32
      %get3A_443 = arith.index_cast %get3A_442 : i32 to index
      %get3A_444 = arith.constant 16 : index
      %get3A_445 = tpu.vector_load %arg10[%get3A_443, %get3A_444] {strides = array<i32>} : memref<8x64xi32, #tpu.memory_space<vmem>>, vector<1x16xi32>,
      %get3A_446 = vector.shape_cast %get3A_445 : vector<1x16xi32> to vector<16xi32>
      %shift_right_logical3A_447 = arith.constant 4 : i32
      %shift_right_logical3A_448 = vector.broadcast %shift_right_logical3A_447 : i32 to vector<16xi32>
      %shift_right_logical3A_449 = arith.shrui %get3A_446, %shift_right_logical3A_448 : vector<16xi32>
      %swap3A_450 = arith.constant 4 : i32
      %swap3A_451 = arith.index_cast %swap3A_450 : i32 to index
      %swap3A_452 = arith.constant 16 : index
      %swap3A_453 = tpu.vector_load %arg11[%swap3A_451, %swap3A_452] {strides = array<i32>} : memref<8x64xi32, #tpu.memory_space<vmem>>, vector<1x16xi32>,
      %swap3A_454 = vector.shape_cast %swap3A_453 : vector<1x16xi32> to vector<16xi32>
      %swap3A_455 = vector.shape_cast %shift_right_logical3A_449 : vector<16xi32> to vector<1x16xi32>
      tpu.vector_store %arg11[%swap3A_451, %swap3A_452], %swap3A_455 {strides = array<i32>} : memref<8x64xi32, #tpu.memory_space<vmem>>, vector<1x16xi32>,
      %and3A_456 = arith.constant 15 : i32
      %and3A_457 = vector.broadcast %and3A_456 : i32 to vector<16xi32>
      %and3A_458 = arith.andi %get3A_446, %and3A_457 : vector<16xi32>
      %add3A_459 = vector.broadcast %mul3A_6 : i32 to vector<16xi32>
      %add3A_460 = arith.addi %and3A_458, %add3A_459 : vector<16xi32>
      %swap3A_461 = arith.constant 4 : i32
      %swap3A_462 = arith.index_cast %swap3A_461 : i32 to index
      %swap3A_463 = arith.constant 16 : index
      %swap3A_464 = tpu.vector_load %arg12[%swap3A_462, %swap3A_463] {strides = array<i32>} : memref<8x64xi32, #tpu.memory_space<vmem>>, vector<1x16xi32>,
      %swap3A_465 = vector.shape_cast %swap3A_464 : vector<1x16xi32> to vector<16xi32>
      %swap3A_466 = vector.shape_cast %add3A_460 : vector<16xi32> to vector<1x16xi32>
      tpu.vector_store %arg12[%swap3A_462, %swap3A_463], %swap3A_466 {strides = array<i32>} : memref<8x64xi32, #tpu.memory_space<vmem>>, vector<1x16xi32>,
      %get3A_467 = arith.constant 4 : i32
      %get3A_468 = arith.index_cast %get3A_467 : i32 to index
      %get3A_469 = arith.constant 32 : index
      %get3A_470 = tpu.vector_load %arg10[%get3A_468, %get3A_469] {strides = array<i32>} : memref<8x64xi32, #tpu.memory_space<vmem>>, vector<1x16xi32>,
      %get3A_471 = vector.shape_cast %get3A_470 : vector<1x16xi32> to vector<16xi32>
      %shift_right_logical3A_472 = arith.constant 4 : i32
      %shift_right_logical3A_473 = vector.broadcast %shift_right_logical3A_472 : i32 to vector<16xi32>
      %shift_right_logical3A_474 = arith.shrui %get3A_471, %shift_right_logical3A_473 : vector<16xi32>
      %swap3A_475 = arith.constant 4 : i32
      %swap3A_476 = arith.index_cast %swap3A_475 : i32 to index
      %swap3A_477 = arith.constant 32 : index
      %swap3A_478 = tpu.vector_load %arg11[%swap3A_476, %swap3A_477] {strides = array<i32>} : memref<8x64xi32, #tpu.memory_space<vmem>>, vector<1x16xi32>,
      %swap3A_479 = vector.shape_cast %swap3A_478 : vector<1x16xi32> to vector<16xi32>
      %swap3A_480 = vector.shape_cast %shift_right_logical3A_474 : vector<16xi32> to vector<1x16xi32>
      tpu.vector_store %arg11[%swap3A_476, %swap3A_477], %swap3A_480 {strides = array<i32>} : memref<8x64xi32, #tpu.memory_space<vmem>>, vector<1x16xi32>,
      %and3A_481 = arith.constant 15 : i32
      %and3A_482 = vector.broadcast %and3A_481 : i32 to vector<16xi32>
      %and3A_483 = arith.andi %get3A_471, %and3A_482 : vector<16xi32>
      %add3A_484 = vector.broadcast %mul3A_6 : i32 to vector<16xi32>
      %add3A_485 = arith.addi %and3A_483, %add3A_484 : vector<16xi32>
      %swap3A_486 = arith.constant 4 : i32
      %swap3A_487 = arith.index_cast %swap3A_486 : i32 to index
      %swap3A_488 = arith.constant 32 : index
      %swap3A_489 = tpu.vector_load %arg12[%swap3A_487, %swap3A_488] {strides = array<i32>} : memref<8x64xi32, #tpu.memory_space<vmem>>, vector<1x16xi32>,
      %swap3A_490 = vector.shape_cast %swap3A_489 : vector<1x16xi32> to vector<16xi32>
      %swap3A_491 = vector.shape_cast %add3A_485 : vector<16xi32> to vector<1x16xi32>
      tpu.vector_store %arg12[%swap3A_487, %swap3A_488], %swap3A_491 {strides = array<i32>} : memref<8x64xi32, #tpu.memory_space<vmem>>, vector<1x16xi32>,
      %get3A_492 = arith.constant 4 : i32
      %get3A_493 = arith.index_cast %get3A_492 : i32 to index
      %get3A_494 = arith.constant 48 : index
      %get3A_495 = tpu.vector_load %arg10[%get3A_493, %get3A_494] {strides = array<i32>} : memref<8x64xi32, #tpu.memory_space<vmem>>, vector<1x16xi32>,
      %get3A_496 = vector.shape_cast %get3A_495 : vector<1x16xi32> to vector<16xi32>
      %shift_right_logical3A_497 = arith.constant 4 : i32
      %shift_right_logical3A_498 = vector.broadcast %shift_right_logical3A_497 : i32 to vector<16xi32>
      %shift_right_logical3A_499 = arith.shrui %get3A_496, %shift_right_logical3A_498 : vector<16xi32>
      %swap3A_500 = arith.constant 4 : i32
      %swap3A_501 = arith.index_cast %swap3A_500 : i32 to index
      %swap3A_502 = arith.constant 48 : index
      %swap3A_503 = tpu.vector_load %arg11[%swap3A_501, %swap3A_502] {strides = array<i32>} : memref<8x64xi32, #tpu.memory_space<vmem>>, vector<1x16xi32>,
      %swap3A_504 = vector.shape_cast %swap3A_503 : vector<1x16xi32> to vector<16xi32>
      %swap3A_505 = vector.shape_cast %shift_right_logical3A_499 : vector<16xi32> to vector<1x16xi32>
      tpu.vector_store %arg11[%swap3A_501, %swap3A_502], %swap3A_505 {strides = array<i32>} : memref<8x64xi32, #tpu.memory_space<vmem>>, vector<1x16xi32>,
      %and3A_506 = arith.constant 15 : i32
      %and3A_507 = vector.broadcast %and3A_506 : i32 to vector<16xi32>
      %and3A_508 = arith.andi %get3A_496, %and3A_507 : vector<16xi32>
      %add3A_509 = vector.broadcast %mul3A_6 : i32 to vector<16xi32>
      %add3A_510 = arith.addi %and3A_508, %add3A_509 : vector<16xi32>
      %swap3A_511 = arith.constant 4 : i32
      %swap3A_512 = arith.index_cast %swap3A_511 : i32 to index
      %swap3A_513 = arith.constant 48 : index
      %swap3A_514 = tpu.vector_load %arg12[%swap3A_512, %swap3A_513] {strides = array<i32>} : memref<8x64xi32, #tpu.memory_space<vmem>>, vector<1x16xi32>,
      %swap3A_515 = vector.shape_cast %swap3A_514 : vector<1x16xi32> to vector<16xi32>
      %swap3A_516 = vector.shape_cast %add3A_510 : vector<16xi32> to vector<1x16xi32>
      tpu.vector_store %arg12[%swap3A_512, %swap3A_513], %swap3A_516 {strides = array<i32>} : memref<8x64xi32, #tpu.memory_space<vmem>>, vector<1x16xi32>,
      %get3A_517 = arith.constant 5 : i32
      %get3A_518 = arith.index_cast %get3A_517 : i32 to index
      %get3A_519 = arith.constant 0 : index
      %get3A_520 = tpu.vector_load %arg10[%get3A_518, %get3A_519] {strides = array<i32>} : memref<8x64xi32, #tpu.memory_space<vmem>>, vector<1x16xi32>,
      %get3A_521 = vector.shape_cast %get3A_520 : vector<1x16xi32> to vector<16xi32>
      %shift_right_logical3A_522 = arith.constant 4 : i32
      %shift_right_logical3A_523 = vector.broadcast %shift_right_logical3A_522 : i32 to vector<16xi32>
      %shift_right_logical3A_524 = arith.shrui %get3A_521, %shift_right_logical3A_523 : vector<16xi32>
      %swap3A_525 = arith.constant 5 : i32
      %swap3A_526 = arith.index_cast %swap3A_525 : i32 to index
      %swap3A_527 = arith.constant 0 : index
      %swap3A_528 = tpu.vector_load %arg11[%swap3A_526, %swap3A_527] {strides = array<i32>} : memref<8x64xi32, #tpu.memory_space<vmem>>, vector<1x16xi32>,
      %swap3A_529 = vector.shape_cast %swap3A_528 : vector<1x16xi32> to vector<16xi32>
      %swap3A_530 = vector.shape_cast %shift_right_logical3A_524 : vector<16xi32> to vector<1x16xi32>
      tpu.vector_store %arg11[%swap3A_526, %swap3A_527], %swap3A_530 {strides = array<i32>} : memref<8x64xi32, #tpu.memory_space<vmem>>, vector<1x16xi32>,
      %and3A_531 = arith.constant 15 : i32
      %and3A_532 = vector.broadcast %and3A_531 : i32 to vector<16xi32>
      %and3A_533 = arith.andi %get3A_521, %and3A_532 : vector<16xi32>
      %add3A_534 = vector.broadcast %mul3A_6 : i32 to vector<16xi32>
      %add3A_535 = arith.addi %and3A_533, %add3A_534 : vector<16xi32>
      %swap3A_536 = arith.constant 5 : i32
      %swap3A_537 = arith.index_cast %swap3A_536 : i32 to index
      %swap3A_538 = arith.constant 0 : index
      %swap3A_539 = tpu.vector_load %arg12[%swap3A_537, %swap3A_538] {strides = array<i32>} : memref<8x64xi32, #tpu.memory_space<vmem>>, vector<1x16xi32>,
      %swap3A_540 = vector.shape_cast %swap3A_539 : vector<1x16xi32> to vector<16xi32>
      %swap3A_541 = vector.shape_cast %add3A_535 : vector<16xi32> to vector<1x16xi32>
      tpu.vector_store %arg12[%swap3A_537, %swap3A_538], %swap3A_541 {strides = array<i32>} : memref<8x64xi32, #tpu.memory_space<vmem>>, vector<1x16xi32>,
      %get3A_542 = arith.constant 5 : i32
      %get3A_543 = arith.index_cast %get3A_542 : i32 to index
      %get3A_544 = arith.constant 16 : index
      %get3A_545 = tpu.vector_load %arg10[%get3A_543, %get3A_544] {strides = array<i32>} : memref<8x64xi32, #tpu.memory_space<vmem>>, vector<1x16xi32>,
      %get3A_546 = vector.shape_cast %get3A_545 : vector<1x16xi32> to vector<16xi32>
      %shift_right_logical3A_547 = arith.constant 4 : i32
      %shift_right_logical3A_548 = vector.broadcast %shift_right_logical3A_547 : i32 to vector<16xi32>
      %shift_right_logical3A_549 = arith.shrui %get3A_546, %shift_right_logical3A_548 : vector<16xi32>
      %swap3A_550 = arith.constant 5 : i32
      %swap3A_551 = arith.index_cast %swap3A_550 : i32 to index
      %swap3A_552 = arith.constant 16 : index
      %swap3A_553 = tpu.vector_load %arg11[%swap3A_551, %swap3A_552] {strides = array<i32>} : memref<8x64xi32, #tpu.memory_space<vmem>>, vector<1x16xi32>,
      %swap3A_554 = vector.shape_cast %swap3A_553 : vector<1x16xi32> to vector<16xi32>
      %swap3A_555 = vector.shape_cast %shift_right_logical3A_549 : vector<16xi32> to vector<1x16xi32>
      tpu.vector_store %arg11[%swap3A_551, %swap3A_552], %swap3A_555 {strides = array<i32>} : memref<8x64xi32, #tpu.memory_space<vmem>>, vector<1x16xi32>,
      %and3A_556 = arith.constant 15 : i32
      %and3A_557 = vector.broadcast %and3A_556 : i32 to vector<16xi32>
      %and3A_558 = arith.andi %get3A_546, %and3A_557 : vector<16xi32>
      %add3A_559 = vector.broadcast %mul3A_6 : i32 to vector<16xi32>
      %add3A_560 = arith.addi %and3A_558, %add3A_559 : vector<16xi32>
      %swap3A_561 = arith.constant 5 : i32
      %swap3A_562 = arith.index_cast %swap3A_561 : i32 to index
      %swap3A_563 = arith.constant 16 : index
      %swap3A_564 = tpu.vector_load %arg12[%swap3A_562, %swap3A_563] {strides = array<i32>} : memref<8x64xi32, #tpu.memory_space<vmem>>, vector<1x16xi32>,
      %swap3A_565 = vector.shape_cast %swap3A_564 : vector<1x16xi32> to vector<16xi32>
      %swap3A_566 = vector.shape_cast %add3A_560 : vector<16xi32> to vector<1x16xi32>
      tpu.vector_store %arg12[%swap3A_562, %swap3A_563], %swap3A_566 {strides = array<i32>} : memref<8x64xi32, #tpu.memory_space<vmem>>, vector<1x16xi32>,
      %get3A_567 = arith.constant 5 : i32
      %get3A_568 = arith.index_cast %get3A_567 : i32 to index
      %get3A_569 = arith.constant 32 : index
      %get3A_570 = tpu.vector_load %arg10[%get3A_568, %get3A_569] {strides = array<i32>} : memref<8x64xi32, #tpu.memory_space<vmem>>, vector<1x16xi32>,
      %get3A_571 = vector.shape_cast %get3A_570 : vector<1x16xi32> to vector<16xi32>
      %shift_right_logical3A_572 = arith.constant 4 : i32
      %shift_right_logical3A_573 = vector.broadcast %shift_right_logical3A_572 : i32 to vector<16xi32>
      %shift_right_logical3A_574 = arith.shrui %get3A_571, %shift_right_logical3A_573 : vector<16xi32>
      %swap3A_575 = arith.constant 5 : i32
      %swap3A_576 = arith.index_cast %swap3A_575 : i32 to index
      %swap3A_577 = arith.constant 32 : index
      %swap3A_578 = tpu.vector_load %arg11[%swap3A_576, %swap3A_577] {strides = array<i32>} : memref<8x64xi32, #tpu.memory_space<vmem>>, vector<1x16xi32>,
      %swap3A_579 = vector.shape_cast %swap3A_578 : vector<1x16xi32> to vector<16xi32>
      %swap3A_580 = vector.shape_cast %shift_right_logical3A_574 : vector<16xi32> to vector<1x16xi32>
      tpu.vector_store %arg11[%swap3A_576, %swap3A_577], %swap3A_580 {strides = array<i32>} : memref<8x64xi32, #tpu.memory_space<vmem>>, vector<1x16xi32>,
      %and3A_581 = arith.constant 15 : i32
      %and3A_582 = vector.broadcast %and3A_581 : i32 to vector<16xi32>
      %and3A_583 = arith.andi %get3A_571, %and3A_582 : vector<16xi32>
      %add3A_584 = vector.broadcast %mul3A_6 : i32 to vector<16xi32>
      %add3A_585 = arith.addi %and3A_583, %add3A_584 : vector<16xi32>
      %swap3A_586 = arith.constant 5 : i32
      %swap3A_587 = arith.index_cast %swap3A_586 : i32 to index
      %swap3A_588 = arith.constant 32 : index
      %swap3A_589 = tpu.vector_load %arg12[%swap3A_587, %swap3A_588] {strides = array<i32>} : memref<8x64xi32, #tpu.memory_space<vmem>>, vector<1x16xi32>,
      %swap3A_590 = vector.shape_cast %swap3A_589 : vector<1x16xi32> to vector<16xi32>
      %swap3A_591 = vector.shape_cast %add3A_585 : vector<16xi32> to vector<1x16xi32>
      tpu.vector_store %arg12[%swap3A_587, %swap3A_588], %swap3A_591 {strides = array<i32>} : memref<8x64xi32, #tpu.memory_space<vmem>>, vector<1x16xi32>,
      %get3A_592 = arith.constant 5 : i32
      %get3A_593 = arith.index_cast %get3A_592 : i32 to index
      %get3A_594 = arith.constant 48 : index
      %get3A_595 = tpu.vector_load %arg10[%get3A_593, %get3A_594] {strides = array<i32>} : memref<8x64xi32, #tpu.memory_space<vmem>>, vector<1x16xi32>,
      %get3A_596 = vector.shape_cast %get3A_595 : vector<1x16xi32> to vector<16xi32>
      %shift_right_logical3A_597 = arith.constant 4 : i32
      %shift_right_logical3A_598 = vector.broadcast %shift_right_logical3A_597 : i32 to vector<16xi32>
      %shift_right_logical3A_599 = arith.shrui %get3A_596, %shift_right_logical3A_598 : vector<16xi32>
      %swap3A_600 = arith.constant 5 : i32
      %swap3A_601 = arith.index_cast %swap3A_600 : i32 to index
      %swap3A_602 = arith.constant 48 : index
      %swap3A_603 = tpu.vector_load %arg11[%swap3A_601, %swap3A_602] {strides = array<i32>} : memref<8x64xi32, #tpu.memory_space<vmem>>, vector<1x16xi32>,
      %swap3A_604 = vector.shape_cast %swap3A_603 : vector<1x16xi32> to vector<16xi32>
      %swap3A_605 = vector.shape_cast %shift_right_logical3A_599 : vector<16xi32> to vector<1x16xi32>
      tpu.vector_store %arg11[%swap3A_601, %swap3A_602], %swap3A_605 {strides = array<i32>} : memref<8x64xi32, #tpu.memory_space<vmem>>, vector<1x16xi32>,
      %and3A_606 = arith.constant 15 : i32
      %and3A_607 = vector.broadcast %and3A_606 : i32 to vector<16xi32>
      %and3A_608 = arith.andi %get3A_596, %and3A_607 : vector<16xi32>
      %add3A_609 = vector.broadcast %mul3A_6 : i32 to vector<16xi32>
      %add3A_610 = arith.addi %and3A_608, %add3A_609 : vector<16xi32>
      %swap3A_611 = arith.constant 5 : i32
      %swap3A_612 = arith.index_cast %swap3A_611 : i32 to index
      %swap3A_613 = arith.constant 48 : index
      %swap3A_614 = tpu.vector_load %arg12[%swap3A_612, %swap3A_613] {strides = array<i32>} : memref<8x64xi32, #tpu.memory_space<vmem>>, vector<1x16xi32>,
      %swap3A_615 = vector.shape_cast %swap3A_614 : vector<1x16xi32> to vector<16xi32>
      %swap3A_616 = vector.shape_cast %add3A_610 : vector<16xi32> to vector<1x16xi32>
      tpu.vector_store %arg12[%swap3A_612, %swap3A_613], %swap3A_616 {strides = array<i32>} : memref<8x64xi32, #tpu.memory_space<vmem>>, vector<1x16xi32>,
      %get3A_617 = arith.constant 6 : i32
      %get3A_618 = arith.index_cast %get3A_617 : i32 to index
      %get3A_619 = arith.constant 0 : index
      %get3A_620 = tpu.vector_load %arg10[%get3A_618, %get3A_619] {strides = array<i32>} : memref<8x64xi32, #tpu.memory_space<vmem>>, vector<1x16xi32>,
      %get3A_621 = vector.shape_cast %get3A_620 : vector<1x16xi32> to vector<16xi32>
      %shift_right_logical3A_622 = arith.constant 4 : i32
      %shift_right_logical3A_623 = vector.broadcast %shift_right_logical3A_622 : i32 to vector<16xi32>
      %shift_right_logical3A_624 = arith.shrui %get3A_621, %shift_right_logical3A_623 : vector<16xi32>
      %swap3A_625 = arith.constant 6 : i32
      %swap3A_626 = arith.index_cast %swap3A_625 : i32 to index
      %swap3A_627 = arith.constant 0 : index
      %swap3A_628 = tpu.vector_load %arg11[%swap3A_626, %swap3A_627] {strides = array<i32>} : memref<8x64xi32, #tpu.memory_space<vmem>>, vector<1x16xi32>,
      %swap3A_629 = vector.shape_cast %swap3A_628 : vector<1x16xi32> to vector<16xi32>
      %swap3A_630 = vector.shape_cast %shift_right_logical3A_624 : vector<16xi32> to vector<1x16xi32>
      tpu.vector_store %arg11[%swap3A_626, %swap3A_627], %swap3A_630 {strides = array<i32>} : memref<8x64xi32, #tpu.memory_space<vmem>>, vector<1x16xi32>,
      %and3A_631 = arith.constant 15 : i32
      %and3A_632 = vector.broadcast %and3A_631 : i32 to vector<16xi32>
      %and3A_633 = arith.andi %get3A_621, %and3A_632 : vector<16xi32>
      %add3A_634 = vector.broadcast %mul3A_6 : i32 to vector<16xi32>
      %add3A_635 = arith.addi %and3A_633, %add3A_634 : vector<16xi32>
      %swap3A_636 = arith.constant 6 : i32
      %swap3A_637 = arith.index_cast %swap3A_636 : i32 to index
      %swap3A_638 = arith.constant 0 : index
      %swap3A_639 = tpu.vector_load %arg12[%swap3A_637, %swap3A_638] {strides = array<i32>} : memref<8x64xi32, #tpu.memory_space<vmem>>, vector<1x16xi32>,
      %swap3A_640 = vector.shape_cast %swap3A_639 : vector<1x16xi32> to vector<16xi32>
      %swap3A_641 = vector.shape_cast %add3A_635 : vector<16xi32> to vector<1x16xi32>
      tpu.vector_store %arg12[%swap3A_637, %swap3A_638], %swap3A_641 {strides = array<i32>} : memref<8x64xi32, #tpu.memory_space<vmem>>, vector<1x16xi32>,
      %get3A_642 = arith.constant 6 : i32
      %get3A_643 = arith.index_cast %get3A_642 : i32 to index
      %get3A_644 = arith.constant 16 : index
      %get3A_645 = tpu.vector_load %arg10[%get3A_643, %get3A_644] {strides = array<i32>} : memref<8x64xi32, #tpu.memory_space<vmem>>, vector<1x16xi32>,
      %get3A_646 = vector.shape_cast %get3A_645 : vector<1x16xi32> to vector<16xi32>
      %shift_right_logical3A_647 = arith.constant 4 : i32
      %shift_right_logical3A_648 = vector.broadcast %shift_right_logical3A_647 : i32 to vector<16xi32>
      %shift_right_logical3A_649 = arith.shrui %get3A_646, %shift_right_logical3A_648 : vector<16xi32>
      %swap3A_650 = arith.constant 6 : i32
      %swap3A_651 = arith.index_cast %swap3A_650 : i32 to index
      %swap3A_652 = arith.constant 16 : index
      %swap3A_653 = tpu.vector_load %arg11[%swap3A_651, %swap3A_652] {strides = array<i32>} : memref<8x64xi32, #tpu.memory_space<vmem>>, vector<1x16xi32>,
      %swap3A_654 = vector.shape_cast %swap3A_653 : vector<1x16xi32> to vector<16xi32>
      %swap3A_655 = vector.shape_cast %shift_right_logical3A_649 : vector<16xi32> to vector<1x16xi32>
      tpu.vector_store %arg11[%swap3A_651, %swap3A_652], %swap3A_655 {strides = array<i32>} : memref<8x64xi32, #tpu.memory_space<vmem>>, vector<1x16xi32>,
      %and3A_656 = arith.constant 15 : i32
      %and3A_657 = vector.broadcast %and3A_656 : i32 to vector<16xi32>
      %and3A_658 = arith.andi %get3A_646, %and3A_657 : vector<16xi32>
      %add3A_659 = vector.broadcast %mul3A_6 : i32 to vector<16xi32>
      %add3A_660 = arith.addi %and3A_658, %add3A_659 : vector<16xi32>
      %swap3A_661 = arith.constant 6 : i32
      %swap3A_662 = arith.index_cast %swap3A_661 : i32 to index
      %swap3A_663 = arith.constant 16 : index
      %swap3A_664 = tpu.vector_load %arg12[%swap3A_662, %swap3A_663] {strides = array<i32>} : memref<8x64xi32, #tpu.memory_space<vmem>>, vector<1x16xi32>,
      %swap3A_665 = vector.shape_cast %swap3A_664 : vector<1x16xi32> to vector<16xi32>
      %swap3A_666 = vector.shape_cast %add3A_660 : vector<16xi32> to vector<1x16xi32>
      tpu.vector_store %arg12[%swap3A_662, %swap3A_663], %swap3A_666 {strides = array<i32>} : memref<8x64xi32, #tpu.memory_space<vmem>>, vector<1x16xi32>,
      %get3A_667 = arith.constant 6 : i32
      %get3A_668 = arith.index_cast %get3A_667 : i32 to index
      %get3A_669 = arith.constant 32 : index
      %get3A_670 = tpu.vector_load %arg10[%get3A_668, %get3A_669] {strides = array<i32>} : memref<8x64xi32, #tpu.memory_space<vmem>>, vector<1x16xi32>,
      %get3A_671 = vector.shape_cast %get3A_670 : vector<1x16xi32> to vector<16xi32>
      %shift_right_logical3A_672 = arith.constant 4 : i32
      %shift_right_logical3A_673 = vector.broadcast %shift_right_logical3A_672 : i32 to vector<16xi32>
      %shift_right_logical3A_674 = arith.shrui %get3A_671, %shift_right_logical3A_673 : vector<16xi32>
      %swap3A_675 = arith.constant 6 : i32
      %swap3A_676 = arith.index_cast %swap3A_675 : i32 to index
      %swap3A_677 = arith.constant 32 : index
      %swap3A_678 = tpu.vector_load %arg11[%swap3A_676, %swap3A_677] {strides = array<i32>} : memref<8x64xi32, #tpu.memory_space<vmem>>, vector<1x16xi32>,
      %swap3A_679 = vector.shape_cast %swap3A_678 : vector<1x16xi32> to vector<16xi32>
      %swap3A_680 = vector.shape_cast %shift_right_logical3A_674 : vector<16xi32> to vector<1x16xi32>
      tpu.vector_store %arg11[%swap3A_676, %swap3A_677], %swap3A_680 {strides = array<i32>} : memref<8x64xi32, #tpu.memory_space<vmem>>, vector<1x16xi32>,
      %and3A_681 = arith.constant 15 : i32
      %and3A_682 = vector.broadcast %and3A_681 : i32 to vector<16xi32>
      %and3A_683 = arith.andi %get3A_671, %and3A_682 : vector<16xi32>
      %add3A_684 = vector.broadcast %mul3A_6 : i32 to vector<16xi32>
      %add3A_685 = arith.addi %and3A_683, %add3A_684 : vector<16xi32>
      %swap3A_686 = arith.constant 6 : i32
      %swap3A_687 = arith.index_cast %swap3A_686 : i32 to index
      %swap3A_688 = arith.constant 32 : index
      %swap3A_689 = tpu.vector_load %arg12[%swap3A_687, %swap3A_688] {strides = array<i32>} : memref<8x64xi32, #tpu.memory_space<vmem>>, vector<1x16xi32>,
      %swap3A_690 = vector.shape_cast %swap3A_689 : vector<1x16xi32> to vector<16xi32>
      %swap3A_691 = vector.shape_cast %add3A_685 : vector<16xi32> to vector<1x16xi32>
      tpu.vector_store %arg12[%swap3A_687, %swap3A_688], %swap3A_691 {strides = array<i32>} : memref<8x64xi32, #tpu.memory_space<vmem>>, vector<1x16xi32>,
      %get3A_692 = arith.constant 6 : i32
      %get3A_693 = arith.index_cast %get3A_692 : i32 to index
      %get3A_694 = arith.constant 48 : index
      %get3A_695 = tpu.vector_load %arg10[%get3A_693, %get3A_694] {strides = array<i32>} : memref<8x64xi32, #tpu.memory_space<vmem>>, vector<1x16xi32>,
      %get3A_696 = vector.shape_cast %get3A_695 : vector<1x16xi32> to vector<16xi32>
      %shift_right_logical3A_697 = arith.constant 4 : i32
      %shift_right_logical3A_698 = vector.broadcast %shift_right_logical3A_697 : i32 to vector<16xi32>
      %shift_right_logical3A_699 = arith.shrui %get3A_696, %shift_right_logical3A_698 : vector<16xi32>
      %swap3A_700 = arith.constant 6 : i32
      %swap3A_701 = arith.index_cast %swap3A_700 : i32 to index
      %swap3A_702 = arith.constant 48 : index
      %swap3A_703 = tpu.vector_load %arg11[%swap3A_701, %swap3A_702] {strides = array<i32>} : memref<8x64xi32, #tpu.memory_space<vmem>>, vector<1x16xi32>,
      %swap3A_704 = vector.shape_cast %swap3A_703 : vector<1x16xi32> to vector<16xi32>
      %swap3A_705 = vector.shape_cast %shift_right_logical3A_699 : vector<16xi32> to vector<1x16xi32>
      tpu.vector_store %arg11[%swap3A_701, %swap3A_702], %swap3A_705 {strides = array<i32>} : memref<8x64xi32, #tpu.memory_space<vmem>>, vector<1x16xi32>,
      %and3A_706 = arith.constant 15 : i32
      %and3A_707 = vector.broadcast %and3A_706 : i32 to vector<16xi32>
      %and3A_708 = arith.andi %get3A_696, %and3A_707 : vector<16xi32>
      %add3A_709 = vector.broadcast %mul3A_6 : i32 to vector<16xi32>
      %add3A_710 = arith.addi %and3A_708, %add3A_709 : vector<16xi32>
      %swap3A_711 = arith.constant 6 : i32
      %swap3A_712 = arith.index_cast %swap3A_711 : i32 to index
      %swap3A_713 = arith.constant 48 : index
      %swap3A_714 = tpu.vector_load %arg12[%swap3A_712, %swap3A_713] {strides = array<i32>} : memref<8x64xi32, #tpu.memory_space<vmem>>, vector<1x16xi32>,
      %swap3A_715 = vector.shape_cast %swap3A_714 : vector<1x16xi32> to vector<16xi32>
      %swap3A_716 = vector.shape_cast %add3A_710 : vector<16xi32> to vector<1x16xi32>
      tpu.vector_store %arg12[%swap3A_712, %swap3A_713], %swap3A_716 {strides = array<i32>} : memref<8x64xi32, #tpu.memory_space<vmem>>, vector<1x16xi32>,
      %get3A_717 = arith.constant 7 : i32
      %get3A_718 = arith.index_cast %get3A_717 : i32 to index
      %get3A_719 = arith.constant 0 : index
      %get3A_720 = tpu.vector_load %arg10[%get3A_718, %get3A_719] {strides = array<i32>} : memref<8x64xi32, #tpu.memory_space<vmem>>, vector<1x16xi32>,
      %get3A_721 = vector.shape_cast %get3A_720 : vector<1x16xi32> to vector<16xi32>
      %shift_right_logical3A_722 = arith.constant 4 : i32
      %shift_right_logical3A_723 = vector.broadcast %shift_right_logical3A_722 : i32 to vector<16xi32>
      %shift_right_logical3A_724 = arith.shrui %get3A_721, %shift_right_logical3A_723 : vector<16xi32>
      %swap3A_725 = arith.constant 7 : i32
      %swap3A_726 = arith.index_cast %swap3A_725 : i32 to index
      %swap3A_727 = arith.constant 0 : index
      %swap3A_728 = tpu.vector_load %arg11[%swap3A_726, %swap3A_727] {strides = array<i32>} : memref<8x64xi32, #tpu.memory_space<vmem>>, vector<1x16xi32>,
      %swap3A_729 = vector.shape_cast %swap3A_728 : vector<1x16xi32> to vector<16xi32>
      %swap3A_730 = vector.shape_cast %shift_right_logical3A_724 : vector<16xi32> to vector<1x16xi32>
      tpu.vector_store %arg11[%swap3A_726, %swap3A_727], %swap3A_730 {strides = array<i32>} : memref<8x64xi32, #tpu.memory_space<vmem>>, vector<1x16xi32>,
      %and3A_731 = arith.constant 15 : i32
      %and3A_732 = vector.broadcast %and3A_731 : i32 to vector<16xi32>
      %and3A_733 = arith.andi %get3A_721, %and3A_732 : vector<16xi32>
      %add3A_734 = vector.broadcast %mul3A_6 : i32 to vector<16xi32>
      %add3A_735 = arith.addi %and3A_733, %add3A_734 : vector<16xi32>
      %swap3A_736 = arith.constant 7 : i32
      %swap3A_737 = arith.index_cast %swap3A_736 : i32 to index
      %swap3A_738 = arith.constant 0 : index
      %swap3A_739 = tpu.vector_load %arg12[%swap3A_737, %swap3A_738] {strides = array<i32>} : memref<8x64xi32, #tpu.memory_space<vmem>>, vector<1x16xi32>,
      %swap3A_740 = vector.shape_cast %swap3A_739 : vector<1x16xi32> to vector<16xi32>
      %swap3A_741 = vector.shape_cast %add3A_735 : vector<16xi32> to vector<1x16xi32>
      tpu.vector_store %arg12[%swap3A_737, %swap3A_738], %swap3A_741 {strides = array<i32>} : memref<8x64xi32, #tpu.memory_space<vmem>>, vector<1x16xi32>,
      %get3A_742 = arith.constant 7 : i32
      %get3A_743 = arith.index_cast %get3A_742 : i32 to index
      %get3A_744 = arith.constant 16 : index
      %get3A_745 = tpu.vector_load %arg10[%get3A_743, %get3A_744] {strides = array<i32>} : memref<8x64xi32, #tpu.memory_space<vmem>>, vector<1x16xi32>,
      %get3A_746 = vector.shape_cast %get3A_745 : vector<1x16xi32> to vector<16xi32>
      %shift_right_logical3A_747 = arith.constant 4 : i32
      %shift_right_logical3A_748 = vector.broadcast %shift_right_logical3A_747 : i32 to vector<16xi32>
      %shift_right_logical3A_749 = arith.shrui %get3A_746, %shift_right_logical3A_748 : vector<16xi32>
      %swap3A_750 = arith.constant 7 : i32
      %swap3A_751 = arith.index_cast %swap3A_750 : i32 to index
      %swap3A_752 = arith.constant 16 : index
      %swap3A_753 = tpu.vector_load %arg11[%swap3A_751, %swap3A_752] {strides = array<i32>} : memref<8x64xi32, #tpu.memory_space<vmem>>, vector<1x16xi32>,
      %swap3A_754 = vector.shape_cast %swap3A_753 : vector<1x16xi32> to vector<16xi32>
      %swap3A_755 = vector.shape_cast %shift_right_logical3A_749 : vector<16xi32> to vector<1x16xi32>
      tpu.vector_store %arg11[%swap3A_751, %swap3A_752], %swap3A_755 {strides = array<i32>} : memref<8x64xi32, #tpu.memory_space<vmem>>, vector<1x16xi32>,
      %and3A_756 = arith.constant 15 : i32
      %and3A_757 = vector.broadcast %and3A_756 : i32 to vector<16xi32>
      %and3A_758 = arith.andi %get3A_746, %and3A_757 : vector<16xi32>
      %add3A_759 = vector.broadcast %mul3A_6 : i32 to vector<16xi32>
      %add3A_760 = arith.addi %and3A_758, %add3A_759 : vector<16xi32>
      %swap3A_761 = arith.constant 7 : i32
      %swap3A_762 = arith.index_cast %swap3A_761 : i32 to index
      %swap3A_763 = arith.constant 16 : index
      %swap3A_764 = tpu.vector_load %arg12[%swap3A_762, %swap3A_763] {strides = array<i32>} : memref<8x64xi32, #tpu.memory_space<vmem>>, vector<1x16xi32>,
      %swap3A_765 = vector.shape_cast %swap3A_764 : vector<1x16xi32> to vector<16xi32>
      %swap3A_766 = vector.shape_cast %add3A_760 : vector<16xi32> to vector<1x16xi32>
      tpu.vector_store %arg12[%swap3A_762, %swap3A_763], %swap3A_766 {strides = array<i32>} : memref<8x64xi32, #tpu.memory_space<vmem>>, vector<1x16xi32>,
      %get3A_767 = arith.constant 7 : i32
      %get3A_768 = arith.index_cast %get3A_767 : i32 to index
      %get3A_769 = arith.constant 32 : index
      %get3A_770 = tpu.vector_load %arg10[%get3A_768, %get3A_769] {strides = array<i32>} : memref<8x64xi32, #tpu.memory_space<vmem>>, vector<1x16xi32>,
      %get3A_771 = vector.shape_cast %get3A_770 : vector<1x16xi32> to vector<16xi32>
      %shift_right_logical3A_772 = arith.constant 4 : i32
      %shift_right_logical3A_773 = vector.broadcast %shift_right_logical3A_772 : i32 to vector<16xi32>
      %shift_right_logical3A_774 = arith.shrui %get3A_771, %shift_right_logical3A_773 : vector<16xi32>
      %swap3A_775 = arith.constant 7 : i32
      %swap3A_776 = arith.index_cast %swap3A_775 : i32 to index
      %swap3A_777 = arith.constant 32 : index
      %swap3A_778 = tpu.vector_load %arg11[%swap3A_776, %swap3A_777] {strides = array<i32>} : memref<8x64xi32, #tpu.memory_space<vmem>>, vector<1x16xi32>,
      %swap3A_779 = vector.shape_cast %swap3A_778 : vector<1x16xi32> to vector<16xi32>
      %swap3A_780 = vector.shape_cast %shift_right_logical3A_774 : vector<16xi32> to vector<1x16xi32>
      tpu.vector_store %arg11[%swap3A_776, %swap3A_777], %swap3A_780 {strides = array<i32>} : memref<8x64xi32, #tpu.memory_space<vmem>>, vector<1x16xi32>,
      %and3A_781 = arith.constant 15 : i32
      %and3A_782 = vector.broadcast %and3A_781 : i32 to vector<16xi32>
      %and3A_783 = arith.andi %get3A_771, %and3A_782 : vector<16xi32>
      %add3A_784 = vector.broadcast %mul3A_6 : i32 to vector<16xi32>
      %add3A_785 = arith.addi %and3A_783, %add3A_784 : vector<16xi32>
      %swap3A_786 = arith.constant 7 : i32
      %swap3A_787 = arith.index_cast %swap3A_786 : i32 to index
      %swap3A_788 = arith.constant 32 : index
      %swap3A_789 = tpu.vector_load %arg12[%swap3A_787, %swap3A_788] {strides = array<i32>} : memref<8x64xi32, #tpu.memory_space<vmem>>, vector<1x16xi32>,
      %swap3A_790 = vector.shape_cast %swap3A_789 : vector<1x16xi32> to vector<16xi32>
      %swap3A_791 = vector.shape_cast %add3A_785 : vector<16xi32> to vector<1x16xi32>
      tpu.vector_store %arg12[%swap3A_787, %swap3A_788], %swap3A_791 {strides = array<i32>} : memref<8x64xi32, #tpu.memory_space<vmem>>, vector<1x16xi32>,
      %get3A_792 = arith.constant 7 : i32
      %get3A_793 = arith.index_cast %get3A_792 : i32 to index
      %get3A_794 = arith.constant 48 : index
      %get3A_795 = tpu.vector_load %arg10[%get3A_793, %get3A_794] {strides = array<i32>} : memref<8x64xi32, #tpu.memory_space<vmem>>, vector<1x16xi32>,
      %get3A_796 = vector.shape_cast %get3A_795 : vector<1x16xi32> to vector<16xi32>
      %shift_right_logical3A_797 = arith.constant 4 : i32
      %shift_right_logical3A_798 = vector.broadcast %shift_right_logical3A_797 : i32 to vector<16xi32>
      %shift_right_logical3A_799 = arith.shrui %get3A_796, %shift_right_logical3A_798 : vector<16xi32>
      %swap3A_800 = arith.constant 7 : i32
      %swap3A_801 = arith.index_cast %swap3A_800 : i32 to index
      %swap3A_802 = arith.constant 48 : index
      %swap3A_803 = tpu.vector_load %arg11[%swap3A_801, %swap3A_802] {strides = array<i32>} : memref<8x64xi32, #tpu.memory_space<vmem>>, vector<1x16xi32>,
      %swap3A_804 = vector.shape_cast %swap3A_803 : vector<1x16xi32> to vector<16xi32>
      %swap3A_805 = vector.shape_cast %shift_right_logical3A_799 : vector<16xi32> to vector<1x16xi32>
      tpu.vector_store %arg11[%swap3A_801, %swap3A_802], %swap3A_805 {strides = array<i32>} : memref<8x64xi32, #tpu.memory_space<vmem>>, vector<1x16xi32>,
      %and3A_806 = arith.constant 15 : i32
      %and3A_807 = vector.broadcast %and3A_806 : i32 to vector<16xi32>
      %and3A_808 = arith.andi %get3A_796, %and3A_807 : vector<16xi32>
      %add3A_809 = vector.broadcast %mul3A_6 : i32 to vector<16xi32>
      %add3A_810 = arith.addi %and3A_808, %add3A_809 : vector<16xi32>
      %swap3A_811 = arith.constant 7 : i32
      %swap3A_812 = arith.index_cast %swap3A_811 : i32 to index
      %swap3A_813 = arith.constant 48 : index
      %swap3A_814 = tpu.vector_load %arg12[%swap3A_812, %swap3A_813] {strides = array<i32>} : memref<8x64xi32, #tpu.memory_space<vmem>>, vector<1x16xi32>,
      %swap3A_815 = vector.shape_cast %swap3A_814 : vector<1x16xi32> to vector<16xi32>
      %swap3A_816 = vector.shape_cast %add3A_810 : vector<16xi32> to vector<1x16xi32>
      tpu.vector_store %arg12[%swap3A_812, %swap3A_813], %swap3A_816 {strides = array<i32>} : memref<8x64xi32, #tpu.memory_space<vmem>>, vector<1x16xi32>,
      %dma_start3A = arith.constant 0 : i32
      %dma_start3A_817 = arith.constant 0 : i32
      %dma_start3A_818 = arith.constant 0 : i32
      %dma_start3A_819 = tpu.memref_slice %arg13[%dma_start3A, %dma_start3A_817, %dma_start3A_818] : memref<3x64x128xf32, #tpu.memory_space<vmem>> -> memref<1x64x128xf32, #tpu.memory_space<vmem>>
      %dma_start3A_820 = tpu.memref_squeeze %dma_start3A_819 : memref<1x64x128xf32, #tpu.memory_space<vmem>> -> memref<64x128xf32, #tpu.memory_space<vmem>>
      %dma_start3A_821 = arith.constant 0 : i32
      %dma_start3A_822 = tpu.memref_slice %arg9[%dma_start3A_821] : memref<512xi32, #tpu.memory_space<vmem>> -> memref<64xi32, #tpu.memory_space<vmem>>
      %dma_start3A_823 = arith.constant 0 : i32
      %dma_start3A_824 = arith.constant 0 : i32
      %dma_start3A_825 = tpu.memref_slice %arg2[%dma_start3A_823, %dma_start3A_824] : memref<10000x128xf32, #tpu.memory_space<hbm>> -> memref<10000x128xf32, #tpu.memory_space<hbm>>
      tpu.enqueue_indirect_dma source(%dma_start3A_825 : memref<10000x128xf32, #tpu.memory_space<hbm>>) target(%dma_start3A_820 : memref<64x128xf32, #tpu.memory_space<vmem>>) offsets(%dma_start3A_822 : memref<64xi32, #tpu.memory_space<vmem>>) semaphore(%arg17 : memref<!tpu.dma_semaphore, #tpu.memory_space<semaphore_mem>>)
      %dma_start3A_826 = arith.constant 1 : i32
      %dma_start3A_827 = arith.constant 0 : i32
      %dma_start3A_828 = arith.constant 0 : i32
      %dma_start3A_829 = tpu.memref_slice %arg13[%dma_start3A_826, %dma_start3A_827, %dma_start3A_828] : memref<3x64x128xf32, #tpu.memory_space<vmem>> -> memref<1x64x128xf32, #tpu.memory_space<vmem>>
      %dma_start3A_830 = tpu.memref_squeeze %dma_start3A_829 : memref<1x64x128xf32, #tpu.memory_space<vmem>> -> memref<64x128xf32, #tpu.memory_space<vmem>>
      %dma_start3A_831 = arith.constant 64 : i32
      %dma_start3A_832 = tpu.memref_slice %arg9[%dma_start3A_831] : memref<512xi32, #tpu.memory_space<vmem>> -> memref<64xi32, #tpu.memory_space<vmem>>
      %dma_start3A_833 = arith.constant 0 : i32
      %dma_start3A_834 = arith.constant 0 : i32
      %dma_start3A_835 = tpu.memref_slice %arg2[%dma_start3A_833, %dma_start3A_834] : memref<10000x128xf32, #tpu.memory_space<hbm>> -> memref<10000x128xf32, #tpu.memory_space<hbm>>
      tpu.enqueue_indirect_dma source(%dma_start3A_835 : memref<10000x128xf32, #tpu.memory_space<hbm>>) target(%dma_start3A_830 : memref<64x128xf32, #tpu.memory_space<vmem>>) offsets(%dma_start3A_832 : memref<64xi32, #tpu.memory_space<vmem>>) semaphore(%arg18 : memref<!tpu.dma_semaphore, #tpu.memory_space<semaphore_mem>>)
      %dma_start3A_836 = arith.constant 2 : i32
      %dma_start3A_837 = arith.constant 0 : i32
      %dma_start3A_838 = arith.constant 0 : i32
      %dma_start3A_839 = tpu.memref_slice %arg13[%dma_start3A_836, %dma_start3A_837, %dma_start3A_838] : memref<3x64x128xf32, #tpu.memory_space<vmem>> -> memref<1x64x128xf32, #tpu.memory_space<vmem>>
      %dma_start3A_840 = tpu.memref_squeeze %dma_start3A_839 : memref<1x64x128xf32, #tpu.memory_space<vmem>> -> memref<64x128xf32, #tpu.memory_space<vmem>>
      %dma_start3A_841 = arith.constant 128 : i32
      %dma_start3A_842 = tpu.memref_slice %arg9[%dma_start3A_841] : memref<512xi32, #tpu.memory_space<vmem>> -> memref<64xi32, #tpu.memory_space<vmem>>
      %dma_start3A_843 = arith.constant 0 : i32
      %dma_start3A_844 = arith.constant 0 : i32
      %dma_start3A_845 = tpu.memref_slice %arg2[%dma_start3A_843, %dma_start3A_844] : memref<10000x128xf32, #tpu.memory_space<hbm>> -> memref<10000x128xf32, #tpu.memory_space<hbm>>
      tpu.enqueue_indirect_dma source(%dma_start3A_845 : memref<10000x128xf32, #tpu.memory_space<hbm>>) target(%dma_start3A_840 : memref<64x128xf32, #tpu.memory_space<vmem>>) offsets(%dma_start3A_842 : memref<64xi32, #tpu.memory_space<vmem>>) semaphore(%arg19 : memref<!tpu.dma_semaphore, #tpu.memory_space<semaphore_mem>>)
      %dma_start3A_846 = arith.constant 0 : i32
      %dma_start3A_847 = arith.constant 0 : i32
      %dma_start3A_848 = arith.constant 0 : i32
      %dma_start3A_849 = arith.constant 0 : i32
      %dma_start3A_850 = tpu.memref_slice %arg14[%dma_start3A_847, %dma_start3A_848, %dma_start3A_849] : memref<2x64x128xf32, #tpu.memory_space<vmem>> -> memref<1x64x128xf32, #tpu.memory_space<vmem>>
      %dma_start3A_851 = tpu.memref_squeeze %dma_start3A_850 : memref<1x64x128xf32, #tpu.memory_space<vmem>> -> memref<64x128xf32, #tpu.memory_space<vmem>>
      %dma_start3A_852 = arith.constant 0 : i32
      %dma_start3A_853 = tpu.memref_slice %arg12[%dma_start3A_846, %dma_start3A_852] : memref<8x64xi32, #tpu.memory_space<vmem>> -> memref<1x64xi32, #tpu.memory_space<vmem>>
      %dma_start3A_854 = tpu.memref_squeeze %dma_start3A_853 : memref<1x64xi32, #tpu.memory_space<vmem>> -> memref<64xi32, #tpu.memory_space<vmem>>
      %dma_start3A_855 = arith.constant 0 : i32
      %dma_start3A_856 = arith.constant 0 : i32
      %dma_start3A_857 = tpu.memref_slice %arg6[%dma_start3A_855, %dma_start3A_856] : memref<512x128xf32, #tpu.memory_space<hbm>> -> memref<512x128xf32, #tpu.memory_space<hbm>>
      tpu.enqueue_indirect_dma source(%dma_start3A_857 : memref<512x128xf32, #tpu.memory_space<hbm>>) target(%dma_start3A_851 : memref<64x128xf32, #tpu.memory_space<vmem>>) offsets(%dma_start3A_854 : memref<64xi32, #tpu.memory_space<vmem>>) semaphore(%arg20 : memref<!tpu.dma_semaphore, #tpu.memory_space<semaphore_mem>>)
      %dma_start3A_858 = arith.constant 1 : i32
      %dma_start3A_859 = arith.constant 1 : i32
      %dma_start3A_860 = arith.constant 0 : i32
      %dma_start3A_861 = arith.constant 0 : i32
      %dma_start3A_862 = tpu.memref_slice %arg14[%dma_start3A_859, %dma_start3A_860, %dma_start3A_861] : memref<2x64x128xf32, #tpu.memory_space<vmem>> -> memref<1x64x128xf32, #tpu.memory_space<vmem>>
      %dma_start3A_863 = tpu.memref_squeeze %dma_start3A_862 : memref<1x64x128xf32, #tpu.memory_space<vmem>> -> memref<64x128xf32, #tpu.memory_space<vmem>>
      %dma_start3A_864 = arith.constant 0 : i32
      %dma_start3A_865 = tpu.memref_slice %arg12[%dma_start3A_858, %dma_start3A_864] : memref<8x64xi32, #tpu.memory_space<vmem>> -> memref<1x64xi32, #tpu.memory_space<vmem>>
      %dma_start3A_866 = tpu.memref_squeeze %dma_start3A_865 : memref<1x64xi32, #tpu.memory_space<vmem>> -> memref<64xi32, #tpu.memory_space<vmem>>
      %dma_start3A_867 = arith.constant 0 : i32
      %dma_start3A_868 = arith.constant 0 : i32
      %dma_start3A_869 = tpu.memref_slice %arg6[%dma_start3A_867, %dma_start3A_868] : memref<512x128xf32, #tpu.memory_space<hbm>> -> memref<512x128xf32, #tpu.memory_space<hbm>>
      tpu.enqueue_indirect_dma source(%dma_start3A_869 : memref<512x128xf32, #tpu.memory_space<hbm>>) target(%dma_start3A_863 : memref<64x128xf32, #tpu.memory_space<vmem>>) offsets(%dma_start3A_866 : memref<64xi32, #tpu.memory_space<vmem>>) semaphore(%arg21 : memref<!tpu.dma_semaphore, #tpu.memory_space<semaphore_mem>>)
      %dma_wait3A = arith.constant 0 : i32
      %dma_wait3A_870 = arith.constant 0 : i32
      %dma_wait3A_871 = arith.constant 0 : i32
      %dma_wait3A_872 = tpu.memref_slice %arg13[%dma_wait3A, %dma_wait3A_870, %dma_wait3A_871] : memref<3x64x128xf32, #tpu.memory_space<vmem>> -> memref<1x64x128xf32, #tpu.memory_space<vmem>>
      %dma_wait3A_873 = tpu.memref_squeeze %dma_wait3A_872 : memref<1x64x128xf32, #tpu.memory_space<vmem>> -> memref<64x128xf32, #tpu.memory_space<vmem>>
      %dma_wait3A_874 = arith.constant 0 : i32
      %dma_wait3A_875 = tpu.memref_slice %arg9[%dma_wait3A_874] : memref<512xi32, #tpu.memory_space<vmem>> -> memref<64xi32, #tpu.memory_space<vmem>>
      %dma_wait3A_876 = arith.constant 0 : i32
      %dma_wait3A_877 = arith.constant 0 : i32
      %dma_wait3A_878 = tpu.memref_slice %arg2[%dma_wait3A_876, %dma_wait3A_877] : memref<10000x128xf32, #tpu.memory_space<hbm>> -> memref<10000x128xf32, #tpu.memory_space<hbm>>
      tpu.wait_indirect_dma semaphore(%arg17 : memref<!tpu.dma_semaphore, #tpu.memory_space<semaphore_mem>>) src(%dma_wait3A_878 : memref<10000x128xf32, #tpu.memory_space<hbm>>) dst(%dma_wait3A_873 : memref<64x128xf32, #tpu.memory_space<vmem>>)
      %dma_start3A_879 = arith.constant 0 : i32
      %dma_start3A_880 = arith.constant 0 : i32
      %dma_start3A_881 = arith.constant 0 : i32
      %dma_start3A_882 = arith.constant 0 : i32
      %dma_start3A_883 = tpu.memref_slice %arg13[%dma_start3A_879, %dma_start3A_881, %dma_start3A_882] : memref<3x64x128xf32, #tpu.memory_space<vmem>> -> memref<1x64x128xf32, #tpu.memory_space<vmem>>
      %dma_start3A_884 = tpu.memref_squeeze %dma_start3A_883 : memref<1x64x128xf32, #tpu.memory_space<vmem>> -> memref<64x128xf32, #tpu.memory_space<vmem>>
      %dma_start3A_885 = arith.constant 0 : i32
      %dma_start3A_886 = tpu.memref_slice %arg10[%dma_start3A_880, %dma_start3A_885] : memref<8x64xi32, #tpu.memory_space<vmem>> -> memref<1x64xi32, #tpu.memory_space<vmem>>
      %dma_start3A_887 = tpu.memref_squeeze %dma_start3A_886 : memref<1x64xi32, #tpu.memory_space<vmem>> -> memref<64xi32, #tpu.memory_space<vmem>>
      %dma_start3A_888 = arith.constant 0 : i32
      %dma_start3A_889 = arith.constant 0 : i32
      %dma_start3A_890 = tpu.memref_slice %arg15[%dma_start3A_888, %dma_start3A_889] : memref<10112x128xf32, #tpu.memory_space<vmem_shared>> -> memref<10112x128xf32, #tpu.memory_space<vmem_shared>>
      tpu.enqueue_indirect_dma source(%dma_start3A_884 : memref<64x128xf32, #tpu.memory_space<vmem>>) target(%dma_start3A_890 : memref<10112x128xf32, #tpu.memory_space<vmem_shared>>) offsets(%dma_start3A_887 : memref<64xi32, #tpu.memory_space<vmem>>) semaphore(%arg22 : memref<!tpu.dma_semaphore, #tpu.memory_space<semaphore_mem>>) {add = true}
      %dma_wait3A_891 = arith.constant 0 : i32
      %dma_wait3A_892 = arith.constant 0 : i32
      %dma_wait3A_893 = arith.constant 0 : i32
      %dma_wait3A_894 = arith.constant 0 : i32
      %dma_wait3A_895 = tpu.memref_slice %arg14[%dma_wait3A_892, %dma_wait3A_893, %dma_wait3A_894] : memref<2x64x128xf32, #tpu.memory_space<vmem>> -> memref<1x64x128xf32, #tpu.memory_space<vmem>>
      %dma_wait3A_896 = tpu.memref_squeeze %dma_wait3A_895 : memref<1x64x128xf32, #tpu.memory_space<vmem>> -> memref<64x128xf32, #tpu.memory_space<vmem>>
      %dma_wait3A_897 = arith.constant 0 : i32
      %dma_wait3A_898 = tpu.memref_slice %arg12[%dma_wait3A_891, %dma_wait3A_897] : memref<8x64xi32, #tpu.memory_space<vmem>> -> memref<1x64xi32, #tpu.memory_space<vmem>>
      %dma_wait3A_899 = tpu.memref_squeeze %dma_wait3A_898 : memref<1x64xi32, #tpu.memory_space<vmem>> -> memref<64xi32, #tpu.memory_space<vmem>>
      %dma_wait3A_900 = arith.constant 0 : i32
      %dma_wait3A_901 = arith.constant 0 : i32
      %dma_wait3A_902 = tpu.memref_slice %arg6[%dma_wait3A_900, %dma_wait3A_901] : memref<512x128xf32, #tpu.memory_space<hbm>> -> memref<512x128xf32, #tpu.memory_space<hbm>>
      tpu.wait_indirect_dma semaphore(%arg20 : memref<!tpu.dma_semaphore, #tpu.memory_space<semaphore_mem>>) src(%dma_wait3A_902 : memref<512x128xf32, #tpu.memory_space<hbm>>) dst(%dma_wait3A_896 : memref<64x128xf32, #tpu.memory_space<vmem>>)
      %dma_start3A_903 = arith.constant 0 : i32
      %dma_start3A_904 = arith.constant 0 : i32
      %dma_start3A_905 = arith.constant 0 : i32
      %dma_start3A_906 = arith.constant 0 : i32
      %dma_start3A_907 = tpu.memref_slice %arg14[%dma_start3A_903, %dma_start3A_905, %dma_start3A_906] : memref<2x64x128xf32, #tpu.memory_space<vmem>> -> memref<1x64x128xf32, #tpu.memory_space<vmem>>
      %dma_start3A_908 = tpu.memref_squeeze %dma_start3A_907 : memref<1x64x128xf32, #tpu.memory_space<vmem>> -> memref<64x128xf32, #tpu.memory_space<vmem>>
      %dma_start3A_909 = arith.constant 0 : i32
      %dma_start3A_910 = tpu.memref_slice %arg11[%dma_start3A_904, %dma_start3A_909] : memref<8x64xi32, #tpu.memory_space<vmem>> -> memref<1x64xi32, #tpu.memory_space<vmem>>
      %dma_start3A_911 = tpu.memref_squeeze %dma_start3A_910 : memref<1x64xi32, #tpu.memory_space<vmem>> -> memref<64xi32, #tpu.memory_space<vmem>>
      %dma_start3A_912 = arith.constant 0 : i32
      %dma_start3A_913 = arith.constant 0 : i32
      %dma_start3A_914 = tpu.memref_slice %arg16[%dma_start3A_912, %dma_start3A_913] : memref<640x128xf32, #tpu.memory_space<vmem_shared>> -> memref<640x128xf32, #tpu.memory_space<vmem_shared>>
      tpu.enqueue_indirect_dma source(%dma_start3A_908 : memref<64x128xf32, #tpu.memory_space<vmem>>) target(%dma_start3A_914 : memref<640x128xf32, #tpu.memory_space<vmem_shared>>) offsets(%dma_start3A_911 : memref<64xi32, #tpu.memory_space<vmem>>) semaphore(%arg25 : memref<!tpu.dma_semaphore, #tpu.memory_space<semaphore_mem>>) {add = true}
      %dma_wait3A_915 = arith.constant 0 : i32
      %dma_wait3A_916 = arith.constant 0 : i32
      %dma_wait3A_917 = arith.constant 0 : i32
      %dma_wait3A_918 = arith.constant 0 : i32
      %dma_wait3A_919 = tpu.memref_slice %arg13[%dma_wait3A_915, %dma_wait3A_917, %dma_wait3A_918] : memref<3x64x128xf32, #tpu.memory_space<vmem>> -> memref<1x64x128xf32, #tpu.memory_space<vmem>>
      %dma_wait3A_920 = tpu.memref_squeeze %dma_wait3A_919 : memref<1x64x128xf32, #tpu.memory_space<vmem>> -> memref<64x128xf32, #tpu.memory_space<vmem>>
      %dma_wait3A_921 = arith.constant 0 : i32
      %dma_wait3A_922 = tpu.memref_slice %arg10[%dma_wait3A_916, %dma_wait3A_921] : memref<8x64xi32, #tpu.memory_space<vmem>> -> memref<1x64xi32, #tpu.memory_space<vmem>>
      %dma_wait3A_923 = tpu.memref_squeeze %dma_wait3A_922 : memref<1x64xi32, #tpu.memory_space<vmem>> -> memref<64xi32, #tpu.memory_space<vmem>>
      %dma_wait3A_924 = arith.constant 0 : i32
      %dma_wait3A_925 = arith.constant 0 : i32
      %dma_wait3A_926 = tpu.memref_slice %arg15[%dma_wait3A_924, %dma_wait3A_925] : memref<10112x128xf32, #tpu.memory_space<vmem_shared>> -> memref<10112x128xf32, #tpu.memory_space<vmem_shared>>
      tpu.wait_indirect_dma semaphore(%arg22 : memref<!tpu.dma_semaphore, #tpu.memory_space<semaphore_mem>>) src(%dma_wait3A_920 : memref<64x128xf32, #tpu.memory_space<vmem>>) dst(%dma_wait3A_926 : memref<10112x128xf32, #tpu.memory_space<vmem_shared>>)
      %dma_start3A_927 = arith.constant 0 : i32
      %dma_start3A_928 = arith.constant 0 : i32
      %dma_start3A_929 = arith.constant 0 : i32
      %dma_start3A_930 = tpu.memref_slice %arg13[%dma_start3A_927, %dma_start3A_928, %dma_start3A_929] : memref<3x64x128xf32, #tpu.memory_space<vmem>> -> memref<1x64x128xf32, #tpu.memory_space<vmem>>
      %dma_start3A_931 = tpu.memref_squeeze %dma_start3A_930 : memref<1x64x128xf32, #tpu.memory_space<vmem>> -> memref<64x128xf32, #tpu.memory_space<vmem>>
      %dma_start3A_932 = arith.constant 192 : i32
      %dma_start3A_933 = tpu.memref_slice %arg9[%dma_start3A_932] : memref<512xi32, #tpu.memory_space<vmem>> -> memref<64xi32, #tpu.memory_space<vmem>>
      %dma_start3A_934 = arith.constant 0 : i32
      %dma_start3A_935 = arith.constant 0 : i32
      %dma_start3A_936 = tpu.memref_slice %arg2[%dma_start3A_934, %dma_start3A_935] : memref<10000x128xf32, #tpu.memory_space<hbm>> -> memref<10000x128xf32, #tpu.memory_space<hbm>>
      tpu.enqueue_indirect_dma source(%dma_start3A_936 : memref<10000x128xf32, #tpu.memory_space<hbm>>) target(%dma_start3A_931 : memref<64x128xf32, #tpu.memory_space<vmem>>) offsets(%dma_start3A_933 : memref<64xi32, #tpu.memory_space<vmem>>) semaphore(%arg17 : memref<!tpu.dma_semaphore, #tpu.memory_space<semaphore_mem>>)
      %dma_wait3A_937 = arith.constant 0 : i32
      %dma_wait3A_938 = arith.constant 0 : i32
      %dma_wait3A_939 = arith.constant 0 : i32
      %dma_wait3A_940 = arith.constant 0 : i32
      %dma_wait3A_941 = tpu.memref_slice %arg14[%dma_wait3A_937, %dma_wait3A_939, %dma_wait3A_940] : memref<2x64x128xf32, #tpu.memory_space<vmem>> -> memref<1x64x128xf32, #tpu.memory_space<vmem>>
      %dma_wait3A_942 = tpu.memref_squeeze %dma_wait3A_941 : memref<1x64x128xf32, #tpu.memory_space<vmem>> -> memref<64x128xf32, #tpu.memory_space<vmem>>
      %dma_wait3A_943 = arith.constant 0 : i32
      %dma_wait3A_944 = tpu.memref_slice %arg11[%dma_wait3A_938, %dma_wait3A_943] : memref<8x64xi32, #tpu.memory_space<vmem>> -> memref<1x64xi32, #tpu.memory_space<vmem>>
      %dma_wait3A_945 = tpu.memref_squeeze %dma_wait3A_944 : memref<1x64xi32, #tpu.memory_space<vmem>> -> memref<64xi32, #tpu.memory_space<vmem>>
      %dma_wait3A_946 = arith.constant 0 : i32
      %dma_wait3A_947 = arith.constant 0 : i32
      %dma_wait3A_948 = tpu.memref_slice %arg16[%dma_wait3A_946, %dma_wait3A_947] : memref<640x128xf32, #tpu.memory_space<vmem_shared>> -> memref<640x128xf32, #tpu.memory_space<vmem_shared>>
      tpu.wait_indirect_dma semaphore(%arg25 : memref<!tpu.dma_semaphore, #tpu.memory_space<semaphore_mem>>) src(%dma_wait3A_942 : memref<64x128xf32, #tpu.memory_space<vmem>>) dst(%dma_wait3A_948 : memref<640x128xf32, #tpu.memory_space<vmem_shared>>)
      %dma_start3A_949 = arith.constant 2 : i32
      %dma_start3A_950 = arith.constant 0 : i32
      %dma_start3A_951 = arith.constant 0 : i32
      %dma_start3A_952 = arith.constant 0 : i32
      %dma_start3A_953 = tpu.memref_slice %arg14[%dma_start3A_950, %dma_start3A_951, %dma_start3A_952] : memref<2x64x128xf32, #tpu.memory_space<vmem>> -> memref<1x64x128xf32, #tpu.memory_space<vmem>>
      %dma_start3A_954 = tpu.memref_squeeze %dma_start3A_953 : memref<1x64x128xf32, #tpu.memory_space<vmem>> -> memref<64x128xf32, #tpu.memory_space<vmem>>
      %dma_start3A_955 = arith.constant 0 : i32
      %dma_start3A_956 = tpu.memref_slice %arg12[%dma_start3A_949, %dma_start3A_955] : memref<8x64xi32, #tpu.memory_space<vmem>> -> memref<1x64xi32, #tpu.memory_space<vmem>>
      %dma_start3A_957 = tpu.memref_squeeze %dma_start3A_956 : memref<1x64xi32, #tpu.memory_space<vmem>> -> memref<64xi32, #tpu.memory_space<vmem>>
      %dma_start3A_958 = arith.constant 0 : i32
      %dma_start3A_959 = arith.constant 0 : i32
      %dma_start3A_960 = tpu.memref_slice %arg6[%dma_start3A_958, %dma_start3A_959] : memref<512x128xf32, #tpu.memory_space<hbm>> -> memref<512x128xf32, #tpu.memory_space<hbm>>
      tpu.enqueue_indirect_dma source(%dma_start3A_960 : memref<512x128xf32, #tpu.memory_space<hbm>>) target(%dma_start3A_954 : memref<64x128xf32, #tpu.memory_space<vmem>>) offsets(%dma_start3A_957 : memref<64xi32, #tpu.memory_space<vmem>>) semaphore(%arg20 : memref<!tpu.dma_semaphore, #tpu.memory_space<semaphore_mem>>)
      %dma_wait3A_961 = arith.constant 1 : i32
      %dma_wait3A_962 = arith.constant 0 : i32
      %dma_wait3A_963 = arith.constant 0 : i32
      %dma_wait3A_964 = tpu.memref_slice %arg13[%dma_wait3A_961, %dma_wait3A_962, %dma_wait3A_963] : memref<3x64x128xf32, #tpu.memory_space<vmem>> -> memref<1x64x128xf32, #tpu.memory_space<vmem>>
      %dma_wait3A_965 = tpu.memref_squeeze %dma_wait3A_964 : memref<1x64x128xf32, #tpu.memory_space<vmem>> -> memref<64x128xf32, #tpu.memory_space<vmem>>
      %dma_wait3A_966 = arith.constant 64 : i32
      %dma_wait3A_967 = tpu.memref_slice %arg9[%dma_wait3A_966] : memref<512xi32, #tpu.memory_space<vmem>> -> memref<64xi32, #tpu.memory_space<vmem>>
      %dma_wait3A_968 = arith.constant 0 : i32
      %dma_wait3A_969 = arith.constant 0 : i32
      %dma_wait3A_970 = tpu.memref_slice %arg2[%dma_wait3A_968, %dma_wait3A_969] : memref<10000x128xf32, #tpu.memory_space<hbm>> -> memref<10000x128xf32, #tpu.memory_space<hbm>>
      tpu.wait_indirect_dma semaphore(%arg18 : memref<!tpu.dma_semaphore, #tpu.memory_space<semaphore_mem>>) src(%dma_wait3A_970 : memref<10000x128xf32, #tpu.memory_space<hbm>>) dst(%dma_wait3A_965 : memref<64x128xf32, #tpu.memory_space<vmem>>)
      %dma_start3A_971 = arith.constant 1 : i32
      %dma_start3A_972 = arith.constant 1 : i32
      %dma_start3A_973 = arith.constant 0 : i32
      %dma_start3A_974 = arith.constant 0 : i32
      %dma_start3A_975 = tpu.memref_slice %arg13[%dma_start3A_971, %dma_start3A_973, %dma_start3A_974] : memref<3x64x128xf32, #tpu.memory_space<vmem>> -> memref<1x64x128xf32, #tpu.memory_space<vmem>>
      %dma_start3A_976 = tpu.memref_squeeze %dma_start3A_975 : memref<1x64x128xf32, #tpu.memory_space<vmem>> -> memref<64x128xf32, #tpu.memory_space<vmem>>
      %dma_start3A_977 = arith.constant 0 : i32
      %dma_start3A_978 = tpu.memref_slice %arg10[%dma_start3A_972, %dma_start3A_977] : memref<8x64xi32, #tpu.memory_space<vmem>> -> memref<1x64xi32, #tpu.memory_space<vmem>>
      %dma_start3A_979 = tpu.memref_squeeze %dma_start3A_978 : memref<1x64xi32, #tpu.memory_space<vmem>> -> memref<64xi32, #tpu.memory_space<vmem>>
      %dma_start3A_980 = arith.constant 0 : i32
      %dma_start3A_981 = arith.constant 0 : i32
      %dma_start3A_982 = tpu.memref_slice %arg15[%dma_start3A_980, %dma_start3A_981] : memref<10112x128xf32, #tpu.memory_space<vmem_shared>> -> memref<10112x128xf32, #tpu.memory_space<vmem_shared>>
      tpu.enqueue_indirect_dma source(%dma_start3A_976 : memref<64x128xf32, #tpu.memory_space<vmem>>) target(%dma_start3A_982 : memref<10112x128xf32, #tpu.memory_space<vmem_shared>>) offsets(%dma_start3A_979 : memref<64xi32, #tpu.memory_space<vmem>>) semaphore(%arg23 : memref<!tpu.dma_semaphore, #tpu.memory_space<semaphore_mem>>) {add = true}
      %dma_wait3A_983 = arith.constant 1 : i32
      %dma_wait3A_984 = arith.constant 1 : i32
      %dma_wait3A_985 = arith.constant 0 : i32
      %dma_wait3A_986 = arith.constant 0 : i32
      %dma_wait3A_987 = tpu.memref_slice %arg14[%dma_wait3A_984, %dma_wait3A_985, %dma_wait3A_986] : memref<2x64x128xf32, #tpu.memory_space<vmem>> -> memref<1x64x128xf32, #tpu.memory_space<vmem>>
      %dma_wait3A_988 = tpu.memref_squeeze %dma_wait3A_987 : memref<1x64x128xf32, #tpu.memory_space<vmem>> -> memref<64x128xf32, #tpu.memory_space<vmem>>
      %dma_wait3A_989 = arith.constant 0 : i32
      %dma_wait3A_990 = tpu.memref_slice %arg12[%dma_wait3A_983, %dma_wait3A_989] : memref<8x64xi32, #tpu.memory_space<vmem>> -> memref<1x64xi32, #tpu.memory_space<vmem>>
      %dma_wait3A_991 = tpu.memref_squeeze %dma_wait3A_990 : memref<1x64xi32, #tpu.memory_space<vmem>> -> memref<64xi32, #tpu.memory_space<vmem>>
      %dma_wait3A_992 = arith.constant 0 : i32
      %dma_wait3A_993 = arith.constant 0 : i32
      %dma_wait3A_994 = tpu.memref_slice %arg6[%dma_wait3A_992, %dma_wait3A_993] : memref<512x128xf32, #tpu.memory_space<hbm>> -> memref<512x128xf32, #tpu.memory_space<hbm>>
      tpu.wait_indirect_dma semaphore(%arg21 : memref<!tpu.dma_semaphore, #tpu.memory_space<semaphore_mem>>) src(%dma_wait3A_994 : memref<512x128xf32, #tpu.memory_space<hbm>>) dst(%dma_wait3A_988 : memref<64x128xf32, #tpu.memory_space<vmem>>)
      %dma_start3A_995 = arith.constant 1 : i32
      %dma_start3A_996 = arith.constant 1 : i32
      %dma_start3A_997 = arith.constant 0 : i32
      %dma_start3A_998 = arith.constant 0 : i32
      %dma_start3A_999 = tpu.memref_slice %arg14[%dma_start3A_995, %dma_start3A_997, %dma_start3A_998] : memref<2x64x128xf32, #tpu.memory_space<vmem>> -> memref<1x64x128xf32, #tpu.memory_space<vmem>>
      %dma_start3A_1000 = tpu.memref_squeeze %dma_start3A_999 : memref<1x64x128xf32, #tpu.memory_space<vmem>> -> memref<64x128xf32, #tpu.memory_space<vmem>>
      %dma_start3A_1001 = arith.constant 0 : i32
      %dma_start3A_1002 = tpu.memref_slice %arg11[%dma_start3A_996, %dma_start3A_1001] : memref<8x64xi32, #tpu.memory_space<vmem>> -> memref<1x64xi32, #tpu.memory_space<vmem>>
      %dma_start3A_1003 = tpu.memref_squeeze %dma_start3A_1002 : memref<1x64xi32, #tpu.memory_space<vmem>> -> memref<64xi32, #tpu.memory_space<vmem>>
      %dma_start3A_1004 = arith.constant 0 : i32
      %dma_start3A_1005 = arith.constant 0 : i32
      %dma_start3A_1006 = tpu.memref_slice %arg16[%dma_start3A_1004, %dma_start3A_1005] : memref<640x128xf32, #tpu.memory_space<vmem_shared>> -> memref<640x128xf32, #tpu.memory_space<vmem_shared>>
      tpu.enqueue_indirect_dma source(%dma_start3A_1000 : memref<64x128xf32, #tpu.memory_space<vmem>>) target(%dma_start3A_1006 : memref<640x128xf32, #tpu.memory_space<vmem_shared>>) offsets(%dma_start3A_1003 : memref<64xi32, #tpu.memory_space<vmem>>) semaphore(%arg26 : memref<!tpu.dma_semaphore, #tpu.memory_space<semaphore_mem>>) {add = true}
      %dma_wait3A_1007 = arith.constant 1 : i32
      %dma_wait3A_1008 = arith.constant 1 : i32
      %dma_wait3A_1009 = arith.constant 0 : i32
      %dma_wait3A_1010 = arith.constant 0 : i32
      %dma_wait3A_1011 = tpu.memref_slice %arg13[%dma_wait3A_1007, %dma_wait3A_1009, %dma_wait3A_1010] : memref<3x64x128xf32, #tpu.memory_space<vmem>> -> memref<1x64x128xf32, #tpu.memory_space<vmem>>
      %dma_wait3A_1012 = tpu.memref_squeeze %dma_wait3A_1011 : memref<1x64x128xf32, #tpu.memory_space<vmem>> -> memref<64x128xf32, #tpu.memory_space<vmem>>
      %dma_wait3A_1013 = arith.constant 0 : i32
      %dma_wait3A_1014 = tpu.memref_slice %arg10[%dma_wait3A_1008, %dma_wait3A_1013] : memref<8x64xi32, #tpu.memory_space<vmem>> -> memref<1x64xi32, #tpu.memory_space<vmem>>
      %dma_wait3A_1015 = tpu.memref_squeeze %dma_wait3A_1014 : memref<1x64xi32, #tpu.memory_space<vmem>> -> memref<64xi32, #tpu.memory_space<vmem>>
      %dma_wait3A_1016 = arith.constant 0 : i32
      %dma_wait3A_1017 = arith.constant 0 : i32
      %dma_wait3A_1018 = tpu.memref_slice %arg15[%dma_wait3A_1016, %dma_wait3A_1017] : memref<10112x128xf32, #tpu.memory_space<vmem_shared>> -> memref<10112x128xf32, #tpu.memory_space<vmem_shared>>
      tpu.wait_indirect_dma semaphore(%arg23 : memref<!tpu.dma_semaphore, #tpu.memory_space<semaphore_mem>>) src(%dma_wait3A_1012 : memref<64x128xf32, #tpu.memory_space<vmem>>) dst(%dma_wait3A_1018 : memref<10112x128xf32, #tpu.memory_space<vmem_shared>>)
      %dma_start3A_1019 = arith.constant 1 : i32
      %dma_start3A_1020 = arith.constant 0 : i32
      %dma_start3A_1021 = arith.constant 0 : i32
      %dma_start3A_1022 = tpu.memref_slice %arg13[%dma_start3A_1019, %dma_start3A_1020, %dma_start3A_1021] : memref<3x64x128xf32, #tpu.memory_space<vmem>> -> memref<1x64x128xf32, #tpu.memory_space<vmem>>
      %dma_start3A_1023 = tpu.memref_squeeze %dma_start3A_1022 : memref<1x64x128xf32, #tpu.memory_space<vmem>> -> memref<64x128xf32, #tpu.memory_space<vmem>>
      %dma_start3A_1024 = arith.constant 256 : i32
      %dma_start3A_1025 = tpu.memref_slice %arg9[%dma_start3A_1024] : memref<512xi32, #tpu.memory_space<vmem>> -> memref<64xi32, #tpu.memory_space<vmem>>
      %dma_start3A_1026 = arith.constant 0 : i32
      %dma_start3A_1027 = arith.constant 0 : i32
      %dma_start3A_1028 = tpu.memref_slice %arg2[%dma_start3A_1026, %dma_start3A_1027] : memref<10000x128xf32, #tpu.memory_space<hbm>> -> memref<10000x128xf32, #tpu.memory_space<hbm>>
      tpu.enqueue_indirect_dma source(%dma_start3A_1028 : memref<10000x128xf32, #tpu.memory_space<hbm>>) target(%dma_start3A_1023 : memref<64x128xf32, #tpu.memory_space<vmem>>) offsets(%dma_start3A_1025 : memref<64xi32, #tpu.memory_space<vmem>>) semaphore(%arg18 : memref<!tpu.dma_semaphore, #tpu.memory_space<semaphore_mem>>)
      %dma_wait3A_1029 = arith.constant 1 : i32
      %dma_wait3A_1030 = arith.constant 1 : i32
      %dma_wait3A_1031 = arith.constant 0 : i32
      %dma_wait3A_1032 = arith.constant 0 : i32
      %dma_wait3A_1033 = tpu.memref_slice %arg14[%dma_wait3A_1029, %dma_wait3A_1031, %dma_wait3A_1032] : memref<2x64x128xf32, #tpu.memory_space<vmem>> -> memref<1x64x128xf32, #tpu.memory_space<vmem>>
      %dma_wait3A_1034 = tpu.memref_squeeze %dma_wait3A_1033 : memref<1x64x128xf32, #tpu.memory_space<vmem>> -> memref<64x128xf32, #tpu.memory_space<vmem>>
      %dma_wait3A_1035 = arith.constant 0 : i32
      %dma_wait3A_1036 = tpu.memref_slice %arg11[%dma_wait3A_1030, %dma_wait3A_1035] : memref<8x64xi32, #tpu.memory_space<vmem>> -> memref<1x64xi32, #tpu.memory_space<vmem>>
      %dma_wait3A_1037 = tpu.memref_squeeze %dma_wait3A_1036 : memref<1x64xi32, #tpu.memory_space<vmem>> -> memref<64xi32, #tpu.memory_space<vmem>>
      %dma_wait3A_1038 = arith.constant 0 : i32
      %dma_wait3A_1039 = arith.constant 0 : i32
      %dma_wait3A_1040 = tpu.memref_slice %arg16[%dma_wait3A_1038, %dma_wait3A_1039] : memref<640x128xf32, #tpu.memory_space<vmem_shared>> -> memref<640x128xf32, #tpu.memory_space<vmem_shared>>
      tpu.wait_indirect_dma semaphore(%arg26 : memref<!tpu.dma_semaphore, #tpu.memory_space<semaphore_mem>>) src(%dma_wait3A_1034 : memref<64x128xf32, #tpu.memory_space<vmem>>) dst(%dma_wait3A_1040 : memref<640x128xf32, #tpu.memory_space<vmem_shared>>)
      %dma_start3A_1041 = arith.constant 3 : i32
      %dma_start3A_1042 = arith.constant 1 : i32
      %dma_start3A_1043 = arith.constant 0 : i32
      %dma_start3A_1044 = arith.constant 0 : i32
      %dma_start3A_1045 = tpu.memref_slice %arg14[%dma_start3A_1042, %dma_start3A_1043, %dma_start3A_1044] : memref<2x64x128xf32, #tpu.memory_space<vmem>> -> memref<1x64x128xf32, #tpu.memory_space<vmem>>
      %dma_start3A_1046 = tpu.memref_squeeze %dma_start3A_1045 : memref<1x64x128xf32, #tpu.memory_space<vmem>> -> memref<64x128xf32, #tpu.memory_space<vmem>>
      %dma_start3A_1047 = arith.constant 0 : i32
      %dma_start3A_1048 = tpu.memref_slice %arg12[%dma_start3A_1041, %dma_start3A_1047] : memref<8x64xi32, #tpu.memory_space<vmem>> -> memref<1x64xi32, #tpu.memory_space<vmem>>
      %dma_start3A_1049 = tpu.memref_squeeze %dma_start3A_1048 : memref<1x64xi32, #tpu.memory_space<vmem>> -> memref<64xi32, #tpu.memory_space<vmem>>
      %dma_start3A_1050 = arith.constant 0 : i32
      %dma_start3A_1051 = arith.constant 0 : i32
      %dma_start3A_1052 = tpu.memref_slice %arg6[%dma_start3A_1050, %dma_start3A_1051] : memref<512x128xf32, #tpu.memory_space<hbm>> -> memref<512x128xf32, #tpu.memory_space<hbm>>
      tpu.enqueue_indirect_dma source(%dma_start3A_1052 : memref<512x128xf32, #tpu.memory_space<hbm>>) target(%dma_start3A_1046 : memref<64x128xf32, #tpu.memory_space<vmem>>) offsets(%dma_start3A_1049 : memref<64xi32, #tpu.memory_space<vmem>>) semaphore(%arg21 : memref<!tpu.dma_semaphore, #tpu.memory_space<semaphore_mem>>)
      %dma_wait3A_1053 = arith.constant 2 : i32
      %dma_wait3A_1054 = arith.constant 0 : i32
      %dma_wait3A_1055 = arith.constant 0 : i32
      %dma_wait3A_1056 = tpu.memref_slice %arg13[%dma_wait3A_1053, %dma_wait3A_1054, %dma_wait3A_1055] : memref<3x64x128xf32, #tpu.memory_space<vmem>> -> memref<1x64x128xf32, #tpu.memory_space<vmem>>
      %dma_wait3A_1057 = tpu.memref_squeeze %dma_wait3A_1056 : memref<1x64x128xf32, #tpu.memory_space<vmem>> -> memref<64x128xf32, #tpu.memory_space<vmem>>
      %dma_wait3A_1058 = arith.constant 128 : i32
      %dma_wait3A_1059 = tpu.memref_slice %arg9[%dma_wait3A_1058] : memref<512xi32, #tpu.memory_space<vmem>> -> memref<64xi32, #tpu.memory_space<vmem>>
      %dma_wait3A_1060 = arith.constant 0 : i32
      %dma_wait3A_1061 = arith.constant 0 : i32
      %dma_wait3A_1062 = tpu.memref_slice %arg2[%dma_wait3A_1060, %dma_wait3A_1061] : memref<10000x128xf32, #tpu.memory_space<hbm>> -> memref<10000x128xf32, #tpu.memory_space<hbm>>
      tpu.wait_indirect_dma semaphore(%arg19 : memref<!tpu.dma_semaphore, #tpu.memory_space<semaphore_mem>>) src(%dma_wait3A_1062 : memref<10000x128xf32, #tpu.memory_space<hbm>>) dst(%dma_wait3A_1057 : memref<64x128xf32, #tpu.memory_space<vmem>>)
      %dma_start3A_1063 = arith.constant 2 : i32
      %dma_start3A_1064 = arith.constant 2 : i32
      %dma_start3A_1065 = arith.constant 0 : i32
      %dma_start3A_1066 = arith.constant 0 : i32
      %dma_start3A_1067 = tpu.memref_slice %arg13[%dma_start3A_1063, %dma_start3A_1065, %dma_start3A_1066] : memref<3x64x128xf32, #tpu.memory_space<vmem>> -> memref<1x64x128xf32, #tpu.memory_space<vmem>>
      %dma_start3A_1068 = tpu.memref_squeeze %dma_start3A_1067 : memref<1x64x128xf32, #tpu.memory_space<vmem>> -> memref<64x128xf32, #tpu.memory_space<vmem>>
      %dma_start3A_1069 = arith.constant 0 : i32
      %dma_start3A_1070 = tpu.memref_slice %arg10[%dma_start3A_1064, %dma_start3A_1069] : memref<8x64xi32, #tpu.memory_space<vmem>> -> memref<1x64xi32, #tpu.memory_space<vmem>>
      %dma_start3A_1071 = tpu.memref_squeeze %dma_start3A_1070 : memref<1x64xi32, #tpu.memory_space<vmem>> -> memref<64xi32, #tpu.memory_space<vmem>>
      %dma_start3A_1072 = arith.constant 0 : i32
      %dma_start3A_1073 = arith.constant 0 : i32
      %dma_start3A_1074 = tpu.memref_slice %arg15[%dma_start3A_1072, %dma_start3A_1073] : memref<10112x128xf32, #tpu.memory_space<vmem_shared>> -> memref<10112x128xf32, #tpu.memory_space<vmem_shared>>
      tpu.enqueue_indirect_dma source(%dma_start3A_1068 : memref<64x128xf32, #tpu.memory_space<vmem>>) target(%dma_start3A_1074 : memref<10112x128xf32, #tpu.memory_space<vmem_shared>>) offsets(%dma_start3A_1071 : memref<64xi32, #tpu.memory_space<vmem>>) semaphore(%arg24 : memref<!tpu.dma_semaphore, #tpu.memory_space<semaphore_mem>>) {add = true}
      %dma_wait3A_1075 = arith.constant 2 : i32
      %dma_wait3A_1076 = arith.constant 0 : i32
      %dma_wait3A_1077 = arith.constant 0 : i32
      %dma_wait3A_1078 = arith.constant 0 : i32
      %dma_wait3A_1079 = tpu.memref_slice %arg14[%dma_wait3A_1076, %dma_wait3A_1077, %dma_wait3A_1078] : memref<2x64x128xf32, #tpu.memory_space<vmem>> -> memref<1x64x128xf32, #tpu.memory_space<vmem>>
      %dma_wait3A_1080 = tpu.memref_squeeze %dma_wait3A_1079 : memref<1x64x128xf32, #tpu.memory_space<vmem>> -> memref<64x128xf32, #tpu.memory_space<vmem>>
      %dma_wait3A_1081 = arith.constant 0 : i32
      %dma_wait3A_1082 = tpu.memref_slice %arg12[%dma_wait3A_1075, %dma_wait3A_1081] : memref<8x64xi32, #tpu.memory_space<vmem>> -> memref<1x64xi32, #tpu.memory_space<vmem>>
      %dma_wait3A_1083 = tpu.memref_squeeze %dma_wait3A_1082 : memref<1x64xi32, #tpu.memory_space<vmem>> -> memref<64xi32, #tpu.memory_space<vmem>>
      %dma_wait3A_1084 = arith.constant 0 : i32
      %dma_wait3A_1085 = arith.constant 0 : i32
      %dma_wait3A_1086 = tpu.memref_slice %arg6[%dma_wait3A_1084, %dma_wait3A_1085] : memref<512x128xf32, #tpu.memory_space<hbm>> -> memref<512x128xf32, #tpu.memory_space<hbm>>
      tpu.wait_indirect_dma semaphore(%arg20 : memref<!tpu.dma_semaphore, #tpu.memory_space<semaphore_mem>>) src(%dma_wait3A_1086 : memref<512x128xf32, #tpu.memory_space<hbm>>) dst(%dma_wait3A_1080 : memref<64x128xf32, #tpu.memory_space<vmem>>)
      %dma_start3A_1087 = arith.constant 0 : i32
      %dma_start3A_1088 = arith.constant 2 : i32
      %dma_start3A_1089 = arith.constant 0 : i32
      %dma_start3A_1090 = arith.constant 0 : i32
      %dma_start3A_1091 = tpu.memref_slice %arg14[%dma_start3A_1087, %dma_start3A_1089, %dma_start3A_1090] : memref<2x64x128xf32, #tpu.memory_space<vmem>> -> memref<1x64x128xf32, #tpu.memory_space<vmem>>
      %dma_start3A_1092 = tpu.memref_squeeze %dma_start3A_1091 : memref<1x64x128xf32, #tpu.memory_space<vmem>> -> memref<64x128xf32, #tpu.memory_space<vmem>>
      %dma_start3A_1093 = arith.constant 0 : i32
      %dma_start3A_1094 = tpu.memref_slice %arg11[%dma_start3A_1088, %dma_start3A_1093] : memref<8x64xi32, #tpu.memory_space<vmem>> -> memref<1x64xi32, #tpu.memory_space<vmem>>
      %dma_start3A_1095 = tpu.memref_squeeze %dma_start3A_1094 : memref<1x64xi32, #tpu.memory_space<vmem>> -> memref<64xi32, #tpu.memory_space<vmem>>
      %dma_start3A_1096 = arith.constant 0 : i32
      %dma_start3A_1097 = arith.constant 0 : i32
      %dma_start3A_1098 = tpu.memref_slice %arg16[%dma_start3A_1096, %dma_start3A_1097] : memref<640x128xf32, #tpu.memory_space<vmem_shared>> -> memref<640x128xf32, #tpu.memory_space<vmem_shared>>
      tpu.enqueue_indirect_dma source(%dma_start3A_1092 : memref<64x128xf32, #tpu.memory_space<vmem>>) target(%dma_start3A_1098 : memref<640x128xf32, #tpu.memory_space<vmem_shared>>) offsets(%dma_start3A_1095 : memref<64xi32, #tpu.memory_space<vmem>>) semaphore(%arg25 : memref<!tpu.dma_semaphore, #tpu.memory_space<semaphore_mem>>) {add = true}
      %dma_wait3A_1099 = arith.constant 2 : i32
      %dma_wait3A_1100 = arith.constant 2 : i32
      %dma_wait3A_1101 = arith.constant 0 : i32
      %dma_wait3A_1102 = arith.constant 0 : i32
      %dma_wait3A_1103 = tpu.memref_slice %arg13[%dma_wait3A_1099, %dma_wait3A_1101, %dma_wait3A_1102] : memref<3x64x128xf32, #tpu.memory_space<vmem>> -> memref<1x64x128xf32, #tpu.memory_space<vmem>>
      %dma_wait3A_1104 = tpu.memref_squeeze %dma_wait3A_1103 : memref<1x64x128xf32, #tpu.memory_space<vmem>> -> memref<64x128xf32, #tpu.memory_space<vmem>>
      %dma_wait3A_1105 = arith.constant 0 : i32
      %dma_wait3A_1106 = tpu.memref_slice %arg10[%dma_wait3A_1100, %dma_wait3A_1105] : memref<8x64xi32, #tpu.memory_space<vmem>> -> memref<1x64xi32, #tpu.memory_space<vmem>>
      %dma_wait3A_1107 = tpu.memref_squeeze %dma_wait3A_1106 : memref<1x64xi32, #tpu.memory_space<vmem>> -> memref<64xi32, #tpu.memory_space<vmem>>
      %dma_wait3A_1108 = arith.constant 0 : i32
      %dma_wait3A_1109 = arith.constant 0 : i32
      %dma_wait3A_1110 = tpu.memref_slice %arg15[%dma_wait3A_1108, %dma_wait3A_1109] : memref<10112x128xf32, #tpu.memory_space<vmem_shared>> -> memref<10112x128xf32, #tpu.memory_space<vmem_shared>>
      tpu.wait_indirect_dma semaphore(%arg24 : memref<!tpu.dma_semaphore, #tpu.memory_space<semaphore_mem>>) src(%dma_wait3A_1104 : memref<64x128xf32, #tpu.memory_space<vmem>>) dst(%dma_wait3A_1110 : memref<10112x128xf32, #tpu.memory_space<vmem_shared>>)
      %dma_start3A_1111 = arith.constant 2 : i32
      %dma_start3A_1112 = arith.constant 0 : i32
      %dma_start3A_1113 = arith.constant 0 : i32
      %dma_start3A_1114 = tpu.memref_slice %arg13[%dma_start3A_1111, %dma_start3A_1112, %dma_start3A_1113] : memref<3x64x128xf32, #tpu.memory_space<vmem>> -> memref<1x64x128xf32, #tpu.memory_space<vmem>>
      %dma_start3A_1115 = tpu.memref_squeeze %dma_start3A_1114 : memref<1x64x128xf32, #tpu.memory_space<vmem>> -> memref<64x128xf32, #tpu.memory_space<vmem>>
      %dma_start3A_1116 = arith.constant 320 : i32
      %dma_start3A_1117 = tpu.memref_slice %arg9[%dma_start3A_1116] : memref<512xi32, #tpu.memory_space<vmem>> -> memref<64xi32, #tpu.memory_space<vmem>>
      %dma_start3A_1118 = arith.constant 0 : i32
      %dma_start3A_1119 = arith.constant 0 : i32
      %dma_start3A_1120 = tpu.memref_slice %arg2[%dma_start3A_1118, %dma_start3A_1119] : memref<10000x128xf32, #tpu.memory_space<hbm>> -> memref<10000x128xf32, #tpu.memory_space<hbm>>
      tpu.enqueue_indirect_dma source(%dma_start3A_1120 : memref<10000x128xf32, #tpu.memory_space<hbm>>) target(%dma_start3A_1115 : memref<64x128xf32, #tpu.memory_space<vmem>>) offsets(%dma_start3A_1117 : memref<64xi32, #tpu.memory_space<vmem>>) semaphore(%arg19 : memref<!tpu.dma_semaphore, #tpu.memory_space<semaphore_mem>>)
      %dma_wait3A_1121 = arith.constant 0 : i32
      %dma_wait3A_1122 = arith.constant 2 : i32
      %dma_wait3A_1123 = arith.constant 0 : i32
      %dma_wait3A_1124 = arith.constant 0 : i32
      %dma_wait3A_1125 = tpu.memref_slice %arg14[%dma_wait3A_1121, %dma_wait3A_1123, %dma_wait3A_1124] : memref<2x64x128xf32, #tpu.memory_space<vmem>> -> memref<1x64x128xf32, #tpu.memory_space<vmem>>
      %dma_wait3A_1126 = tpu.memref_squeeze %dma_wait3A_1125 : memref<1x64x128xf32, #tpu.memory_space<vmem>> -> memref<64x128xf32, #tpu.memory_space<vmem>>
      %dma_wait3A_1127 = arith.constant 0 : i32
      %dma_wait3A_1128 = tpu.memref_slice %arg11[%dma_wait3A_1122, %dma_wait3A_1127] : memref<8x64xi32, #tpu.memory_space<vmem>> -> memref<1x64xi32, #tpu.memory_space<vmem>>
      %dma_wait3A_1129 = tpu.memref_squeeze %dma_wait3A_1128 : memref<1x64xi32, #tpu.memory_space<vmem>> -> memref<64xi32, #tpu.memory_space<vmem>>
      %dma_wait3A_1130 = arith.constant 0 : i32
      %dma_wait3A_1131 = arith.constant 0 : i32
      %dma_wait3A_1132 = tpu.memref_slice %arg16[%dma_wait3A_1130, %dma_wait3A_1131] : memref<640x128xf32, #tpu.memory_space<vmem_shared>> -> memref<640x128xf32, #tpu.memory_space<vmem_shared>>
      tpu.wait_indirect_dma semaphore(%arg25 : memref<!tpu.dma_semaphore, #tpu.memory_space<semaphore_mem>>) src(%dma_wait3A_1126 : memref<64x128xf32, #tpu.memory_space<vmem>>) dst(%dma_wait3A_1132 : memref<640x128xf32, #tpu.memory_space<vmem_shared>>)
      %dma_start3A_1133 = arith.constant 4 : i32
      %dma_start3A_1134 = arith.constant 0 : i32
      %dma_start3A_1135 = arith.constant 0 : i32
      %dma_start3A_1136 = arith.constant 0 : i32
      %dma_start3A_1137 = tpu.memref_slice %arg14[%dma_start3A_1134, %dma_start3A_1135, %dma_start3A_1136] : memref<2x64x128xf32, #tpu.memory_space<vmem>> -> memref<1x64x128xf32, #tpu.memory_space<vmem>>
      %dma_start3A_1138 = tpu.memref_squeeze %dma_start3A_1137 : memref<1x64x128xf32, #tpu.memory_space<vmem>> -> memref<64x128xf32, #tpu.memory_space<vmem>>
      %dma_start3A_1139 = arith.constant 0 : i32
      %dma_start3A_1140 = tpu.memref_slice %arg12[%dma_start3A_1133, %dma_start3A_1139] : memref<8x64xi32, #tpu.memory_space<vmem>> -> memref<1x64xi32, #tpu.memory_space<vmem>>
      %dma_start3A_1141 = tpu.memref_squeeze %dma_start3A_1140 : memref<1x64xi32, #tpu.memory_space<vmem>> -> memref<64xi32, #tpu.memory_space<vmem>>
      %dma_start3A_1142 = arith.constant 0 : i32
      %dma_start3A_1143 = arith.constant 0 : i32
      %dma_start3A_1144 = tpu.memref_slice %arg6[%dma_start3A_1142, %dma_start3A_1143] : memref<512x128xf32, #tpu.memory_space<hbm>> -> memref<512x128xf32, #tpu.memory_space<hbm>>
      tpu.enqueue_indirect_dma source(%dma_start3A_1144 : memref<512x128xf32, #tpu.memory_space<hbm>>) target(%dma_start3A_1138 : memref<64x128xf32, #tpu.memory_space<vmem>>) offsets(%dma_start3A_1141 : memref<64xi32, #tpu.memory_space<vmem>>) semaphore(%arg20 : memref<!tpu.dma_semaphore, #tpu.memory_space<semaphore_mem>>)
      %dma_wait3A_1145 = arith.constant 0 : i32
      %dma_wait3A_1146 = arith.constant 0 : i32
      %dma_wait3A_1147 = arith.constant 0 : i32
      %dma_wait3A_1148 = tpu.memref_slice %arg13[%dma_wait3A_1145, %dma_wait3A_1146, %dma_wait3A_1147] : memref<3x64x128xf32, #tpu.memory_space<vmem>> -> memref<1x64x128xf32, #tpu.memory_space<vmem>>
      %dma_wait3A_1149 = tpu.memref_squeeze %dma_wait3A_1148 : memref<1x64x128xf32, #tpu.memory_space<vmem>> -> memref<64x128xf32, #tpu.memory_space<vmem>>
      %dma_wait3A_1150 = arith.constant 192 : i32
      %dma_wait3A_1151 = tpu.memref_slice %arg9[%dma_wait3A_1150] : memref<512xi32, #tpu.memory_space<vmem>> -> memref<64xi32, #tpu.memory_space<vmem>>
      %dma_wait3A_1152 = arith.constant 0 : i32
      %dma_wait3A_1153 = arith.constant 0 : i32
      %dma_wait3A_1154 = tpu.memref_slice %arg2[%dma_wait3A_1152, %dma_wait3A_1153] : memref<10000x128xf32, #tpu.memory_space<hbm>> -> memref<10000x128xf32, #tpu.memory_space<hbm>>
      tpu.wait_indirect_dma semaphore(%arg17 : memref<!tpu.dma_semaphore, #tpu.memory_space<semaphore_mem>>) src(%dma_wait3A_1154 : memref<10000x128xf32, #tpu.memory_space<hbm>>) dst(%dma_wait3A_1149 : memref<64x128xf32, #tpu.memory_space<vmem>>)
      %dma_start3A_1155 = arith.constant 0 : i32
      %dma_start3A_1156 = arith.constant 3 : i32
      %dma_start3A_1157 = arith.constant 0 : i32
      %dma_start3A_1158 = arith.constant 0 : i32
      %dma_start3A_1159 = tpu.memref_slice %arg13[%dma_start3A_1155, %dma_start3A_1157, %dma_start3A_1158] : memref<3x64x128xf32, #tpu.memory_space<vmem>> -> memref<1x64x128xf32, #tpu.memory_space<vmem>>
      %dma_start3A_1160 = tpu.memref_squeeze %dma_start3A_1159 : memref<1x64x128xf32, #tpu.memory_space<vmem>> -> memref<64x128xf32, #tpu.memory_space<vmem>>
      %dma_start3A_1161 = arith.constant 0 : i32
      %dma_start3A_1162 = tpu.memref_slice %arg10[%dma_start3A_1156, %dma_start3A_1161] : memref<8x64xi32, #tpu.memory_space<vmem>> -> memref<1x64xi32, #tpu.memory_space<vmem>>
      %dma_start3A_1163 = tpu.memref_squeeze %dma_start3A_1162 : memref<1x64xi32, #tpu.memory_space<vmem>> -> memref<64xi32, #tpu.memory_space<vmem>>
      %dma_start3A_1164 = arith.constant 0 : i32
      %dma_start3A_1165 = arith.constant 0 : i32
      %dma_start3A_1166 = tpu.memref_slice %arg15[%dma_start3A_1164, %dma_start3A_1165] : memref<10112x128xf32, #tpu.memory_space<vmem_shared>> -> memref<10112x128xf32, #tpu.memory_space<vmem_shared>>
      tpu.enqueue_indirect_dma source(%dma_start3A_1160 : memref<64x128xf32, #tpu.memory_space<vmem>>) target(%dma_start3A_1166 : memref<10112x128xf32, #tpu.memory_space<vmem_shared>>) offsets(%dma_start3A_1163 : memref<64xi32, #tpu.memory_space<vmem>>) semaphore(%arg22 : memref<!tpu.dma_semaphore, #tpu.memory_space<semaphore_mem>>) {add = true}
      %dma_wait3A_1167 = arith.constant 3 : i32
      %dma_wait3A_1168 = arith.constant 1 : i32
      %dma_wait3A_1169 = arith.constant 0 : i32
      %dma_wait3A_1170 = arith.constant 0 : i32
      %dma_wait3A_1171 = tpu.memref_slice %arg14[%dma_wait3A_1168, %dma_wait3A_1169, %dma_wait3A_1170] : memref<2x64x128xf32, #tpu.memory_space<vmem>> -> memref<1x64x128xf32, #tpu.memory_space<vmem>>
      %dma_wait3A_1172 = tpu.memref_squeeze %dma_wait3A_1171 : memref<1x64x128xf32, #tpu.memory_space<vmem>> -> memref<64x128xf32, #tpu.memory_space<vmem>>
      %dma_wait3A_1173 = arith.constant 0 : i32
      %dma_wait3A_1174 = tpu.memref_slice %arg12[%dma_wait3A_1167, %dma_wait3A_1173] : memref<8x64xi32, #tpu.memory_space<vmem>> -> memref<1x64xi32, #tpu.memory_space<vmem>>
      %dma_wait3A_1175 = tpu.memref_squeeze %dma_wait3A_1174 : memref<1x64xi32, #tpu.memory_space<vmem>> -> memref<64xi32, #tpu.memory_space<vmem>>
      %dma_wait3A_1176 = arith.constant 0 : i32
      %dma_wait3A_1177 = arith.constant 0 : i32
      %dma_wait3A_1178 = tpu.memref_slice %arg6[%dma_wait3A_1176, %dma_wait3A_1177] : memref<512x128xf32, #tpu.memory_space<hbm>> -> memref<512x128xf32, #tpu.memory_space<hbm>>
      tpu.wait_indirect_dma semaphore(%arg21 : memref<!tpu.dma_semaphore, #tpu.memory_space<semaphore_mem>>) src(%dma_wait3A_1178 : memref<512x128xf32, #tpu.memory_space<hbm>>) dst(%dma_wait3A_1172 : memref<64x128xf32, #tpu.memory_space<vmem>>)
      %dma_start3A_1179 = arith.constant 1 : i32
      %dma_start3A_1180 = arith.constant 3 : i32
      %dma_start3A_1181 = arith.constant 0 : i32
      %dma_start3A_1182 = arith.constant 0 : i32
      %dma_start3A_1183 = tpu.memref_slice %arg14[%dma_start3A_1179, %dma_start3A_1181, %dma_start3A_1182] : memref<2x64x128xf32, #tpu.memory_space<vmem>> -> memref<1x64x128xf32, #tpu.memory_space<vmem>>
      %dma_start3A_1184 = tpu.memref_squeeze %dma_start3A_1183 : memref<1x64x128xf32, #tpu.memory_space<vmem>> -> memref<64x128xf32, #tpu.memory_space<vmem>>
      %dma_start3A_1185 = arith.constant 0 : i32
      %dma_start3A_1186 = tpu.memref_slice %arg11[%dma_start3A_1180, %dma_start3A_1185] : memref<8x64xi32, #tpu.memory_space<vmem>> -> memref<1x64xi32, #tpu.memory_space<vmem>>
      %dma_start3A_1187 = tpu.memref_squeeze %dma_start3A_1186 : memref<1x64xi32, #tpu.memory_space<vmem>> -> memref<64xi32, #tpu.memory_space<vmem>>
      %dma_start3A_1188 = arith.constant 0 : i32
      %dma_start3A_1189 = arith.constant 0 : i32
      %dma_start3A_1190 = tpu.memref_slice %arg16[%dma_start3A_1188, %dma_start3A_1189] : memref<640x128xf32, #tpu.memory_space<vmem_shared>> -> memref<640x128xf32, #tpu.memory_space<vmem_shared>>
      tpu.enqueue_indirect_dma source(%dma_start3A_1184 : memref<64x128xf32, #tpu.memory_space<vmem>>) target(%dma_start3A_1190 : memref<640x128xf32, #tpu.memory_space<vmem_shared>>) offsets(%dma_start3A_1187 : memref<64xi32, #tpu.memory_space<vmem>>) semaphore(%arg26 : memref<!tpu.dma_semaphore, #tpu.memory_space<semaphore_mem>>) {add = true}
      %dma_wait3A_1191 = arith.constant 0 : i32
      %dma_wait3A_1192 = arith.constant 3 : i32
      %dma_wait3A_1193 = arith.constant 0 : i32
      %dma_wait3A_1194 = arith.constant 0 : i32
      %dma_wait3A_1195 = tpu.memref_slice %arg13[%dma_wait3A_1191, %dma_wait3A_1193, %dma_wait3A_1194] : memref<3x64x128xf32, #tpu.memory_space<vmem>> -> memref<1x64x128xf32, #tpu.memory_space<vmem>>
      %dma_wait3A_1196 = tpu.memref_squeeze %dma_wait3A_1195 : memref<1x64x128xf32, #tpu.memory_space<vmem>> -> memref<64x128xf32, #tpu.memory_space<vmem>>
      %dma_wait3A_1197 = arith.constant 0 : i32
      %dma_wait3A_1198 = tpu.memref_slice %arg10[%dma_wait3A_1192, %dma_wait3A_1197] : memref<8x64xi32, #tpu.memory_space<vmem>> -> memref<1x64xi32, #tpu.memory_space<vmem>>
      %dma_wait3A_1199 = tpu.memref_squeeze %dma_wait3A_1198 : memref<1x64xi32, #tpu.memory_space<vmem>> -> memref<64xi32, #tpu.memory_space<vmem>>
      %dma_wait3A_1200 = arith.constant 0 : i32
      %dma_wait3A_1201 = arith.constant 0 : i32
      %dma_wait3A_1202 = tpu.memref_slice %arg15[%dma_wait3A_1200, %dma_wait3A_1201] : memref<10112x128xf32, #tpu.memory_space<vmem_shared>> -> memref<10112x128xf32, #tpu.memory_space<vmem_shared>>
      tpu.wait_indirect_dma semaphore(%arg22 : memref<!tpu.dma_semaphore, #tpu.memory_space<semaphore_mem>>) src(%dma_wait3A_1196 : memref<64x128xf32, #tpu.memory_space<vmem>>) dst(%dma_wait3A_1202 : memref<10112x128xf32, #tpu.memory_space<vmem_shared>>)
      %dma_start3A_1203 = arith.constant 0 : i32
      %dma_start3A_1204 = arith.constant 0 : i32
      %dma_start3A_1205 = arith.constant 0 : i32
      %dma_start3A_1206 = tpu.memref_slice %arg13[%dma_start3A_1203, %dma_start3A_1204, %dma_start3A_1205] : memref<3x64x128xf32, #tpu.memory_space<vmem>> -> memref<1x64x128xf32, #tpu.memory_space<vmem>>
      %dma_start3A_1207 = tpu.memref_squeeze %dma_start3A_1206 : memref<1x64x128xf32, #tpu.memory_space<vmem>> -> memref<64x128xf32, #tpu.memory_space<vmem>>
      %dma_start3A_1208 = arith.constant 384 : i32
      %dma_start3A_1209 = tpu.memref_slice %arg9[%dma_start3A_1208] : memref<512xi32, #tpu.memory_space<vmem>> -> memref<64xi32, #tpu.memory_space<vmem>>
      %dma_start3A_1210 = arith.constant 0 : i32
      %dma_start3A_1211 = arith.constant 0 : i32
      %dma_start3A_1212 = tpu.memref_slice %arg2[%dma_start3A_1210, %dma_start3A_1211] : memref<10000x128xf32, #tpu.memory_space<hbm>> -> memref<10000x128xf32, #tpu.memory_space<hbm>>
      tpu.enqueue_indirect_dma source(%dma_start3A_1212 : memref<10000x128xf32, #tpu.memory_space<hbm>>) target(%dma_start3A_1207 : memref<64x128xf32, #tpu.memory_space<vmem>>) offsets(%dma_start3A_1209 : memref<64xi32, #tpu.memory_space<vmem>>) semaphore(%arg17 : memref<!tpu.dma_semaphore, #tpu.memory_space<semaphore_mem>>)
      %dma_wait3A_1213 = arith.constant 1 : i32
      %dma_wait3A_1214 = arith.constant 3 : i32
      %dma_wait3A_1215 = arith.constant 0 : i32
      %dma_wait3A_1216 = arith.constant 0 : i32
      %dma_wait3A_1217 = tpu.memref_slice %arg14[%dma_wait3A_1213, %dma_wait3A_1215, %dma_wait3A_1216] : memref<2x64x128xf32, #tpu.memory_space<vmem>> -> memref<1x64x128xf32, #tpu.memory_space<vmem>>
      %dma_wait3A_1218 = tpu.memref_squeeze %dma_wait3A_1217 : memref<1x64x128xf32, #tpu.memory_space<vmem>> -> memref<64x128xf32, #tpu.memory_space<vmem>>
      %dma_wait3A_1219 = arith.constant 0 : i32
      %dma_wait3A_1220 = tpu.memref_slice %arg11[%dma_wait3A_1214, %dma_wait3A_1219] : memref<8x64xi32, #tpu.memory_space<vmem>> -> memref<1x64xi32, #tpu.memory_space<vmem>>
      %dma_wait3A_1221 = tpu.memref_squeeze %dma_wait3A_1220 : memref<1x64xi32, #tpu.memory_space<vmem>> -> memref<64xi32, #tpu.memory_space<vmem>>
      %dma_wait3A_1222 = arith.constant 0 : i32
      %dma_wait3A_1223 = arith.constant 0 : i32
      %dma_wait3A_1224 = tpu.memref_slice %arg16[%dma_wait3A_1222, %dma_wait3A_1223] : memref<640x128xf32, #tpu.memory_space<vmem_shared>> -> memref<640x128xf32, #tpu.memory_space<vmem_shared>>
      tpu.wait_indirect_dma semaphore(%arg26 : memref<!tpu.dma_semaphore, #tpu.memory_space<semaphore_mem>>) src(%dma_wait3A_1218 : memref<64x128xf32, #tpu.memory_space<vmem>>) dst(%dma_wait3A_1224 : memref<640x128xf32, #tpu.memory_space<vmem_shared>>)
      %dma_start3A_1225 = arith.constant 5 : i32
      %dma_start3A_1226 = arith.constant 1 : i32
      %dma_start3A_1227 = arith.constant 0 : i32
      %dma_start3A_1228 = arith.constant 0 : i32
      %dma_start3A_1229 = tpu.memref_slice %arg14[%dma_start3A_1226, %dma_start3A_1227, %dma_start3A_1228] : memref<2x64x128xf32, #tpu.memory_space<vmem>> -> memref<1x64x128xf32, #tpu.memory_space<vmem>>
      %dma_start3A_1230 = tpu.memref_squeeze %dma_start3A_1229 : memref<1x64x128xf32, #tpu.memory_space<vmem>> -> memref<64x128xf32, #tpu.memory_space<vmem>>
      %dma_start3A_1231 = arith.constant 0 : i32
      %dma_start3A_1232 = tpu.memref_slice %arg12[%dma_start3A_1225, %dma_start3A_1231] : memref<8x64xi32, #tpu.memory_space<vmem>> -> memref<1x64xi32, #tpu.memory_space<vmem>>
      %dma_start3A_1233 = tpu.memref_squeeze %dma_start3A_1232 : memref<1x64xi32, #tpu.memory_space<vmem>> -> memref<64xi32, #tpu.memory_space<vmem>>
      %dma_start3A_1234 = arith.constant 0 : i32
      %dma_start3A_1235 = arith.constant 0 : i32
      %dma_start3A_1236 = tpu.memref_slice %arg6[%dma_start3A_1234, %dma_start3A_1235] : memref<512x128xf32, #tpu.memory_space<hbm>> -> memref<512x128xf32, #tpu.memory_space<hbm>>
      tpu.enqueue_indirect_dma source(%dma_start3A_1236 : memref<512x128xf32, #tpu.memory_space<hbm>>) target(%dma_start3A_1230 : memref<64x128xf32, #tpu.memory_space<vmem>>) offsets(%dma_start3A_1233 : memref<64xi32, #tpu.memory_space<vmem>>) semaphore(%arg21 : memref<!tpu.dma_semaphore, #tpu.memory_space<semaphore_mem>>)
      %dma_wait3A_1237 = arith.constant 1 : i32
      %dma_wait3A_1238 = arith.constant 0 : i32
      %dma_wait3A_1239 = arith.constant 0 : i32
      %dma_wait3A_1240 = tpu.memref_slice %arg13[%dma_wait3A_1237, %dma_wait3A_1238, %dma_wait3A_1239] : memref<3x64x128xf32, #tpu.memory_space<vmem>> -> memref<1x64x128xf32, #tpu.memory_space<vmem>>
      %dma_wait3A_1241 = tpu.memref_squeeze %dma_wait3A_1240 : memref<1x64x128xf32, #tpu.memory_space<vmem>> -> memref<64x128xf32, #tpu.memory_space<vmem>>
      %dma_wait3A_1242 = arith.constant 256 : i32
      %dma_wait3A_1243 = tpu.memref_slice %arg9[%dma_wait3A_1242] : memref<512xi32, #tpu.memory_space<vmem>> -> memref<64xi32, #tpu.memory_space<vmem>>
      %dma_wait3A_1244 = arith.constant 0 : i32
      %dma_wait3A_1245 = arith.constant 0 : i32
      %dma_wait3A_1246 = tpu.memref_slice %arg2[%dma_wait3A_1244, %dma_wait3A_1245] : memref<10000x128xf32, #tpu.memory_space<hbm>> -> memref<10000x128xf32, #tpu.memory_space<hbm>>
      tpu.wait_indirect_dma semaphore(%arg18 : memref<!tpu.dma_semaphore, #tpu.memory_space<semaphore_mem>>) src(%dma_wait3A_1246 : memref<10000x128xf32, #tpu.memory_space<hbm>>) dst(%dma_wait3A_1241 : memref<64x128xf32, #tpu.memory_space<vmem>>)
      %dma_start3A_1247 = arith.constant 1 : i32
      %dma_start3A_1248 = arith.constant 4 : i32
      %dma_start3A_1249 = arith.constant 0 : i32
      %dma_start3A_1250 = arith.constant 0 : i32
      %dma_start3A_1251 = tpu.memref_slice %arg13[%dma_start3A_1247, %dma_start3A_1249, %dma_start3A_1250] : memref<3x64x128xf32, #tpu.memory_space<vmem>> -> memref<1x64x128xf32, #tpu.memory_space<vmem>>
      %dma_start3A_1252 = tpu.memref_squeeze %dma_start3A_1251 : memref<1x64x128xf32, #tpu.memory_space<vmem>> -> memref<64x128xf32, #tpu.memory_space<vmem>>
      %dma_start3A_1253 = arith.constant 0 : i32
      %dma_start3A_1254 = tpu.memref_slice %arg10[%dma_start3A_1248, %dma_start3A_1253] : memref<8x64xi32, #tpu.memory_space<vmem>> -> memref<1x64xi32, #tpu.memory_space<vmem>>
      %dma_start3A_1255 = tpu.memref_squeeze %dma_start3A_1254 : memref<1x64xi32, #tpu.memory_space<vmem>> -> memref<64xi32, #tpu.memory_space<vmem>>
      %dma_start3A_1256 = arith.constant 0 : i32
      %dma_start3A_1257 = arith.constant 0 : i32
      %dma_start3A_1258 = tpu.memref_slice %arg15[%dma_start3A_1256, %dma_start3A_1257] : memref<10112x128xf32, #tpu.memory_space<vmem_shared>> -> memref<10112x128xf32, #tpu.memory_space<vmem_shared>>
      tpu.enqueue_indirect_dma source(%dma_start3A_1252 : memref<64x128xf32, #tpu.memory_space<vmem>>) target(%dma_start3A_1258 : memref<10112x128xf32, #tpu.memory_space<vmem_shared>>) offsets(%dma_start3A_1255 : memref<64xi32, #tpu.memory_space<vmem>>) semaphore(%arg23 : memref<!tpu.dma_semaphore, #tpu.memory_space<semaphore_mem>>) {add = true}
      %dma_wait3A_1259 = arith.constant 4 : i32
      %dma_wait3A_1260 = arith.constant 0 : i32
      %dma_wait3A_1261 = arith.constant 0 : i32
      %dma_wait3A_1262 = arith.constant 0 : i32
      %dma_wait3A_1263 = tpu.memref_slice %arg14[%dma_wait3A_1260, %dma_wait3A_1261, %dma_wait3A_1262] : memref<2x64x128xf32, #tpu.memory_space<vmem>> -> memref<1x64x128xf32, #tpu.memory_space<vmem>>
      %dma_wait3A_1264 = tpu.memref_squeeze %dma_wait3A_1263 : memref<1x64x128xf32, #tpu.memory_space<vmem>> -> memref<64x128xf32, #tpu.memory_space<vmem>>
      %dma_wait3A_1265 = arith.constant 0 : i32
      %dma_wait3A_1266 = tpu.memref_slice %arg12[%dma_wait3A_1259, %dma_wait3A_1265] : memref<8x64xi32, #tpu.memory_space<vmem>> -> memref<1x64xi32, #tpu.memory_space<vmem>>
      %dma_wait3A_1267 = tpu.memref_squeeze %dma_wait3A_1266 : memref<1x64xi32, #tpu.memory_space<vmem>> -> memref<64xi32, #tpu.memory_space<vmem>>
      %dma_wait3A_1268 = arith.constant 0 : i32
      %dma_wait3A_1269 = arith.constant 0 : i32
      %dma_wait3A_1270 = tpu.memref_slice %arg6[%dma_wait3A_1268, %dma_wait3A_1269] : memref<512x128xf32, #tpu.memory_space<hbm>> -> memref<512x128xf32, #tpu.memory_space<hbm>>
      tpu.wait_indirect_dma semaphore(%arg20 : memref<!tpu.dma_semaphore, #tpu.memory_space<semaphore_mem>>) src(%dma_wait3A_1270 : memref<512x128xf32, #tpu.memory_space<hbm>>) dst(%dma_wait3A_1264 : memref<64x128xf32, #tpu.memory_space<vmem>>)
      %dma_start3A_1271 = arith.constant 0 : i32
      %dma_start3A_1272 = arith.constant 4 : i32
      %dma_start3A_1273 = arith.constant 0 : i32
      %dma_start3A_1274 = arith.constant 0 : i32
      %dma_start3A_1275 = tpu.memref_slice %arg14[%dma_start3A_1271, %dma_start3A_1273, %dma_start3A_1274] : memref<2x64x128xf32, #tpu.memory_space<vmem>> -> memref<1x64x128xf32, #tpu.memory_space<vmem>>
      %dma_start3A_1276 = tpu.memref_squeeze %dma_start3A_1275 : memref<1x64x128xf32, #tpu.memory_space<vmem>> -> memref<64x128xf32, #tpu.memory_space<vmem>>
      %dma_start3A_1277 = arith.constant 0 : i32
      %dma_start3A_1278 = tpu.memref_slice %arg11[%dma_start3A_1272, %dma_start3A_1277] : memref<8x64xi32, #tpu.memory_space<vmem>> -> memref<1x64xi32, #tpu.memory_space<vmem>>
      %dma_start3A_1279 = tpu.memref_squeeze %dma_start3A_1278 : memref<1x64xi32, #tpu.memory_space<vmem>> -> memref<64xi32, #tpu.memory_space<vmem>>
      %dma_start3A_1280 = arith.constant 0 : i32
      %dma_start3A_1281 = arith.constant 0 : i32
      %dma_start3A_1282 = tpu.memref_slice %arg16[%dma_start3A_1280, %dma_start3A_1281] : memref<640x128xf32, #tpu.memory_space<vmem_shared>> -> memref<640x128xf32, #tpu.memory_space<vmem_shared>>
      tpu.enqueue_indirect_dma source(%dma_start3A_1276 : memref<64x128xf32, #tpu.memory_space<vmem>>) target(%dma_start3A_1282 : memref<640x128xf32, #tpu.memory_space<vmem_shared>>) offsets(%dma_start3A_1279 : memref<64xi32, #tpu.memory_space<vmem>>) semaphore(%arg25 : memref<!tpu.dma_semaphore, #tpu.memory_space<semaphore_mem>>) {add = true}
      %dma_wait3A_1283 = arith.constant 1 : i32
      %dma_wait3A_1284 = arith.constant 4 : i32
      %dma_wait3A_1285 = arith.constant 0 : i32
      %dma_wait3A_1286 = arith.constant 0 : i32
      %dma_wait3A_1287 = tpu.memref_slice %arg13[%dma_wait3A_1283, %dma_wait3A_1285, %dma_wait3A_1286] : memref<3x64x128xf32, #tpu.memory_space<vmem>> -> memref<1x64x128xf32, #tpu.memory_space<vmem>>
      %dma_wait3A_1288 = tpu.memref_squeeze %dma_wait3A_1287 : memref<1x64x128xf32, #tpu.memory_space<vmem>> -> memref<64x128xf32, #tpu.memory_space<vmem>>
      %dma_wait3A_1289 = arith.constant 0 : i32
      %dma_wait3A_1290 = tpu.memref_slice %arg10[%dma_wait3A_1284, %dma_wait3A_1289] : memref<8x64xi32, #tpu.memory_space<vmem>> -> memref<1x64xi32, #tpu.memory_space<vmem>>
      %dma_wait3A_1291 = tpu.memref_squeeze %dma_wait3A_1290 : memref<1x64xi32, #tpu.memory_space<vmem>> -> memref<64xi32, #tpu.memory_space<vmem>>
      %dma_wait3A_1292 = arith.constant 0 : i32
      %dma_wait3A_1293 = arith.constant 0 : i32
      %dma_wait3A_1294 = tpu.memref_slice %arg15[%dma_wait3A_1292, %dma_wait3A_1293] : memref<10112x128xf32, #tpu.memory_space<vmem_shared>> -> memref<10112x128xf32, #tpu.memory_space<vmem_shared>>
      tpu.wait_indirect_dma semaphore(%arg23 : memref<!tpu.dma_semaphore, #tpu.memory_space<semaphore_mem>>) src(%dma_wait3A_1288 : memref<64x128xf32, #tpu.memory_space<vmem>>) dst(%dma_wait3A_1294 : memref<10112x128xf32, #tpu.memory_space<vmem_shared>>)
      %dma_start3A_1295 = arith.constant 1 : i32
      %dma_start3A_1296 = arith.constant 0 : i32
      %dma_start3A_1297 = arith.constant 0 : i32
      %dma_start3A_1298 = tpu.memref_slice %arg13[%dma_start3A_1295, %dma_start3A_1296, %dma_start3A_1297] : memref<3x64x128xf32, #tpu.memory_space<vmem>> -> memref<1x64x128xf32, #tpu.memory_space<vmem>>
      %dma_start3A_1299 = tpu.memref_squeeze %dma_start3A_1298 : memref<1x64x128xf32, #tpu.memory_space<vmem>> -> memref<64x128xf32, #tpu.memory_space<vmem>>
      %dma_start3A_1300 = arith.constant 448 : i32
      %dma_start3A_1301 = tpu.memref_slice %arg9[%dma_start3A_1300] : memref<512xi32, #tpu.memory_space<vmem>> -> memref<64xi32, #tpu.memory_space<vmem>>
      %dma_start3A_1302 = arith.constant 0 : i32
      %dma_start3A_1303 = arith.constant 0 : i32
      %dma_start3A_1304 = tpu.memref_slice %arg2[%dma_start3A_1302, %dma_start3A_1303] : memref<10000x128xf32, #tpu.memory_space<hbm>> -> memref<10000x128xf32, #tpu.memory_space<hbm>>
      tpu.enqueue_indirect_dma source(%dma_start3A_1304 : memref<10000x128xf32, #tpu.memory_space<hbm>>) target(%dma_start3A_1299 : memref<64x128xf32, #tpu.memory_space<vmem>>) offsets(%dma_start3A_1301 : memref<64xi32, #tpu.memory_space<vmem>>) semaphore(%arg18 : memref<!tpu.dma_semaphore, #tpu.memory_space<semaphore_mem>>)
      %dma_wait3A_1305 = arith.constant 0 : i32
      %dma_wait3A_1306 = arith.constant 4 : i32
      %dma_wait3A_1307 = arith.constant 0 : i32
      %dma_wait3A_1308 = arith.constant 0 : i32
      %dma_wait3A_1309 = tpu.memref_slice %arg14[%dma_wait3A_1305, %dma_wait3A_1307, %dma_wait3A_1308] : memref<2x64x128xf32, #tpu.memory_space<vmem>> -> memref<1x64x128xf32, #tpu.memory_space<vmem>>
      %dma_wait3A_1310 = tpu.memref_squeeze %dma_wait3A_1309 : memref<1x64x128xf32, #tpu.memory_space<vmem>> -> memref<64x128xf32, #tpu.memory_space<vmem>>
      %dma_wait3A_1311 = arith.constant 0 : i32
      %dma_wait3A_1312 = tpu.memref_slice %arg11[%dma_wait3A_1306, %dma_wait3A_1311] : memref<8x64xi32, #tpu.memory_space<vmem>> -> memref<1x64xi32, #tpu.memory_space<vmem>>
      %dma_wait3A_1313 = tpu.memref_squeeze %dma_wait3A_1312 : memref<1x64xi32, #tpu.memory_space<vmem>> -> memref<64xi32, #tpu.memory_space<vmem>>
      %dma_wait3A_1314 = arith.constant 0 : i32
      %dma_wait3A_1315 = arith.constant 0 : i32
      %dma_wait3A_1316 = tpu.memref_slice %arg16[%dma_wait3A_1314, %dma_wait3A_1315] : memref<640x128xf32, #tpu.memory_space<vmem_shared>> -> memref<640x128xf32, #tpu.memory_space<vmem_shared>>
      tpu.wait_indirect_dma semaphore(%arg25 : memref<!tpu.dma_semaphore, #tpu.memory_space<semaphore_mem>>) src(%dma_wait3A_1310 : memref<64x128xf32, #tpu.memory_space<vmem>>) dst(%dma_wait3A_1316 : memref<640x128xf32, #tpu.memory_space<vmem_shared>>)
      %dma_start3A_1317 = arith.constant 6 : i32
      %dma_start3A_1318 = arith.constant 0 : i32
      %dma_start3A_1319 = arith.constant 0 : i32
      %dma_start3A_1320 = arith.constant 0 : i32
      %dma_start3A_1321 = tpu.memref_slice %arg14[%dma_start3A_1318, %dma_start3A_1319, %dma_start3A_1320] : memref<2x64x128xf32, #tpu.memory_space<vmem>> -> memref<1x64x128xf32, #tpu.memory_space<vmem>>
      %dma_start3A_1322 = tpu.memref_squeeze %dma_start3A_1321 : memref<1x64x128xf32, #tpu.memory_space<vmem>> -> memref<64x128xf32, #tpu.memory_space<vmem>>
      %dma_start3A_1323 = arith.constant 0 : i32
      %dma_start3A_1324 = tpu.memref_slice %arg12[%dma_start3A_1317, %dma_start3A_1323] : memref<8x64xi32, #tpu.memory_space<vmem>> -> memref<1x64xi32, #tpu.memory_space<vmem>>
      %dma_start3A_1325 = tpu.memref_squeeze %dma_start3A_1324 : memref<1x64xi32, #tpu.memory_space<vmem>> -> memref<64xi32, #tpu.memory_space<vmem>>
      %dma_start3A_1326 = arith.constant 0 : i32
      %dma_start3A_1327 = arith.constant 0 : i32
      %dma_start3A_1328 = tpu.memref_slice %arg6[%dma_start3A_1326, %dma_start3A_1327] : memref<512x128xf32, #tpu.memory_space<hbm>> -> memref<512x128xf32, #tpu.memory_space<hbm>>
      tpu.enqueue_indirect_dma source(%dma_start3A_1328 : memref<512x128xf32, #tpu.memory_space<hbm>>) target(%dma_start3A_1322 : memref<64x128xf32, #tpu.memory_space<vmem>>) offsets(%dma_start3A_1325 : memref<64xi32, #tpu.memory_space<vmem>>) semaphore(%arg20 : memref<!tpu.dma_semaphore, #tpu.memory_space<semaphore_mem>>)
      %dma_wait3A_1329 = arith.constant 2 : i32
      %dma_wait3A_1330 = arith.constant 0 : i32
      %dma_wait3A_1331 = arith.constant 0 : i32
      %dma_wait3A_1332 = tpu.memref_slice %arg13[%dma_wait3A_1329, %dma_wait3A_1330, %dma_wait3A_1331] : memref<3x64x128xf32, #tpu.memory_space<vmem>> -> memref<1x64x128xf32, #tpu.memory_space<vmem>>
      %dma_wait3A_1333 = tpu.memref_squeeze %dma_wait3A_1332 : memref<1x64x128xf32, #tpu.memory_space<vmem>> -> memref<64x128xf32, #tpu.memory_space<vmem>>
      %dma_wait3A_1334 = arith.constant 320 : i32
      %dma_wait3A_1335 = tpu.memref_slice %arg9[%dma_wait3A_1334] : memref<512xi32, #tpu.memory_space<vmem>> -> memref<64xi32, #tpu.memory_space<vmem>>
      %dma_wait3A_1336 = arith.constant 0 : i32
      %dma_wait3A_1337 = arith.constant 0 : i32
      %dma_wait3A_1338 = tpu.memref_slice %arg2[%dma_wait3A_1336, %dma_wait3A_1337] : memref<10000x128xf32, #tpu.memory_space<hbm>> -> memref<10000x128xf32, #tpu.memory_space<hbm>>
      tpu.wait_indirect_dma semaphore(%arg19 : memref<!tpu.dma_semaphore, #tpu.memory_space<semaphore_mem>>) src(%dma_wait3A_1338 : memref<10000x128xf32, #tpu.memory_space<hbm>>) dst(%dma_wait3A_1333 : memref<64x128xf32, #tpu.memory_space<vmem>>)
      %dma_start3A_1339 = arith.constant 2 : i32
      %dma_start3A_1340 = arith.constant 5 : i32
      %dma_start3A_1341 = arith.constant 0 : i32
      %dma_start3A_1342 = arith.constant 0 : i32
      %dma_start3A_1343 = tpu.memref_slice %arg13[%dma_start3A_1339, %dma_start3A_1341, %dma_start3A_1342] : memref<3x64x128xf32, #tpu.memory_space<vmem>> -> memref<1x64x128xf32, #tpu.memory_space<vmem>>
      %dma_start3A_1344 = tpu.memref_squeeze %dma_start3A_1343 : memref<1x64x128xf32, #tpu.memory_space<vmem>> -> memref<64x128xf32, #tpu.memory_space<vmem>>
      %dma_start3A_1345 = arith.constant 0 : i32
      %dma_start3A_1346 = tpu.memref_slice %arg10[%dma_start3A_1340, %dma_start3A_1345] : memref<8x64xi32, #tpu.memory_space<vmem>> -> memref<1x64xi32, #tpu.memory_space<vmem>>
      %dma_start3A_1347 = tpu.memref_squeeze %dma_start3A_1346 : memref<1x64xi32, #tpu.memory_space<vmem>> -> memref<64xi32, #tpu.memory_space<vmem>>
      %dma_start3A_1348 = arith.constant 0 : i32
      %dma_start3A_1349 = arith.constant 0 : i32
      %dma_start3A_1350 = tpu.memref_slice %arg15[%dma_start3A_1348, %dma_start3A_1349] : memref<10112x128xf32, #tpu.memory_space<vmem_shared>> -> memref<10112x128xf32, #tpu.memory_space<vmem_shared>>
      tpu.enqueue_indirect_dma source(%dma_start3A_1344 : memref<64x128xf32, #tpu.memory_space<vmem>>) target(%dma_start3A_1350 : memref<10112x128xf32, #tpu.memory_space<vmem_shared>>) offsets(%dma_start3A_1347 : memref<64xi32, #tpu.memory_space<vmem>>) semaphore(%arg24 : memref<!tpu.dma_semaphore, #tpu.memory_space<semaphore_mem>>) {add = true}
      %dma_wait3A_1351 = arith.constant 5 : i32
      %dma_wait3A_1352 = arith.constant 1 : i32
      %dma_wait3A_1353 = arith.constant 0 : i32
      %dma_wait3A_1354 = arith.constant 0 : i32
      %dma_wait3A_1355 = tpu.memref_slice %arg14[%dma_wait3A_1352, %dma_wait3A_1353, %dma_wait3A_1354] : memref<2x64x128xf32, #tpu.memory_space<vmem>> -> memref<1x64x128xf32, #tpu.memory_space<vmem>>
      %dma_wait3A_1356 = tpu.memref_squeeze %dma_wait3A_1355 : memref<1x64x128xf32, #tpu.memory_space<vmem>> -> memref<64x128xf32, #tpu.memory_space<vmem>>
      %dma_wait3A_1357 = arith.constant 0 : i32
      %dma_wait3A_1358 = tpu.memref_slice %arg12[%dma_wait3A_1351, %dma_wait3A_1357] : memref<8x64xi32, #tpu.memory_space<vmem>> -> memref<1x64xi32, #tpu.memory_space<vmem>>
      %dma_wait3A_1359 = tpu.memref_squeeze %dma_wait3A_1358 : memref<1x64xi32, #tpu.memory_space<vmem>> -> memref<64xi32, #tpu.memory_space<vmem>>
      %dma_wait3A_1360 = arith.constant 0 : i32
      %dma_wait3A_1361 = arith.constant 0 : i32
      %dma_wait3A_1362 = tpu.memref_slice %arg6[%dma_wait3A_1360, %dma_wait3A_1361] : memref<512x128xf32, #tpu.memory_space<hbm>> -> memref<512x128xf32, #tpu.memory_space<hbm>>
      tpu.wait_indirect_dma semaphore(%arg21 : memref<!tpu.dma_semaphore, #tpu.memory_space<semaphore_mem>>) src(%dma_wait3A_1362 : memref<512x128xf32, #tpu.memory_space<hbm>>) dst(%dma_wait3A_1356 : memref<64x128xf32, #tpu.memory_space<vmem>>)
      %dma_start3A_1363 = arith.constant 1 : i32
      %dma_start3A_1364 = arith.constant 5 : i32
      %dma_start3A_1365 = arith.constant 0 : i32
      %dma_start3A_1366 = arith.constant 0 : i32
      %dma_start3A_1367 = tpu.memref_slice %arg14[%dma_start3A_1363, %dma_start3A_1365, %dma_start3A_1366] : memref<2x64x128xf32, #tpu.memory_space<vmem>> -> memref<1x64x128xf32, #tpu.memory_space<vmem>>
      %dma_start3A_1368 = tpu.memref_squeeze %dma_start3A_1367 : memref<1x64x128xf32, #tpu.memory_space<vmem>> -> memref<64x128xf32, #tpu.memory_space<vmem>>
      %dma_start3A_1369 = arith.constant 0 : i32
      %dma_start3A_1370 = tpu.memref_slice %arg11[%dma_start3A_1364, %dma_start3A_1369] : memref<8x64xi32, #tpu.memory_space<vmem>> -> memref<1x64xi32, #tpu.memory_space<vmem>>
      %dma_start3A_1371 = tpu.memref_squeeze %dma_start3A_1370 : memref<1x64xi32, #tpu.memory_space<vmem>> -> memref<64xi32, #tpu.memory_space<vmem>>
      %dma_start3A_1372 = arith.constant 0 : i32
      %dma_start3A_1373 = arith.constant 0 : i32
      %dma_start3A_1374 = tpu.memref_slice %arg16[%dma_start3A_1372, %dma_start3A_1373] : memref<640x128xf32, #tpu.memory_space<vmem_shared>> -> memref<640x128xf32, #tpu.memory_space<vmem_shared>>
      tpu.enqueue_indirect_dma source(%dma_start3A_1368 : memref<64x128xf32, #tpu.memory_space<vmem>>) target(%dma_start3A_1374 : memref<640x128xf32, #tpu.memory_space<vmem_shared>>) offsets(%dma_start3A_1371 : memref<64xi32, #tpu.memory_space<vmem>>) semaphore(%arg26 : memref<!tpu.dma_semaphore, #tpu.memory_space<semaphore_mem>>) {add = true}
      %dma_wait3A_1375 = arith.constant 2 : i32
      %dma_wait3A_1376 = arith.constant 5 : i32
      %dma_wait3A_1377 = arith.constant 0 : i32
      %dma_wait3A_1378 = arith.constant 0 : i32
      %dma_wait3A_1379 = tpu.memref_slice %arg13[%dma_wait3A_1375, %dma_wait3A_1377, %dma_wait3A_1378] : memref<3x64x128xf32, #tpu.memory_space<vmem>> -> memref<1x64x128xf32, #tpu.memory_space<vmem>>
      %dma_wait3A_1380 = tpu.memref_squeeze %dma_wait3A_1379 : memref<1x64x128xf32, #tpu.memory_space<vmem>> -> memref<64x128xf32, #tpu.memory_space<vmem>>
      %dma_wait3A_1381 = arith.constant 0 : i32
      %dma_wait3A_1382 = tpu.memref_slice %arg10[%dma_wait3A_1376, %dma_wait3A_1381] : memref<8x64xi32, #tpu.memory_space<vmem>> -> memref<1x64xi32, #tpu.memory_space<vmem>>
      %dma_wait3A_1383 = tpu.memref_squeeze %dma_wait3A_1382 : memref<1x64xi32, #tpu.memory_space<vmem>> -> memref<64xi32, #tpu.memory_space<vmem>>
      %dma_wait3A_1384 = arith.constant 0 : i32
      %dma_wait3A_1385 = arith.constant 0 : i32
      %dma_wait3A_1386 = tpu.memref_slice %arg15[%dma_wait3A_1384, %dma_wait3A_1385] : memref<10112x128xf32, #tpu.memory_space<vmem_shared>> -> memref<10112x128xf32, #tpu.memory_space<vmem_shared>>
      tpu.wait_indirect_dma semaphore(%arg24 : memref<!tpu.dma_semaphore, #tpu.memory_space<semaphore_mem>>) src(%dma_wait3A_1380 : memref<64x128xf32, #tpu.memory_space<vmem>>) dst(%dma_wait3A_1386 : memref<10112x128xf32, #tpu.memory_space<vmem_shared>>)
      %dma_wait3A_1387 = arith.constant 1 : i32
      %dma_wait3A_1388 = arith.constant 5 : i32
      %dma_wait3A_1389 = arith.constant 0 : i32
      %dma_wait3A_1390 = arith.constant 0 : i32
      %dma_wait3A_1391 = tpu.memref_slice %arg14[%dma_wait3A_1387, %dma_wait3A_1389, %dma_wait3A_1390] : memref<2x64x128xf32, #tpu.memory_space<vmem>> -> memref<1x64x128xf32, #tpu.memory_space<vmem>>
      %dma_wait3A_1392 = tpu.memref_squeeze %dma_wait3A_1391 : memref<1x64x128xf32, #tpu.memory_space<vmem>> -> memref<64x128xf32, #tpu.memory_space<vmem>>
      %dma_wait3A_1393 = arith.constant 0 : i32
      %dma_wait3A_1394 = tpu.memref_slice %arg11[%dma_wait3A_1388, %dma_wait3A_1393] : memref<8x64xi32, #tpu.memory_space<vmem>> -> memref<1x64xi32, #tpu.memory_space<vmem>>
      %dma_wait3A_1395 = tpu.memref_squeeze %dma_wait3A_1394 : memref<1x64xi32, #tpu.memory_space<vmem>> -> memref<64xi32, #tpu.memory_space<vmem>>
      %dma_wait3A_1396 = arith.constant 0 : i32
      %dma_wait3A_1397 = arith.constant 0 : i32
      %dma_wait3A_1398 = tpu.memref_slice %arg16[%dma_wait3A_1396, %dma_wait3A_1397] : memref<640x128xf32, #tpu.memory_space<vmem_shared>> -> memref<640x128xf32, #tpu.memory_space<vmem_shared>>
      tpu.wait_indirect_dma semaphore(%arg26 : memref<!tpu.dma_semaphore, #tpu.memory_space<semaphore_mem>>) src(%dma_wait3A_1392 : memref<64x128xf32, #tpu.memory_space<vmem>>) dst(%dma_wait3A_1398 : memref<640x128xf32, #tpu.memory_space<vmem_shared>>)
      %dma_start3A_1399 = arith.constant 7 : i32
      %dma_start3A_1400 = arith.constant 1 : i32
      %dma_start3A_1401 = arith.constant 0 : i32
      %dma_start3A_1402 = arith.constant 0 : i32
      %dma_start3A_1403 = tpu.memref_slice %arg14[%dma_start3A_1400, %dma_start3A_1401, %dma_start3A_1402] : memref<2x64x128xf32, #tpu.memory_space<vmem>> -> memref<1x64x128xf32, #tpu.memory_space<vmem>>
      %dma_start3A_1404 = tpu.memref_squeeze %dma_start3A_1403 : memref<1x64x128xf32, #tpu.memory_space<vmem>> -> memref<64x128xf32, #tpu.memory_space<vmem>>
      %dma_start3A_1405 = arith.constant 0 : i32
      %dma_start3A_1406 = tpu.memref_slice %arg12[%dma_start3A_1399, %dma_start3A_1405] : memref<8x64xi32, #tpu.memory_space<vmem>> -> memref<1x64xi32, #tpu.memory_space<vmem>>
      %dma_start3A_1407 = tpu.memref_squeeze %dma_start3A_1406 : memref<1x64xi32, #tpu.memory_space<vmem>> -> memref<64xi32, #tpu.memory_space<vmem>>
      %dma_start3A_1408 = arith.constant 0 : i32
      %dma_start3A_1409 = arith.constant 0 : i32
      %dma_start3A_1410 = tpu.memref_slice %arg6[%dma_start3A_1408, %dma_start3A_1409] : memref<512x128xf32, #tpu.memory_space<hbm>> -> memref<512x128xf32, #tpu.memory_space<hbm>>
      tpu.enqueue_indirect_dma source(%dma_start3A_1410 : memref<512x128xf32, #tpu.memory_space<hbm>>) target(%dma_start3A_1404 : memref<64x128xf32, #tpu.memory_space<vmem>>) offsets(%dma_start3A_1407 : memref<64xi32, #tpu.memory_space<vmem>>) semaphore(%arg21 : memref<!tpu.dma_semaphore, #tpu.memory_space<semaphore_mem>>)
      %dma_wait3A_1411 = arith.constant 0 : i32
      %dma_wait3A_1412 = arith.constant 0 : i32
      %dma_wait3A_1413 = arith.constant 0 : i32
      %dma_wait3A_1414 = tpu.memref_slice %arg13[%dma_wait3A_1411, %dma_wait3A_1412, %dma_wait3A_1413] : memref<3x64x128xf32, #tpu.memory_space<vmem>> -> memref<1x64x128xf32, #tpu.memory_space<vmem>>
      %dma_wait3A_1415 = tpu.memref_squeeze %dma_wait3A_1414 : memref<1x64x128xf32, #tpu.memory_space<vmem>> -> memref<64x128xf32, #tpu.memory_space<vmem>>
      %dma_wait3A_1416 = arith.constant 384 : i32
      %dma_wait3A_1417 = tpu.memref_slice %arg9[%dma_wait3A_1416] : memref<512xi32, #tpu.memory_space<vmem>> -> memref<64xi32, #tpu.memory_space<vmem>>
      %dma_wait3A_1418 = arith.constant 0 : i32
      %dma_wait3A_1419 = arith.constant 0 : i32
      %dma_wait3A_1420 = tpu.memref_slice %arg2[%dma_wait3A_1418, %dma_wait3A_1419] : memref<10000x128xf32, #tpu.memory_space<hbm>> -> memref<10000x128xf32, #tpu.memory_space<hbm>>
      tpu.wait_indirect_dma semaphore(%arg17 : memref<!tpu.dma_semaphore, #tpu.memory_space<semaphore_mem>>) src(%dma_wait3A_1420 : memref<10000x128xf32, #tpu.memory_space<hbm>>) dst(%dma_wait3A_1415 : memref<64x128xf32, #tpu.memory_space<vmem>>)
      %dma_start3A_1421 = arith.constant 0 : i32
      %dma_start3A_1422 = arith.constant 6 : i32
      %dma_start3A_1423 = arith.constant 0 : i32
      %dma_start3A_1424 = arith.constant 0 : i32
      %dma_start3A_1425 = tpu.memref_slice %arg13[%dma_start3A_1421, %dma_start3A_1423, %dma_start3A_1424] : memref<3x64x128xf32, #tpu.memory_space<vmem>> -> memref<1x64x128xf32, #tpu.memory_space<vmem>>
      %dma_start3A_1426 = tpu.memref_squeeze %dma_start3A_1425 : memref<1x64x128xf32, #tpu.memory_space<vmem>> -> memref<64x128xf32, #tpu.memory_space<vmem>>
      %dma_start3A_1427 = arith.constant 0 : i32
      %dma_start3A_1428 = tpu.memref_slice %arg10[%dma_start3A_1422, %dma_start3A_1427] : memref<8x64xi32, #tpu.memory_space<vmem>> -> memref<1x64xi32, #tpu.memory_space<vmem>>
      %dma_start3A_1429 = tpu.memref_squeeze %dma_start3A_1428 : memref<1x64xi32, #tpu.memory_space<vmem>> -> memref<64xi32, #tpu.memory_space<vmem>>
      %dma_start3A_1430 = arith.constant 0 : i32
      %dma_start3A_1431 = arith.constant 0 : i32
      %dma_start3A_1432 = tpu.memref_slice %arg15[%dma_start3A_1430, %dma_start3A_1431] : memref<10112x128xf32, #tpu.memory_space<vmem_shared>> -> memref<10112x128xf32, #tpu.memory_space<vmem_shared>>
      tpu.enqueue_indirect_dma source(%dma_start3A_1426 : memref<64x128xf32, #tpu.memory_space<vmem>>) target(%dma_start3A_1432 : memref<10112x128xf32, #tpu.memory_space<vmem_shared>>) offsets(%dma_start3A_1429 : memref<64xi32, #tpu.memory_space<vmem>>) semaphore(%arg22 : memref<!tpu.dma_semaphore, #tpu.memory_space<semaphore_mem>>) {add = true}
      %dma_wait3A_1433 = arith.constant 6 : i32
      %dma_wait3A_1434 = arith.constant 0 : i32
      %dma_wait3A_1435 = arith.constant 0 : i32
      %dma_wait3A_1436 = arith.constant 0 : i32
      %dma_wait3A_1437 = tpu.memref_slice %arg14[%dma_wait3A_1434, %dma_wait3A_1435, %dma_wait3A_1436] : memref<2x64x128xf32, #tpu.memory_space<vmem>> -> memref<1x64x128xf32, #tpu.memory_space<vmem>>
      %dma_wait3A_1438 = tpu.memref_squeeze %dma_wait3A_1437 : memref<1x64x128xf32, #tpu.memory_space<vmem>> -> memref<64x128xf32, #tpu.memory_space<vmem>>
      %dma_wait3A_1439 = arith.constant 0 : i32
      %dma_wait3A_1440 = tpu.memref_slice %arg12[%dma_wait3A_1433, %dma_wait3A_1439] : memref<8x64xi32, #tpu.memory_space<vmem>> -> memref<1x64xi32, #tpu.memory_space<vmem>>
      %dma_wait3A_1441 = tpu.memref_squeeze %dma_wait3A_1440 : memref<1x64xi32, #tpu.memory_space<vmem>> -> memref<64xi32, #tpu.memory_space<vmem>>
      %dma_wait3A_1442 = arith.constant 0 : i32
      %dma_wait3A_1443 = arith.constant 0 : i32
      %dma_wait3A_1444 = tpu.memref_slice %arg6[%dma_wait3A_1442, %dma_wait3A_1443] : memref<512x128xf32, #tpu.memory_space<hbm>> -> memref<512x128xf32, #tpu.memory_space<hbm>>
      tpu.wait_indirect_dma semaphore(%arg20 : memref<!tpu.dma_semaphore, #tpu.memory_space<semaphore_mem>>) src(%dma_wait3A_1444 : memref<512x128xf32, #tpu.memory_space<hbm>>) dst(%dma_wait3A_1438 : memref<64x128xf32, #tpu.memory_space<vmem>>)
      %dma_start3A_1445 = arith.constant 0 : i32
      %dma_start3A_1446 = arith.constant 6 : i32
      %dma_start3A_1447 = arith.constant 0 : i32
      %dma_start3A_1448 = arith.constant 0 : i32
      %dma_start3A_1449 = tpu.memref_slice %arg14[%dma_start3A_1445, %dma_start3A_1447, %dma_start3A_1448] : memref<2x64x128xf32, #tpu.memory_space<vmem>> -> memref<1x64x128xf32, #tpu.memory_space<vmem>>
      %dma_start3A_1450 = tpu.memref_squeeze %dma_start3A_1449 : memref<1x64x128xf32, #tpu.memory_space<vmem>> -> memref<64x128xf32, #tpu.memory_space<vmem>>
      %dma_start3A_1451 = arith.constant 0 : i32
      %dma_start3A_1452 = tpu.memref_slice %arg11[%dma_start3A_1446, %dma_start3A_1451] : memref<8x64xi32, #tpu.memory_space<vmem>> -> memref<1x64xi32, #tpu.memory_space<vmem>>
      %dma_start3A_1453 = tpu.memref_squeeze %dma_start3A_1452 : memref<1x64xi32, #tpu.memory_space<vmem>> -> memref<64xi32, #tpu.memory_space<vmem>>
      %dma_start3A_1454 = arith.constant 0 : i32
      %dma_start3A_1455 = arith.constant 0 : i32
      %dma_start3A_1456 = tpu.memref_slice %arg16[%dma_start3A_1454, %dma_start3A_1455] : memref<640x128xf32, #tpu.memory_space<vmem_shared>> -> memref<640x128xf32, #tpu.memory_space<vmem_shared>>
      tpu.enqueue_indirect_dma source(%dma_start3A_1450 : memref<64x128xf32, #tpu.memory_space<vmem>>) target(%dma_start3A_1456 : memref<640x128xf32, #tpu.memory_space<vmem_shared>>) offsets(%dma_start3A_1453 : memref<64xi32, #tpu.memory_space<vmem>>) semaphore(%arg25 : memref<!tpu.dma_semaphore, #tpu.memory_space<semaphore_mem>>) {add = true}
      %dma_wait3A_1457 = arith.constant 0 : i32
      %dma_wait3A_1458 = arith.constant 6 : i32
      %dma_wait3A_1459 = arith.constant 0 : i32
      %dma_wait3A_1460 = arith.constant 0 : i32
      %dma_wait3A_1461 = tpu.memref_slice %arg13[%dma_wait3A_1457, %dma_wait3A_1459, %dma_wait3A_1460] : memref<3x64x128xf32, #tpu.memory_space<vmem>> -> memref<1x64x128xf32, #tpu.memory_space<vmem>>
      %dma_wait3A_1462 = tpu.memref_squeeze %dma_wait3A_1461 : memref<1x64x128xf32, #tpu.memory_space<vmem>> -> memref<64x128xf32, #tpu.memory_space<vmem>>
      %dma_wait3A_1463 = arith.constant 0 : i32
      %dma_wait3A_1464 = tpu.memref_slice %arg10[%dma_wait3A_1458, %dma_wait3A_1463] : memref<8x64xi32, #tpu.memory_space<vmem>> -> memref<1x64xi32, #tpu.memory_space<vmem>>
      %dma_wait3A_1465 = tpu.memref_squeeze %dma_wait3A_1464 : memref<1x64xi32, #tpu.memory_space<vmem>> -> memref<64xi32, #tpu.memory_space<vmem>>
      %dma_wait3A_1466 = arith.constant 0 : i32
      %dma_wait3A_1467 = arith.constant 0 : i32
      %dma_wait3A_1468 = tpu.memref_slice %arg15[%dma_wait3A_1466, %dma_wait3A_1467] : memref<10112x128xf32, #tpu.memory_space<vmem_shared>> -> memref<10112x128xf32, #tpu.memory_space<vmem_shared>>
      tpu.wait_indirect_dma semaphore(%arg22 : memref<!tpu.dma_semaphore, #tpu.memory_space<semaphore_mem>>) src(%dma_wait3A_1462 : memref<64x128xf32, #tpu.memory_space<vmem>>) dst(%dma_wait3A_1468 : memref<10112x128xf32, #tpu.memory_space<vmem_shared>>)
      %dma_wait3A_1469 = arith.constant 0 : i32
      %dma_wait3A_1470 = arith.constant 6 : i32
      %dma_wait3A_1471 = arith.constant 0 : i32
      %dma_wait3A_1472 = arith.constant 0 : i32
      %dma_wait3A_1473 = tpu.memref_slice %arg14[%dma_wait3A_1469, %dma_wait3A_1471, %dma_wait3A_1472] : memref<2x64x128xf32, #tpu.memory_space<vmem>> -> memref<1x64x128xf32, #tpu.memory_space<vmem>>
      %dma_wait3A_1474 = tpu.memref_squeeze %dma_wait3A_1473 : memref<1x64x128xf32, #tpu.memory_space<vmem>> -> memref<64x128xf32, #tpu.memory_space<vmem>>
      %dma_wait3A_1475 = arith.constant 0 : i32
      %dma_wait3A_1476 = tpu.memref_slice %arg11[%dma_wait3A_1470, %dma_wait3A_1475] : memref<8x64xi32, #tpu.memory_space<vmem>> -> memref<1x64xi32, #tpu.memory_space<vmem>>
      %dma_wait3A_1477 = tpu.memref_squeeze %dma_wait3A_1476 : memref<1x64xi32, #tpu.memory_space<vmem>> -> memref<64xi32, #tpu.memory_space<vmem>>
      %dma_wait3A_1478 = arith.constant 0 : i32
      %dma_wait3A_1479 = arith.constant 0 : i32
      %dma_wait3A_1480 = tpu.memref_slice %arg16[%dma_wait3A_1478, %dma_wait3A_1479] : memref<640x128xf32, #tpu.memory_space<vmem_shared>> -> memref<640x128xf32, #tpu.memory_space<vmem_shared>>
      tpu.wait_indirect_dma semaphore(%arg25 : memref<!tpu.dma_semaphore, #tpu.memory_space<semaphore_mem>>) src(%dma_wait3A_1474 : memref<64x128xf32, #tpu.memory_space<vmem>>) dst(%dma_wait3A_1480 : memref<640x128xf32, #tpu.memory_space<vmem_shared>>)
      %dma_wait3A_1481 = arith.constant 1 : i32
      %dma_wait3A_1482 = arith.constant 0 : i32
      %dma_wait3A_1483 = arith.constant 0 : i32
      %dma_wait3A_1484 = tpu.memref_slice %arg13[%dma_wait3A_1481, %dma_wait3A_1482, %dma_wait3A_1483] : memref<3x64x128xf32, #tpu.memory_space<vmem>> -> memref<1x64x128xf32, #tpu.memory_space<vmem>>
      %dma_wait3A_1485 = tpu.memref_squeeze %dma_wait3A_1484 : memref<1x64x128xf32, #tpu.memory_space<vmem>> -> memref<64x128xf32, #tpu.memory_space<vmem>>
      %dma_wait3A_1486 = arith.constant 448 : i32
      %dma_wait3A_1487 = tpu.memref_slice %arg9[%dma_wait3A_1486] : memref<512xi32, #tpu.memory_space<vmem>> -> memref<64xi32, #tpu.memory_space<vmem>>
      %dma_wait3A_1488 = arith.constant 0 : i32
      %dma_wait3A_1489 = arith.constant 0 : i32
      %dma_wait3A_1490 = tpu.memref_slice %arg2[%dma_wait3A_1488, %dma_wait3A_1489] : memref<10000x128xf32, #tpu.memory_space<hbm>> -> memref<10000x128xf32, #tpu.memory_space<hbm>>
      tpu.wait_indirect_dma semaphore(%arg18 : memref<!tpu.dma_semaphore, #tpu.memory_space<semaphore_mem>>) src(%dma_wait3A_1490 : memref<10000x128xf32, #tpu.memory_space<hbm>>) dst(%dma_wait3A_1485 : memref<64x128xf32, #tpu.memory_space<vmem>>)
      %dma_start3A_1491 = arith.constant 1 : i32
      %dma_start3A_1492 = arith.constant 7 : i32
      %dma_start3A_1493 = arith.constant 0 : i32
      %dma_start3A_1494 = arith.constant 0 : i32
      %dma_start3A_1495 = tpu.memref_slice %arg13[%dma_start3A_1491, %dma_start3A_1493, %dma_start3A_1494] : memref<3x64x128xf32, #tpu.memory_space<vmem>> -> memref<1x64x128xf32, #tpu.memory_space<vmem>>
      %dma_start3A_1496 = tpu.memref_squeeze %dma_start3A_1495 : memref<1x64x128xf32, #tpu.memory_space<vmem>> -> memref<64x128xf32, #tpu.memory_space<vmem>>
      %dma_start3A_1497 = arith.constant 0 : i32
      %dma_start3A_1498 = tpu.memref_slice %arg10[%dma_start3A_1492, %dma_start3A_1497] : memref<8x64xi32, #tpu.memory_space<vmem>> -> memref<1x64xi32, #tpu.memory_space<vmem>>
      %dma_start3A_1499 = tpu.memref_squeeze %dma_start3A_1498 : memref<1x64xi32, #tpu.memory_space<vmem>> -> memref<64xi32, #tpu.memory_space<vmem>>
      %dma_start3A_1500 = arith.constant 0 : i32
      %dma_start3A_1501 = arith.constant 0 : i32
      %dma_start3A_1502 = tpu.memref_slice %arg15[%dma_start3A_1500, %dma_start3A_1501] : memref<10112x128xf32, #tpu.memory_space<vmem_shared>> -> memref<10112x128xf32, #tpu.memory_space<vmem_shared>>
      tpu.enqueue_indirect_dma source(%dma_start3A_1496 : memref<64x128xf32, #tpu.memory_space<vmem>>) target(%dma_start3A_1502 : memref<10112x128xf32, #tpu.memory_space<vmem_shared>>) offsets(%dma_start3A_1499 : memref<64xi32, #tpu.memory_space<vmem>>) semaphore(%arg23 : memref<!tpu.dma_semaphore, #tpu.memory_space<semaphore_mem>>) {add = true}
      %dma_wait3A_1503 = arith.constant 7 : i32
      %dma_wait3A_1504 = arith.constant 1 : i32
      %dma_wait3A_1505 = arith.constant 0 : i32
      %dma_wait3A_1506 = arith.constant 0 : i32
      %dma_wait3A_1507 = tpu.memref_slice %arg14[%dma_wait3A_1504, %dma_wait3A_1505, %dma_wait3A_1506] : memref<2x64x128xf32, #tpu.memory_space<vmem>> -> memref<1x64x128xf32, #tpu.memory_space<vmem>>
      %dma_wait3A_1508 = tpu.memref_squeeze %dma_wait3A_1507 : memref<1x64x128xf32, #tpu.memory_space<vmem>> -> memref<64x128xf32, #tpu.memory_space<vmem>>
      %dma_wait3A_1509 = arith.constant 0 : i32
      %dma_wait3A_1510 = tpu.memref_slice %arg12[%dma_wait3A_1503, %dma_wait3A_1509] : memref<8x64xi32, #tpu.memory_space<vmem>> -> memref<1x64xi32, #tpu.memory_space<vmem>>
      %dma_wait3A_1511 = tpu.memref_squeeze %dma_wait3A_1510 : memref<1x64xi32, #tpu.memory_space<vmem>> -> memref<64xi32, #tpu.memory_space<vmem>>
      %dma_wait3A_1512 = arith.constant 0 : i32
      %dma_wait3A_1513 = arith.constant 0 : i32
      %dma_wait3A_1514 = tpu.memref_slice %arg6[%dma_wait3A_1512, %dma_wait3A_1513] : memref<512x128xf32, #tpu.memory_space<hbm>> -> memref<512x128xf32, #tpu.memory_space<hbm>>
      tpu.wait_indirect_dma semaphore(%arg21 : memref<!tpu.dma_semaphore, #tpu.memory_space<semaphore_mem>>) src(%dma_wait3A_1514 : memref<512x128xf32, #tpu.memory_space<hbm>>) dst(%dma_wait3A_1508 : memref<64x128xf32, #tpu.memory_space<vmem>>)
      %dma_start3A_1515 = arith.constant 1 : i32
      %dma_start3A_1516 = arith.constant 7 : i32
      %dma_start3A_1517 = arith.constant 0 : i32
      %dma_start3A_1518 = arith.constant 0 : i32
      %dma_start3A_1519 = tpu.memref_slice %arg14[%dma_start3A_1515, %dma_start3A_1517, %dma_start3A_1518] : memref<2x64x128xf32, #tpu.memory_space<vmem>> -> memref<1x64x128xf32, #tpu.memory_space<vmem>>
      %dma_start3A_1520 = tpu.memref_squeeze %dma_start3A_1519 : memref<1x64x128xf32, #tpu.memory_space<vmem>> -> memref<64x128xf32, #tpu.memory_space<vmem>>
      %dma_start3A_1521 = arith.constant 0 : i32
      %dma_start3A_1522 = tpu.memref_slice %arg11[%dma_start3A_1516, %dma_start3A_1521] : memref<8x64xi32, #tpu.memory_space<vmem>> -> memref<1x64xi32, #tpu.memory_space<vmem>>
      %dma_start3A_1523 = tpu.memref_squeeze %dma_start3A_1522 : memref<1x64xi32, #tpu.memory_space<vmem>> -> memref<64xi32, #tpu.memory_space<vmem>>
      %dma_start3A_1524 = arith.constant 0 : i32
      %dma_start3A_1525 = arith.constant 0 : i32
      %dma_start3A_1526 = tpu.memref_slice %arg16[%dma_start3A_1524, %dma_start3A_1525] : memref<640x128xf32, #tpu.memory_space<vmem_shared>> -> memref<640x128xf32, #tpu.memory_space<vmem_shared>>
      tpu.enqueue_indirect_dma source(%dma_start3A_1520 : memref<64x128xf32, #tpu.memory_space<vmem>>) target(%dma_start3A_1526 : memref<640x128xf32, #tpu.memory_space<vmem_shared>>) offsets(%dma_start3A_1523 : memref<64xi32, #tpu.memory_space<vmem>>) semaphore(%arg26 : memref<!tpu.dma_semaphore, #tpu.memory_space<semaphore_mem>>) {add = true}
      %dma_wait3A_1527 = arith.constant 1 : i32
      %dma_wait3A_1528 = arith.constant 7 : i32
      %dma_wait3A_1529 = arith.constant 0 : i32
      %dma_wait3A_1530 = arith.constant 0 : i32
      %dma_wait3A_1531 = tpu.memref_slice %arg13[%dma_wait3A_1527, %dma_wait3A_1529, %dma_wait3A_1530] : memref<3x64x128xf32, #tpu.memory_space<vmem>> -> memref<1x64x128xf32, #tpu.memory_space<vmem>>
      %dma_wait3A_1532 = tpu.memref_squeeze %dma_wait3A_1531 : memref<1x64x128xf32, #tpu.memory_space<vmem>> -> memref<64x128xf32, #tpu.memory_space<vmem>>
      %dma_wait3A_1533 = arith.constant 0 : i32
      %dma_wait3A_1534 = tpu.memref_slice %arg10[%dma_wait3A_1528, %dma_wait3A_1533] : memref<8x64xi32, #tpu.memory_space<vmem>> -> memref<1x64xi32, #tpu.memory_space<vmem>>
      %dma_wait3A_1535 = tpu.memref_squeeze %dma_wait3A_1534 : memref<1x64xi32, #tpu.memory_space<vmem>> -> memref<64xi32, #tpu.memory_space<vmem>>
      %dma_wait3A_1536 = arith.constant 0 : i32
      %dma_wait3A_1537 = arith.constant 0 : i32
      %dma_wait3A_1538 = tpu.memref_slice %arg15[%dma_wait3A_1536, %dma_wait3A_1537] : memref<10112x128xf32, #tpu.memory_space<vmem_shared>> -> memref<10112x128xf32, #tpu.memory_space<vmem_shared>>
      tpu.wait_indirect_dma semaphore(%arg23 : memref<!tpu.dma_semaphore, #tpu.memory_space<semaphore_mem>>) src(%dma_wait3A_1532 : memref<64x128xf32, #tpu.memory_space<vmem>>) dst(%dma_wait3A_1538 : memref<10112x128xf32, #tpu.memory_space<vmem_shared>>)
      %dma_wait3A_1539 = arith.constant 1 : i32
      %dma_wait3A_1540 = arith.constant 7 : i32
      %dma_wait3A_1541 = arith.constant 0 : i32
      %dma_wait3A_1542 = arith.constant 0 : i32
      %dma_wait3A_1543 = tpu.memref_slice %arg14[%dma_wait3A_1539, %dma_wait3A_1541, %dma_wait3A_1542] : memref<2x64x128xf32, #tpu.memory_space<vmem>> -> memref<1x64x128xf32, #tpu.memory_space<vmem>>
      %dma_wait3A_1544 = tpu.memref_squeeze %dma_wait3A_1543 : memref<1x64x128xf32, #tpu.memory_space<vmem>> -> memref<64x128xf32, #tpu.memory_space<vmem>>
      %dma_wait3A_1545 = arith.constant 0 : i32
      %dma_wait3A_1546 = tpu.memref_slice %arg11[%dma_wait3A_1540, %dma_wait3A_1545] : memref<8x64xi32, #tpu.memory_space<vmem>> -> memref<1x64xi32, #tpu.memory_space<vmem>>
      %dma_wait3A_1547 = tpu.memref_squeeze %dma_wait3A_1546 : memref<1x64xi32, #tpu.memory_space<vmem>> -> memref<64xi32, #tpu.memory_space<vmem>>
      %dma_wait3A_1548 = arith.constant 0 : i32
      %dma_wait3A_1549 = arith.constant 0 : i32
      %dma_wait3A_1550 = tpu.memref_slice %arg16[%dma_wait3A_1548, %dma_wait3A_1549] : memref<640x128xf32, #tpu.memory_space<vmem_shared>> -> memref<640x128xf32, #tpu.memory_space<vmem_shared>>
      tpu.wait_indirect_dma semaphore(%arg26 : memref<!tpu.dma_semaphore, #tpu.memory_space<semaphore_mem>>) src(%dma_wait3A_1544 : memref<64x128xf32, #tpu.memory_space<vmem>>) dst(%dma_wait3A_1550 : memref<640x128xf32, #tpu.memory_space<vmem_shared>>)
    }
    %scan3A_13 = arith.constant 20 : i32
    %barrier3A_14 = arith.constant 0 : index
    tpu.barrier barrier_id(%barrier3A_14)
    "tpu.region"() ({
      %run_scoped3A = tpu.sem_alloc : memref<!tpu.dma_semaphore, #tpu.memory_space<semaphore_mem>>
      %dma_start3A = arith.constant 0 : i32
      %dma_start3A_15 = tpu.memref_slice %arg7[%arg0, %mul3A_0, %dma_start3A] : memref<2x10112x128xf32, #tpu.memory_space<hbm>> -> memref<1x632x128xf32, #tpu.memory_space<hbm>>
      %dma_start3A_16 = tpu.memref_squeeze %dma_start3A_15 : memref<1x632x128xf32, #tpu.memory_space<hbm>> -> memref<632x128xf32, #tpu.memory_space<hbm>>
      %dma_start3A_17 = arith.constant 0 : i32
      %dma_start3A_18 = tpu.memref_slice %arg15[%mul3A_0, %dma_start3A_17] : memref<10112x128xf32, #tpu.memory_space<vmem_shared>> -> memref<632x128xf32, #tpu.memory_space<vmem_shared>>
      tpu.enqueue_dma source(%dma_start3A_18 : memref<632x128xf32, #tpu.memory_space<vmem_shared>>) target(%dma_start3A_16 : memref<632x128xf32, #tpu.memory_space<hbm>>) target_semaphore(%run_scoped3A : memref<!tpu.dma_semaphore, #tpu.memory_space<semaphore_mem>>)
      %dma_wait3A = arith.constant 0 : i32
      %dma_wait3A_19 = tpu.memref_slice %arg7[%arg0, %mul3A_0, %dma_wait3A] : memref<2x10112x128xf32, #tpu.memory_space<hbm>> -> memref<1x632x128xf32, #tpu.memory_space<hbm>>
      %dma_wait3A_20 = tpu.memref_squeeze %dma_wait3A_19 : memref<1x632x128xf32, #tpu.memory_space<hbm>> -> memref<632x128xf32, #tpu.memory_space<hbm>>
      %dma_wait3A_21 = arith.constant 0 : i32
      %dma_wait3A_22 = tpu.memref_slice %arg15[%mul3A_0, %dma_wait3A_21] : memref<10112x128xf32, #tpu.memory_space<vmem_shared>> -> memref<632x128xf32, #tpu.memory_space<vmem_shared>>
      tpu.wait_dma2 semaphore(%run_scoped3A : memref<!tpu.dma_semaphore, #tpu.memory_space<semaphore_mem>>) src(%dma_wait3A_22 : memref<632x128xf32, #tpu.memory_space<vmem_shared>>) dst(%dma_wait3A_20 : memref<632x128xf32, #tpu.memory_space<hbm>>)
      tpu.yield
    }) : () -> ()
    "tpu.region"() ({
      %run_scoped3A = tpu.sem_alloc : memref<!tpu.dma_semaphore, #tpu.memory_space<semaphore_mem>>
      %dma_start3A = arith.constant 0 : i32
      %dma_start3A_15 = tpu.memref_slice %arg8[%arg0, %mul3A_2, %dma_start3A] : memref<2x640x128xf32, #tpu.memory_space<hbm>> -> memref<1x40x128xf32, #tpu.memory_space<hbm>>
      %dma_start3A_16 = tpu.memref_squeeze %dma_start3A_15 : memref<1x40x128xf32, #tpu.memory_space<hbm>> -> memref<40x128xf32, #tpu.memory_space<hbm>>
      %dma_start3A_17 = arith.constant 0 : i32
      %dma_start3A_18 = tpu.memref_slice %arg16[%mul3A_2, %dma_start3A_17] : memref<640x128xf32, #tpu.memory_space<vmem_shared>> -> memref<40x128xf32, #tpu.memory_space<vmem_shared>>
      tpu.enqueue_dma source(%dma_start3A_18 : memref<40x128xf32, #tpu.memory_space<vmem_shared>>) target(%dma_start3A_16 : memref<40x128xf32, #tpu.memory_space<hbm>>) target_semaphore(%run_scoped3A : memref<!tpu.dma_semaphore, #tpu.memory_space<semaphore_mem>>)
      %dma_wait3A = arith.constant 0 : i32
      %dma_wait3A_19 = tpu.memref_slice %arg8[%arg0, %mul3A_2, %dma_wait3A] : memref<2x640x128xf32, #tpu.memory_space<hbm>> -> memref<1x40x128xf32, #tpu.memory_space<hbm>>
      %dma_wait3A_20 = tpu.memref_squeeze %dma_wait3A_19 : memref<1x40x128xf32, #tpu.memory_space<hbm>> -> memref<40x128xf32, #tpu.memory_space<hbm>>
      %dma_wait3A_21 = arith.constant 0 : i32
      %dma_wait3A_22 = tpu.memref_slice %arg16[%mul3A_2, %dma_wait3A_21] : memref<640x128xf32, #tpu.memory_space<vmem_shared>> -> memref<40x128xf32, #tpu.memory_space<vmem_shared>>
      tpu.wait_dma2 semaphore(%run_scoped3A : memref<!tpu.dma_semaphore, #tpu.memory_space<semaphore_mem>>) src(%dma_wait3A_22 : memref<40x128xf32, #tpu.memory_space<vmem_shared>>) dst(%dma_wait3A_20 : memref<40x128xf32, #tpu.memory_space<hbm>>)
      tpu.yield
    }) : () -> ()
    return
  }
}

#map = affine_map<(d0, d1) -> (0, 0)>
#map1 = affine_map<(d0, d1) -> (0, 0, 0)>
module attributes {stable_mosaic.version = 14 : i64} {
  func.func @body(%arg0: i32, %arg1: i32, %arg2: memref<20000x128xf32, #tpu.memory_space<hbm>>, %arg3: memref<2x327680xi32, #tpu.memory_space<hbm>>, %arg4: memref<5120x64xi32, #tpu.memory_space<hbm>>, %arg5: memref<10112x128xf32, #tpu.memory_space<hbm>>, %arg6: memref<2x10112x128xf32, #tpu.memory_space<hbm>>, %arg7: memref<512xi32, #tpu.memory_space<vmem>>, %arg8: memref<8x64xi32, #tpu.memory_space<vmem>>, %arg9: memref<4x64x128xf32, #tpu.memory_space<vmem>>, %arg10: memref<10112x128xf32, #tpu.memory_space<vmem_shared>>, %arg11: memref<!tpu.dma_semaphore, #tpu.memory_space<semaphore_mem>>, %arg12: memref<!tpu.dma_semaphore, #tpu.memory_space<semaphore_mem>>, %arg13: memref<!tpu.dma_semaphore, #tpu.memory_space<semaphore_mem>>, %arg14: memref<!tpu.dma_semaphore, #tpu.memory_space<semaphore_mem>>, %arg15: memref<!tpu.dma_semaphore, #tpu.memory_space<semaphore_mem>>, %arg16: memref<!tpu.dma_semaphore, #tpu.memory_space<semaphore_mem>>, %arg17: memref<!tpu.dma_semaphore, #tpu.memory_space<semaphore_mem>>, %arg18: memref<!tpu.dma_semaphore, #tpu.memory_space<semaphore_mem>>) attributes {dimension_semantics = [#tpu.dimension_semantics<core_parallel>, #tpu.dimension_semantics<subcore_parallel>], iteration_bounds = array<i64: 2, 16>, scalar_prefetch = 0 : i64, scratch_operands = 12 : i64, tpu.core_type = #tpu.core_type<sc_vector_subcore>, window_params = [{transform_indices = #map}, {transform_indices = #map}, {transform_indices = #map}, {transform_indices = #map}, {transform_indices = #map1}]} {
    %mul3A = arith.constant 632 : i32
    %mul3A_0 = arith.muli %arg1, %mul3A : i32
    "tpu.region"() ({
      %run_scoped3A = tpu.sem_alloc : memref<!tpu.dma_semaphore, #tpu.memory_space<semaphore_mem>>
      %dma_start3A = arith.constant 0 : i32
      %dma_start3A_9 = tpu.memref_slice %arg10[%mul3A_0, %dma_start3A] : memref<10112x128xf32, #tpu.memory_space<vmem_shared>> -> memref<632x128xf32, #tpu.memory_space<vmem_shared>>
      %dma_start3A_10 = arith.constant 0 : i32
      %dma_start3A_11 = tpu.memref_slice %arg5[%mul3A_0, %dma_start3A_10] : memref<10112x128xf32, #tpu.memory_space<hbm>> -> memref<632x128xf32, #tpu.memory_space<hbm>>
      tpu.enqueue_dma source(%dma_start3A_11 : memref<632x128xf32, #tpu.memory_space<hbm>>) target(%dma_start3A_9 : memref<632x128xf32, #tpu.memory_space<vmem_shared>>) target_semaphore(%run_scoped3A : memref<!tpu.dma_semaphore, #tpu.memory_space<semaphore_mem>>)
      %dma_wait3A = arith.constant 0 : i32
      %dma_wait3A_12 = tpu.memref_slice %arg10[%mul3A_0, %dma_wait3A] : memref<10112x128xf32, #tpu.memory_space<vmem_shared>> -> memref<632x128xf32, #tpu.memory_space<vmem_shared>>
      %dma_wait3A_13 = arith.constant 0 : i32
      %dma_wait3A_14 = tpu.memref_slice %arg5[%mul3A_0, %dma_wait3A_13] : memref<10112x128xf32, #tpu.memory_space<hbm>> -> memref<632x128xf32, #tpu.memory_space<hbm>>
      tpu.wait_dma2 semaphore(%run_scoped3A : memref<!tpu.dma_semaphore, #tpu.memory_space<semaphore_mem>>) src(%dma_wait3A_14 : memref<632x128xf32, #tpu.memory_space<hbm>>) dst(%dma_wait3A_12 : memref<632x128xf32, #tpu.memory_space<vmem_shared>>)
      tpu.yield
    }) : () -> ()
    %barrier3A = arith.constant 0 : index
    tpu.barrier barrier_id(%barrier3A)
    %mul3A_1 = arith.constant 320 : i32
    %mul3A_2 = arith.muli %arg1, %mul3A_1 : i32
    %scan3A = arith.constant 0 : i32
    %scan3A_3 = arith.constant 0 : i32
    %scan3A_4 = arith.constant 40 : i32
    %scan3A_5 = arith.addi %scan3A_3, %scan3A_4 : i32
    %scan3A_6 = arith.constant 1 : i32
    scf.for %scan3A_9 = %scan3A_3 to %scan3A_5 step %scan3A_6  : i32 {
      %mul3A_10 = arith.constant 8 : i32
      %mul3A_11 = arith.muli %scan3A_9, %mul3A_10 : i32
      %add3A = arith.addi %mul3A_2, %mul3A_11 : i32
      %mul3A_12 = arith.constant 64 : i32
      %mul3A_13 = arith.muli %add3A, %mul3A_12 : i32
      "tpu.region"() ({
        %run_scoped3A = tpu.sem_alloc : memref<!tpu.dma_semaphore, #tpu.memory_space<semaphore_mem>>
        %dma_start3A_364 = tpu.memref_slice %arg3[%arg0, %mul3A_13] : memref<2x327680xi32, #tpu.memory_space<hbm>> -> memref<1x512xi32, #tpu.memory_space<hbm>>
        %dma_start3A_365 = tpu.memref_squeeze %dma_start3A_364 : memref<1x512xi32, #tpu.memory_space<hbm>> -> memref<512xi32, #tpu.memory_space<hbm>>
        %dma_start3A_366 = tpu.memref_slice %arg3[%arg0, %mul3A_13] : memref<2x327680xi32, #tpu.memory_space<hbm>> -> memref<1x512xi32, #tpu.memory_space<hbm>>
        %dma_start3A_367 = tpu.memref_squeeze %dma_start3A_366 : memref<1x512xi32, #tpu.memory_space<hbm>> -> memref<512xi32, #tpu.memory_space<hbm>>
        tpu.enqueue_dma source(%dma_start3A_367 : memref<512xi32, #tpu.memory_space<hbm>>) target(%arg7 : memref<512xi32, #tpu.memory_space<vmem>>) target_semaphore(%run_scoped3A : memref<!tpu.dma_semaphore, #tpu.memory_space<semaphore_mem>>)
        %dma_wait3A_368 = tpu.memref_slice %arg3[%arg0, %mul3A_13] : memref<2x327680xi32, #tpu.memory_space<hbm>> -> memref<1x512xi32, #tpu.memory_space<hbm>>
        %dma_wait3A_369 = tpu.memref_squeeze %dma_wait3A_368 : memref<1x512xi32, #tpu.memory_space<hbm>> -> memref<512xi32, #tpu.memory_space<hbm>>
        %dma_wait3A_370 = tpu.memref_slice %arg3[%arg0, %mul3A_13] : memref<2x327680xi32, #tpu.memory_space<hbm>> -> memref<1x512xi32, #tpu.memory_space<hbm>>
        %dma_wait3A_371 = tpu.memref_squeeze %dma_wait3A_370 : memref<1x512xi32, #tpu.memory_space<hbm>> -> memref<512xi32, #tpu.memory_space<hbm>>
        tpu.wait_dma2 semaphore(%run_scoped3A : memref<!tpu.dma_semaphore, #tpu.memory_space<semaphore_mem>>) src(%dma_wait3A_371 : memref<512xi32, #tpu.memory_space<hbm>>) dst(%arg7 : memref<512xi32, #tpu.memory_space<vmem>>)
        tpu.yield
      }) : () -> ()
      "tpu.region"() ({
        %run_scoped3A = tpu.sem_alloc : memref<!tpu.dma_semaphore, #tpu.memory_space<semaphore_mem>>
        %dma_start3A_364 = arith.constant 0 : i32
        %dma_start3A_365 = tpu.memref_slice %arg4[%add3A, %dma_start3A_364] : memref<5120x64xi32, #tpu.memory_space<hbm>> -> memref<8x64xi32, #tpu.memory_space<hbm>>
        %dma_start3A_366 = arith.constant 0 : i32
        %dma_start3A_367 = tpu.memref_slice %arg4[%add3A, %dma_start3A_366] : memref<5120x64xi32, #tpu.memory_space<hbm>> -> memref<8x64xi32, #tpu.memory_space<hbm>>
        tpu.enqueue_dma source(%dma_start3A_367 : memref<8x64xi32, #tpu.memory_space<hbm>>) target(%arg8 : memref<8x64xi32, #tpu.memory_space<vmem>>) target_semaphore(%run_scoped3A : memref<!tpu.dma_semaphore, #tpu.memory_space<semaphore_mem>>)
        %dma_wait3A_368 = arith.constant 0 : i32
        %dma_wait3A_369 = tpu.memref_slice %arg4[%add3A, %dma_wait3A_368] : memref<5120x64xi32, #tpu.memory_space<hbm>> -> memref<8x64xi32, #tpu.memory_space<hbm>>
        %dma_wait3A_370 = arith.constant 0 : i32
        %dma_wait3A_371 = tpu.memref_slice %arg4[%add3A, %dma_wait3A_370] : memref<5120x64xi32, #tpu.memory_space<hbm>> -> memref<8x64xi32, #tpu.memory_space<hbm>>
        tpu.wait_dma2 semaphore(%run_scoped3A : memref<!tpu.dma_semaphore, #tpu.memory_space<semaphore_mem>>) src(%dma_wait3A_371 : memref<8x64xi32, #tpu.memory_space<hbm>>) dst(%arg8 : memref<8x64xi32, #tpu.memory_space<vmem>>)
        tpu.yield
      }) : () -> ()
      %dma_start3A = arith.constant 0 : i32
      %dma_start3A_14 = arith.constant 0 : i32
      %dma_start3A_15 = arith.constant 0 : i32
      %dma_start3A_16 = tpu.memref_slice %arg9[%dma_start3A, %dma_start3A_14, %dma_start3A_15] : memref<4x64x128xf32, #tpu.memory_space<vmem>> -> memref<1x64x128xf32, #tpu.memory_space<vmem>>
      %dma_start3A_17 = tpu.memref_squeeze %dma_start3A_16 : memref<1x64x128xf32, #tpu.memory_space<vmem>> -> memref<64x128xf32, #tpu.memory_space<vmem>>
      %dma_start3A_18 = arith.constant 0 : i32
      %dma_start3A_19 = tpu.memref_slice %arg7[%dma_start3A_18] : memref<512xi32, #tpu.memory_space<vmem>> -> memref<64xi32, #tpu.memory_space<vmem>>
      %dma_start3A_20 = arith.constant 0 : i32
      %dma_start3A_21 = arith.constant 0 : i32
      %dma_start3A_22 = tpu.memref_slice %arg2[%dma_start3A_20, %dma_start3A_21] : memref<20000x128xf32, #tpu.memory_space<hbm>> -> memref<20000x128xf32, #tpu.memory_space<hbm>>
      tpu.enqueue_indirect_dma source(%dma_start3A_22 : memref<20000x128xf32, #tpu.memory_space<hbm>>) target(%dma_start3A_17 : memref<64x128xf32, #tpu.memory_space<vmem>>) offsets(%dma_start3A_19 : memref<64xi32, #tpu.memory_space<vmem>>) semaphore(%arg11 : memref<!tpu.dma_semaphore, #tpu.memory_space<semaphore_mem>>)
      %dma_start3A_23 = arith.constant 1 : i32
      %dma_start3A_24 = arith.constant 0 : i32
      %dma_start3A_25 = arith.constant 0 : i32
      %dma_start3A_26 = tpu.memref_slice %arg9[%dma_start3A_23, %dma_start3A_24, %dma_start3A_25] : memref<4x64x128xf32, #tpu.memory_space<vmem>> -> memref<1x64x128xf32, #tpu.memory_space<vmem>>
      %dma_start3A_27 = tpu.memref_squeeze %dma_start3A_26 : memref<1x64x128xf32, #tpu.memory_space<vmem>> -> memref<64x128xf32, #tpu.memory_space<vmem>>
      %dma_start3A_28 = arith.constant 64 : i32
      %dma_start3A_29 = tpu.memref_slice %arg7[%dma_start3A_28] : memref<512xi32, #tpu.memory_space<vmem>> -> memref<64xi32, #tpu.memory_space<vmem>>
      %dma_start3A_30 = arith.constant 0 : i32
      %dma_start3A_31 = arith.constant 0 : i32
      %dma_start3A_32 = tpu.memref_slice %arg2[%dma_start3A_30, %dma_start3A_31] : memref<20000x128xf32, #tpu.memory_space<hbm>> -> memref<20000x128xf32, #tpu.memory_space<hbm>>
      tpu.enqueue_indirect_dma source(%dma_start3A_32 : memref<20000x128xf32, #tpu.memory_space<hbm>>) target(%dma_start3A_27 : memref<64x128xf32, #tpu.memory_space<vmem>>) offsets(%dma_start3A_29 : memref<64xi32, #tpu.memory_space<vmem>>) semaphore(%arg12 : memref<!tpu.dma_semaphore, #tpu.memory_space<semaphore_mem>>)
      %dma_start3A_33 = arith.constant 2 : i32
      %dma_start3A_34 = arith.constant 0 : i32
      %dma_start3A_35 = arith.constant 0 : i32
      %dma_start3A_36 = tpu.memref_slice %arg9[%dma_start3A_33, %dma_start3A_34, %dma_start3A_35] : memref<4x64x128xf32, #tpu.memory_space<vmem>> -> memref<1x64x128xf32, #tpu.memory_space<vmem>>
      %dma_start3A_37 = tpu.memref_squeeze %dma_start3A_36 : memref<1x64x128xf32, #tpu.memory_space<vmem>> -> memref<64x128xf32, #tpu.memory_space<vmem>>
      %dma_start3A_38 = arith.constant 128 : i32
      %dma_start3A_39 = tpu.memref_slice %arg7[%dma_start3A_38] : memref<512xi32, #tpu.memory_space<vmem>> -> memref<64xi32, #tpu.memory_space<vmem>>
      %dma_start3A_40 = arith.constant 0 : i32
      %dma_start3A_41 = arith.constant 0 : i32
      %dma_start3A_42 = tpu.memref_slice %arg2[%dma_start3A_40, %dma_start3A_41] : memref<20000x128xf32, #tpu.memory_space<hbm>> -> memref<20000x128xf32, #tpu.memory_space<hbm>>
      tpu.enqueue_indirect_dma source(%dma_start3A_42 : memref<20000x128xf32, #tpu.memory_space<hbm>>) target(%dma_start3A_37 : memref<64x128xf32, #tpu.memory_space<vmem>>) offsets(%dma_start3A_39 : memref<64xi32, #tpu.memory_space<vmem>>) semaphore(%arg13 : memref<!tpu.dma_semaphore, #tpu.memory_space<semaphore_mem>>)
      %dma_start3A_43 = arith.constant 3 : i32
      %dma_start3A_44 = arith.constant 0 : i32
      %dma_start3A_45 = arith.constant 0 : i32
      %dma_start3A_46 = tpu.memref_slice %arg9[%dma_start3A_43, %dma_start3A_44, %dma_start3A_45] : memref<4x64x128xf32, #tpu.memory_space<vmem>> -> memref<1x64x128xf32, #tpu.memory_space<vmem>>
      %dma_start3A_47 = tpu.memref_squeeze %dma_start3A_46 : memref<1x64x128xf32, #tpu.memory_space<vmem>> -> memref<64x128xf32, #tpu.memory_space<vmem>>
      %dma_start3A_48 = arith.constant 192 : i32
      %dma_start3A_49 = tpu.memref_slice %arg7[%dma_start3A_48] : memref<512xi32, #tpu.memory_space<vmem>> -> memref<64xi32, #tpu.memory_space<vmem>>
      %dma_start3A_50 = arith.constant 0 : i32
      %dma_start3A_51 = arith.constant 0 : i32
      %dma_start3A_52 = tpu.memref_slice %arg2[%dma_start3A_50, %dma_start3A_51] : memref<20000x128xf32, #tpu.memory_space<hbm>> -> memref<20000x128xf32, #tpu.memory_space<hbm>>
      tpu.enqueue_indirect_dma source(%dma_start3A_52 : memref<20000x128xf32, #tpu.memory_space<hbm>>) target(%dma_start3A_47 : memref<64x128xf32, #tpu.memory_space<vmem>>) offsets(%dma_start3A_49 : memref<64xi32, #tpu.memory_space<vmem>>) semaphore(%arg14 : memref<!tpu.dma_semaphore, #tpu.memory_space<semaphore_mem>>)
      %dma_wait3A = arith.constant 0 : i32
      %dma_wait3A_53 = arith.constant 0 : i32
      %dma_wait3A_54 = arith.constant 0 : i32
      %dma_wait3A_55 = tpu.memref_slice %arg9[%dma_wait3A, %dma_wait3A_53, %dma_wait3A_54] : memref<4x64x128xf32, #tpu.memory_space<vmem>> -> memref<1x64x128xf32, #tpu.memory_space<vmem>>
      %dma_wait3A_56 = tpu.memref_squeeze %dma_wait3A_55 : memref<1x64x128xf32, #tpu.memory_space<vmem>> -> memref<64x128xf32, #tpu.memory_space<vmem>>
      %dma_wait3A_57 = arith.constant 0 : i32
      %dma_wait3A_58 = tpu.memref_slice %arg7[%dma_wait3A_57] : memref<512xi32, #tpu.memory_space<vmem>> -> memref<64xi32, #tpu.memory_space<vmem>>
      %dma_wait3A_59 = arith.constant 0 : i32
      %dma_wait3A_60 = arith.constant 0 : i32
      %dma_wait3A_61 = tpu.memref_slice %arg2[%dma_wait3A_59, %dma_wait3A_60] : memref<20000x128xf32, #tpu.memory_space<hbm>> -> memref<20000x128xf32, #tpu.memory_space<hbm>>
      tpu.wait_indirect_dma semaphore(%arg11 : memref<!tpu.dma_semaphore, #tpu.memory_space<semaphore_mem>>) src(%dma_wait3A_61 : memref<20000x128xf32, #tpu.memory_space<hbm>>) dst(%dma_wait3A_56 : memref<64x128xf32, #tpu.memory_space<vmem>>)
      %dma_start3A_62 = arith.constant 0 : i32
      %dma_start3A_63 = arith.constant 0 : i32
      %dma_start3A_64 = arith.constant 0 : i32
      %dma_start3A_65 = arith.constant 0 : i32
      %dma_start3A_66 = tpu.memref_slice %arg9[%dma_start3A_62, %dma_start3A_64, %dma_start3A_65] : memref<4x64x128xf32, #tpu.memory_space<vmem>> -> memref<1x64x128xf32, #tpu.memory_space<vmem>>
      %dma_start3A_67 = tpu.memref_squeeze %dma_start3A_66 : memref<1x64x128xf32, #tpu.memory_space<vmem>> -> memref<64x128xf32, #tpu.memory_space<vmem>>
      %dma_start3A_68 = arith.constant 0 : i32
      %dma_start3A_69 = tpu.memref_slice %arg8[%dma_start3A_63, %dma_start3A_68] : memref<8x64xi32, #tpu.memory_space<vmem>> -> memref<1x64xi32, #tpu.memory_space<vmem>>
      %dma_start3A_70 = tpu.memref_squeeze %dma_start3A_69 : memref<1x64xi32, #tpu.memory_space<vmem>> -> memref<64xi32, #tpu.memory_space<vmem>>
      %dma_start3A_71 = arith.constant 0 : i32
      %dma_start3A_72 = arith.constant 0 : i32
      %dma_start3A_73 = tpu.memref_slice %arg10[%dma_start3A_71, %dma_start3A_72] : memref<10112x128xf32, #tpu.memory_space<vmem_shared>> -> memref<10112x128xf32, #tpu.memory_space<vmem_shared>>
      tpu.enqueue_indirect_dma source(%dma_start3A_67 : memref<64x128xf32, #tpu.memory_space<vmem>>) target(%dma_start3A_73 : memref<10112x128xf32, #tpu.memory_space<vmem_shared>>) offsets(%dma_start3A_70 : memref<64xi32, #tpu.memory_space<vmem>>) semaphore(%arg15 : memref<!tpu.dma_semaphore, #tpu.memory_space<semaphore_mem>>) {add = true}
      %dma_wait3A_74 = arith.constant 0 : i32
      %dma_wait3A_75 = arith.constant 0 : i32
      %dma_wait3A_76 = arith.constant 0 : i32
      %dma_wait3A_77 = arith.constant 0 : i32
      %dma_wait3A_78 = tpu.memref_slice %arg9[%dma_wait3A_74, %dma_wait3A_76, %dma_wait3A_77] : memref<4x64x128xf32, #tpu.memory_space<vmem>> -> memref<1x64x128xf32, #tpu.memory_space<vmem>>
      %dma_wait3A_79 = tpu.memref_squeeze %dma_wait3A_78 : memref<1x64x128xf32, #tpu.memory_space<vmem>> -> memref<64x128xf32, #tpu.memory_space<vmem>>
      %dma_wait3A_80 = arith.constant 0 : i32
      %dma_wait3A_81 = tpu.memref_slice %arg8[%dma_wait3A_75, %dma_wait3A_80] : memref<8x64xi32, #tpu.memory_space<vmem>> -> memref<1x64xi32, #tpu.memory_space<vmem>>
      %dma_wait3A_82 = tpu.memref_squeeze %dma_wait3A_81 : memref<1x64xi32, #tpu.memory_space<vmem>> -> memref<64xi32, #tpu.memory_space<vmem>>
      %dma_wait3A_83 = arith.constant 0 : i32
      %dma_wait3A_84 = arith.constant 0 : i32
      %dma_wait3A_85 = tpu.memref_slice %arg10[%dma_wait3A_83, %dma_wait3A_84] : memref<10112x128xf32, #tpu.memory_space<vmem_shared>> -> memref<10112x128xf32, #tpu.memory_space<vmem_shared>>
      tpu.wait_indirect_dma semaphore(%arg15 : memref<!tpu.dma_semaphore, #tpu.memory_space<semaphore_mem>>) src(%dma_wait3A_79 : memref<64x128xf32, #tpu.memory_space<vmem>>) dst(%dma_wait3A_85 : memref<10112x128xf32, #tpu.memory_space<vmem_shared>>)
      %dma_start3A_86 = arith.constant 0 : i32
      %dma_start3A_87 = arith.constant 0 : i32
      %dma_start3A_88 = arith.constant 0 : i32
      %dma_start3A_89 = tpu.memref_slice %arg9[%dma_start3A_86, %dma_start3A_87, %dma_start3A_88] : memref<4x64x128xf32, #tpu.memory_space<vmem>> -> memref<1x64x128xf32, #tpu.memory_space<vmem>>
      %dma_start3A_90 = tpu.memref_squeeze %dma_start3A_89 : memref<1x64x128xf32, #tpu.memory_space<vmem>> -> memref<64x128xf32, #tpu.memory_space<vmem>>
      %dma_start3A_91 = arith.constant 256 : i32
      %dma_start3A_92 = tpu.memref_slice %arg7[%dma_start3A_91] : memref<512xi32, #tpu.memory_space<vmem>> -> memref<64xi32, #tpu.memory_space<vmem>>
      %dma_start3A_93 = arith.constant 0 : i32
      %dma_start3A_94 = arith.constant 0 : i32
      %dma_start3A_95 = tpu.memref_slice %arg2[%dma_start3A_93, %dma_start3A_94] : memref<20000x128xf32, #tpu.memory_space<hbm>> -> memref<20000x128xf32, #tpu.memory_space<hbm>>
      tpu.enqueue_indirect_dma source(%dma_start3A_95 : memref<20000x128xf32, #tpu.memory_space<hbm>>) target(%dma_start3A_90 : memref<64x128xf32, #tpu.memory_space<vmem>>) offsets(%dma_start3A_92 : memref<64xi32, #tpu.memory_space<vmem>>) semaphore(%arg11 : memref<!tpu.dma_semaphore, #tpu.memory_space<semaphore_mem>>)
      %dma_wait3A_96 = arith.constant 1 : i32
      %dma_wait3A_97 = arith.constant 0 : i32
      %dma_wait3A_98 = arith.constant 0 : i32
      %dma_wait3A_99 = tpu.memref_slice %arg9[%dma_wait3A_96, %dma_wait3A_97, %dma_wait3A_98] : memref<4x64x128xf32, #tpu.memory_space<vmem>> -> memref<1x64x128xf32, #tpu.memory_space<vmem>>
      %dma_wait3A_100 = tpu.memref_squeeze %dma_wait3A_99 : memref<1x64x128xf32, #tpu.memory_space<vmem>> -> memref<64x128xf32, #tpu.memory_space<vmem>>
      %dma_wait3A_101 = arith.constant 64 : i32
      %dma_wait3A_102 = tpu.memref_slice %arg7[%dma_wait3A_101] : memref<512xi32, #tpu.memory_space<vmem>> -> memref<64xi32, #tpu.memory_space<vmem>>
      %dma_wait3A_103 = arith.constant 0 : i32
      %dma_wait3A_104 = arith.constant 0 : i32
      %dma_wait3A_105 = tpu.memref_slice %arg2[%dma_wait3A_103, %dma_wait3A_104] : memref<20000x128xf32, #tpu.memory_space<hbm>> -> memref<20000x128xf32, #tpu.memory_space<hbm>>
      tpu.wait_indirect_dma semaphore(%arg12 : memref<!tpu.dma_semaphore, #tpu.memory_space<semaphore_mem>>) src(%dma_wait3A_105 : memref<20000x128xf32, #tpu.memory_space<hbm>>) dst(%dma_wait3A_100 : memref<64x128xf32, #tpu.memory_space<vmem>>)
      %dma_start3A_106 = arith.constant 1 : i32
      %dma_start3A_107 = arith.constant 1 : i32
      %dma_start3A_108 = arith.constant 0 : i32
      %dma_start3A_109 = arith.constant 0 : i32
      %dma_start3A_110 = tpu.memref_slice %arg9[%dma_start3A_106, %dma_start3A_108, %dma_start3A_109] : memref<4x64x128xf32, #tpu.memory_space<vmem>> -> memref<1x64x128xf32, #tpu.memory_space<vmem>>
      %dma_start3A_111 = tpu.memref_squeeze %dma_start3A_110 : memref<1x64x128xf32, #tpu.memory_space<vmem>> -> memref<64x128xf32, #tpu.memory_space<vmem>>
      %dma_start3A_112 = arith.constant 0 : i32
      %dma_start3A_113 = tpu.memref_slice %arg8[%dma_start3A_107, %dma_start3A_112] : memref<8x64xi32, #tpu.memory_space<vmem>> -> memref<1x64xi32, #tpu.memory_space<vmem>>
      %dma_start3A_114 = tpu.memref_squeeze %dma_start3A_113 : memref<1x64xi32, #tpu.memory_space<vmem>> -> memref<64xi32, #tpu.memory_space<vmem>>
      %dma_start3A_115 = arith.constant 0 : i32
      %dma_start3A_116 = arith.constant 0 : i32
      %dma_start3A_117 = tpu.memref_slice %arg10[%dma_start3A_115, %dma_start3A_116] : memref<10112x128xf32, #tpu.memory_space<vmem_shared>> -> memref<10112x128xf32, #tpu.memory_space<vmem_shared>>
      tpu.enqueue_indirect_dma source(%dma_start3A_111 : memref<64x128xf32, #tpu.memory_space<vmem>>) target(%dma_start3A_117 : memref<10112x128xf32, #tpu.memory_space<vmem_shared>>) offsets(%dma_start3A_114 : memref<64xi32, #tpu.memory_space<vmem>>) semaphore(%arg16 : memref<!tpu.dma_semaphore, #tpu.memory_space<semaphore_mem>>) {add = true}
      %dma_wait3A_118 = arith.constant 1 : i32
      %dma_wait3A_119 = arith.constant 1 : i32
      %dma_wait3A_120 = arith.constant 0 : i32
      %dma_wait3A_121 = arith.constant 0 : i32
      %dma_wait3A_122 = tpu.memref_slice %arg9[%dma_wait3A_118, %dma_wait3A_120, %dma_wait3A_121] : memref<4x64x128xf32, #tpu.memory_space<vmem>> -> memref<1x64x128xf32, #tpu.memory_space<vmem>>
      %dma_wait3A_123 = tpu.memref_squeeze %dma_wait3A_122 : memref<1x64x128xf32, #tpu.memory_space<vmem>> -> memref<64x128xf32, #tpu.memory_space<vmem>>
      %dma_wait3A_124 = arith.constant 0 : i32
      %dma_wait3A_125 = tpu.memref_slice %arg8[%dma_wait3A_119, %dma_wait3A_124] : memref<8x64xi32, #tpu.memory_space<vmem>> -> memref<1x64xi32, #tpu.memory_space<vmem>>
      %dma_wait3A_126 = tpu.memref_squeeze %dma_wait3A_125 : memref<1x64xi32, #tpu.memory_space<vmem>> -> memref<64xi32, #tpu.memory_space<vmem>>
      %dma_wait3A_127 = arith.constant 0 : i32
      %dma_wait3A_128 = arith.constant 0 : i32
      %dma_wait3A_129 = tpu.memref_slice %arg10[%dma_wait3A_127, %dma_wait3A_128] : memref<10112x128xf32, #tpu.memory_space<vmem_shared>> -> memref<10112x128xf32, #tpu.memory_space<vmem_shared>>
      tpu.wait_indirect_dma semaphore(%arg16 : memref<!tpu.dma_semaphore, #tpu.memory_space<semaphore_mem>>) src(%dma_wait3A_123 : memref<64x128xf32, #tpu.memory_space<vmem>>) dst(%dma_wait3A_129 : memref<10112x128xf32, #tpu.memory_space<vmem_shared>>)
      %dma_start3A_130 = arith.constant 1 : i32
      %dma_start3A_131 = arith.constant 0 : i32
      %dma_start3A_132 = arith.constant 0 : i32
      %dma_start3A_133 = tpu.memref_slice %arg9[%dma_start3A_130, %dma_start3A_131, %dma_start3A_132] : memref<4x64x128xf32, #tpu.memory_space<vmem>> -> memref<1x64x128xf32, #tpu.memory_space<vmem>>
      %dma_start3A_134 = tpu.memref_squeeze %dma_start3A_133 : memref<1x64x128xf32, #tpu.memory_space<vmem>> -> memref<64x128xf32, #tpu.memory_space<vmem>>
      %dma_start3A_135 = arith.constant 320 : i32
      %dma_start3A_136 = tpu.memref_slice %arg7[%dma_start3A_135] : memref<512xi32, #tpu.memory_space<vmem>> -> memref<64xi32, #tpu.memory_space<vmem>>
      %dma_start3A_137 = arith.constant 0 : i32
      %dma_start3A_138 = arith.constant 0 : i32
      %dma_start3A_139 = tpu.memref_slice %arg2[%dma_start3A_137, %dma_start3A_138] : memref<20000x128xf32, #tpu.memory_space<hbm>> -> memref<20000x128xf32, #tpu.memory_space<hbm>>
      tpu.enqueue_indirect_dma source(%dma_start3A_139 : memref<20000x128xf32, #tpu.memory_space<hbm>>) target(%dma_start3A_134 : memref<64x128xf32, #tpu.memory_space<vmem>>) offsets(%dma_start3A_136 : memref<64xi32, #tpu.memory_space<vmem>>) semaphore(%arg12 : memref<!tpu.dma_semaphore, #tpu.memory_space<semaphore_mem>>)
      %dma_wait3A_140 = arith.constant 2 : i32
      %dma_wait3A_141 = arith.constant 0 : i32
      %dma_wait3A_142 = arith.constant 0 : i32
      %dma_wait3A_143 = tpu.memref_slice %arg9[%dma_wait3A_140, %dma_wait3A_141, %dma_wait3A_142] : memref<4x64x128xf32, #tpu.memory_space<vmem>> -> memref<1x64x128xf32, #tpu.memory_space<vmem>>
      %dma_wait3A_144 = tpu.memref_squeeze %dma_wait3A_143 : memref<1x64x128xf32, #tpu.memory_space<vmem>> -> memref<64x128xf32, #tpu.memory_space<vmem>>
      %dma_wait3A_145 = arith.constant 128 : i32
      %dma_wait3A_146 = tpu.memref_slice %arg7[%dma_wait3A_145] : memref<512xi32, #tpu.memory_space<vmem>> -> memref<64xi32, #tpu.memory_space<vmem>>
      %dma_wait3A_147 = arith.constant 0 : i32
      %dma_wait3A_148 = arith.constant 0 : i32
      %dma_wait3A_149 = tpu.memref_slice %arg2[%dma_wait3A_147, %dma_wait3A_148] : memref<20000x128xf32, #tpu.memory_space<hbm>> -> memref<20000x128xf32, #tpu.memory_space<hbm>>
      tpu.wait_indirect_dma semaphore(%arg13 : memref<!tpu.dma_semaphore, #tpu.memory_space<semaphore_mem>>) src(%dma_wait3A_149 : memref<20000x128xf32, #tpu.memory_space<hbm>>) dst(%dma_wait3A_144 : memref<64x128xf32, #tpu.memory_space<vmem>>)
      %dma_start3A_150 = arith.constant 2 : i32
      %dma_start3A_151 = arith.constant 2 : i32
      %dma_start3A_152 = arith.constant 0 : i32
      %dma_start3A_153 = arith.constant 0 : i32
      %dma_start3A_154 = tpu.memref_slice %arg9[%dma_start3A_150, %dma_start3A_152, %dma_start3A_153] : memref<4x64x128xf32, #tpu.memory_space<vmem>> -> memref<1x64x128xf32, #tpu.memory_space<vmem>>
      %dma_start3A_155 = tpu.memref_squeeze %dma_start3A_154 : memref<1x64x128xf32, #tpu.memory_space<vmem>> -> memref<64x128xf32, #tpu.memory_space<vmem>>
      %dma_start3A_156 = arith.constant 0 : i32
      %dma_start3A_157 = tpu.memref_slice %arg8[%dma_start3A_151, %dma_start3A_156] : memref<8x64xi32, #tpu.memory_space<vmem>> -> memref<1x64xi32, #tpu.memory_space<vmem>>
      %dma_start3A_158 = tpu.memref_squeeze %dma_start3A_157 : memref<1x64xi32, #tpu.memory_space<vmem>> -> memref<64xi32, #tpu.memory_space<vmem>>
      %dma_start3A_159 = arith.constant 0 : i32
      %dma_start3A_160 = arith.constant 0 : i32
      %dma_start3A_161 = tpu.memref_slice %arg10[%dma_start3A_159, %dma_start3A_160] : memref<10112x128xf32, #tpu.memory_space<vmem_shared>> -> memref<10112x128xf32, #tpu.memory_space<vmem_shared>>
      tpu.enqueue_indirect_dma source(%dma_start3A_155 : memref<64x128xf32, #tpu.memory_space<vmem>>) target(%dma_start3A_161 : memref<10112x128xf32, #tpu.memory_space<vmem_shared>>) offsets(%dma_start3A_158 : memref<64xi32, #tpu.memory_space<vmem>>) semaphore(%arg17 : memref<!tpu.dma_semaphore, #tpu.memory_space<semaphore_mem>>) {add = true}
      %dma_wait3A_162 = arith.constant 2 : i32
      %dma_wait3A_163 = arith.constant 2 : i32
      %dma_wait3A_164 = arith.constant 0 : i32
      %dma_wait3A_165 = arith.constant 0 : i32
      %dma_wait3A_166 = tpu.memref_slice %arg9[%dma_wait3A_162, %dma_wait3A_164, %dma_wait3A_165] : memref<4x64x128xf32, #tpu.memory_space<vmem>> -> memref<1x64x128xf32, #tpu.memory_space<vmem>>
      %dma_wait3A_167 = tpu.memref_squeeze %dma_wait3A_166 : memref<1x64x128xf32, #tpu.memory_space<vmem>> -> memref<64x128xf32, #tpu.memory_space<vmem>>
      %dma_wait3A_168 = arith.constant 0 : i32
      %dma_wait3A_169 = tpu.memref_slice %arg8[%dma_wait3A_163, %dma_wait3A_168] : memref<8x64xi32, #tpu.memory_space<vmem>> -> memref<1x64xi32, #tpu.memory_space<vmem>>
      %dma_wait3A_170 = tpu.memref_squeeze %dma_wait3A_169 : memref<1x64xi32, #tpu.memory_space<vmem>> -> memref<64xi32, #tpu.memory_space<vmem>>
      %dma_wait3A_171 = arith.constant 0 : i32
      %dma_wait3A_172 = arith.constant 0 : i32
      %dma_wait3A_173 = tpu.memref_slice %arg10[%dma_wait3A_171, %dma_wait3A_172] : memref<10112x128xf32, #tpu.memory_space<vmem_shared>> -> memref<10112x128xf32, #tpu.memory_space<vmem_shared>>
      tpu.wait_indirect_dma semaphore(%arg17 : memref<!tpu.dma_semaphore, #tpu.memory_space<semaphore_mem>>) src(%dma_wait3A_167 : memref<64x128xf32, #tpu.memory_space<vmem>>) dst(%dma_wait3A_173 : memref<10112x128xf32, #tpu.memory_space<vmem_shared>>)
      %dma_start3A_174 = arith.constant 2 : i32
      %dma_start3A_175 = arith.constant 0 : i32
      %dma_start3A_176 = arith.constant 0 : i32
      %dma_start3A_177 = tpu.memref_slice %arg9[%dma_start3A_174, %dma_start3A_175, %dma_start3A_176] : memref<4x64x128xf32, #tpu.memory_space<vmem>> -> memref<1x64x128xf32, #tpu.memory_space<vmem>>
      %dma_start3A_178 = tpu.memref_squeeze %dma_start3A_177 : memref<1x64x128xf32, #tpu.memory_space<vmem>> -> memref<64x128xf32, #tpu.memory_space<vmem>>
      %dma_start3A_179 = arith.constant 384 : i32
      %dma_start3A_180 = tpu.memref_slice %arg7[%dma_start3A_179] : memref<512xi32, #tpu.memory_space<vmem>> -> memref<64xi32, #tpu.memory_space<vmem>>
      %dma_start3A_181 = arith.constant 0 : i32
      %dma_start3A_182 = arith.constant 0 : i32
      %dma_start3A_183 = tpu.memref_slice %arg2[%dma_start3A_181, %dma_start3A_182] : memref<20000x128xf32, #tpu.memory_space<hbm>> -> memref<20000x128xf32, #tpu.memory_space<hbm>>
      tpu.enqueue_indirect_dma source(%dma_start3A_183 : memref<20000x128xf32, #tpu.memory_space<hbm>>) target(%dma_start3A_178 : memref<64x128xf32, #tpu.memory_space<vmem>>) offsets(%dma_start3A_180 : memref<64xi32, #tpu.memory_space<vmem>>) semaphore(%arg13 : memref<!tpu.dma_semaphore, #tpu.memory_space<semaphore_mem>>)
      %dma_wait3A_184 = arith.constant 3 : i32
      %dma_wait3A_185 = arith.constant 0 : i32
      %dma_wait3A_186 = arith.constant 0 : i32
      %dma_wait3A_187 = tpu.memref_slice %arg9[%dma_wait3A_184, %dma_wait3A_185, %dma_wait3A_186] : memref<4x64x128xf32, #tpu.memory_space<vmem>> -> memref<1x64x128xf32, #tpu.memory_space<vmem>>
      %dma_wait3A_188 = tpu.memref_squeeze %dma_wait3A_187 : memref<1x64x128xf32, #tpu.memory_space<vmem>> -> memref<64x128xf32, #tpu.memory_space<vmem>>
      %dma_wait3A_189 = arith.constant 192 : i32
      %dma_wait3A_190 = tpu.memref_slice %arg7[%dma_wait3A_189] : memref<512xi32, #tpu.memory_space<vmem>> -> memref<64xi32, #tpu.memory_space<vmem>>
      %dma_wait3A_191 = arith.constant 0 : i32
      %dma_wait3A_192 = arith.constant 0 : i32
      %dma_wait3A_193 = tpu.memref_slice %arg2[%dma_wait3A_191, %dma_wait3A_192] : memref<20000x128xf32, #tpu.memory_space<hbm>> -> memref<20000x128xf32, #tpu.memory_space<hbm>>
      tpu.wait_indirect_dma semaphore(%arg14 : memref<!tpu.dma_semaphore, #tpu.memory_space<semaphore_mem>>) src(%dma_wait3A_193 : memref<20000x128xf32, #tpu.memory_space<hbm>>) dst(%dma_wait3A_188 : memref<64x128xf32, #tpu.memory_space<vmem>>)
      %dma_start3A_194 = arith.constant 3 : i32
      %dma_start3A_195 = arith.constant 3 : i32
      %dma_start3A_196 = arith.constant 0 : i32
      %dma_start3A_197 = arith.constant 0 : i32
      %dma_start3A_198 = tpu.memref_slice %arg9[%dma_start3A_194, %dma_start3A_196, %dma_start3A_197] : memref<4x64x128xf32, #tpu.memory_space<vmem>> -> memref<1x64x128xf32, #tpu.memory_space<vmem>>
      %dma_start3A_199 = tpu.memref_squeeze %dma_start3A_198 : memref<1x64x128xf32, #tpu.memory_space<vmem>> -> memref<64x128xf32, #tpu.memory_space<vmem>>
      %dma_start3A_200 = arith.constant 0 : i32
      %dma_start3A_201 = tpu.memref_slice %arg8[%dma_start3A_195, %dma_start3A_200] : memref<8x64xi32, #tpu.memory_space<vmem>> -> memref<1x64xi32, #tpu.memory_space<vmem>>
      %dma_start3A_202 = tpu.memref_squeeze %dma_start3A_201 : memref<1x64xi32, #tpu.memory_space<vmem>> -> memref<64xi32, #tpu.memory_space<vmem>>
      %dma_start3A_203 = arith.constant 0 : i32
      %dma_start3A_204 = arith.constant 0 : i32
      %dma_start3A_205 = tpu.memref_slice %arg10[%dma_start3A_203, %dma_start3A_204] : memref<10112x128xf32, #tpu.memory_space<vmem_shared>> -> memref<10112x128xf32, #tpu.memory_space<vmem_shared>>
      tpu.enqueue_indirect_dma source(%dma_start3A_199 : memref<64x128xf32, #tpu.memory_space<vmem>>) target(%dma_start3A_205 : memref<10112x128xf32, #tpu.memory_space<vmem_shared>>) offsets(%dma_start3A_202 : memref<64xi32, #tpu.memory_space<vmem>>) semaphore(%arg18 : memref<!tpu.dma_semaphore, #tpu.memory_space<semaphore_mem>>) {add = true}
      %dma_wait3A_206 = arith.constant 3 : i32
      %dma_wait3A_207 = arith.constant 3 : i32
      %dma_wait3A_208 = arith.constant 0 : i32
      %dma_wait3A_209 = arith.constant 0 : i32
      %dma_wait3A_210 = tpu.memref_slice %arg9[%dma_wait3A_206, %dma_wait3A_208, %dma_wait3A_209] : memref<4x64x128xf32, #tpu.memory_space<vmem>> -> memref<1x64x128xf32, #tpu.memory_space<vmem>>
      %dma_wait3A_211 = tpu.memref_squeeze %dma_wait3A_210 : memref<1x64x128xf32, #tpu.memory_space<vmem>> -> memref<64x128xf32, #tpu.memory_space<vmem>>
      %dma_wait3A_212 = arith.constant 0 : i32
      %dma_wait3A_213 = tpu.memref_slice %arg8[%dma_wait3A_207, %dma_wait3A_212] : memref<8x64xi32, #tpu.memory_space<vmem>> -> memref<1x64xi32, #tpu.memory_space<vmem>>
      %dma_wait3A_214 = tpu.memref_squeeze %dma_wait3A_213 : memref<1x64xi32, #tpu.memory_space<vmem>> -> memref<64xi32, #tpu.memory_space<vmem>>
      %dma_wait3A_215 = arith.constant 0 : i32
      %dma_wait3A_216 = arith.constant 0 : i32
      %dma_wait3A_217 = tpu.memref_slice %arg10[%dma_wait3A_215, %dma_wait3A_216] : memref<10112x128xf32, #tpu.memory_space<vmem_shared>> -> memref<10112x128xf32, #tpu.memory_space<vmem_shared>>
      tpu.wait_indirect_dma semaphore(%arg18 : memref<!tpu.dma_semaphore, #tpu.memory_space<semaphore_mem>>) src(%dma_wait3A_211 : memref<64x128xf32, #tpu.memory_space<vmem>>) dst(%dma_wait3A_217 : memref<10112x128xf32, #tpu.memory_space<vmem_shared>>)
      %dma_start3A_218 = arith.constant 3 : i32
      %dma_start3A_219 = arith.constant 0 : i32
      %dma_start3A_220 = arith.constant 0 : i32
      %dma_start3A_221 = tpu.memref_slice %arg9[%dma_start3A_218, %dma_start3A_219, %dma_start3A_220] : memref<4x64x128xf32, #tpu.memory_space<vmem>> -> memref<1x64x128xf32, #tpu.memory_space<vmem>>
      %dma_start3A_222 = tpu.memref_squeeze %dma_start3A_221 : memref<1x64x128xf32, #tpu.memory_space<vmem>> -> memref<64x128xf32, #tpu.memory_space<vmem>>
      %dma_start3A_223 = arith.constant 448 : i32
      %dma_start3A_224 = tpu.memref_slice %arg7[%dma_start3A_223] : memref<512xi32, #tpu.memory_space<vmem>> -> memref<64xi32, #tpu.memory_space<vmem>>
      %dma_start3A_225 = arith.constant 0 : i32
      %dma_start3A_226 = arith.constant 0 : i32
      %dma_start3A_227 = tpu.memref_slice %arg2[%dma_start3A_225, %dma_start3A_226] : memref<20000x128xf32, #tpu.memory_space<hbm>> -> memref<20000x128xf32, #tpu.memory_space<hbm>>
      tpu.enqueue_indirect_dma source(%dma_start3A_227 : memref<20000x128xf32, #tpu.memory_space<hbm>>) target(%dma_start3A_222 : memref<64x128xf32, #tpu.memory_space<vmem>>) offsets(%dma_start3A_224 : memref<64xi32, #tpu.memory_space<vmem>>) semaphore(%arg14 : memref<!tpu.dma_semaphore, #tpu.memory_space<semaphore_mem>>)
      %dma_wait3A_228 = arith.constant 0 : i32
      %dma_wait3A_229 = arith.constant 0 : i32
      %dma_wait3A_230 = arith.constant 0 : i32
      %dma_wait3A_231 = tpu.memref_slice %arg9[%dma_wait3A_228, %dma_wait3A_229, %dma_wait3A_230] : memref<4x64x128xf32, #tpu.memory_space<vmem>> -> memref<1x64x128xf32, #tpu.memory_space<vmem>>
      %dma_wait3A_232 = tpu.memref_squeeze %dma_wait3A_231 : memref<1x64x128xf32, #tpu.memory_space<vmem>> -> memref<64x128xf32, #tpu.memory_space<vmem>>
      %dma_wait3A_233 = arith.constant 256 : i32
      %dma_wait3A_234 = tpu.memref_slice %arg7[%dma_wait3A_233] : memref<512xi32, #tpu.memory_space<vmem>> -> memref<64xi32, #tpu.memory_space<vmem>>
      %dma_wait3A_235 = arith.constant 0 : i32
      %dma_wait3A_236 = arith.constant 0 : i32
      %dma_wait3A_237 = tpu.memref_slice %arg2[%dma_wait3A_235, %dma_wait3A_236] : memref<20000x128xf32, #tpu.memory_space<hbm>> -> memref<20000x128xf32, #tpu.memory_space<hbm>>
      tpu.wait_indirect_dma semaphore(%arg11 : memref<!tpu.dma_semaphore, #tpu.memory_space<semaphore_mem>>) src(%dma_wait3A_237 : memref<20000x128xf32, #tpu.memory_space<hbm>>) dst(%dma_wait3A_232 : memref<64x128xf32, #tpu.memory_space<vmem>>)
      %dma_start3A_238 = arith.constant 0 : i32
      %dma_start3A_239 = arith.constant 4 : i32
      %dma_start3A_240 = arith.constant 0 : i32
      %dma_start3A_241 = arith.constant 0 : i32
      %dma_start3A_242 = tpu.memref_slice %arg9[%dma_start3A_238, %dma_start3A_240, %dma_start3A_241] : memref<4x64x128xf32, #tpu.memory_space<vmem>> -> memref<1x64x128xf32, #tpu.memory_space<vmem>>
      %dma_start3A_243 = tpu.memref_squeeze %dma_start3A_242 : memref<1x64x128xf32, #tpu.memory_space<vmem>> -> memref<64x128xf32, #tpu.memory_space<vmem>>
      %dma_start3A_244 = arith.constant 0 : i32
      %dma_start3A_245 = tpu.memref_slice %arg8[%dma_start3A_239, %dma_start3A_244] : memref<8x64xi32, #tpu.memory_space<vmem>> -> memref<1x64xi32, #tpu.memory_space<vmem>>
      %dma_start3A_246 = tpu.memref_squeeze %dma_start3A_245 : memref<1x64xi32, #tpu.memory_space<vmem>> -> memref<64xi32, #tpu.memory_space<vmem>>
      %dma_start3A_247 = arith.constant 0 : i32
      %dma_start3A_248 = arith.constant 0 : i32
      %dma_start3A_249 = tpu.memref_slice %arg10[%dma_start3A_247, %dma_start3A_248] : memref<10112x128xf32, #tpu.memory_space<vmem_shared>> -> memref<10112x128xf32, #tpu.memory_space<vmem_shared>>
      tpu.enqueue_indirect_dma source(%dma_start3A_243 : memref<64x128xf32, #tpu.memory_space<vmem>>) target(%dma_start3A_249 : memref<10112x128xf32, #tpu.memory_space<vmem_shared>>) offsets(%dma_start3A_246 : memref<64xi32, #tpu.memory_space<vmem>>) semaphore(%arg15 : memref<!tpu.dma_semaphore, #tpu.memory_space<semaphore_mem>>) {add = true}
      %dma_wait3A_250 = arith.constant 0 : i32
      %dma_wait3A_251 = arith.constant 4 : i32
      %dma_wait3A_252 = arith.constant 0 : i32
      %dma_wait3A_253 = arith.constant 0 : i32
      %dma_wait3A_254 = tpu.memref_slice %arg9[%dma_wait3A_250, %dma_wait3A_252, %dma_wait3A_253] : memref<4x64x128xf32, #tpu.memory_space<vmem>> -> memref<1x64x128xf32, #tpu.memory_space<vmem>>
      %dma_wait3A_255 = tpu.memref_squeeze %dma_wait3A_254 : memref<1x64x128xf32, #tpu.memory_space<vmem>> -> memref<64x128xf32, #tpu.memory_space<vmem>>
      %dma_wait3A_256 = arith.constant 0 : i32
      %dma_wait3A_257 = tpu.memref_slice %arg8[%dma_wait3A_251, %dma_wait3A_256] : memref<8x64xi32, #tpu.memory_space<vmem>> -> memref<1x64xi32, #tpu.memory_space<vmem>>
      %dma_wait3A_258 = tpu.memref_squeeze %dma_wait3A_257 : memref<1x64xi32, #tpu.memory_space<vmem>> -> memref<64xi32, #tpu.memory_space<vmem>>
      %dma_wait3A_259 = arith.constant 0 : i32
      %dma_wait3A_260 = arith.constant 0 : i32
      %dma_wait3A_261 = tpu.memref_slice %arg10[%dma_wait3A_259, %dma_wait3A_260] : memref<10112x128xf32, #tpu.memory_space<vmem_shared>> -> memref<10112x128xf32, #tpu.memory_space<vmem_shared>>
      tpu.wait_indirect_dma semaphore(%arg15 : memref<!tpu.dma_semaphore, #tpu.memory_space<semaphore_mem>>) src(%dma_wait3A_255 : memref<64x128xf32, #tpu.memory_space<vmem>>) dst(%dma_wait3A_261 : memref<10112x128xf32, #tpu.memory_space<vmem_shared>>)
      %dma_wait3A_262 = arith.constant 1 : i32
      %dma_wait3A_263 = arith.constant 0 : i32
      %dma_wait3A_264 = arith.constant 0 : i32
      %dma_wait3A_265 = tpu.memref_slice %arg9[%dma_wait3A_262, %dma_wait3A_263, %dma_wait3A_264] : memref<4x64x128xf32, #tpu.memory_space<vmem>> -> memref<1x64x128xf32, #tpu.memory_space<vmem>>
      %dma_wait3A_266 = tpu.memref_squeeze %dma_wait3A_265 : memref<1x64x128xf32, #tpu.memory_space<vmem>> -> memref<64x128xf32, #tpu.memory_space<vmem>>
      %dma_wait3A_267 = arith.constant 320 : i32
      %dma_wait3A_268 = tpu.memref_slice %arg7[%dma_wait3A_267] : memref<512xi32, #tpu.memory_space<vmem>> -> memref<64xi32, #tpu.memory_space<vmem>>
      %dma_wait3A_269 = arith.constant 0 : i32
      %dma_wait3A_270 = arith.constant 0 : i32
      %dma_wait3A_271 = tpu.memref_slice %arg2[%dma_wait3A_269, %dma_wait3A_270] : memref<20000x128xf32, #tpu.memory_space<hbm>> -> memref<20000x128xf32, #tpu.memory_space<hbm>>
      tpu.wait_indirect_dma semaphore(%arg12 : memref<!tpu.dma_semaphore, #tpu.memory_space<semaphore_mem>>) src(%dma_wait3A_271 : memref<20000x128xf32, #tpu.memory_space<hbm>>) dst(%dma_wait3A_266 : memref<64x128xf32, #tpu.memory_space<vmem>>)
      %dma_start3A_272 = arith.constant 1 : i32
      %dma_start3A_273 = arith.constant 5 : i32
      %dma_start3A_274 = arith.constant 0 : i32
      %dma_start3A_275 = arith.constant 0 : i32
      %dma_start3A_276 = tpu.memref_slice %arg9[%dma_start3A_272, %dma_start3A_274, %dma_start3A_275] : memref<4x64x128xf32, #tpu.memory_space<vmem>> -> memref<1x64x128xf32, #tpu.memory_space<vmem>>
      %dma_start3A_277 = tpu.memref_squeeze %dma_start3A_276 : memref<1x64x128xf32, #tpu.memory_space<vmem>> -> memref<64x128xf32, #tpu.memory_space<vmem>>
      %dma_start3A_278 = arith.constant 0 : i32
      %dma_start3A_279 = tpu.memref_slice %arg8[%dma_start3A_273, %dma_start3A_278] : memref<8x64xi32, #tpu.memory_space<vmem>> -> memref<1x64xi32, #tpu.memory_space<vmem>>
      %dma_start3A_280 = tpu.memref_squeeze %dma_start3A_279 : memref<1x64xi32, #tpu.memory_space<vmem>> -> memref<64xi32, #tpu.memory_space<vmem>>
      %dma_start3A_281 = arith.constant 0 : i32
      %dma_start3A_282 = arith.constant 0 : i32
      %dma_start3A_283 = tpu.memref_slice %arg10[%dma_start3A_281, %dma_start3A_282] : memref<10112x128xf32, #tpu.memory_space<vmem_shared>> -> memref<10112x128xf32, #tpu.memory_space<vmem_shared>>
      tpu.enqueue_indirect_dma source(%dma_start3A_277 : memref<64x128xf32, #tpu.memory_space<vmem>>) target(%dma_start3A_283 : memref<10112x128xf32, #tpu.memory_space<vmem_shared>>) offsets(%dma_start3A_280 : memref<64xi32, #tpu.memory_space<vmem>>) semaphore(%arg16 : memref<!tpu.dma_semaphore, #tpu.memory_space<semaphore_mem>>) {add = true}
      %dma_wait3A_284 = arith.constant 1 : i32
      %dma_wait3A_285 = arith.constant 5 : i32
      %dma_wait3A_286 = arith.constant 0 : i32
      %dma_wait3A_287 = arith.constant 0 : i32
      %dma_wait3A_288 = tpu.memref_slice %arg9[%dma_wait3A_284, %dma_wait3A_286, %dma_wait3A_287] : memref<4x64x128xf32, #tpu.memory_space<vmem>> -> memref<1x64x128xf32, #tpu.memory_space<vmem>>
      %dma_wait3A_289 = tpu.memref_squeeze %dma_wait3A_288 : memref<1x64x128xf32, #tpu.memory_space<vmem>> -> memref<64x128xf32, #tpu.memory_space<vmem>>
      %dma_wait3A_290 = arith.constant 0 : i32
      %dma_wait3A_291 = tpu.memref_slice %arg8[%dma_wait3A_285, %dma_wait3A_290] : memref<8x64xi32, #tpu.memory_space<vmem>> -> memref<1x64xi32, #tpu.memory_space<vmem>>
      %dma_wait3A_292 = tpu.memref_squeeze %dma_wait3A_291 : memref<1x64xi32, #tpu.memory_space<vmem>> -> memref<64xi32, #tpu.memory_space<vmem>>
      %dma_wait3A_293 = arith.constant 0 : i32
      %dma_wait3A_294 = arith.constant 0 : i32
      %dma_wait3A_295 = tpu.memref_slice %arg10[%dma_wait3A_293, %dma_wait3A_294] : memref<10112x128xf32, #tpu.memory_space<vmem_shared>> -> memref<10112x128xf32, #tpu.memory_space<vmem_shared>>
      tpu.wait_indirect_dma semaphore(%arg16 : memref<!tpu.dma_semaphore, #tpu.memory_space<semaphore_mem>>) src(%dma_wait3A_289 : memref<64x128xf32, #tpu.memory_space<vmem>>) dst(%dma_wait3A_295 : memref<10112x128xf32, #tpu.memory_space<vmem_shared>>)
      %dma_wait3A_296 = arith.constant 2 : i32
      %dma_wait3A_297 = arith.constant 0 : i32
      %dma_wait3A_298 = arith.constant 0 : i32
      %dma_wait3A_299 = tpu.memref_slice %arg9[%dma_wait3A_296, %dma_wait3A_297, %dma_wait3A_298] : memref<4x64x128xf32, #tpu.memory_space<vmem>> -> memref<1x64x128xf32, #tpu.memory_space<vmem>>
      %dma_wait3A_300 = tpu.memref_squeeze %dma_wait3A_299 : memref<1x64x128xf32, #tpu.memory_space<vmem>> -> memref<64x128xf32, #tpu.memory_space<vmem>>
      %dma_wait3A_301 = arith.constant 384 : i32
      %dma_wait3A_302 = tpu.memref_slice %arg7[%dma_wait3A_301] : memref<512xi32, #tpu.memory_space<vmem>> -> memref<64xi32, #tpu.memory_space<vmem>>
      %dma_wait3A_303 = arith.constant 0 : i32
      %dma_wait3A_304 = arith.constant 0 : i32
      %dma_wait3A_305 = tpu.memref_slice %arg2[%dma_wait3A_303, %dma_wait3A_304] : memref<20000x128xf32, #tpu.memory_space<hbm>> -> memref<20000x128xf32, #tpu.memory_space<hbm>>
      tpu.wait_indirect_dma semaphore(%arg13 : memref<!tpu.dma_semaphore, #tpu.memory_space<semaphore_mem>>) src(%dma_wait3A_305 : memref<20000x128xf32, #tpu.memory_space<hbm>>) dst(%dma_wait3A_300 : memref<64x128xf32, #tpu.memory_space<vmem>>)
      %dma_start3A_306 = arith.constant 2 : i32
      %dma_start3A_307 = arith.constant 6 : i32
      %dma_start3A_308 = arith.constant 0 : i32
      %dma_start3A_309 = arith.constant 0 : i32
      %dma_start3A_310 = tpu.memref_slice %arg9[%dma_start3A_306, %dma_start3A_308, %dma_start3A_309] : memref<4x64x128xf32, #tpu.memory_space<vmem>> -> memref<1x64x128xf32, #tpu.memory_space<vmem>>
      %dma_start3A_311 = tpu.memref_squeeze %dma_start3A_310 : memref<1x64x128xf32, #tpu.memory_space<vmem>> -> memref<64x128xf32, #tpu.memory_space<vmem>>
      %dma_start3A_312 = arith.constant 0 : i32
      %dma_start3A_313 = tpu.memref_slice %arg8[%dma_start3A_307, %dma_start3A_312] : memref<8x64xi32, #tpu.memory_space<vmem>> -> memref<1x64xi32, #tpu.memory_space<vmem>>
      %dma_start3A_314 = tpu.memref_squeeze %dma_start3A_313 : memref<1x64xi32, #tpu.memory_space<vmem>> -> memref<64xi32, #tpu.memory_space<vmem>>
      %dma_start3A_315 = arith.constant 0 : i32
      %dma_start3A_316 = arith.constant 0 : i32
      %dma_start3A_317 = tpu.memref_slice %arg10[%dma_start3A_315, %dma_start3A_316] : memref<10112x128xf32, #tpu.memory_space<vmem_shared>> -> memref<10112x128xf32, #tpu.memory_space<vmem_shared>>
      tpu.enqueue_indirect_dma source(%dma_start3A_311 : memref<64x128xf32, #tpu.memory_space<vmem>>) target(%dma_start3A_317 : memref<10112x128xf32, #tpu.memory_space<vmem_shared>>) offsets(%dma_start3A_314 : memref<64xi32, #tpu.memory_space<vmem>>) semaphore(%arg17 : memref<!tpu.dma_semaphore, #tpu.memory_space<semaphore_mem>>) {add = true}
      %dma_wait3A_318 = arith.constant 2 : i32
      %dma_wait3A_319 = arith.constant 6 : i32
      %dma_wait3A_320 = arith.constant 0 : i32
      %dma_wait3A_321 = arith.constant 0 : i32
      %dma_wait3A_322 = tpu.memref_slice %arg9[%dma_wait3A_318, %dma_wait3A_320, %dma_wait3A_321] : memref<4x64x128xf32, #tpu.memory_space<vmem>> -> memref<1x64x128xf32, #tpu.memory_space<vmem>>
      %dma_wait3A_323 = tpu.memref_squeeze %dma_wait3A_322 : memref<1x64x128xf32, #tpu.memory_space<vmem>> -> memref<64x128xf32, #tpu.memory_space<vmem>>
      %dma_wait3A_324 = arith.constant 0 : i32
      %dma_wait3A_325 = tpu.memref_slice %arg8[%dma_wait3A_319, %dma_wait3A_324] : memref<8x64xi32, #tpu.memory_space<vmem>> -> memref<1x64xi32, #tpu.memory_space<vmem>>
      %dma_wait3A_326 = tpu.memref_squeeze %dma_wait3A_325 : memref<1x64xi32, #tpu.memory_space<vmem>> -> memref<64xi32, #tpu.memory_space<vmem>>
      %dma_wait3A_327 = arith.constant 0 : i32
      %dma_wait3A_328 = arith.constant 0 : i32
      %dma_wait3A_329 = tpu.memref_slice %arg10[%dma_wait3A_327, %dma_wait3A_328] : memref<10112x128xf32, #tpu.memory_space<vmem_shared>> -> memref<10112x128xf32, #tpu.memory_space<vmem_shared>>
      tpu.wait_indirect_dma semaphore(%arg17 : memref<!tpu.dma_semaphore, #tpu.memory_space<semaphore_mem>>) src(%dma_wait3A_323 : memref<64x128xf32, #tpu.memory_space<vmem>>) dst(%dma_wait3A_329 : memref<10112x128xf32, #tpu.memory_space<vmem_shared>>)
      %dma_wait3A_330 = arith.constant 3 : i32
      %dma_wait3A_331 = arith.constant 0 : i32
      %dma_wait3A_332 = arith.constant 0 : i32
      %dma_wait3A_333 = tpu.memref_slice %arg9[%dma_wait3A_330, %dma_wait3A_331, %dma_wait3A_332] : memref<4x64x128xf32, #tpu.memory_space<vmem>> -> memref<1x64x128xf32, #tpu.memory_space<vmem>>
      %dma_wait3A_334 = tpu.memref_squeeze %dma_wait3A_333 : memref<1x64x128xf32, #tpu.memory_space<vmem>> -> memref<64x128xf32, #tpu.memory_space<vmem>>
      %dma_wait3A_335 = arith.constant 448 : i32
      %dma_wait3A_336 = tpu.memref_slice %arg7[%dma_wait3A_335] : memref<512xi32, #tpu.memory_space<vmem>> -> memref<64xi32, #tpu.memory_space<vmem>>
      %dma_wait3A_337 = arith.constant 0 : i32
      %dma_wait3A_338 = arith.constant 0 : i32
      %dma_wait3A_339 = tpu.memref_slice %arg2[%dma_wait3A_337, %dma_wait3A_338] : memref<20000x128xf32, #tpu.memory_space<hbm>> -> memref<20000x128xf32, #tpu.memory_space<hbm>>
      tpu.wait_indirect_dma semaphore(%arg14 : memref<!tpu.dma_semaphore, #tpu.memory_space<semaphore_mem>>) src(%dma_wait3A_339 : memref<20000x128xf32, #tpu.memory_space<hbm>>) dst(%dma_wait3A_334 : memref<64x128xf32, #tpu.memory_space<vmem>>)
      %dma_start3A_340 = arith.constant 3 : i32
      %dma_start3A_341 = arith.constant 7 : i32
      %dma_start3A_342 = arith.constant 0 : i32
      %dma_start3A_343 = arith.constant 0 : i32
      %dma_start3A_344 = tpu.memref_slice %arg9[%dma_start3A_340, %dma_start3A_342, %dma_start3A_343] : memref<4x64x128xf32, #tpu.memory_space<vmem>> -> memref<1x64x128xf32, #tpu.memory_space<vmem>>
      %dma_start3A_345 = tpu.memref_squeeze %dma_start3A_344 : memref<1x64x128xf32, #tpu.memory_space<vmem>> -> memref<64x128xf32, #tpu.memory_space<vmem>>
      %dma_start3A_346 = arith.constant 0 : i32
      %dma_start3A_347 = tpu.memref_slice %arg8[%dma_start3A_341, %dma_start3A_346] : memref<8x64xi32, #tpu.memory_space<vmem>> -> memref<1x64xi32, #tpu.memory_space<vmem>>
      %dma_start3A_348 = tpu.memref_squeeze %dma_start3A_347 : memref<1x64xi32, #tpu.memory_space<vmem>> -> memref<64xi32, #tpu.memory_space<vmem>>
      %dma_start3A_349 = arith.constant 0 : i32
      %dma_start3A_350 = arith.constant 0 : i32
      %dma_start3A_351 = tpu.memref_slice %arg10[%dma_start3A_349, %dma_start3A_350] : memref<10112x128xf32, #tpu.memory_space<vmem_shared>> -> memref<10112x128xf32, #tpu.memory_space<vmem_shared>>
      tpu.enqueue_indirect_dma source(%dma_start3A_345 : memref<64x128xf32, #tpu.memory_space<vmem>>) target(%dma_start3A_351 : memref<10112x128xf32, #tpu.memory_space<vmem_shared>>) offsets(%dma_start3A_348 : memref<64xi32, #tpu.memory_space<vmem>>) semaphore(%arg18 : memref<!tpu.dma_semaphore, #tpu.memory_space<semaphore_mem>>) {add = true}
      %dma_wait3A_352 = arith.constant 3 : i32
      %dma_wait3A_353 = arith.constant 7 : i32
      %dma_wait3A_354 = arith.constant 0 : i32
      %dma_wait3A_355 = arith.constant 0 : i32
      %dma_wait3A_356 = tpu.memref_slice %arg9[%dma_wait3A_352, %dma_wait3A_354, %dma_wait3A_355] : memref<4x64x128xf32, #tpu.memory_space<vmem>> -> memref<1x64x128xf32, #tpu.memory_space<vmem>>
      %dma_wait3A_357 = tpu.memref_squeeze %dma_wait3A_356 : memref<1x64x128xf32, #tpu.memory_space<vmem>> -> memref<64x128xf32, #tpu.memory_space<vmem>>
      %dma_wait3A_358 = arith.constant 0 : i32
      %dma_wait3A_359 = tpu.memref_slice %arg8[%dma_wait3A_353, %dma_wait3A_358] : memref<8x64xi32, #tpu.memory_space<vmem>> -> memref<1x64xi32, #tpu.memory_space<vmem>>
      %dma_wait3A_360 = tpu.memref_squeeze %dma_wait3A_359 : memref<1x64xi32, #tpu.memory_space<vmem>> -> memref<64xi32, #tpu.memory_space<vmem>>
      %dma_wait3A_361 = arith.constant 0 : i32
      %dma_wait3A_362 = arith.constant 0 : i32
      %dma_wait3A_363 = tpu.memref_slice %arg10[%dma_wait3A_361, %dma_wait3A_362] : memref<10112x128xf32, #tpu.memory_space<vmem_shared>> -> memref<10112x128xf32, #tpu.memory_space<vmem_shared>>
      tpu.wait_indirect_dma semaphore(%arg18 : memref<!tpu.dma_semaphore, #tpu.memory_space<semaphore_mem>>) src(%dma_wait3A_357 : memref<64x128xf32, #tpu.memory_space<vmem>>) dst(%dma_wait3A_363 : memref<10112x128xf32, #tpu.memory_space<vmem_shared>>)
    }
    %scan3A_7 = arith.constant 40 : i32
    %barrier3A_8 = arith.constant 0 : index
    tpu.barrier barrier_id(%barrier3A_8)
    "tpu.region"() ({
      %run_scoped3A = tpu.sem_alloc : memref<!tpu.dma_semaphore, #tpu.memory_space<semaphore_mem>>
      %dma_start3A = arith.constant 0 : i32
      %dma_start3A_9 = tpu.memref_slice %arg6[%arg0, %mul3A_0, %dma_start3A] : memref<2x10112x128xf32, #tpu.memory_space<hbm>> -> memref<1x632x128xf32, #tpu.memory_space<hbm>>
      %dma_start3A_10 = tpu.memref_squeeze %dma_start3A_9 : memref<1x632x128xf32, #tpu.memory_space<hbm>> -> memref<632x128xf32, #tpu.memory_space<hbm>>
      %dma_start3A_11 = arith.constant 0 : i32
      %dma_start3A_12 = tpu.memref_slice %arg10[%mul3A_0, %dma_start3A_11] : memref<10112x128xf32, #tpu.memory_space<vmem_shared>> -> memref<632x128xf32, #tpu.memory_space<vmem_shared>>
      tpu.enqueue_dma source(%dma_start3A_12 : memref<632x128xf32, #tpu.memory_space<vmem_shared>>) target(%dma_start3A_10 : memref<632x128xf32, #tpu.memory_space<hbm>>) target_semaphore(%run_scoped3A : memref<!tpu.dma_semaphore, #tpu.memory_space<semaphore_mem>>)
      %dma_wait3A = arith.constant 0 : i32
      %dma_wait3A_13 = tpu.memref_slice %arg6[%arg0, %mul3A_0, %dma_wait3A] : memref<2x10112x128xf32, #tpu.memory_space<hbm>> -> memref<1x632x128xf32, #tpu.memory_space<hbm>>
      %dma_wait3A_14 = tpu.memref_squeeze %dma_wait3A_13 : memref<1x632x128xf32, #tpu.memory_space<hbm>> -> memref<632x128xf32, #tpu.memory_space<hbm>>
      %dma_wait3A_15 = arith.constant 0 : i32
      %dma_wait3A_16 = tpu.memref_slice %arg10[%mul3A_0, %dma_wait3A_15] : memref<10112x128xf32, #tpu.memory_space<vmem_shared>> -> memref<632x128xf32, #tpu.memory_space<vmem_shared>>
      tpu.wait_dma2 semaphore(%run_scoped3A : memref<!tpu.dma_semaphore, #tpu.memory_space<semaphore_mem>>) src(%dma_wait3A_16 : memref<632x128xf32, #tpu.memory_space<vmem_shared>>) dst(%dma_wait3A_14 : memref<632x128xf32, #tpu.memory_space<hbm>>)
      tpu.yield
    }) : () -> ()
    return
  }
}

module attributes {stable_mosaic.version = 14 : i64} {
  func.func @_tc1_body(%arg0: i32, %arg1: memref<2x2000x128xf32, #tpu.memory_space<vmem>>, %arg2: memref<2000x8xf32, #tpu.memory_space<vmem>>, %arg3: memref<2000x8xf32, #tpu.memory_space<vmem>>, %arg4: memref<128x256xf32, #tpu.memory_space<vmem>>, %arg5: memref<1x256xf32, #tpu.memory_space<vmem>>, %arg6: memref<2x2000x128xf32, #tpu.memory_space<vmem>>, %arg7: memref<2000x16xf32, #tpu.memory_space<vmem>>) attributes {dimension_semantics = [#tpu.dimension_semantics<arbitrary>], iteration_bounds = array<i64: 5>, scalar_prefetch = 0 : i64, scratch_operands = 0 : i64, tpu.core_type = #tpu.core_type<tc>, window_params = [{transform_indices = @transform_0, window_bounds = array<i64: 2, 2000, 128>}, {transform_indices = @transform_1, window_bounds = array<i64: 2000, 8>}, {transform_indices = @transform_2, window_bounds = array<i64: 2000, 8>}, {pipeline_mode = #tpu.pipeline_mode<synchronous>, transform_indices = @transform_3, window_bounds = array<i64: 128, 256>}, {pipeline_mode = #tpu.pipeline_mode<synchronous>, transform_indices = @transform_4, window_bounds = array<i64: 1, 256>}, {transform_indices = @transform_5, window_bounds = array<i64: 2, 2000, 128>}, {transform_indices = @transform_6, window_bounds = array<i64: 2000, 16>}]} {
    %get3A = arith.constant 0 : index
    %get3A_0 = arith.constant 0 : index
    %get3A_1 = arith.constant 0 : index
    %get3A_2 = vector.load %arg1[%get3A, %get3A_0, %get3A_1] : memref<2x2000x128xf32, #tpu.memory_space<vmem>>, vector<1x2000x128xf32>
    %get3A_3 = vector.shape_cast %get3A_2 : vector<1x2000x128xf32> to vector<2000x128xf32>
    %get3A_4 = arith.constant 1 : index
    %get3A_5 = arith.constant 0 : index
    %get3A_6 = arith.constant 0 : index
    %get3A_7 = vector.load %arg1[%get3A_4, %get3A_5, %get3A_6] : memref<2x2000x128xf32, #tpu.memory_space<vmem>>, vector<1x2000x128xf32>
    %get3A_8 = vector.shape_cast %get3A_7 : vector<1x2000x128xf32> to vector<2000x128xf32>
    %add3A = arith.addf %get3A_3, %get3A_8 : vector<2000x128xf32>
    %get3A_9 = arith.constant 0 : index
    %get3A_10 = arith.constant 0 : index
    %get3A_11 = vector.load %arg2[%get3A_9, %get3A_10] : memref<2000x8xf32, #tpu.memory_space<vmem>>, vector<2000x1xf32>
    %get3A_12 = arith.constant 0 : index
    %get3A_13 = arith.constant 0 : index
    %get3A_14 = vector.load %arg3[%get3A_12, %get3A_13] : memref<2000x8xf32, #tpu.memory_space<vmem>>, vector<2000x1xf32>
    %add3A_15 = arith.addf %get3A_11, %get3A_14 : vector<2000x1xf32>
    %max3A = arith.constant 1.000000e+00 : f32
    %max3A_16 = vector.broadcast %max3A : f32 to vector<2000x1xf32>
    %max3A_17 = arith.maximumf %add3A_15, %max3A_16 : vector<2000x1xf32>
    %div3A = arith.constant 1.000000e+00 : f32
    %div3A_18 = vector.broadcast %div3A : f32 to vector<2000x1xf32>
    %div3A_19 = arith.divf %div3A_18, %max3A_17 : vector<2000x1xf32>
    %broadcast_in_dim3A = vector.shape_cast %div3A_19 : vector<2000x1xf32> to vector<2000x1xf32>
    %broadcast_in_dim3A_20 = vector.broadcast %broadcast_in_dim3A : vector<2000x1xf32> to vector<2000x16xf32>
    %swap3A = arith.constant 0 : index
    %swap3A_21 = arith.constant 0 : index
    %swap3A_22 = vector.load %arg7[%swap3A, %swap3A_21] : memref<2000x16xf32, #tpu.memory_space<vmem>>, vector<2000x16xf32>
    tpu.vector_store %arg7[%swap3A, %swap3A_21], %broadcast_in_dim3A_20 {strides = array<i32>} : memref<2000x16xf32, #tpu.memory_space<vmem>>, vector<2000x16xf32>,
    %mul3A = vector.broadcast %div3A_19 : vector<2000x1xf32> to vector<2000x128xf32>
    %mul3A_23 = arith.mulf %add3A, %mul3A : vector<2000x128xf32>
    %get3A_24 = arith.constant 0 : index
    %get3A_25 = arith.constant 0 : index
    %get3A_26 = vector.load %arg4[%get3A_24, %get3A_25] : memref<128x256xf32, #tpu.memory_space<vmem>>, vector<128x256xf32>
    %dot_general3A = arith.constant dense<0.000000e+00> : vector<2000x256xf32>
    %dot_general3A_27 = tpu.matmul %mul3A_23, %get3A_26, %dot_general3A {dimension_numbers = #tpu.dot_dimension_numbers<[1], [0], [0], [1], [0, 0, 1, 1], [], []>, precision = #tpu.contract_precision<fp32>, transpose_lhs_hint = false} : vector<2000x128xf32>, vector<128x256xf32>, vector<2000x256xf32> -> vector<2000x256xf32>
    %get3A_28 = arith.constant 0 : index
    %get3A_29 = arith.constant 0 : index
    %get3A_30 = vector.load %arg5[%get3A_28, %get3A_29] : memref<1x256xf32, #tpu.memory_space<vmem>>, vector<1x256xf32>
    %add3A_31 = vector.broadcast %get3A_30 : vector<1x256xf32> to vector<2000x256xf32>
    %add3A_32 = arith.addf %dot_general3A_27, %add3A_31 : vector<2000x256xf32>
    %add3A_33 = arith.constant 0.00999999977 : f32
    %add3A_34 = vector.broadcast %add3A_33 : f32 to vector<2000x256xf32>
    %add3A_35 = arith.addf %add3A_32, %add3A_34 : vector<2000x256xf32>
    %max3A_36 = arith.constant 0.000000e+00 : f32
    %max3A_37 = vector.broadcast %max3A_36 : f32 to vector<2000x256xf32>
    %max3A_38 = arith.maximumf %add3A_35, %max3A_37 : vector<2000x256xf32>
    %slice3A = vector.extract_strided_slice %max3A_38 {offsets = [0, 0], sizes = [2000, 128], strides = [1, 1]} : vector<2000x256xf32> to vector<2000x128xf32>
    %swap3A_39 = arith.constant 0 : index
    %swap3A_40 = arith.constant 0 : index
    %swap3A_41 = arith.constant 0 : index
    %swap3A_42 = vector.load %arg6[%swap3A_39, %swap3A_40, %swap3A_41] : memref<2x2000x128xf32, #tpu.memory_space<vmem>>, vector<1x2000x128xf32>
    %swap3A_43 = vector.shape_cast %swap3A_42 : vector<1x2000x128xf32> to vector<2000x128xf32>
    %swap3A_44 = vector.shape_cast %slice3A : vector<2000x128xf32> to vector<1x2000x128xf32>
    tpu.vector_store %arg6[%swap3A_39, %swap3A_40, %swap3A_41], %swap3A_44 {strides = array<i32>} : memref<2x2000x128xf32, #tpu.memory_space<vmem>>, vector<1x2000x128xf32>,
    %slice3A_45 = vector.extract_strided_slice %max3A_38 {offsets = [0, 128], sizes = [2000, 128], strides = [1, 1]} : vector<2000x256xf32> to vector<2000x128xf32>
    %swap3A_46 = arith.constant 1 : index
    %swap3A_47 = arith.constant 0 : index
    %swap3A_48 = arith.constant 0 : index
    %swap3A_49 = vector.load %arg6[%swap3A_46, %swap3A_47, %swap3A_48] : memref<2x2000x128xf32, #tpu.memory_space<vmem>>, vector<1x2000x128xf32>
    %swap3A_50 = vector.shape_cast %swap3A_49 : vector<1x2000x128xf32> to vector<2000x128xf32>
    %swap3A_51 = vector.shape_cast %slice3A_45 : vector<2000x128xf32> to vector<1x2000x128xf32>
    tpu.vector_store %arg6[%swap3A_46, %swap3A_47, %swap3A_48], %swap3A_51 {strides = array<i32>} : memref<2x2000x128xf32, #tpu.memory_space<vmem>>, vector<1x2000x128xf32>,
    return
  }
  func.func @transform_0(%arg0: i32) -> (i32, i32, i32) {
    %c0_i32 = arith.constant 0 : i32
    %c0_i32_0 = arith.constant 0 : i32
    %c0_i32_1 = arith.constant 0 : i32
    return %c0_i32, %arg0, %c0_i32_0 : i32, i32, i32
  }
  func.func @transform_1(%arg0: i32) -> (i32, i32) {
    %c0_i32 = arith.constant 0 : i32
    %c0_i32_0 = arith.constant 0 : i32
    return %arg0, %c0_i32 : i32, i32
  }
  func.func @transform_2(%arg0: i32) -> (i32, i32) {
    %c0_i32 = arith.constant 0 : i32
    %c0_i32_0 = arith.constant 0 : i32
    return %arg0, %c0_i32 : i32, i32
  }
  func.func @transform_3(%arg0: i32) -> (i32, i32) {
    %c0_i32 = arith.constant 0 : i32
    %c0_i32_0 = arith.constant 0 : i32
    %c0_i32_1 = arith.constant 0 : i32
    return %c0_i32, %c0_i32_0 : i32, i32
  }
  func.func @transform_4(%arg0: i32) -> (i32, i32) {
    %c0_i32 = arith.constant 0 : i32
    %c0_i32_0 = arith.constant 0 : i32
    %c0_i32_1 = arith.constant 0 : i32
    return %c0_i32, %c0_i32_0 : i32, i32
  }
  func.func @transform_5(%arg0: i32) -> (i32, i32, i32) {
    %c0_i32 = arith.constant 0 : i32
    %c0_i32_0 = arith.constant 0 : i32
    %c0_i32_1 = arith.constant 0 : i32
    return %c0_i32, %arg0, %c0_i32_0 : i32, i32, i32
  }
  func.func @transform_6(%arg0: i32) -> (i32, i32) {
    %c0_i32 = arith.constant 0 : i32
    %c0_i32_0 = arith.constant 0 : i32
    return %arg0, %c0_i32 : i32, i32
  }
}

module attributes {stable_mosaic.version = 14 : i64} {
  func.func @_tc2_body(%arg0: i32, %arg1: memref<2x2000x128xf32, #tpu.memory_space<vmem>>, %arg2: memref<2000x16xf32, #tpu.memory_space<vmem>>, %arg3: memref<256x256xf32, #tpu.memory_space<vmem>>, %arg4: memref<1x256xf32, #tpu.memory_space<vmem>>, %arg5: memref<256x128xf32, #tpu.memory_space<vmem>>, %arg6: memref<2000x128xf32, #tpu.memory_space<vmem>>) attributes {dimension_semantics = [#tpu.dimension_semantics<arbitrary>], iteration_bounds = array<i64: 5>, scalar_prefetch = 0 : i64, scratch_operands = 0 : i64, tpu.core_type = #tpu.core_type<tc>, window_params = [{transform_indices = @transform_0, window_bounds = array<i64: 2, 2000, 128>}, {transform_indices = @transform_1, window_bounds = array<i64: 2000, 16>}, {pipeline_mode = #tpu.pipeline_mode<synchronous>, transform_indices = @transform_2, window_bounds = array<i64: 256, 256>}, {pipeline_mode = #tpu.pipeline_mode<synchronous>, transform_indices = @transform_3, window_bounds = array<i64: 1, 256>}, {pipeline_mode = #tpu.pipeline_mode<synchronous>, transform_indices = @transform_4, window_bounds = array<i64: 256, 128>}, {transform_indices = @transform_5, window_bounds = array<i64: 2000, 128>}]} {
    %get3A = arith.constant 0 : index
    %get3A_0 = arith.constant 0 : index
    %get3A_1 = vector.load %arg2[%get3A, %get3A_0] : memref<2000x16xf32, #tpu.memory_space<vmem>>, vector<2000x1xf32>
    %get3A_2 = arith.constant 0 : index
    %get3A_3 = arith.constant 0 : index
    %get3A_4 = arith.constant 0 : index
    %get3A_5 = vector.load %arg1[%get3A_2, %get3A_3, %get3A_4] : memref<2x2000x128xf32, #tpu.memory_space<vmem>>, vector<1x2000x128xf32>
    %get3A_6 = vector.shape_cast %get3A_5 : vector<1x2000x128xf32> to vector<2000x128xf32>
    %mul3A = vector.broadcast %get3A_1 : vector<2000x1xf32> to vector<2000x128xf32>
    %mul3A_7 = arith.mulf %get3A_6, %mul3A : vector<2000x128xf32>
    %get3A_8 = arith.constant 1 : index
    %get3A_9 = arith.constant 0 : index
    %get3A_10 = arith.constant 0 : index
    %get3A_11 = vector.load %arg1[%get3A_8, %get3A_9, %get3A_10] : memref<2x2000x128xf32, #tpu.memory_space<vmem>>, vector<1x2000x128xf32>
    %get3A_12 = vector.shape_cast %get3A_11 : vector<1x2000x128xf32> to vector<2000x128xf32>
    %mul3A_13 = vector.broadcast %get3A_1 : vector<2000x1xf32> to vector<2000x128xf32>
    %mul3A_14 = arith.mulf %get3A_12, %mul3A_13 : vector<2000x128xf32>
    %get3A_15 = arith.constant 0 : index
    %get3A_16 = arith.constant 0 : index
    %get3A_17 = vector.load %arg3[%get3A_15, %get3A_16] : memref<256x256xf32, #tpu.memory_space<vmem>>, vector<128x256xf32>
    %dot_general3A = arith.constant dense<0.000000e+00> : vector<2000x256xf32>
    %dot_general3A_18 = tpu.matmul %mul3A_7, %get3A_17, %dot_general3A {dimension_numbers = #tpu.dot_dimension_numbers<[1], [0], [0], [1], [0, 0, 1, 1], [], []>, precision = #tpu.contract_precision<fp32>, transpose_lhs_hint = false} : vector<2000x128xf32>, vector<128x256xf32>, vector<2000x256xf32> -> vector<2000x256xf32>
    %get3A_19 = arith.constant 128 : index
    %get3A_20 = arith.constant 0 : index
    %get3A_21 = vector.load %arg3[%get3A_19, %get3A_20] : memref<256x256xf32, #tpu.memory_space<vmem>>, vector<128x256xf32>
    %dot_general3A_22 = arith.constant dense<0.000000e+00> : vector<2000x256xf32>
    %dot_general3A_23 = tpu.matmul %mul3A_14, %get3A_21, %dot_general3A_22 {dimension_numbers = #tpu.dot_dimension_numbers<[1], [0], [0], [1], [0, 0, 1, 1], [], []>, precision = #tpu.contract_precision<fp32>, transpose_lhs_hint = false} : vector<2000x128xf32>, vector<128x256xf32>, vector<2000x256xf32> -> vector<2000x256xf32>
    %add3A = arith.addf %dot_general3A_18, %dot_general3A_23 : vector<2000x256xf32>
    %get3A_24 = arith.constant 0 : index
    %get3A_25 = arith.constant 0 : index
    %get3A_26 = vector.load %arg4[%get3A_24, %get3A_25] : memref<1x256xf32, #tpu.memory_space<vmem>>, vector<1x256xf32>
    %add3A_27 = vector.broadcast %get3A_26 : vector<1x256xf32> to vector<2000x256xf32>
    %add3A_28 = arith.addf %add3A, %add3A_27 : vector<2000x256xf32>
    %add3A_29 = arith.constant 0.00999999977 : f32
    %add3A_30 = vector.broadcast %add3A_29 : f32 to vector<2000x256xf32>
    %add3A_31 = arith.addf %add3A_28, %add3A_30 : vector<2000x256xf32>
    %max3A = arith.constant 0.000000e+00 : f32
    %max3A_32 = vector.broadcast %max3A : f32 to vector<2000x256xf32>
    %max3A_33 = arith.maximumf %add3A_31, %max3A_32 : vector<2000x256xf32>
    %get3A_34 = arith.constant 0 : index
    %get3A_35 = arith.constant 0 : index
    %get3A_36 = vector.load %arg5[%get3A_34, %get3A_35] : memref<256x128xf32, #tpu.memory_space<vmem>>, vector<256x128xf32>
    %dot_general3A_37 = arith.constant dense<0.000000e+00> : vector<2000x128xf32>
    %dot_general3A_38 = tpu.matmul %max3A_33, %get3A_36, %dot_general3A_37 {dimension_numbers = #tpu.dot_dimension_numbers<[1], [0], [0], [1], [0, 0, 1, 1], [], []>, precision = #tpu.contract_precision<fp32>, transpose_lhs_hint = false} : vector<2000x256xf32>, vector<256x128xf32>, vector<2000x128xf32> -> vector<2000x128xf32>
    %swap3A = arith.constant 0 : index
    %swap3A_39 = arith.constant 0 : index
    %swap3A_40 = vector.load %arg6[%swap3A, %swap3A_39] : memref<2000x128xf32, #tpu.memory_space<vmem>>, vector<2000x128xf32>
    tpu.vector_store %arg6[%swap3A, %swap3A_39], %dot_general3A_38 {strides = array<i32>} : memref<2000x128xf32, #tpu.memory_space<vmem>>, vector<2000x128xf32>,
    return
  }
  func.func @transform_0(%arg0: i32) -> (i32, i32, i32) {
    %c0_i32 = arith.constant 0 : i32
    %c0_i32_0 = arith.constant 0 : i32
    %c0_i32_1 = arith.constant 0 : i32
    return %c0_i32, %arg0, %c0_i32_0 : i32, i32, i32
  }
  func.func @transform_1(%arg0: i32) -> (i32, i32) {
    %c0_i32 = arith.constant 0 : i32
    %c0_i32_0 = arith.constant 0 : i32
    return %arg0, %c0_i32 : i32, i32
  }
  func.func @transform_2(%arg0: i32) -> (i32, i32) {
    %c0_i32 = arith.constant 0 : i32
    %c0_i32_0 = arith.constant 0 : i32
    %c0_i32_1 = arith.constant 0 : i32
    return %c0_i32, %c0_i32_0 : i32, i32
  }
  func.func @transform_3(%arg0: i32) -> (i32, i32) {
    %c0_i32 = arith.constant 0 : i32
    %c0_i32_0 = arith.constant 0 : i32
    %c0_i32_1 = arith.constant 0 : i32
    return %c0_i32, %c0_i32_0 : i32, i32
  }
  func.func @transform_4(%arg0: i32) -> (i32, i32) {
    %c0_i32 = arith.constant 0 : i32
    %c0_i32_0 = arith.constant 0 : i32
    %c0_i32_1 = arith.constant 0 : i32
    return %c0_i32, %c0_i32_0 : i32, i32
  }
  func.func @transform_5(%arg0: i32) -> (i32, i32) {
    %c0_i32 = arith.constant 0 : i32
    %c0_i32_0 = arith.constant 0 : i32
    return %arg0, %c0_i32 : i32, i32
  }
}

module attributes {stable_mosaic.version = 14 : i64} {
  func.func @_tc3_body(%arg0: i32, %arg1: memref<2x2000x128xf32, #tpu.memory_space<vmem>>, %arg2: memref<2000x16xf32, #tpu.memory_space<vmem>>, %arg3: memref<1x128xf32, #tpu.memory_space<vmem>>, %arg4: memref<2000x128xf32, #tpu.memory_space<vmem>>) attributes {dimension_semantics = [#tpu.dimension_semantics<arbitrary>], iteration_bounds = array<i64: 5>, scalar_prefetch = 0 : i64, scratch_operands = 0 : i64, tpu.core_type = #tpu.core_type<tc>, window_params = [{transform_indices = @transform_0, window_bounds = array<i64: 2, 2000, 128>}, {transform_indices = @transform_1, window_bounds = array<i64: 2000, 16>}, {pipeline_mode = #tpu.pipeline_mode<synchronous>, transform_indices = @transform_2, window_bounds = array<i64: 1, 128>}, {transform_indices = @transform_3, window_bounds = array<i64: 2000, 128>}]} {
    %get3A = arith.constant 0 : index
    %get3A_0 = arith.constant 0 : index
    %get3A_1 = arith.constant 0 : index
    %get3A_2 = vector.load %arg1[%get3A, %get3A_0, %get3A_1] : memref<2x2000x128xf32, #tpu.memory_space<vmem>>, vector<1x2000x128xf32>
    %get3A_3 = vector.shape_cast %get3A_2 : vector<1x2000x128xf32> to vector<2000x128xf32>
    %get3A_4 = arith.constant 1 : index
    %get3A_5 = arith.constant 0 : index
    %get3A_6 = arith.constant 0 : index
    %get3A_7 = vector.load %arg1[%get3A_4, %get3A_5, %get3A_6] : memref<2x2000x128xf32, #tpu.memory_space<vmem>>, vector<1x2000x128xf32>
    %get3A_8 = vector.shape_cast %get3A_7 : vector<1x2000x128xf32> to vector<2000x128xf32>
    %add3A = arith.addf %get3A_3, %get3A_8 : vector<2000x128xf32>
    %get3A_9 = arith.constant 0 : index
    %get3A_10 = arith.constant 0 : index
    %get3A_11 = vector.load %arg2[%get3A_9, %get3A_10] : memref<2000x16xf32, #tpu.memory_space<vmem>>, vector<2000x1xf32>
    %mul3A = vector.broadcast %get3A_11 : vector<2000x1xf32> to vector<2000x128xf32>
    %mul3A_12 = arith.mulf %add3A, %mul3A : vector<2000x128xf32>
    %get3A_13 = arith.constant 0 : index
    %get3A_14 = arith.constant 0 : index
    %get3A_15 = vector.load %arg3[%get3A_13, %get3A_14] : memref<1x128xf32, #tpu.memory_space<vmem>>, vector<1x128xf32>
    %add3A_16 = vector.broadcast %get3A_15 : vector<1x128xf32> to vector<2000x128xf32>
    %add3A_17 = arith.addf %mul3A_12, %add3A_16 : vector<2000x128xf32>
    %add3A_18 = arith.constant 0.00999999977 : f32
    %add3A_19 = vector.broadcast %add3A_18 : f32 to vector<2000x128xf32>
    %add3A_20 = arith.addf %add3A_17, %add3A_19 : vector<2000x128xf32>
    %swap3A = arith.constant 0 : index
    %swap3A_21 = arith.constant 0 : index
    %swap3A_22 = vector.load %arg4[%swap3A, %swap3A_21] : memref<2000x128xf32, #tpu.memory_space<vmem>>, vector<2000x128xf32>
    tpu.vector_store %arg4[%swap3A, %swap3A_21], %add3A_20 {strides = array<i32>} : memref<2000x128xf32, #tpu.memory_space<vmem>>, vector<2000x128xf32>,
    return
  }
  func.func @transform_0(%arg0: i32) -> (i32, i32, i32) {
    %c0_i32 = arith.constant 0 : i32
    %c0_i32_0 = arith.constant 0 : i32
    %c0_i32_1 = arith.constant 0 : i32
    return %c0_i32, %arg0, %c0_i32_0 : i32, i32, i32
  }
  func.func @transform_1(%arg0: i32) -> (i32, i32) {
    %c0_i32 = arith.constant 0 : i32
    %c0_i32_0 = arith.constant 0 : i32
    return %arg0, %c0_i32 : i32, i32
  }
  func.func @transform_2(%arg0: i32) -> (i32, i32) {
    %c0_i32 = arith.constant 0 : i32
    %c0_i32_0 = arith.constant 0 : i32
    %c0_i32_1 = arith.constant 0 : i32
    return %c0_i32, %c0_i32_0 : i32, i32
  }
  func.func @transform_3(%arg0: i32) -> (i32, i32) {
    %c0_i32 = arith.constant 0 : i32
    %c0_i32_0 = arith.constant 0 : i32
    return %arg0, %c0_i32 : i32, i32
  }
}

</mosaic_0001>

<sc_bundles>
// kernel: kernel.11.cloned.1.call-start
scs
__scs_entry_jumppad:
0x0: {  	(pc) =	sbr.rel $0x88, $3  }
0x1: {  	(tag) =	ssettag $0x0;
	lr =	simm.s32 $0x1  }
0x2: {  	[smem:$0x3F99] =	sst lr;
	_ =	strace $0xD0000000  }
0x3: {  	_ = 	snop  }
0x4: {  	_ = 	snop  }
0x5: {  	_ = 	snop  }
0x6: {  	_ = 	snop  }
0x7: {  	_ = 	snop  }
__scs_overlays_trampoline_lowered:
0x8: {  	[smem:$0x3FA8] =	sst s0  }
0x9: {  	[smem:$0x3FA9] =	sst s1  }
0xa: {  	[smem:$0x3FAA] =	sst s2  }
0xb: {  	[smem:$0x3FAB] =	sst s3  }
0xc: {  	[smem:$0x3FAC] =	sst s4  }
0xd: {  	[smem:$0x3FAD] =	sst s5  }
0xe: {  	[smem:$0x3FAE] =	sst s6  }
0xf: {  	[smem:$0x3FAF] =	sst s7  }
0x10: {  	[smem:$0x3FB0] =	sst s8  }
0x11: {  	[smem:$0x3FB1] =	sst s9;
	s0 =	simm.s32 @!p0 $0x0  }
0x12: {  	s1 =	sld [smem:$0x3F97];
	s0 =	simm.s32 @p0 $0x1  }
0x13: {  	[smem:$0x3FB2] =	sst s0;
	s0 =	simm.s32 @!p1 $0x0  }
0x14: {  	s2 =	sld [smem:$0x3F96];
	s0 =	simm.s32 @p1 $0x1  }
0x15: {  	[smem:$0x3FB3] =	sst s0;
	s0 =	simm.s32 @!p2 $0x0  }
0x16: {  	s3 =	sld [smem:$0x3FDB];
	s0 =	simm.s32 @p2 $0x1  }
0x17: {  	s4 =	simm.s32 $0x1BF5;
	[smem:$0x3FB5] =	sst s0  }
0x18: {  	s0 =	sld [smem:$0x3F98];
	_ =	swait.ge [sflag:s4], $0x0  }
0x19: {  	s7 =	sld [smem:$0x3F99]  }
0x1a: {  	s8 =	sadd.s32 $0xFFFFE003, lr  }
0x1b: {  	s9 =	sadd.s32 $0xFFFFFEF7, lr;
	s5 =	simm.s32 $0xFFFFFFFF;
	p2 =	slt.u32 s8, $0xFFFFF086  }
0x1c: {  	p1 =	slt.u32 s9, $0xF7A;
	s5 =	simm.s32 @!p2 $0x0  }
0x1d: {  	s5 =	simm.s32 @p1 $0x1;
	p0 =	seq.s32 s7, s2  }
0x1e: {  	s7 =	smul.u32 @!p0 $0xF7A, s2;
	p2 =	seq.s32 @!p0 s5, $0x0  }
0x1f: {  	s9 =	smul.u32 $0xF7A, s1;
	s8 =	simm.s32 @!p0 $0x1BF5;
	p2 =	por !p2, p0  }
0x20: {  	[sflag:s8] =	ssyncset.s32 @!p0 $0xFFFFF086;
	s6 =	sadd.s32 @!p0 s3, s7;
	s7 =	simm.s32 @!p0 $0x108  }
0x21: {  	s3 =	sadd.s32 s3, s9;
	s6 =	sadd.s32 @!p0 $0x88, s6;
	s7 =	simm.s32 @p2 $0x1082  }
0x22: {  	[simem:s7], [sflag:s8] =	dma.local @!p0 [hbm:s6], $0xF7A  }
0x23: {  	s9 =	sor.u32 $0xD0000000, s2;
	s6 =	simm.s32 $0x108;
	_ =	swait.ge @!p0 [sflag:s8], $0x0  }
0x24: {  	s3 =	sadd.s32 $0x88, s3;
	s6 =	simm.s32 @!p1 $0x1082;
	[sflag:s4] =	ssyncset.s32 $0xFFFFF086  }
0x25: {  	[simem:s6], [sflag:s4] =	dma.local [hbm:s3], $0xF7A  }
0x26: {  	[smem:$0x3F99] =	sst s1;
	(tag) =	ssettag s2;
	_ =	strace s9  }
0x27: {  	s1 =	sld [smem:$0x3FA9]  }
0x28: {  	s2 =	sld [smem:$0x3FAA]  }
0x29: {  	s4 =	sld [smem:$0x3FAC]  }
0x2a: {  	p0 =	seq.s32 s5, $0x0;
	s5 =	sld [smem:$0x3FAD]  }
0x2b: {  	s6 =	sld [smem:$0x3FAE]  }
0x2c: {  	s7 =	sld [smem:$0x3FAF]  }
0x2d: {  	s3 =	simm.s32 $0x108;
	s8 =	sld [smem:$0x3FB0]  }
0x2e: {  	s3 =	simm.s32 @!p0 $0x1082;
	s9 =	sld [smem:$0x3FB1]  }
0x2f: {  	lr =	sadd.s32 s0, s3;
	s0 =	sld [smem:$0x3FA8]  }
0x30: {  	s3 =	sld [smem:$0x3FAB]  }
0x31: {  	[smem:$0x3FB4] =	sst s10  }
0x32: {  	s10 =	sld [smem:$0x3FB2];
	_ =	sdelay $0x3  }
0x33: {  	p0 =	seq.s32 s10, $0x1;
	s10 =	sld [smem:$0x3FB4];
	_ =	sdelay $0x3  }
0x34: {  	[smem:$0x3FB4] =	sst s10  }
0x35: {  	s10 =	sld [smem:$0x3FB3];
	_ =	sdelay $0x3  }
0x36: {  	p1 =	seq.s32 s10, $0x1;
	s10 =	sld [smem:$0x3FB4];
	_ =	sdelay $0x3  }
0x37: {  	[smem:$0x3FB4] =	sst s10  }
0x38: {  	s10 =	sld [smem:$0x3FB5]  }
0x39: {  	_ = 	snop;
	(pc) =	sbr.ind lr, $3  }
0x3a: {  	_ = 	snop  }
0x3b: {  	_ = 	snop  }
0x3c: {  	p2 =	seq.s32 s10, $0x1;
	s10 =	sld [smem:$0x3FB4]  }
0x3d: {  	_ =	shalt  }
0x3e: {  	_ =	shalt  }
0x3f: {  	_ =	shalt  }
0x40: {  	_ =	shalt  }
0x41: {  	_ =	shalt  }
0x42: {  	_ =	shalt  }
0x43: {  	_ =	shalt  }
0x44: {  	_ =	shalt  }
0x45: {  	_ =	shalt  }
0x46: {  	_ =	shalt  }
0x47: {  	_ =	shalt  }
0x48: {  	_ =	shalt  }
0x49: {  	_ =	shalt  }
0x4a: {  	_ =	shalt  }
0x4b: {  	_ =	shalt  }
0x4c: {  	_ =	shalt  }
0x4d: {  	_ =	shalt  }
0x4e: {  	_ =	shalt  }
0x4f: {  	_ =	shalt  }
0x50: {  	_ =	shalt  }
0x51: {  	_ =	shalt  }
0x52: {  	_ =	shalt  }
0x53: {  	_ =	shalt  }
0x54: {  	_ =	shalt  }
0x55: {  	_ =	shalt  }
0x56: {  	_ =	shalt  }
0x57: {  	_ =	shalt  }
0x58: {  	_ =	shalt  }
0x59: {  	_ =	shalt  }
0x5a: {  	_ =	shalt  }
0x5b: {  	_ =	shalt  }
0x5c: {  	_ =	shalt  }
0x5d: {  	_ =	shalt  }
0x5e: {  	_ =	shalt  }
0x5f: {  	_ =	shalt  }
0x60: {  	_ =	shalt  }
0x61: {  	_ =	shalt  }
0x62: {  	_ =	shalt  }
0x63: {  	_ =	shalt  }
0x64: {  	_ =	shalt  }
0x65: {  	_ =	shalt  }
0x66: {  	_ =	shalt  }
0x67: {  	_ =	shalt  }
0x68: {  	_ =	shalt  }
0x69: {  	_ =	shalt  }
0x6a: {  	_ =	shalt  }
0x6b: {  	_ =	shalt  }
0x6c: {  	_ =	shalt  }
0x6d: {  	_ =	shalt  }
0x6e: {  	_ =	shalt  }
0x6f: {  	_ =	shalt  }
0x70: {  	_ =	shalt  }
0x71: {  	_ =	shalt  }
0x72: {  	_ =	shalt  }
0x73: {  	_ =	shalt  }
0x74: {  	_ =	shalt  }
0x75: {  	_ =	shalt  }
0x76: {  	_ =	shalt  }
0x77: {  	_ =	shalt  }
0x78: {  	_ =	shalt  }
0x79: {  	_ =	shalt  }
0x7a: {  	_ =	shalt  }
0x7b: {  	_ =	shalt  }
0x7c: {  	_ =	shalt  }
0x7d: {  	_ =	shalt  }
0x7e: {  	_ =	shalt  }
0x7f: {  	_ =	shalt  }
0x80: {  	_ =	shalt  }
0x81: {  	_ =	shalt  }
0x82: {  	_ =	shalt  }
0x83: {  	_ =	shalt  }
0x84: {  	_ =	shalt  }
0x85: {  	_ =	shalt  }
0x86: {  	_ =	shalt  }
0x87: {  	_ =	shalt  }
.Lfunc_end0:
.L_simem_size_0:
called_computation.1_lowered:
.L_overlay_start_0:
0x88: {  	s2 =	sld [smem:$0x3FD9]  }
0x89: {  	s3 =	sld [smem:$0x3FFE];
	_ =	sdelay $0x1  }
0x8a: {  	s1 =	srdreg.scid  }
0x8b: {  	s0 =	sand.u32 $0x1, s1  }
0x8c: {  	s17 =	sshll.u32 s0, $0xA;
	s2 =	sadd.s32 s3, s2  }
0x8d: {  	s2 =	sadd.s32 s2, s17  }
0x8e: {  	[smem:$0x3FC0] =	sst s2  }
0x8f: {  	_ = 	snop  }
0x90: {  	s2 =	sld [smem:$0x3FD0];
	(tm) =	ssettm $0x1  }
0x91: {  	s18 =	sld [smem:$0x3FFB];
	_ =	sdelay $0x3  }
0x92: {  	_ =	strace s18  }
0x93: {  	s3 =	sld [smem:$0x3FFC];
	_ =	sdelay $0x3  }
0x94: {  	_ =	strace s3  }
0x95: {  	s3 =	sld [smem:$0x3FFD];
	_ =	sdelay $0x3  }
0x96: {  	_ =	strace s3  }
0x97: {  	_ =	strace $0x8FFFFFFF  }
0x98: {  	s19 =	sld [smem:$0x3FDB];
	_ =	sdelay $0x1  }
0x99: {  	s4 =	simm.s32 $_scs_section_size  }
0x9a: {  	s5 =	simm.s32 $_size__tile_overlayer_lowered;
	s6 =	simm.s32 $_tile_overlayer_lowered  }
0x9b: {  	s22 =	simm.s32 $0x1BFF;
	s21 =	sshll.u32 s6, $0x1;
	s3 =	sadd.s32 s4, s19  }
0x9c: {  	s7 =	simm.s32 $0x0;
	s20 =	sshll.u32 s5, $0x1;
	s5 =	sadd.s32 s21, s3  }
0x9d: {  	[timem:s7], [sflag:s22] =	dma.local [hbm:s5], s20  }
0x9e: {  	_ =	swait.ge [sflag:s22], s20  }
0x9f: {  	s4 =	ssub.s32 $0x0, s20;
	[sflag:s22] =	ssyncset.done $0x0  }
0xa0: {  	[sflag:s22] =	ssyncadd.s32 s4;
	_ =	sdelay $0x1  }
0xa1: {  	s23 =	simm.s32 $0x1B8B  }
0xa2: {  	_ =	swait.ge [sflag:s23], $0x1  }
0xa3: {  	[sflag:s23] =	ssyncset.done $0x0  }
0xa4: {  	s25 =	simm.s32 $0x1B8E;
	s24 =	sld [smem:$0x3FFE];
	[sflag:s23] =	ssyncadd.s32 $0xFFFFFFFF  }
0xa5: {  	s26 =	simm.s32 $execute0_lowered;
	[smem:$0x3FD2] =	sst s25  }
0xa6: {  	s5 =	sshll.u32 s26, $0x1;
	_ =	strace $0x80000049;
	[dreg:$0x1] =	wrdreg $0xFFFFFFFF  }
0xa7: {  	s28 =	simm.s32 $_size_execute0_lowered;
	s3 =	sadd.s32 s3, s5;
	[dreg:$0x0] =	wrdreg $0x0  }
0xa8: {  	s5 =	sshll.u32 s28, $0x1;
	[dreg:$0x2] =	wrdreg s3  }
0xa9: {  	[dreg:$0x3] =	wrdreg s5  }
0xaa: {  	[dreg:$0x4] =	wrdreg $0xC0  }
0xab: {  	_ =	task [dreg:s7], $0x5FFFF  }
0xac: {  	[dreg:$0x1] =	wrdreg $0xFFFFFFFF  }
0xad: {  	[dreg:$0x0] =	wrdreg $0x60  }
0xae: {  	[dreg:$0x2] =	wrdreg s24  }
0xaf: {  	[dreg:$0x3] =	wrdreg s2  }
0xb0: {  	[dreg:$0x4] =	wrdreg $0x86000  }
0xb1: {  	[dreg:$0x5] =	wrdreg $0x9  }
0xb2: {  	_ =	task.clear_ibuf [dreg:s7], $0x6FFFF;
	_ =	strace $0x90000049  }
0xb3: {  	s29 =	simm.s32 $0x9;
	_ =	strace $0x8000004B  }
0xb4: {  	_ =	swait.ge [sflag:s29], $0x1  }
0xb5: {  	[sflag:s29] =	ssyncadd.s32 $0xFFFFFFFF  }
0xb6: {  	_ =	strace $0x9000004B  }
0xb7: {  	_ =	sfence  }
0xb8: {  	s30 =	sld [smem:$0x0];
	_ =	sdelay $0x2  }
0xb9: {  	s31 =	sshll.u32 s1, $0xD;
	s1 =	sshrl.u32 s1, $0x2  }
0xba: {  	s3 =	sand.u32 $0x4000, s31;
	s1 =	sadd.s32 s1, s30  }
0xbb: {  	s0 =	sor.u32 s3, s0;
	s1 =	sshll.u32 s1, $0x11  }
0xbc: {  	s0 =	sor.u32 s1, s0  }
0xbd: {  	s0 =	sadd.s32 $0x8F2B, s0  }
0xbe: {  	[sflag:s0] =	ssyncadd.remote.s32 $0x1  }
0xbf: {  	_ =	sfence.sel $0xFFFF  }
0xc0: {  	[dreg:$0x0] =	wrdreg $0xFFFFFFFF;
	(pc) =	sbr.abs _section_cstart, $3  }
0xc1: {  	[dreg:$0x1] =	wrdreg $0xFFFFFFFF  }
0xc2: {  	_ =	task.clear_ibuf [dreg:s7], $0x2FFFF;
	_ =	strace $0x9FFFFFFF  }
0xc3: {  	(tm) =	ssettm $0x7FFFFFFF  }
tec
execute0_lowered:
.L_overlay_start_1:
0x0: {  	(tag) =	ssettag $0x1  }
0x1: {  	s0 =	rddreg [dreg:$0x0]  }
0x2: {  	s1 =	rddreg [dreg:$0x1]  }
0x3: {  	s2 =	rddreg [dreg:$0x2];
	s12 =	stileid.u32  }
0x4: {  	s4 =	srdreg.scid;
	s3 =	simm.s32 $0x0;
	s13 =	simm.s32 $0x200  }
0x5: {  	s14 =	simm.s32 $0x40;
	s23 =	simm.s32 $0xC0;
	s24 =	simm.s32 $0x280  }
0x6: {  	s25 =	simm.s32 $0x140;
	s26 =	simm.s32 $0x300;
	s28 =	simm.s32 $0x380  }
0x7: {  	s29 =	simm.s32 $0x8;
	s30 =	simm.s32 $0x1C0;
	s5 =	smul.u32 $0x1400, s12  }
0x8: {  	s31 =	simm.s32 $0x400;
	s6 =	smul.u32 $0x13C00, s12;
	s7 =	sand.u32 $0x1, s4  }
0x9: {  	[smem:$0x7FF] =	sst s3;
	s4 =	sadd.s32 $0x9DA00, s0;
	s11 =	smul.u32 $0x4F000, s12  }
0xa: {  	s18 =	sshll.u32 s12, $0x6;
	s12 =	simm.s32 $0x100;
	s8 =	smul.u32 $0x13C000, s7  }
0xb: {  	_ =	strace $0x8000004A;
	s15 =	ssub.s32 $0x2, s7;
	[dreg:$0x6] =	wrdreg s23  }
0xc: {  	s19 =	sor.u32 $0x1C09, s18;
	s20 =	sshll.u32 s7, $0x4;
	[dreg:$0x7] =	wrdreg s24  }
0xd: {  	s18 =	simm.s32 $0x6600;
	[dreg:$0x8] =	wrdreg s25;
	s23 =	simm.s32 $0x3  }
0xe: {  	[dreg:$0x9] =	wrdreg s26;
	s24 =	simm.s32 $0x7;
	s25 =	simm.s32 $0x180  }
0xf: {  	s26 =	simm.s32 $0x4;
	s9 =	sadd.s32 s5, s0;
	s10 =	sshrl.u32 s6, $0x3  }
0x10: {  	s16 =	sshrl.u32 s15, $0x1;
	s17 =	sshrl.u32 s11, $0x2;
	s1 =	sadd.s32 s5, s1  }
0x11: {  	s7 =	smov.u32 s19;
	s11 =	simm.s32 $0x80;
	s19 =	simm.s32 $0x1  }
0x12: {  	s5 =	simm.s32 $0x580;
	s6 =	sadd.s32 s6, s8;
	s10 =	sadd.s32 s10, s0  }
0x13: {  	s8 =	sadd.s32 s17, s2;
	s9 =	sadd.s32 $0xC200, s9;
	s21 =	sadd.s32 s20, s1  }
0x14: {  	s17 =	simm.s32 $0x4600;
	s20 =	simm.s32 $0x5;
	[dreg:$0xb] =	wrdreg s7  }
0x15: {  	s1 =	simm.s32 $0x500;
	s6 =	sshrl.u32 s6, $0x3;
	[dreg:$0x4] =	wrdreg s9  }
0x16: {  	s10 =	sadd.s32 $0x22200, s10;
	[dreg:$0x5] =	wrdreg s21;
	s8 =	sshrl.u32 s8, $0x3  }
0x17: {  	s21 =	simm.s32 $0x2;
	s9 =	simm.s32 $0x0;
	s0 =	sadd.s32 s6, s0  }
0x18: {  	s6 =	ssub.s32 s15, s16;
	[dreg:$0xa] =	wrdreg s10;
	s10 =	simm.s32 $0x9  }
0x19: {  	s15 =	simm.s32 $0x600;
	[dreg:$0xe] =	wrdreg s8;
	s0 =	sadd.s32 $0x49A00, s0  }
0x1a: {  	s16 =	simm.s32 $0x2600;
	s22 =	smax.u32 s6, $0x1;
	[dreg:$0xc] =	wrdreg s0  }
0x1b: {  	[dreg:$0xd] =	wrdreg s22;
	s22 =	simm.s32 $0x6;
	s0 =	simm.s32 $0x480  }
.LBB2_1:
0x1c: {  	[dreg:$0xf] =	wrdreg s9  }
0x1d: {  	s6 =	rddreg [dreg:$0xa]  }
0x1e: {  	[spmem:s8], [sflag:s7] =	dma.local [hbm:s6], $0x2780  }
0x1f: {  	_ =	swait.ge [sflag:s10], $0x2780  }
0x20: {  	[sflag:s10] =	ssyncset.done $0x0  }
0x21: {  	[sflag:s10] =	ssyncadd.s32 $0xFFFFD880  }
0x22: {  	[bflag:$0x0] =	sbarrier.arrive $0xFFFF  }
0x23: {  	s7 =	rddreg [dreg:$0x5]  }
0x24: {  	s6 =	sadd.s32 $0x0, s7  }
0x25: {  	[tilespmem:s3], [sflag:$0x9] =	stream.strided.gather [hbm4b:s6+s11], $0x200, s12, s11, $0x38;
	[tilespmem:$0x1C200] =	vst v63  }
0x26: {  	_ =	swait.ge [sflag:s10], $0x200  }
0x27: {  	s8 =	rddreg [dreg:$0x4];
	[sflag:s10] =	ssyncset.done $0x0  }
0x28: {  	[sflag:s10] =	ssyncadd.s32 $0xFFFFFE00;
	s6 =	sadd.s32 $0x0, s8  }
0x29: {  	[tilespmem:s13], [sflag:$0x9] =	stream.linear.gather [hbm4b:s6+s3], $0x400, $0x38;
	[tilespmem:$0x1C200] =	vst v63  }
0x2a: {  	_ =	swait.ge [sflag:s10], $0x400  }
0x2b: {  	[sflag:s10] =	ssyncset.done $0x0  }
0x2c: {  	[sflag:s10] =	ssyncadd.s32 $0xFFFFFC00  }
0x2d: {  	[tilespmem:s15], [sflag:$0x1] =	stream.indirect.gather [hbm4b:s4+s14], $0x80, s3, s14, $0xb8;
	[tilespmem:$0x1C200] =	vst v63  }
0x2e: {  	_ = 	snop  }
0x2f: {  	[tilespmem:s16], [sflag:$0x2] =	stream.indirect.gather [hbm4b:s4+s14], $0x80, s14, s14, $0xb8;
	[tilespmem:$0x1C200] =	vst v63  }
0x30: {  	_ = 	snop  }
0x31: {  	[tilespmem:s17], [sflag:$0x3] =	stream.indirect.gather [hbm4b:s4+s14], $0x80, s11, s14, $0xb8;
	[tilespmem:$0x1C200] =	vst v63  }
0x32: {  	s9 =	rddreg [dreg:$0x6]  }
0x33: {  	[tilespmem:s18], [sflag:$0x4] =	stream.indirect.gather [hbm4b:s4+s14], $0x80, s9, s14, $0xb8;
	[tilespmem:$0x1C200] =	vst v63  }
0x34: {  	_ =	swait.ge [sflag:s19], $0x2000  }
0x35: {  	[sflag:s19] =	ssyncset.done $0x0  }
0x36: {  	[sflag:s19] =	ssyncadd.s32 $0xFFFFE000  }
0x37: {  	[spmem:s2] =	stream.indirect.scatter.add.f32 [tilespmem:s15], [sflag:$0x5], $0x80, s13, s14, $0xb8;
	[tilespmem:$0x1C200] =	vst v63  }
0x38: {  	_ =	swait.ge [sflag:s20], $0x2000  }
0x39: {  	[sflag:s20] =	ssyncset.done $0x0  }
0x3a: {  	[sflag:s20] =	ssyncadd.s32 $0xFFFFE000  }
0x3b: {  	[tilespmem:s15], [sflag:$0x1] =	stream.indirect.gather [hbm4b:s4+s14], $0x80, s12, s14, $0xb8;
	[tilespmem:$0x1C200] =	vst v63  }
0x3c: {  	_ =	swait.ge [sflag:s21], $0x2000  }
0x3d: {  	[sflag:s21] =	ssyncset.done $0x0  }
0x3e: {  	s7 =	rddreg [dreg:$0x7];
	[sflag:s21] =	ssyncadd.s32 $0xFFFFE000  }
0x3f: {  	[spmem:s2] =	stream.indirect.scatter.add.f32 [tilespmem:s16], [sflag:$0x6], $0x80, s7, s14, $0xb8;
	[tilespmem:$0x1C200] =	vst v63  }
0x40: {  	_ =	swait.ge [sflag:s22], $0x2000  }
0x41: {  	[sflag:s22] =	ssyncset.done $0x0  }
0x42: {  	s8 =	rddreg [dreg:$0x8];
	[sflag:s22] =	ssyncadd.s32 $0xFFFFE000  }
0x43: {  	[tilespmem:s16], [sflag:$0x2] =	stream.indirect.gather [hbm4b:s4+s14], $0x80, s8, s14, $0xb8;
	[tilespmem:$0x1C200] =	vst v63  }
0x44: {  	_ =	swait.ge [sflag:s23], $0x2000  }
0x45: {  	[sflag:s23] =	ssyncset.done $0x0  }
0x46: {  	s9 =	rddreg [dreg:$0x9];
	[sflag:s23] =	ssyncadd.s32 $0xFFFFE000  }
0x47: {  	[spmem:s2] =	stream.indirect.scatter.add.f32 [tilespmem:s17], [sflag:$0x7], $0x80, s9, s14, $0xb8;
	[tilespmem:$0x1C200] =	vst v63  }
0x48: {  	_ =	swait.ge [sflag:s24], $0x2000  }
0x49: {  	[sflag:s24] =	ssyncset.done $0x0  }
0x4a: {  	[sflag:s24] =	ssyncadd.s32 $0xFFFFE000  }
0x4b: {  	[tilespmem:s17], [sflag:$0x3] =	stream.indirect.gather [hbm4b:s4+s14], $0x80, s25, s14, $0xb8;
	[tilespmem:$0x1C200] =	vst v63  }
0x4c: {  	_ =	swait.ge [sflag:s26], $0x2000  }
0x4d: {  	[sflag:s26] =	ssyncset.done $0x0  }
0x4e: {  	[sflag:s26] =	ssyncadd.s32 $0xFFFFE000  }
0x4f: {  	[spmem:s2] =	stream.indirect.scatter.add.f32 [tilespmem:s18], [sflag:$0x8], $0x80, s28, s14, $0xb8;
	[tilespmem:$0x1C200] =	vst v63  }
0x50: {  	_ =	swait.ge [sflag:s29], $0x2000  }
0x51: {  	[sflag:s29] =	ssyncset.done $0x0  }
0x52: {  	[sflag:s29] =	ssyncadd.s32 $0xFFFFE000  }
0x53: {  	[tilespmem:s18], [sflag:$0x4] =	stream.indirect.gather [hbm4b:s4+s14], $0x80, s30, s14, $0xb8;
	[tilespmem:$0x1C200] =	vst v63  }
0x54: {  	_ =	swait.ge [sflag:s19], $0x2000  }
0x55: {  	[sflag:s19] =	ssyncset.done $0x0  }
0x56: {  	[sflag:s19] =	ssyncadd.s32 $0xFFFFE000  }
0x57: {  	[spmem:s2] =	stream.indirect.scatter.add.f32 [tilespmem:s15], [sflag:$0x5], $0x80, s31, s14, $0xb8;
	[tilespmem:$0x1C200] =	vst v63  }
0x58: {  	_ =	swait.ge [sflag:s20], $0x2000  }
0x59: {  	[sflag:s20] =	ssyncset.done $0x0  }
0x5a: {  	[sflag:s20] =	ssyncadd.s32 $0xFFFFE000  }
0x5b: {  	_ =	swait.ge [sflag:s21], $0x2000  }
0x5c: {  	[sflag:s21] =	ssyncset.done $0x0  }
0x5d: {  	[sflag:s21] =	ssyncadd.s32 $0xFFFFE000  }
0x5e: {  	[spmem:s2] =	stream.indirect.scatter.add.f32 [tilespmem:s16], [sflag:$0x6], $0x80, s0, s14, $0xb8;
	[tilespmem:$0x1C200] =	vst v63  }
0x5f: {  	_ =	swait.ge [sflag:s22], $0x2000  }
0x60: {  	[sflag:s22] =	ssyncset.done $0x0  }
0x61: {  	[sflag:s22] =	ssyncadd.s32 $0xFFFFE000  }
0x62: {  	_ =	swait.ge [sflag:s23], $0x2000  }
0x63: {  	[sflag:s23] =	ssyncset.done $0x0  }
0x64: {  	[sflag:s23] =	ssyncadd.s32 $0xFFFFE000  }
0x65: {  	[spmem:s2] =	stream.indirect.scatter.add.f32 [tilespmem:s17], [sflag:$0x7], $0x80, s1, s14, $0xb8;
	[tilespmem:$0x1C200] =	vst v63  }
0x66: {  	_ =	swait.ge [sflag:s24], $0x2000  }
0x67: {  	[sflag:s24] =	ssyncset.done $0x0  }
0x68: {  	[sflag:s24] =	ssyncadd.s32 $0xFFFFE000  }
0x69: {  	_ =	swait.ge [sflag:s26], $0x2000  }
0x6a: {  	[sflag:s26] =	ssyncset.done $0x0  }
0x6b: {  	[sflag:s26] =	ssyncadd.s32 $0xFFFFE000  }
0x6c: {  	[spmem:s2] =	stream.indirect.scatter.add.f32 [tilespmem:s18], [sflag:$0x8], $0x80, s5, s14, $0xb8;
	[tilespmem:$0x1C200] =	vst v63  }
0x6d: {  	s6 =	simm.s32 $0x100;
	_ =	swait.ge [sflag:s29], $0x2000  }
0x6e: {  	s8 =	simm.s32 $0x80;
	s9 =	rddreg [dreg:$0x5];
	[sflag:s29] =	ssyncset.done $0x0  }
.LBB2_2:
0x6f: {  	[sflag:s29] =	ssyncadd.s32 $0xFFFFE000;
	s9 =	sadd.s32 s8, s9  }
0x70: {  	[tilespmem:s3], [sflag:$0x9] =	stream.strided.gather [hbm4b:s9+s11], $0x200, s12, s11, $0x38;
	[tilespmem:$0x1C200] =	vst v63  }
0x71: {  	_ =	swait.ge [sflag:s10], $0x200  }
0x72: {  	s9 =	rddreg [dreg:$0x4];
	[sflag:s10] =	ssyncset.done $0x0  }
0x73: {  	[sflag:s10] =	ssyncadd.s32 $0xFFFFFE00;
	s9 =	sadd.s32 s8, s9  }
0x74: {  	[tilespmem:s13], [sflag:$0x9] =	stream.linear.gather [hbm4b:s9+s3], $0x400, $0x38;
	[tilespmem:$0x1C200] =	vst v63  }
0x75: {  	_ =	swait.ge [sflag:s10], $0x400  }
0x76: {  	[sflag:s10] =	ssyncset.done $0x0  }
0x77: {  	[sflag:s10] =	ssyncadd.s32 $0xFFFFFC00  }
0x78: {  	[tilespmem:s15], [sflag:$0x1] =	stream.indirect.gather [hbm4b:s4+s14], $0x80, s3, s14, $0xb8;
	[tilespmem:$0x1C200] =	vst v63  }
0x79: {  	_ = 	snop  }
0x7a: {  	[tilespmem:s16], [sflag:$0x2] =	stream.indirect.gather [hbm4b:s4+s14], $0x80, s14, s14, $0xb8;
	[tilespmem:$0x1C200] =	vst v63  }
0x7b: {  	_ = 	snop  }
0x7c: {  	[tilespmem:s17], [sflag:$0x3] =	stream.indirect.gather [hbm4b:s4+s14], $0x80, s11, s14, $0xb8;
	[tilespmem:$0x1C200] =	vst v63  }
0x7d: {  	s9 =	rddreg [dreg:$0x6]  }
0x7e: {  	[tilespmem:s18], [sflag:$0x4] =	stream.indirect.gather [hbm4b:s4+s14], $0x80, s9, s14, $0xb8;
	[tilespmem:$0x1C200] =	vst v63  }
0x7f: {  	_ =	swait.ge [sflag:s19], $0x2000  }
0x80: {  	[sflag:s19] =	ssyncset.done $0x0  }
0x81: {  	[sflag:s19] =	ssyncadd.s32 $0xFFFFE000  }
0x82: {  	[spmem:s2] =	stream.indirect.scatter.add.f32 [tilespmem:s15], [sflag:$0x5], $0x80, s13, s14, $0xb8;
	[tilespmem:$0x1C200] =	vst v63  }
0x83: {  	_ =	swait.ge [sflag:s20], $0x2000  }
0x84: {  	[sflag:s20] =	ssyncset.done $0x0  }
0x85: {  	[sflag:s20] =	ssyncadd.s32 $0xFFFFE000  }
0x86: {  	[tilespmem:s15], [sflag:$0x1] =	stream.indirect.gather [hbm4b:s4+s14], $0x80, s12, s14, $0xb8;
	[tilespmem:$0x1C200] =	vst v63  }
0x87: {  	_ =	swait.ge [sflag:s21], $0x2000  }
0x88: {  	[sflag:s21] =	ssyncset.done $0x0  }
0x89: {  	s9 =	rddreg [dreg:$0x7];
	[sflag:s21] =	ssyncadd.s32 $0xFFFFE000  }
0x8a: {  	[spmem:s2] =	stream.indirect.scatter.add.f32 [tilespmem:s16], [sflag:$0x6], $0x80, s9, s14, $0xb8;
	[tilespmem:$0x1C200] =	vst v63  }
0x8b: {  	_ =	swait.ge [sflag:s22], $0x2000  }
0x8c: {  	[sflag:s22] =	ssyncset.done $0x0  }
0x8d: {  	s9 =	rddreg [dreg:$0x8];
	[sflag:s22] =	ssyncadd.s32 $0xFFFFE000  }
0x8e: {  	[tilespmem:s16], [sflag:$0x2] =	stream.indirect.gather [hbm4b:s4+s14], $0x80, s9, s14, $0xb8;
	[tilespmem:$0x1C200] =	vst v63  }
0x8f: {  	_ =	swait.ge [sflag:s23], $0x2000  }
0x90: {  	[sflag:s23] =	ssyncset.done $0x0  }
0x91: {  	s9 =	rddreg [dreg:$0x9];
	[sflag:s23] =	ssyncadd.s32 $0xFFFFE000  }
0x92: {  	[spmem:s2] =	stream.indirect.scatter.add.f32 [tilespmem:s17], [sflag:$0x7], $0x80, s9, s14, $0xb8;
	[tilespmem:$0x1C200] =	vst v63  }
0x93: {  	_ =	swait.ge [sflag:s24], $0x2000  }
0x94: {  	[sflag:s24] =	ssyncset.done $0x0  }
0x95: {  	[sflag:s24] =	ssyncadd.s32 $0xFFFFE000  }
0x96: {  	[tilespmem:s17], [sflag:$0x3] =	stream.indirect.gather [hbm4b:s4+s14], $0x80, s25, s14, $0xb8;
	[tilespmem:$0x1C200] =	vst v63  }
0x97: {  	_ =	swait.ge [sflag:s26], $0x2000  }
0x98: {  	[sflag:s26] =	ssyncset.done $0x0  }
0x99: {  	[sflag:s26] =	ssyncadd.s32 $0xFFFFE000  }
0x9a: {  	[spmem:s2] =	stream.indirect.scatter.add.f32 [tilespmem:s18], [sflag:$0x8], $0x80, s28, s14, $0xb8;
	[tilespmem:$0x1C200] =	vst v63  }
0x9b: {  	_ =	swait.ge [sflag:s29], $0x2000  }
0x9c: {  	[sflag:s29] =	ssyncset.done $0x0  }
0x9d: {  	[sflag:s29] =	ssyncadd.s32 $0xFFFFE000  }
0x9e: {  	[tilespmem:s18], [sflag:$0x4] =	stream.indirect.gather [hbm4b:s4+s14], $0x80, s30, s14, $0xb8;
	[tilespmem:$0x1C200] =	vst v63  }
0x9f: {  	_ =	swait.ge [sflag:s19], $0x2000  }
0xa0: {  	[sflag:s19] =	ssyncset.done $0x0  }
0xa1: {  	[sflag:s19] =	ssyncadd.s32 $0xFFFFE000  }
0xa2: {  	[spmem:s2] =	stream.indirect.scatter.add.f32 [tilespmem:s15], [sflag:$0x5], $0x80, s31, s14, $0xb8;
	[tilespmem:$0x1C200] =	vst v63  }
0xa3: {  	_ =	swait.ge [sflag:s20], $0x2000  }
0xa4: {  	[sflag:s20] =	ssyncset.done $0x0  }
0xa5: {  	[sflag:s20] =	ssyncadd.s32 $0xFFFFE000  }
0xa6: {  	_ =	swait.ge [sflag:s21], $0x2000  }
0xa7: {  	[sflag:s21] =	ssyncset.done $0x0  }
0xa8: {  	[sflag:s21] =	ssyncadd.s32 $0xFFFFE000  }
0xa9: {  	[spmem:s2] =	stream.indirect.scatter.add.f32 [tilespmem:s16], [sflag:$0x6], $0x80, s0, s14, $0xb8;
	[tilespmem:$0x1C200] =	vst v63  }
0xaa: {  	_ =	swait.ge [sflag:s22], $0x2000  }
0xab: {  	[sflag:s22] =	ssyncset.done $0x0  }
0xac: {  	[sflag:s22] =	ssyncadd.s32 $0xFFFFE000  }
0xad: {  	_ =	swait.ge [sflag:s23], $0x2000  }
0xae: {  	[sflag:s23] =	ssyncset.done $0x0  }
0xaf: {  	[sflag:s23] =	ssyncadd.s32 $0xFFFFE000  }
0xb0: {  	[spmem:s2] =	stream.indirect.scatter.add.f32 [tilespmem:s17], [sflag:$0x7], $0x80, s1, s14, $0xb8;
	[tilespmem:$0x1C200] =	vst v63  }
0xb1: {  	_ =	swait.ge [sflag:s24], $0x2000  }
0xb2: {  	[sflag:s24] =	ssyncset.done $0x0  }
0xb3: {  	[sflag:s24] =	ssyncadd.s32 $0xFFFFE000  }
0xb4: {  	p0 =	sne.s32 s6, $0x1380;
	_ =	swait.ge [sflag:s26], $0x2000  }
.Ltmp0:
0xb5: {  	[sflag:s26] =	ssyncset.done $0x0;
	(pc) =	sbr.rel @p0 .LBB2_2-.Ltmp0, $4  }
0xb6: {  	[sflag:s26] =	ssyncadd.s32 $0xFFFFE000  }
0xb7: {  	[spmem:s2] =	stream.indirect.scatter.add.f32 [tilespmem:s18], [sflag:$0x8], $0x80, s5, s14, $0xb8;
	[tilespmem:$0x1C200] =	vst v63  }
0xb8: {  	s7 =	smov.u32 s6;
	s6 =	sadd.s32 $0x80, s6;
	_ =	swait.ge [sflag:s29], $0x2000  }
0xb9: {  	s8 =	smov.u32 s7;
	s9 =	rddreg [dreg:$0x5];
	[sflag:s29] =	ssyncset.done $0x0  }
0xba: {  	[sflag:s29] =	ssyncadd.s32 $0xFFFFE000;
	s6 =	sadd.s32 s8, s9  }
0xbb: {  	[tilespmem:s3], [sflag:$0x9] =	stream.strided.gather [hbm4b:s6+s11], $0x200, s12, s11, $0x38;
	[tilespmem:$0x1C200] =	vst v63  }
0xbc: {  	_ =	swait.ge [sflag:s10], $0x200  }
0xbd: {  	s7 =	rddreg [dreg:$0x4];
	[sflag:s10] =	ssyncset.done $0x0  }
0xbe: {  	s6 =	sadd.s32 s8, s7;
	[sflag:s10] =	ssyncadd.s32 $0xFFFFFE00  }
0xbf: {  	[tilespmem:s13], [sflag:$0x9] =	stream.linear.gather [hbm4b:s6+s3], $0x400, $0x38;
	[tilespmem:$0x1C200] =	vst v63  }
0xc0: {  	_ =	swait.ge [sflag:s10], $0x400  }
0xc1: {  	[sflag:s10] =	ssyncset.done $0x0  }
0xc2: {  	[sflag:s10] =	ssyncadd.s32 $0xFFFFFC00  }
0xc3: {  	[tilespmem:s15], [sflag:$0x1] =	stream.indirect.gather [hbm4b:s4+s14], $0x80, s3, s14, $0xb8;
	[tilespmem:$0x1C200] =	vst v63  }
0xc4: {  	_ = 	snop  }
0xc5: {  	[tilespmem:s16], [sflag:$0x2] =	stream.indirect.gather [hbm4b:s4+s14], $0x80, s14, s14, $0xb8;
	[tilespmem:$0x1C200] =	vst v63  }
0xc6: {  	_ = 	snop  }
0xc7: {  	[tilespmem:s17], [sflag:$0x3] =	stream.indirect.gather [hbm4b:s4+s14], $0x80, s11, s14, $0xb8;
	[tilespmem:$0x1C200] =	vst v63  }
0xc8: {  	s8 =	rddreg [dreg:$0x6]  }
0xc9: {  	[tilespmem:s18], [sflag:$0x4] =	stream.indirect.gather [hbm4b:s4+s14], $0x80, s8, s14, $0xb8;
	[tilespmem:$0x1C200] =	vst v63  }
0xca: {  	_ =	swait.ge [sflag:s19], $0x2000  }
0xcb: {  	[sflag:s19] =	ssyncset.done $0x0  }
0xcc: {  	[sflag:s19] =	ssyncadd.s32 $0xFFFFE000  }
0xcd: {  	[spmem:s2] =	stream.indirect.scatter.add.f32 [tilespmem:s15], [sflag:$0x5], $0x80, s13, s14, $0xb8;
	[tilespmem:$0x1C200] =	vst v63  }
0xce: {  	_ =	swait.ge [sflag:s20], $0x2000  }
0xcf: {  	[sflag:s20] =	ssyncset.done $0x0  }
0xd0: {  	[sflag:s20] =	ssyncadd.s32 $0xFFFFE000  }
0xd1: {  	[tilespmem:s15], [sflag:$0x1] =	stream.indirect.gather [hbm4b:s4+s14], $0x80, s12, s14, $0xb8;
	[tilespmem:$0x1C200] =	vst v63  }
0xd2: {  	_ =	swait.ge [sflag:s21], $0x2000  }
0xd3: {  	[sflag:s21] =	ssyncset.done $0x0  }
0xd4: {  	s9 =	rddreg [dreg:$0x7];
	[sflag:s21] =	ssyncadd.s32 $0xFFFFE000  }
0xd5: {  	[spmem:s2] =	stream.indirect.scatter.add.f32 [tilespmem:s16], [sflag:$0x6], $0x80, s9, s14, $0xb8;
	[tilespmem:$0x1C200] =	vst v63  }
0xd6: {  	_ =	swait.ge [sflag:s22], $0x2000  }
0xd7: {  	[sflag:s22] =	ssyncset.done $0x0  }
0xd8: {  	s7 =	rddreg [dreg:$0x8];
	[sflag:s22] =	ssyncadd.s32 $0xFFFFE000  }
0xd9: {  	[tilespmem:s16], [sflag:$0x2] =	stream.indirect.gather [hbm4b:s4+s14], $0x80, s7, s14, $0xb8;
	[tilespmem:$0x1C200] =	vst v63  }
0xda: {  	_ =	swait.ge [sflag:s23], $0x2000  }
0xdb: {  	[sflag:s23] =	ssyncset.done $0x0  }
0xdc: {  	s8 =	rddreg [dreg:$0x9];
	[sflag:s23] =	ssyncadd.s32 $0xFFFFE000  }
0xdd: {  	[spmem:s2] =	stream.indirect.scatter.add.f32 [tilespmem:s17], [sflag:$0x7], $0x80, s8, s14, $0xb8;
	[tilespmem:$0x1C200] =	vst v63  }
0xde: {  	_ =	swait.ge [sflag:s24], $0x2000  }
0xdf: {  	[sflag:s24] =	ssyncset.done $0x0  }
0xe0: {  	[sflag:s24] =	ssyncadd.s32 $0xFFFFE000  }
0xe1: {  	[tilespmem:s17], [sflag:$0x3] =	stream.indirect.gather [hbm4b:s4+s14], $0x80, s25, s14, $0xb8;
	[tilespmem:$0x1C200] =	vst v63  }
0xe2: {  	_ =	swait.ge [sflag:s26], $0x2000  }
0xe3: {  	[sflag:s26] =	ssyncset.done $0x0  }
0xe4: {  	[sflag:s26] =	ssyncadd.s32 $0xFFFFE000  }
0xe5: {  	[spmem:s2] =	stream.indirect.scatter.add.f32 [tilespmem:s18], [sflag:$0x8], $0x80, s28, s14, $0xb8;
	[tilespmem:$0x1C200] =	vst v63  }
0xe6: {  	_ =	swait.ge [sflag:s29], $0x2000  }
0xe7: {  	[sflag:s29] =	ssyncset.done $0x0  }
0xe8: {  	[sflag:s29] =	ssyncadd.s32 $0xFFFFE000  }
0xe9: {  	[tilespmem:s18], [sflag:$0x4] =	stream.indirect.gather [hbm4b:s4+s14], $0x80, s30, s14, $0xb8;
	[tilespmem:$0x1C200] =	vst v63  }
0xea: {  	_ =	swait.ge [sflag:s19], $0x2000  }
0xeb: {  	[sflag:s19] =	ssyncset.done $0x0  }
0xec: {  	[sflag:s19] =	ssyncadd.s32 $0xFFFFE000  }
0xed: {  	[spmem:s2] =	stream.indirect.scatter.add.f32 [tilespmem:s15], [sflag:$0x5], $0x80, s31, s14, $0xb8;
	[tilespmem:$0x1C200] =	vst v63  }
0xee: {  	_ =	swait.ge [sflag:s20], $0x2000  }
0xef: {  	[sflag:s20] =	ssyncset.done $0x0  }
0xf0: {  	[sflag:s20] =	ssyncadd.s32 $0xFFFFE000  }
0xf1: {  	_ =	swait.ge [sflag:s21], $0x2000  }
0xf2: {  	[sflag:s21] =	ssyncset.done $0x0  }
0xf3: {  	[sflag:s21] =	ssyncadd.s32 $0xFFFFE000  }
0xf4: {  	[spmem:s2] =	stream.indirect.scatter.add.f32 [tilespmem:s16], [sflag:$0x6], $0x80, s0, s14, $0xb8;
	[tilespmem:$0x1C200] =	vst v63  }
0xf5: {  	_ =	swait.ge [sflag:s22], $0x2000  }
0xf6: {  	[sflag:s22] =	ssyncset.done $0x0  }
0xf7: {  	[sflag:s22] =	ssyncadd.s32 $0xFFFFE000  }
0xf8: {  	_ =	swait.ge [sflag:s23], $0x2000  }
0xf9: {  	[sflag:s23] =	ssyncset.done $0x0  }
0xfa: {  	[sflag:s23] =	ssyncadd.s32 $0xFFFFE000  }
0xfb: {  	[spmem:s2] =	stream.indirect.scatter.add.f32 [tilespmem:s17], [sflag:$0x7], $0x80, s1, s14, $0xb8;
	[tilespmem:$0x1C200] =	vst v63  }
0xfc: {  	_ =	swait.ge [sflag:s24], $0x2000  }
0xfd: {  	[sflag:s24] =	ssyncset.done $0x0  }
0xfe: {  	[sflag:s24] =	ssyncadd.s32 $0xFFFFE000  }
0xff: {  	_ =	swait.ge [sflag:s26], $0x2000  }
0x100: {  	[sflag:s26] =	ssyncset.done $0x0  }
0x101: {  	[sflag:s26] =	ssyncadd.s32 $0xFFFFE000  }
0x102: {  	[spmem:s2] =	stream.indirect.scatter.add.f32 [tilespmem:s18], [sflag:$0x8], $0x80, s5, s14, $0xb8;
	[tilespmem:$0x1C200] =	vst v63  }
0x103: {  	_ =	swait.ge [sflag:s29], $0x2000  }
0x104: {  	[sflag:s29] =	ssyncset.done $0x0  }
0x105: {  	[sflag:s29] =	ssyncadd.s32 $0xFFFFE000  }
0x106: {  	[bflag:$0x0] =	sbarrier.arrive $0xFFFF  }
0x107: {  	s7 =	rddreg [dreg:$0xb]  }
0x108: {  	s9 =	rddreg [dreg:$0xc]  }
0x109: {  	s8 =	rddreg [dreg:$0xe]  }
0x10a: {  	[hbm:s9], [sflag:s7] =	dma.local [spmem:s8], $0x2780  }
0x10b: {  	_ =	swait.ge [sflag:s10], $0x2780  }
0x10c: {  	s6 =	rddreg [dreg:$0xf]  }
0x10d: {  	s9 =	sadd.s32 $0x1, s6;
	s6 =	rddreg [dreg:$0xd]  }
0x10e: {  	p0 =	sne.s32 s9, s6  }
.Ltmp1:
0x10f: {  	_ = 	snop;
	(pc) =	sbr.rel @p0 .LBB2_1-.Ltmp1, $3  }
0x110: {  	_ =	sdelay $0x1  }
0x111: {  	[sflag:s10] =	ssyncset.done $0x0  }
0x112: {  	[sflag:s10] =	ssyncadd.s32 $0xFFFFD880  }
0x113: {  	_ =	sfence.sel $0x180000  }
0x114: {  	[bflag:$0x0] =	sbarrier.arrive $0xFFFF  }
0x115: {  	_ =	strace $0x9000004A  }
0x116: {  	s0 =	stileid.u32;
	[bflag:$0x2] =	sbarrier.arrive $0xFFFF  }
0x117: {  	p0 =	sne.s32 s0, $0x0;
	s0 =	rddreg [dreg:$0x3]  }
0x118: {  	s0 =	sadd.s32 @!p0 $0x100000, s0  }
0x119: {  	[sflag:s0] =	ssyncadd.tile.s32 @!p0 $0x1;
	_ =	shalt  }
.Lfunc_end2:
_tile_overlayer_lowered:
.L_overlay_start_2:
0x11a: {  	(tag) =	ssettag $0x2  }
0x11b: {  	s0 =	rddreg [dreg:$0x0];
	s2 =	stileid.u32  }
0x11c: {  	s1 =	rddreg [dreg:$0x1];
	p0 =	sne.s32 s2, $0x0  }
0x11d: {  	s3 =	rddreg [dreg:$0x2];
	[bflag:$0x3] =	sbarrier.arrive $0xFFFF;
	s2 =	simm.s32 @!p0 $0x1C09  }
0x11e: {  	[timem:s3], [sflag:s2] =	dma.local @!p0 [hbm:s0], s1  }
0x11f: {  	s0 =	simm.s32 @!p0 $0x9  }
0x120: {  	_ =	swait.ge @!p0 [sflag:s0], s1  }
0x121: {  	s1 =	ssub.s32 @!p0 $0x0, s1;
	[sflag:s0] =	ssyncset.done @!p0 $0x0  }
0x122: {  	[sflag:s0] =	ssyncadd.s32 @!p0 s1  }
0x123: {  	[bflag:$0x3] =	sbarrier.arrive $0xFFFF  }
0x124: {  	_ =	shalt  }

// kernel: kernel.14.cloned.1.call-start
scs
__scs_entry_jumppad:
0x0: {  	(pc) =	sbr.rel $0x88, $3  }
0x1: {  	(tag) =	ssettag $0x0;
	lr =	simm.s32 $0x1  }
0x2: {  	[smem:$0x3F99] =	sst lr;
	_ =	strace $0xD0000000  }
0x3: {  	_ = 	snop  }
0x4: {  	_ = 	snop  }
0x5: {  	_ = 	snop  }
0x6: {  	_ = 	snop  }
0x7: {  	_ = 	snop  }
__scs_overlays_trampoline_lowered:
0x8: {  	[smem:$0x3FA8] =	sst s0  }
0x9: {  	[smem:$0x3FA9] =	sst s1  }
0xa: {  	[smem:$0x3FAA] =	sst s2  }
0xb: {  	[smem:$0x3FAB] =	sst s3  }
0xc: {  	[smem:$0x3FAC] =	sst s4  }
0xd: {  	[smem:$0x3FAD] =	sst s5  }
0xe: {  	[smem:$0x3FAE] =	sst s6  }
0xf: {  	[smem:$0x3FAF] =	sst s7  }
0x10: {  	[smem:$0x3FB0] =	sst s8  }
0x11: {  	[smem:$0x3FB1] =	sst s9;
	s0 =	simm.s32 @!p0 $0x0  }
0x12: {  	s1 =	sld [smem:$0x3F97];
	s0 =	simm.s32 @p0 $0x1  }
0x13: {  	[smem:$0x3FB2] =	sst s0;
	s0 =	simm.s32 @!p1 $0x0  }
0x14: {  	s2 =	sld [smem:$0x3F96];
	s0 =	simm.s32 @p1 $0x1  }
0x15: {  	[smem:$0x3FB3] =	sst s0;
	s0 =	simm.s32 @!p2 $0x0  }
0x16: {  	s3 =	sld [smem:$0x3FDB];
	s0 =	simm.s32 @p2 $0x1  }
0x17: {  	s4 =	simm.s32 $0x1BF5;
	[smem:$0x3FB5] =	sst s0  }
0x18: {  	s0 =	sld [smem:$0x3F98];
	_ =	swait.ge [sflag:s4], $0x0  }
0x19: {  	s7 =	sld [smem:$0x3F99]  }
0x1a: {  	s8 =	sadd.s32 $0xFFFFE003, lr  }
0x1b: {  	s9 =	sadd.s32 $0xFFFFFEF7, lr;
	s5 =	simm.s32 $0xFFFFFFFF;
	p2 =	slt.u32 s8, $0xFFFFF086  }
0x1c: {  	p1 =	slt.u32 s9, $0xF7A;
	s5 =	simm.s32 @!p2 $0x0  }
0x1d: {  	s5 =	simm.s32 @p1 $0x1;
	p0 =	seq.s32 s7, s2  }
0x1e: {  	s7 =	smul.u32 @!p0 $0xF7A, s2;
	p2 =	seq.s32 @!p0 s5, $0x0  }
0x1f: {  	s9 =	smul.u32 $0xF7A, s1;
	s8 =	simm.s32 @!p0 $0x1BF5;
	p2 =	por !p2, p0  }
0x20: {  	[sflag:s8] =	ssyncset.s32 @!p0 $0xFFFFF086;
	s6 =	sadd.s32 @!p0 s3, s7;
	s7 =	simm.s32 @!p0 $0x108  }
0x21: {  	s3 =	sadd.s32 s3, s9;
	s6 =	sadd.s32 @!p0 $0x88, s6;
	s7 =	simm.s32 @p2 $0x1082  }
0x22: {  	[simem:s7], [sflag:s8] =	dma.local @!p0 [hbm:s6], $0xF7A  }
0x23: {  	s9 =	sor.u32 $0xD0000000, s2;
	s6 =	simm.s32 $0x108;
	_ =	swait.ge @!p0 [sflag:s8], $0x0  }
0x24: {  	s3 =	sadd.s32 $0x88, s3;
	s6 =	simm.s32 @!p1 $0x1082;
	[sflag:s4] =	ssyncset.s32 $0xFFFFF086  }
0x25: {  	[simem:s6], [sflag:s4] =	dma.local [hbm:s3], $0xF7A  }
0x26: {  	[smem:$0x3F99] =	sst s1;
	(tag) =	ssettag s2;
	_ =	strace s9  }
0x27: {  	s1 =	sld [smem:$0x3FA9]  }
0x28: {  	s2 =	sld [smem:$0x3FAA]  }
0x29: {  	s4 =	sld [smem:$0x3FAC]  }
0x2a: {  	p0 =	seq.s32 s5, $0x0;
	s5 =	sld [smem:$0x3FAD]  }
0x2b: {  	s6 =	sld [smem:$0x3FAE]  }
0x2c: {  	s7 =	sld [smem:$0x3FAF]  }
0x2d: {  	s3 =	simm.s32 $0x108;
	s8 =	sld [smem:$0x3FB0]  }
0x2e: {  	s3 =	simm.s32 @!p0 $0x1082;
	s9 =	sld [smem:$0x3FB1]  }
0x2f: {  	lr =	sadd.s32 s0, s3;
	s0 =	sld [smem:$0x3FA8]  }
0x30: {  	s3 =	sld [smem:$0x3FAB]  }
0x31: {  	[smem:$0x3FB4] =	sst s10  }
0x32: {  	s10 =	sld [smem:$0x3FB2];
	_ =	sdelay $0x3  }
0x33: {  	p0 =	seq.s32 s10, $0x1;
	s10 =	sld [smem:$0x3FB4];
	_ =	sdelay $0x3  }
0x34: {  	[smem:$0x3FB4] =	sst s10  }
0x35: {  	s10 =	sld [smem:$0x3FB3];
	_ =	sdelay $0x3  }
0x36: {  	p1 =	seq.s32 s10, $0x1;
	s10 =	sld [smem:$0x3FB4];
	_ =	sdelay $0x3  }
0x37: {  	[smem:$0x3FB4] =	sst s10  }
0x38: {  	s10 =	sld [smem:$0x3FB5]  }
0x39: {  	_ = 	snop;
	(pc) =	sbr.ind lr, $3  }
0x3a: {  	_ = 	snop  }
0x3b: {  	_ = 	snop  }
0x3c: {  	p2 =	seq.s32 s10, $0x1;
	s10 =	sld [smem:$0x3FB4]  }
0x3d: {  	_ =	shalt  }
0x3e: {  	_ =	shalt  }
0x3f: {  	_ =	shalt  }
0x40: {  	_ =	shalt  }
0x41: {  	_ =	shalt  }
0x42: {  	_ =	shalt  }
0x43: {  	_ =	shalt  }
0x44: {  	_ =	shalt  }
0x45: {  	_ =	shalt  }
0x46: {  	_ =	shalt  }
0x47: {  	_ =	shalt  }
0x48: {  	_ =	shalt  }
0x49: {  	_ =	shalt  }
0x4a: {  	_ =	shalt  }
0x4b: {  	_ =	shalt  }
0x4c: {  	_ =	shalt  }
0x4d: {  	_ =	shalt  }
0x4e: {  	_ =	shalt  }
0x4f: {  	_ =	shalt  }
0x50: {  	_ =	shalt  }
0x51: {  	_ =	shalt  }
0x52: {  	_ =	shalt  }
0x53: {  	_ =	shalt  }
0x54: {  	_ =	shalt  }
0x55: {  	_ =	shalt  }
0x56: {  	_ =	shalt  }
0x57: {  	_ =	shalt  }
0x58: {  	_ =	shalt  }
0x59: {  	_ =	shalt  }
0x5a: {  	_ =	shalt  }
0x5b: {  	_ =	shalt  }
0x5c: {  	_ =	shalt  }
0x5d: {  	_ =	shalt  }
0x5e: {  	_ =	shalt  }
0x5f: {  	_ =	shalt  }
0x60: {  	_ =	shalt  }
0x61: {  	_ =	shalt  }
0x62: {  	_ =	shalt  }
0x63: {  	_ =	shalt  }
0x64: {  	_ =	shalt  }
0x65: {  	_ =	shalt  }
0x66: {  	_ =	shalt  }
0x67: {  	_ =	shalt  }
0x68: {  	_ =	shalt  }
0x69: {  	_ =	shalt  }
0x6a: {  	_ =	shalt  }
0x6b: {  	_ =	shalt  }
0x6c: {  	_ =	shalt  }
0x6d: {  	_ =	shalt  }
0x6e: {  	_ =	shalt  }
0x6f: {  	_ =	shalt  }
0x70: {  	_ =	shalt  }
0x71: {  	_ =	shalt  }
0x72: {  	_ =	shalt  }
0x73: {  	_ =	shalt  }
0x74: {  	_ =	shalt  }
0x75: {  	_ =	shalt  }
0x76: {  	_ =	shalt  }
0x77: {  	_ =	shalt  }
0x78: {  	_ =	shalt  }
0x79: {  	_ =	shalt  }
0x7a: {  	_ =	shalt  }
0x7b: {  	_ =	shalt  }
0x7c: {  	_ =	shalt  }
0x7d: {  	_ =	shalt  }
0x7e: {  	_ =	shalt  }
0x7f: {  	_ =	shalt  }
0x80: {  	_ =	shalt  }
0x81: {  	_ =	shalt  }
0x82: {  	_ =	shalt  }
0x83: {  	_ =	shalt  }
0x84: {  	_ =	shalt  }
0x85: {  	_ =	shalt  }
0x86: {  	_ =	shalt  }
0x87: {  	_ =	shalt  }
.Lfunc_end0:
.L_simem_size_0:
called_computation.2_lowered:
.L_overlay_start_0:
0x88: {  	s2 =	sld [smem:$0x3FD9]  }
0x89: {  	s3 =	sld [smem:$0x3FFE];
	_ =	sdelay $0x1  }
0x8a: {  	s1 =	srdreg.scid  }
0x8b: {  	s0 =	sand.u32 $0x1, s1  }
0x8c: {  	s17 =	sshll.u32 s0, $0xA;
	s2 =	sadd.s32 s3, s2  }
0x8d: {  	s2 =	sadd.s32 s2, s17  }
0x8e: {  	[smem:$0x3FC0] =	sst s2  }
0x8f: {  	_ = 	snop  }
0x90: {  	s2 =	sld [smem:$0x3FD0];
	(tm) =	ssettm $0x1  }
0x91: {  	s18 =	sld [smem:$0x3FFB];
	_ =	sdelay $0x3  }
0x92: {  	_ =	strace s18  }
0x93: {  	s3 =	sld [smem:$0x3FFC];
	_ =	sdelay $0x3  }
0x94: {  	_ =	strace s3  }
0x95: {  	s3 =	sld [smem:$0x3FFD];
	_ =	sdelay $0x3  }
0x96: {  	_ =	strace s3  }
0x97: {  	_ =	strace $0x8FFFFFFF  }
0x98: {  	s19 =	sld [smem:$0x3FDB];
	_ =	sdelay $0x1  }
0x99: {  	s4 =	simm.s32 $_scs_section_size  }
0x9a: {  	s5 =	simm.s32 $_size__tile_overlayer_lowered;
	s6 =	simm.s32 $_tile_overlayer_lowered  }
0x9b: {  	s22 =	simm.s32 $0x1BFF;
	s21 =	sshll.u32 s6, $0x1;
	s3 =	sadd.s32 s4, s19  }
0x9c: {  	s7 =	simm.s32 $0x0;
	s20 =	sshll.u32 s5, $0x1;
	s5 =	sadd.s32 s21, s3  }
0x9d: {  	[timem:s7], [sflag:s22] =	dma.local [hbm:s5], s20  }
0x9e: {  	_ =	swait.ge [sflag:s22], s20  }
0x9f: {  	s4 =	ssub.s32 $0x0, s20;
	[sflag:s22] =	ssyncset.done $0x0  }
0xa0: {  	[sflag:s22] =	ssyncadd.s32 s4;
	_ =	sdelay $0x1  }
0xa1: {  	s23 =	simm.s32 $0x1B8B  }
0xa2: {  	_ =	swait.ge [sflag:s23], $0x1  }
0xa3: {  	[sflag:s23] =	ssyncset.done $0x0  }
0xa4: {  	s25 =	simm.s32 $0x1B8E;
	s24 =	sld [smem:$0x3FFE];
	[sflag:s23] =	ssyncadd.s32 $0xFFFFFFFF  }
0xa5: {  	s26 =	simm.s32 $execute0_lowered;
	[smem:$0x3FD2] =	sst s25  }
0xa6: {  	s5 =	sshll.u32 s26, $0x1;
	_ =	strace $0x8000004C;
	[dreg:$0x1] =	wrdreg $0xFFFFFFFF  }
0xa7: {  	s28 =	simm.s32 $_size_execute0_lowered;
	s3 =	sadd.s32 s3, s5;
	[dreg:$0x0] =	wrdreg $0x0  }
0xa8: {  	s5 =	sshll.u32 s28, $0x1;
	[dreg:$0x2] =	wrdreg s3  }
0xa9: {  	[dreg:$0x3] =	wrdreg s5  }
0xaa: {  	[dreg:$0x4] =	wrdreg $0xC0  }
0xab: {  	_ =	task [dreg:s7], $0x5FFFF  }
0xac: {  	[dreg:$0x1] =	wrdreg $0xFFFFFFFF  }
0xad: {  	[dreg:$0x0] =	wrdreg $0x60  }
0xae: {  	[dreg:$0x2] =	wrdreg s2  }
0xaf: {  	[dreg:$0x3] =	wrdreg s24  }
0xb0: {  	[dreg:$0x4] =	wrdreg $0x86000  }
0xb1: {  	[dreg:$0x5] =	wrdreg $0x9  }
0xb2: {  	_ =	task.clear_ibuf [dreg:s7], $0x6FFFF;
	_ =	strace $0x9000004C  }
0xb3: {  	s29 =	simm.s32 $0x9;
	_ =	strace $0x8000004E  }
0xb4: {  	_ =	swait.ge [sflag:s29], $0x1  }
0xb5: {  	[sflag:s29] =	ssyncadd.s32 $0xFFFFFFFF  }
0xb6: {  	_ =	strace $0x9000004E  }
0xb7: {  	_ =	sfence  }
0xb8: {  	s30 =	sld [smem:$0x0];
	_ =	sdelay $0x2  }
0xb9: {  	s31 =	sshll.u32 s1, $0xD;
	s1 =	sshrl.u32 s1, $0x2  }
0xba: {  	s3 =	sand.u32 $0x4000, s31;
	s1 =	sadd.s32 s1, s30  }
0xbb: {  	s0 =	sor.u32 s3, s0;
	s1 =	sshll.u32 s1, $0x11  }
0xbc: {  	s0 =	sor.u32 s1, s0  }
0xbd: {  	s0 =	sadd.s32 $0x8F2B, s0  }
0xbe: {  	[sflag:s0] =	ssyncadd.remote.s32 $0x1  }
0xbf: {  	_ =	sfence.sel $0xFFFF  }
0xc0: {  	[dreg:$0x0] =	wrdreg $0xFFFFFFFF;
	(pc) =	sbr.abs _section_cstart, $3  }
0xc1: {  	[dreg:$0x1] =	wrdreg $0xFFFFFFFF  }
0xc2: {  	_ =	task.clear_ibuf [dreg:s7], $0x2FFFF;
	_ =	strace $0x9FFFFFFF  }
0xc3: {  	(tm) =	ssettm $0x7FFFFFFF  }
tec
execute0_lowered:
.L_overlay_start_1:
0x0: {  	(tag) =	ssettag $0x1  }
0x1: {  	s1 =	rddreg [dreg:$0x0]  }
0x2: {  	s0 =	rddreg [dreg:$0x1]  }
0x3: {  	s3 =	srdreg.scid;
	s2 =	rddreg [dreg:$0x2]  }
0x4: {  	s4 =	simm.s32 $0x0;
	s11 =	stileid.u32;
	s12 =	simm.s32 $0x200  }
0x5: {  	s13 =	simm.s32 $0x40;
	s22 =	simm.s32 $0x80;
	s14 =	simm.s32 $0x600  }
0x6: {  	s23 =	simm.s32 $0xC0;
	s15 =	simm.s32 $0x2600;
	s24 =	simm.s32 $0x100  }
0x7: {  	s25 =	simm.s32 $0x280;
	s26 =	simm.s32 $0x140;
	s7 =	smul.u32 $0x13C00, s11  }
0x8: {  	s28 =	simm.s32 $0x380;
	s3 =	sand.u32 $0x1, s3;
	s10 =	smul.u32 $0x4F000, s11  }
0x9: {  	[smem:$0x7FF] =	sst s4;
	s17 =	smul.u32 $0xA00, s11;
	s19 =	sshll.u32 s11, $0x6  }
0xa: {  	s11 =	smul.u32 $0x500, s11;
	_ =	strace $0x8000004D;
	[dreg:$0x5] =	wrdreg s22  }
0xb: {  	s29 =	simm.s32 $0x8;
	s5 =	smul.u32 $0x5000, s3;
	[dreg:$0x6] =	wrdreg s23  }
0xc: {  	s30 =	simm.s32 $0x1C0;
	s6 =	smul.u32 $0xA000, s3;
	[dreg:$0x7] =	wrdreg s24  }
0xd: {  	s31 =	simm.s32 $0x400;
	s8 =	smul.u32 $0x13C000, s3;
	[dreg:$0x8] =	wrdreg s25  }
0xe: {  	s3 =	ssub.s32 $0x2, s3;
	[dreg:$0x9] =	wrdreg s26;
	s22 =	simm.s32 $0x3  }
0xf: {  	s23 =	simm.s32 $0x300;
	s24 =	simm.s32 $0x7;
	s25 =	simm.s32 $0x180  }
0x10: {  	s26 =	simm.s32 $0x4;
	s9 =	sshrl.u32 s7, $0x3;
	s16 =	sshrl.u32 s3, $0x1  }
0x11: {  	s18 =	sshrl.u32 s10, $0x2;
	s5 =	sadd.s32 s5, s0;
	s6 =	sadd.s32 s6, s0  }
0x12: {  	s9 =	sadd.s32 s9, s0;
	s7 =	sadd.s32 s7, s8;
	s3 =	ssub.s32 s3, s16  }
0x13: {  	s8 =	sadd.s32 s18, s2;
	s16 =	simm.s32 $0x4600;
	s18 =	simm.s32 $0x1  }
0x14: {  	s7 =	sshrl.u32 s7, $0x3;
	s9 =	sadd.s32 $0x22200, s9;
	s20 =	sadd.s32 s17, s6  }
0x15: {  	s5 =	sadd.s32 s11, s5;
	s3 =	smax.u32 s3, $0x1;
	s8 =	sshrl.u32 s8, $0x3  }
0x16: {  	s11 =	simm.s32 $0x9;
	s17 =	simm.s32 $0x6600;
	[dreg:$0xa] =	wrdreg s9  }
0x17: {  	s0 =	sadd.s32 s7, s0;
	s9 =	sor.u32 $0x1C09, s19;
	[dreg:$0xd] =	wrdreg s3  }
0x18: {  	s21 =	sadd.s32 $0x2200, s5;
	s19 =	simm.s32 $0x5;
	[dreg:$0xf] =	wrdreg s8  }
0x19: {  	s3 =	simm.s32 $0x500;
	s5 =	simm.s32 $0x580;
	[dreg:$0x4] =	wrdreg s21  }
0x1a: {  	s7 =	simm.s32 $0x0;
	s0 =	sadd.s32 $0x49A00, s0;
	[dreg:$0xb] =	wrdreg s9  }
0x1b: {  	s21 =	simm.s32 $0x6;
	[dreg:$0xc] =	wrdreg s0;
	s0 =	sadd.s32 $0xC200, s20  }
0x1c: {  	s20 =	simm.s32 $0x2;
	[dreg:$0xe] =	wrdreg s0;
	s0 =	simm.s32 $0x480  }
.LBB2_1:
0x1d: {  	s6 =	rddreg [dreg:$0xa]  }
0x1e: {  	[spmem:s8], [sflag:s9] =	dma.local [hbm:s6], $0x2780  }
0x1f: {  	_ =	swait.ge [sflag:s11], $0x2780  }
0x20: {  	[sflag:s11] =	ssyncset.done $0x0  }
0x21: {  	[sflag:s11] =	ssyncadd.s32 $0xFFFFD880  }
0x22: {  	[bflag:$0x0] =	sbarrier.arrive $0xFFFF  }
0x23: {  	s6 =	rddreg [dreg:$0x4]  }
0x24: {  	s8 =	sadd.s32 $0x0, s6  }
0x25: {  	[tilespmem:s4], [sflag:$0x9] =	stream.linear.gather [hbm4b:s8+s4], $0x200, $0x38;
	[tilespmem:$0x1C200] =	vst v63  }
0x26: {  	_ =	swait.ge [sflag:s11], $0x200  }
0x27: {  	[sflag:s11] =	ssyncset.done $0x0  }
0x28: {  	s6 =	rddreg [dreg:$0xe];
	[sflag:s11] =	ssyncadd.s32 $0xFFFFFE00  }
0x29: {  	[tilespmem:s12], [sflag:$0x9] =	stream.linear.gather [hbm4b:s6+s4], $0x400, $0x38;
	[tilespmem:$0x1C200] =	vst v63  }
0x2a: {  	_ =	swait.ge [sflag:s11], $0x400  }
0x2b: {  	[sflag:s11] =	ssyncset.done $0x0  }
0x2c: {  	[sflag:s11] =	ssyncadd.s32 $0xFFFFFC00  }
0x2d: {  	[tilespmem:s14], [sflag:$0x1] =	stream.indirect.gather [hbm4b:s1+s13], $0x80, s4, s13, $0xb8;
	[tilespmem:$0x1C200] =	vst v63  }
0x2e: {  	_ = 	snop  }
0x2f: {  	[tilespmem:s15], [sflag:$0x2] =	stream.indirect.gather [hbm4b:s1+s13], $0x80, s13, s13, $0xb8;
	[tilespmem:$0x1C200] =	vst v63  }
0x30: {  	s9 =	rddreg [dreg:$0x5]  }
0x31: {  	[tilespmem:s16], [sflag:$0x3] =	stream.indirect.gather [hbm4b:s1+s13], $0x80, s9, s13, $0xb8;
	[tilespmem:$0x1C200] =	vst v63  }
0x32: {  	s10 =	rddreg [dreg:$0x6]  }
0x33: {  	[tilespmem:s17], [sflag:$0x4] =	stream.indirect.gather [hbm4b:s1+s13], $0x80, s10, s13, $0xb8;
	[tilespmem:$0x1C200] =	vst v63  }
0x34: {  	_ =	swait.ge [sflag:s18], $0x2000  }
0x35: {  	[sflag:s18] =	ssyncset.done $0x0  }
0x36: {  	[sflag:s18] =	ssyncadd.s32 $0xFFFFE000  }
0x37: {  	[spmem:s2] =	stream.indirect.scatter.add.f32 [tilespmem:s14], [sflag:$0x5], $0x80, s12, s13, $0xb8;
	[tilespmem:$0x1C200] =	vst v63  }
0x38: {  	_ =	swait.ge [sflag:s19], $0x2000  }
0x39: {  	[sflag:s19] =	ssyncset.done $0x0  }
0x3a: {  	s10 =	rddreg [dreg:$0x7];
	[sflag:s19] =	ssyncadd.s32 $0xFFFFE000  }
0x3b: {  	[tilespmem:s14], [sflag:$0x1] =	stream.indirect.gather [hbm4b:s1+s13], $0x80, s10, s13, $0xb8;
	[tilespmem:$0x1C200] =	vst v63  }
0x3c: {  	_ =	swait.ge [sflag:s20], $0x2000  }
0x3d: {  	[sflag:s20] =	ssyncset.done $0x0  }
0x3e: {  	s9 =	rddreg [dreg:$0x8];
	[sflag:s20] =	ssyncadd.s32 $0xFFFFE000  }
0x3f: {  	[spmem:s2] =	stream.indirect.scatter.add.f32 [tilespmem:s15], [sflag:$0x6], $0x80, s9, s13, $0xb8;
	[tilespmem:$0x1C200] =	vst v63  }
0x40: {  	_ =	swait.ge [sflag:s21], $0x2000  }
0x41: {  	[sflag:s21] =	ssyncset.done $0x0  }
0x42: {  	s10 =	rddreg [dreg:$0x9];
	[sflag:s21] =	ssyncadd.s32 $0xFFFFE000  }
0x43: {  	[tilespmem:s15], [sflag:$0x2] =	stream.indirect.gather [hbm4b:s1+s13], $0x80, s10, s13, $0xb8;
	[tilespmem:$0x1C200] =	vst v63  }
0x44: {  	_ =	swait.ge [sflag:s22], $0x2000  }
0x45: {  	[sflag:s22] =	ssyncset.done $0x0  }
0x46: {  	[sflag:s22] =	ssyncadd.s32 $0xFFFFE000  }
0x47: {  	[spmem:s2] =	stream.indirect.scatter.add.f32 [tilespmem:s16], [sflag:$0x7], $0x80, s23, s13, $0xb8;
	[tilespmem:$0x1C200] =	vst v63  }
0x48: {  	_ =	swait.ge [sflag:s24], $0x2000  }
0x49: {  	[sflag:s24] =	ssyncset.done $0x0  }
0x4a: {  	[sflag:s24] =	ssyncadd.s32 $0xFFFFE000  }
0x4b: {  	[tilespmem:s16], [sflag:$0x3] =	stream.indirect.gather [hbm4b:s1+s13], $0x80, s25, s13, $0xb8;
	[tilespmem:$0x1C200] =	vst v63  }
0x4c: {  	_ =	swait.ge [sflag:s26], $0x2000  }
0x4d: {  	[sflag:s26] =	ssyncset.done $0x0  }
0x4e: {  	[sflag:s26] =	ssyncadd.s32 $0xFFFFE000  }
0x4f: {  	[spmem:s2] =	stream.indirect.scatter.add.f32 [tilespmem:s17], [sflag:$0x8], $0x80, s28, s13, $0xb8;
	[tilespmem:$0x1C200] =	vst v63  }
0x50: {  	_ =	swait.ge [sflag:s29], $0x2000  }
0x51: {  	[sflag:s29] =	ssyncset.done $0x0  }
0x52: {  	[sflag:s29] =	ssyncadd.s32 $0xFFFFE000  }
0x53: {  	[tilespmem:s17], [sflag:$0x4] =	stream.indirect.gather [hbm4b:s1+s13], $0x80, s30, s13, $0xb8;
	[tilespmem:$0x1C200] =	vst v63  }
0x54: {  	_ =	swait.ge [sflag:s18], $0x2000  }
0x55: {  	[sflag:s18] =	ssyncset.done $0x0  }
0x56: {  	[sflag:s18] =	ssyncadd.s32 $0xFFFFE000  }
0x57: {  	[spmem:s2] =	stream.indirect.scatter.add.f32 [tilespmem:s14], [sflag:$0x5], $0x80, s31, s13, $0xb8;
	[tilespmem:$0x1C200] =	vst v63  }
0x58: {  	_ =	swait.ge [sflag:s19], $0x2000  }
0x59: {  	[sflag:s19] =	ssyncset.done $0x0  }
0x5a: {  	[sflag:s19] =	ssyncadd.s32 $0xFFFFE000  }
0x5b: {  	_ =	swait.ge [sflag:s20], $0x2000  }
0x5c: {  	[sflag:s20] =	ssyncset.done $0x0  }
0x5d: {  	[sflag:s20] =	ssyncadd.s32 $0xFFFFE000  }
0x5e: {  	[spmem:s2] =	stream.indirect.scatter.add.f32 [tilespmem:s15], [sflag:$0x6], $0x80, s0, s13, $0xb8;
	[tilespmem:$0x1C200] =	vst v63  }
0x5f: {  	_ =	swait.ge [sflag:s21], $0x2000  }
0x60: {  	[sflag:s21] =	ssyncset.done $0x0  }
0x61: {  	[sflag:s21] =	ssyncadd.s32 $0xFFFFE000  }
0x62: {  	_ =	swait.ge [sflag:s22], $0x2000  }
0x63: {  	[sflag:s22] =	ssyncset.done $0x0  }
0x64: {  	[sflag:s22] =	ssyncadd.s32 $0xFFFFE000  }
0x65: {  	[spmem:s2] =	stream.indirect.scatter.add.f32 [tilespmem:s16], [sflag:$0x7], $0x80, s3, s13, $0xb8;
	[tilespmem:$0x1C200] =	vst v63  }
0x66: {  	_ =	swait.ge [sflag:s24], $0x2000  }
0x67: {  	[sflag:s24] =	ssyncset.done $0x0  }
0x68: {  	[sflag:s24] =	ssyncadd.s32 $0xFFFFE000  }
0x69: {  	_ =	swait.ge [sflag:s26], $0x2000  }
0x6a: {  	[sflag:s26] =	ssyncset.done $0x0  }
0x6b: {  	[sflag:s26] =	ssyncadd.s32 $0xFFFFE000  }
0x6c: {  	[spmem:s2] =	stream.indirect.scatter.add.f32 [tilespmem:s17], [sflag:$0x8], $0x80, s5, s13, $0xb8;
	[tilespmem:$0x1C200] =	vst v63  }
0x6d: {  	s8 =	simm.s32 $0x40;
	s9 =	smov.u32 s6;
	_ =	swait.ge [sflag:s29], $0x2000  }
.LBB2_2:
0x6e: {  	s10 =	rddreg [dreg:$0x4];
	s6 =	smov.u32 s8;
	[sflag:s29] =	ssyncset.done $0x0  }
0x6f: {  	s6 =	sadd.s32 s6, s10;
	[sflag:s29] =	ssyncadd.s32 $0xFFFFE000  }
0x70: {  	[tilespmem:s4], [sflag:$0x9] =	stream.linear.gather [hbm4b:s6+s4], $0x200, $0x38;
	[tilespmem:$0x1C200] =	vst v63  }
0x71: {  	_ =	swait.ge [sflag:s11], $0x200  }
0x72: {  	[sflag:s11] =	ssyncset.done $0x0  }
0x73: {  	s9 =	sadd.s32 $0x80, s9;
	[sflag:s11] =	ssyncadd.s32 $0xFFFFFE00  }
0x74: {  	[tilespmem:s12], [sflag:$0x9] =	stream.linear.gather [hbm4b:s9+s4], $0x400, $0x38;
	[tilespmem:$0x1C200] =	vst v63  }
0x75: {  	_ =	swait.ge [sflag:s11], $0x400  }
0x76: {  	[sflag:s11] =	ssyncset.done $0x0  }
0x77: {  	[sflag:s11] =	ssyncadd.s32 $0xFFFFFC00  }
0x78: {  	[tilespmem:s14], [sflag:$0x1] =	stream.indirect.gather [hbm4b:s1+s13], $0x80, s4, s13, $0xb8;
	[tilespmem:$0x1C200] =	vst v63  }
0x79: {  	_ = 	snop  }
0x7a: {  	[tilespmem:s15], [sflag:$0x2] =	stream.indirect.gather [hbm4b:s1+s13], $0x80, s13, s13, $0xb8;
	[tilespmem:$0x1C200] =	vst v63  }
0x7b: {  	s6 =	rddreg [dreg:$0x5]  }
0x7c: {  	[tilespmem:s16], [sflag:$0x3] =	stream.indirect.gather [hbm4b:s1+s13], $0x80, s6, s13, $0xb8;
	[tilespmem:$0x1C200] =	vst v63  }
0x7d: {  	s10 =	rddreg [dreg:$0x6]  }
0x7e: {  	[tilespmem:s17], [sflag:$0x4] =	stream.indirect.gather [hbm4b:s1+s13], $0x80, s10, s13, $0xb8;
	[tilespmem:$0x1C200] =	vst v63  }
0x7f: {  	_ =	swait.ge [sflag:s18], $0x2000  }
0x80: {  	[sflag:s18] =	ssyncset.done $0x0  }
0x81: {  	[sflag:s18] =	ssyncadd.s32 $0xFFFFE000  }
0x82: {  	[spmem:s2] =	stream.indirect.scatter.add.f32 [tilespmem:s14], [sflag:$0x5], $0x80, s12, s13, $0xb8;
	[tilespmem:$0x1C200] =	vst v63  }
0x83: {  	_ =	swait.ge [sflag:s19], $0x2000  }
0x84: {  	[sflag:s19] =	ssyncset.done $0x0  }
0x85: {  	s10 =	rddreg [dreg:$0x7];
	[sflag:s19] =	ssyncadd.s32 $0xFFFFE000  }
0x86: {  	[tilespmem:s14], [sflag:$0x1] =	stream.indirect.gather [hbm4b:s1+s13], $0x80, s10, s13, $0xb8;
	[tilespmem:$0x1C200] =	vst v63  }
0x87: {  	_ =	swait.ge [sflag:s20], $0x2000  }
0x88: {  	[sflag:s20] =	ssyncset.done $0x0  }
0x89: {  	s10 =	rddreg [dreg:$0x8];
	[sflag:s20] =	ssyncadd.s32 $0xFFFFE000  }
0x8a: {  	[spmem:s2] =	stream.indirect.scatter.add.f32 [tilespmem:s15], [sflag:$0x6], $0x80, s10, s13, $0xb8;
	[tilespmem:$0x1C200] =	vst v63  }
0x8b: {  	_ =	swait.ge [sflag:s21], $0x2000  }
0x8c: {  	[sflag:s21] =	ssyncset.done $0x0  }
0x8d: {  	s10 =	rddreg [dreg:$0x9];
	[sflag:s21] =	ssyncadd.s32 $0xFFFFE000  }
0x8e: {  	[tilespmem:s15], [sflag:$0x2] =	stream.indirect.gather [hbm4b:s1+s13], $0x80, s10, s13, $0xb8;
	[tilespmem:$0x1C200] =	vst v63  }
0x8f: {  	_ =	swait.ge [sflag:s22], $0x2000  }
0x90: {  	[sflag:s22] =	ssyncset.done $0x0  }
0x91: {  	[sflag:s22] =	ssyncadd.s32 $0xFFFFE000  }
0x92: {  	[spmem:s2] =	stream.indirect.scatter.add.f32 [tilespmem:s16], [sflag:$0x7], $0x80, s23, s13, $0xb8;
	[tilespmem:$0x1C200] =	vst v63  }
0x93: {  	_ =	swait.ge [sflag:s24], $0x2000  }
0x94: {  	[sflag:s24] =	ssyncset.done $0x0  }
0x95: {  	[sflag:s24] =	ssyncadd.s32 $0xFFFFE000  }
0x96: {  	[tilespmem:s16], [sflag:$0x3] =	stream.indirect.gather [hbm4b:s1+s13], $0x80, s25, s13, $0xb8;
	[tilespmem:$0x1C200] =	vst v63  }
0x97: {  	_ =	swait.ge [sflag:s26], $0x2000  }
0x98: {  	[sflag:s26] =	ssyncset.done $0x0  }
0x99: {  	[sflag:s26] =	ssyncadd.s32 $0xFFFFE000  }
0x9a: {  	[spmem:s2] =	stream.indirect.scatter.add.f32 [tilespmem:s17], [sflag:$0x8], $0x80, s28, s13, $0xb8;
	[tilespmem:$0x1C200] =	vst v63  }
0x9b: {  	_ =	swait.ge [sflag:s29], $0x2000  }
0x9c: {  	[sflag:s29] =	ssyncset.done $0x0  }
0x9d: {  	[sflag:s29] =	ssyncadd.s32 $0xFFFFE000  }
0x9e: {  	[tilespmem:s17], [sflag:$0x4] =	stream.indirect.gather [hbm4b:s1+s13], $0x80, s30, s13, $0xb8;
	[tilespmem:$0x1C200] =	vst v63  }
0x9f: {  	_ =	swait.ge [sflag:s18], $0x2000  }
0xa0: {  	[sflag:s18] =	ssyncset.done $0x0  }
0xa1: {  	[sflag:s18] =	ssyncadd.s32 $0xFFFFE000  }
0xa2: {  	[spmem:s2] =	stream.indirect.scatter.add.f32 [tilespmem:s14], [sflag:$0x5], $0x80, s31, s13, $0xb8;
	[tilespmem:$0x1C200] =	vst v63  }
0xa3: {  	_ =	swait.ge [sflag:s19], $0x2000  }
0xa4: {  	[sflag:s19] =	ssyncset.done $0x0  }
0xa5: {  	[sflag:s19] =	ssyncadd.s32 $0xFFFFE000  }
0xa6: {  	_ =	swait.ge [sflag:s20], $0x2000  }
0xa7: {  	[sflag:s20] =	ssyncset.done $0x0  }
0xa8: {  	[sflag:s20] =	ssyncadd.s32 $0xFFFFE000  }
0xa9: {  	[spmem:s2] =	stream.indirect.scatter.add.f32 [tilespmem:s15], [sflag:$0x6], $0x80, s0, s13, $0xb8;
	[tilespmem:$0x1C200] =	vst v63  }
0xaa: {  	_ =	swait.ge [sflag:s21], $0x2000  }
0xab: {  	[sflag:s21] =	ssyncset.done $0x0  }
0xac: {  	[sflag:s21] =	ssyncadd.s32 $0xFFFFE000  }
0xad: {  	_ =	swait.ge [sflag:s22], $0x2000  }
0xae: {  	[sflag:s22] =	ssyncset.done $0x0  }
0xaf: {  	[sflag:s22] =	ssyncadd.s32 $0xFFFFE000  }
0xb0: {  	[spmem:s2] =	stream.indirect.scatter.add.f32 [tilespmem:s16], [sflag:$0x7], $0x80, s3, s13, $0xb8;
	[tilespmem:$0x1C200] =	vst v63  }
0xb1: {  	_ =	swait.ge [sflag:s24], $0x2000  }
0xb2: {  	[sflag:s24] =	ssyncset.done $0x0  }
0xb3: {  	p0 =	sne.s32 s8, $0x4C0;
	[sflag:s24] =	ssyncadd.s32 $0xFFFFE000  }
.Ltmp0:
0xb4: {  	_ =	swait.ge [sflag:s26], $0x2000;
	(pc) =	sbr.rel @p0 .LBB2_2-.Ltmp0, $4  }
0xb5: {  	[sflag:s26] =	ssyncset.done $0x0  }
0xb6: {  	[sflag:s26] =	ssyncadd.s32 $0xFFFFE000  }
0xb7: {  	[spmem:s2] =	stream.indirect.scatter.add.f32 [tilespmem:s17], [sflag:$0x8], $0x80, s5, s13, $0xb8;
	[tilespmem:$0x1C200] =	vst v63  }
0xb8: {  	s8 =	sadd.s32 $0x40, s8;
	_ =	swait.ge [sflag:s29], $0x2000  }
0xb9: {  	[sflag:s29] =	ssyncset.done $0x0  }
0xba: {  	[sflag:s29] =	ssyncadd.s32 $0xFFFFE000  }
0xbb: {  	[bflag:$0x0] =	sbarrier.arrive $0xFFFF  }
0xbc: {  	s9 =	rddreg [dreg:$0xb]  }
0xbd: {  	s6 =	rddreg [dreg:$0xc]  }
0xbe: {  	s8 =	rddreg [dreg:$0xf]  }
0xbf: {  	[hbm:s6], [sflag:s9] =	dma.local [spmem:s8], $0x2780  }
0xc0: {  	_ =	swait.ge [sflag:s11], $0x2780  }
0xc1: {  	s7 =	sadd.s32 $0x1, s7;
	s10 =	rddreg [dreg:$0xd]  }
0xc2: {  	p0 =	sne.s32 s7, s10  }
.Ltmp1:
0xc3: {  	_ = 	snop;
	(pc) =	sbr.rel @p0 .LBB2_1-.Ltmp1, $3  }
0xc4: {  	_ =	sdelay $0x1  }
0xc5: {  	[sflag:s11] =	ssyncset.done $0x0  }
0xc6: {  	[sflag:s11] =	ssyncadd.s32 $0xFFFFD880  }
0xc7: {  	_ =	sfence.sel $0x180000  }
0xc8: {  	[bflag:$0x0] =	sbarrier.arrive $0xFFFF  }
0xc9: {  	_ =	strace $0x9000004D  }
0xca: {  	s0 =	stileid.u32;
	[bflag:$0x2] =	sbarrier.arrive $0xFFFF  }
0xcb: {  	p0 =	sne.s32 s0, $0x0;
	s0 =	rddreg [dreg:$0x3]  }
0xcc: {  	s0 =	sadd.s32 @!p0 $0x100000, s0  }
0xcd: {  	[sflag:s0] =	ssyncadd.tile.s32 @!p0 $0x1;
	_ =	shalt  }
.Lfunc_end2:
_tile_overlayer_lowered:
.L_overlay_start_2:
0xce: {  	(tag) =	ssettag $0x2  }
0xcf: {  	s0 =	rddreg [dreg:$0x0];
	s2 =	stileid.u32  }
0xd0: {  	s1 =	rddreg [dreg:$0x1];
	p0 =	sne.s32 s2, $0x0  }
0xd1: {  	s3 =	rddreg [dreg:$0x2];
	[bflag:$0x3] =	sbarrier.arrive $0xFFFF;
	s2 =	simm.s32 @!p0 $0x1C09  }
0xd2: {  	[timem:s3], [sflag:s2] =	dma.local @!p0 [hbm:s0], s1  }
0xd3: {  	s0 =	simm.s32 @!p0 $0x9  }
0xd4: {  	_ =	swait.ge @!p0 [sflag:s0], s1  }
0xd5: {  	s1 =	ssub.s32 @!p0 $0x0, s1;
	[sflag:s0] =	ssyncset.done @!p0 $0x0  }
0xd6: {  	[sflag:s0] =	ssyncadd.s32 @!p0 s1  }
0xd7: {  	[bflag:$0x3] =	sbarrier.arrive $0xFFFF  }
0xd8: {  	_ =	shalt  }

// kernel: kernel.8.cloned.1.call-start
scs
__scs_entry_jumppad:
0x0: {  	(pc) =	sbr.rel $0x88, $3  }
0x1: {  	(tag) =	ssettag $0x0;
	lr =	simm.s32 $0x1  }
0x2: {  	[smem:$0x3F99] =	sst lr;
	_ =	strace $0xD0000000  }
0x3: {  	_ = 	snop  }
0x4: {  	_ = 	snop  }
0x5: {  	_ = 	snop  }
0x6: {  	_ = 	snop  }
0x7: {  	_ = 	snop  }
__scs_overlays_trampoline_lowered:
0x8: {  	[smem:$0x3FA8] =	sst s0  }
0x9: {  	[smem:$0x3FA9] =	sst s1  }
0xa: {  	[smem:$0x3FAA] =	sst s2  }
0xb: {  	[smem:$0x3FAB] =	sst s3  }
0xc: {  	[smem:$0x3FAC] =	sst s4  }
0xd: {  	[smem:$0x3FAD] =	sst s5  }
0xe: {  	[smem:$0x3FAE] =	sst s6  }
0xf: {  	[smem:$0x3FAF] =	sst s7  }
0x10: {  	[smem:$0x3FB0] =	sst s8  }
0x11: {  	[smem:$0x3FB1] =	sst s9;
	s0 =	simm.s32 @!p0 $0x0  }
0x12: {  	s1 =	sld [smem:$0x3F97];
	s0 =	simm.s32 @p0 $0x1  }
0x13: {  	[smem:$0x3FB2] =	sst s0;
	s0 =	simm.s32 @!p1 $0x0  }
0x14: {  	s2 =	sld [smem:$0x3F96];
	s0 =	simm.s32 @p1 $0x1  }
0x15: {  	[smem:$0x3FB3] =	sst s0;
	s0 =	simm.s32 @!p2 $0x0  }
0x16: {  	s3 =	sld [smem:$0x3FDB];
	s0 =	simm.s32 @p2 $0x1  }
0x17: {  	s4 =	simm.s32 $0x1BF5;
	[smem:$0x3FB5] =	sst s0  }
0x18: {  	s0 =	sld [smem:$0x3F98];
	_ =	swait.ge [sflag:s4], $0x0  }
0x19: {  	s7 =	sld [smem:$0x3F99]  }
0x1a: {  	s8 =	sadd.s32 $0xFFFFE003, lr  }
0x1b: {  	s9 =	sadd.s32 $0xFFFFFEF7, lr;
	s5 =	simm.s32 $0xFFFFFFFF;
	p2 =	slt.u32 s8, $0xFFFFF086  }
0x1c: {  	p1 =	slt.u32 s9, $0xF7A;
	s5 =	simm.s32 @!p2 $0x0  }
0x1d: {  	s5 =	simm.s32 @p1 $0x1;
	p0 =	seq.s32 s7, s2  }
0x1e: {  	s7 =	smul.u32 @!p0 $0xF7A, s2;
	p2 =	seq.s32 @!p0 s5, $0x0  }
0x1f: {  	s9 =	smul.u32 $0xF7A, s1;
	s8 =	simm.s32 @!p0 $0x1BF5;
	p2 =	por !p2, p0  }
0x20: {  	[sflag:s8] =	ssyncset.s32 @!p0 $0xFFFFF086;
	s6 =	sadd.s32 @!p0 s3, s7;
	s7 =	simm.s32 @!p0 $0x108  }
0x21: {  	s3 =	sadd.s32 s3, s9;
	s6 =	sadd.s32 @!p0 $0x88, s6;
	s7 =	simm.s32 @p2 $0x1082  }
0x22: {  	[simem:s7], [sflag:s8] =	dma.local @!p0 [hbm:s6], $0xF7A  }
0x23: {  	s9 =	sor.u32 $0xD0000000, s2;
	s6 =	simm.s32 $0x108;
	_ =	swait.ge @!p0 [sflag:s8], $0x0  }
0x24: {  	s3 =	sadd.s32 $0x88, s3;
	s6 =	simm.s32 @!p1 $0x1082;
	[sflag:s4] =	ssyncset.s32 $0xFFFFF086  }
0x25: {  	[simem:s6], [sflag:s4] =	dma.local [hbm:s3], $0xF7A  }
0x26: {  	[smem:$0x3F99] =	sst s1;
	(tag) =	ssettag s2;
	_ =	strace s9  }
0x27: {  	s1 =	sld [smem:$0x3FA9]  }
0x28: {  	s2 =	sld [smem:$0x3FAA]  }
0x29: {  	s4 =	sld [smem:$0x3FAC]  }
0x2a: {  	p0 =	seq.s32 s5, $0x0;
	s5 =	sld [smem:$0x3FAD]  }
0x2b: {  	s6 =	sld [smem:$0x3FAE]  }
0x2c: {  	s7 =	sld [smem:$0x3FAF]  }
0x2d: {  	s3 =	simm.s32 $0x108;
	s8 =	sld [smem:$0x3FB0]  }
0x2e: {  	s3 =	simm.s32 @!p0 $0x1082;
	s9 =	sld [smem:$0x3FB1]  }
0x2f: {  	lr =	sadd.s32 s0, s3;
	s0 =	sld [smem:$0x3FA8]  }
0x30: {  	s3 =	sld [smem:$0x3FAB]  }
0x31: {  	[smem:$0x3FB4] =	sst s10  }
0x32: {  	s10 =	sld [smem:$0x3FB2];
	_ =	sdelay $0x3  }
0x33: {  	p0 =	seq.s32 s10, $0x1;
	s10 =	sld [smem:$0x3FB4];
	_ =	sdelay $0x3  }
0x34: {  	[smem:$0x3FB4] =	sst s10  }
0x35: {  	s10 =	sld [smem:$0x3FB3];
	_ =	sdelay $0x3  }
0x36: {  	p1 =	seq.s32 s10, $0x1;
	s10 =	sld [smem:$0x3FB4];
	_ =	sdelay $0x3  }
0x37: {  	[smem:$0x3FB4] =	sst s10  }
0x38: {  	s10 =	sld [smem:$0x3FB5]  }
0x39: {  	_ = 	snop;
	(pc) =	sbr.ind lr, $3  }
0x3a: {  	_ = 	snop  }
0x3b: {  	_ = 	snop  }
0x3c: {  	p2 =	seq.s32 s10, $0x1;
	s10 =	sld [smem:$0x3FB4]  }
0x3d: {  	_ =	shalt  }
0x3e: {  	_ =	shalt  }
0x3f: {  	_ =	shalt  }
0x40: {  	_ =	shalt  }
0x41: {  	_ =	shalt  }
0x42: {  	_ =	shalt  }
0x43: {  	_ =	shalt  }
0x44: {  	_ =	shalt  }
0x45: {  	_ =	shalt  }
0x46: {  	_ =	shalt  }
0x47: {  	_ =	shalt  }
0x48: {  	_ =	shalt  }
0x49: {  	_ =	shalt  }
0x4a: {  	_ =	shalt  }
0x4b: {  	_ =	shalt  }
0x4c: {  	_ =	shalt  }
0x4d: {  	_ =	shalt  }
0x4e: {  	_ =	shalt  }
0x4f: {  	_ =	shalt  }
0x50: {  	_ =	shalt  }
0x51: {  	_ =	shalt  }
0x52: {  	_ =	shalt  }
0x53: {  	_ =	shalt  }
0x54: {  	_ =	shalt  }
0x55: {  	_ =	shalt  }
0x56: {  	_ =	shalt  }
0x57: {  	_ =	shalt  }
0x58: {  	_ =	shalt  }
0x59: {  	_ =	shalt  }
0x5a: {  	_ =	shalt  }
0x5b: {  	_ =	shalt  }
0x5c: {  	_ =	shalt  }
0x5d: {  	_ =	shalt  }
0x5e: {  	_ =	shalt  }
0x5f: {  	_ =	shalt  }
0x60: {  	_ =	shalt  }
0x61: {  	_ =	shalt  }
0x62: {  	_ =	shalt  }
0x63: {  	_ =	shalt  }
0x64: {  	_ =	shalt  }
0x65: {  	_ =	shalt  }
0x66: {  	_ =	shalt  }
0x67: {  	_ =	shalt  }
0x68: {  	_ =	shalt  }
0x69: {  	_ =	shalt  }
0x6a: {  	_ =	shalt  }
0x6b: {  	_ =	shalt  }
0x6c: {  	_ =	shalt  }
0x6d: {  	_ =	shalt  }
0x6e: {  	_ =	shalt  }
0x6f: {  	_ =	shalt  }
0x70: {  	_ =	shalt  }
0x71: {  	_ =	shalt  }
0x72: {  	_ =	shalt  }
0x73: {  	_ =	shalt  }
0x74: {  	_ =	shalt  }
0x75: {  	_ =	shalt  }
0x76: {  	_ =	shalt  }
0x77: {  	_ =	shalt  }
0x78: {  	_ =	shalt  }
0x79: {  	_ =	shalt  }
0x7a: {  	_ =	shalt  }
0x7b: {  	_ =	shalt  }
0x7c: {  	_ =	shalt  }
0x7d: {  	_ =	shalt  }
0x7e: {  	_ =	shalt  }
0x7f: {  	_ =	shalt  }
0x80: {  	_ =	shalt  }
0x81: {  	_ =	shalt  }
0x82: {  	_ =	shalt  }
0x83: {  	_ =	shalt  }
0x84: {  	_ =	shalt  }
0x85: {  	_ =	shalt  }
0x86: {  	_ =	shalt  }
0x87: {  	_ =	shalt  }
.Lfunc_end0:
.L_simem_size_0:
called_computation_lowered:
.L_overlay_start_0:
0x88: {  	s2 =	sld [smem:$0x3FD9]  }
0x89: {  	s3 =	sld [smem:$0x3FFE];
	_ =	sdelay $0x1  }
0x8a: {  	s1 =	srdreg.scid  }
0x8b: {  	s0 =	sand.u32 $0x1, s1  }
0x8c: {  	s17 =	sshll.u32 s0, $0xA;
	s2 =	sadd.s32 s3, s2  }
0x8d: {  	s2 =	sadd.s32 s2, s17  }
0x8e: {  	[smem:$0x3FC0] =	sst s2  }
0x8f: {  	_ = 	snop  }
0x90: {  	s2 =	sld [smem:$0x3FC9];
	(tm) =	ssettm $0x1  }
0x91: {  	s18 =	sld [smem:$0x3FFB];
	_ =	sdelay $0x3  }
0x92: {  	_ =	strace s18  }
0x93: {  	s3 =	sld [smem:$0x3FFC];
	_ =	sdelay $0x3  }
0x94: {  	_ =	strace s3  }
0x95: {  	s3 =	sld [smem:$0x3FFD];
	_ =	sdelay $0x3  }
0x96: {  	_ =	strace s3  }
0x97: {  	_ =	strace $0x8FFFFFFF  }
0x98: {  	s19 =	sld [smem:$0x3FDB];
	_ =	sdelay $0x1  }
0x99: {  	s4 =	simm.s32 $_scs_section_size  }
0x9a: {  	s5 =	simm.s32 $_size__tile_overlayer_lowered;
	s6 =	simm.s32 $_tile_overlayer_lowered  }
0x9b: {  	s22 =	simm.s32 $0x1BFF;
	s21 =	sshll.u32 s6, $0x1;
	s3 =	sadd.s32 s4, s19  }
0x9c: {  	s7 =	simm.s32 $0x0;
	s20 =	sshll.u32 s5, $0x1;
	s5 =	sadd.s32 s21, s3  }
0x9d: {  	[timem:s7], [sflag:s22] =	dma.local [hbm:s5], s20  }
0x9e: {  	_ =	swait.ge [sflag:s22], s20  }
0x9f: {  	s4 =	ssub.s32 $0x0, s20;
	[sflag:s22] =	ssyncset.done $0x0  }
0xa0: {  	[sflag:s22] =	ssyncadd.s32 s4;
	_ =	sdelay $0x1  }
0xa1: {  	s23 =	simm.s32 $0x1B8B  }
0xa2: {  	_ =	swait.ge [sflag:s23], $0x1  }
0xa3: {  	[sflag:s23] =	ssyncset.done $0x0  }
0xa4: {  	s25 =	simm.s32 $0x1B8E;
	s24 =	sld [smem:$0x3FFE];
	[sflag:s23] =	ssyncadd.s32 $0xFFFFFFFF  }
0xa5: {  	s26 =	simm.s32 $execute0_lowered;
	[smem:$0x3FD2] =	sst s25  }
0xa6: {  	s5 =	sshll.u32 s26, $0x1;
	_ =	strace $0x80000046;
	[dreg:$0x1] =	wrdreg $0xFFFFFFFF  }
0xa7: {  	s28 =	simm.s32 $_size_execute0_lowered;
	s3 =	sadd.s32 s3, s5;
	[dreg:$0x0] =	wrdreg $0x0  }
0xa8: {  	s5 =	sshll.u32 s28, $0x1;
	[dreg:$0x2] =	wrdreg s3  }
0xa9: {  	[dreg:$0x3] =	wrdreg s5  }
0xaa: {  	[dreg:$0x4] =	wrdreg $0xC0  }
0xab: {  	_ =	task [dreg:s7], $0x5FFFF  }
0xac: {  	[dreg:$0x1] =	wrdreg $0xFFFFFFFF  }
0xad: {  	[dreg:$0x0] =	wrdreg $0x60  }
0xae: {  	[dreg:$0x2] =	wrdreg s2  }
0xaf: {  	[dreg:$0x3] =	wrdreg s24  }
0xb0: {  	[dreg:$0x4] =	wrdreg $0xAE000  }
0xb1: {  	[dreg:$0x5] =	wrdreg $0x1EA000  }
0xb2: {  	[dreg:$0x6] =	wrdreg $0x9  }
0xb3: {  	_ =	task.clear_ibuf [dreg:s7], $0x7FFFF;
	_ =	strace $0x90000046  }
0xb4: {  	s29 =	simm.s32 $0x9;
	_ =	strace $0x80000048  }
0xb5: {  	_ =	swait.ge [sflag:s29], $0x1  }
0xb6: {  	[sflag:s29] =	ssyncadd.s32 $0xFFFFFFFF  }
0xb7: {  	_ =	strace $0x90000048  }
0xb8: {  	_ =	sfence  }
0xb9: {  	s30 =	sld [smem:$0x0];
	_ =	sdelay $0x2  }
0xba: {  	s31 =	sshll.u32 s1, $0xD;
	s1 =	sshrl.u32 s1, $0x2  }
0xbb: {  	s3 =	sand.u32 $0x4000, s31;
	s1 =	sadd.s32 s1, s30  }
0xbc: {  	s0 =	sor.u32 s3, s0;
	s1 =	sshll.u32 s1, $0x11  }
0xbd: {  	s0 =	sor.u32 s1, s0  }
0xbe: {  	s0 =	sadd.s32 $0x8F2B, s0  }
0xbf: {  	[sflag:s0] =	ssyncadd.remote.s32 $0x1  }
0xc0: {  	_ =	sfence.sel $0xFFFF  }
0xc1: {  	[dreg:$0x0] =	wrdreg $0xFFFFFFFF;
	(pc) =	sbr.abs _section_cstart, $3  }
0xc2: {  	[dreg:$0x1] =	wrdreg $0xFFFFFFFF  }
0xc3: {  	_ =	task.clear_ibuf [dreg:s7], $0x2FFFF;
	_ =	strace $0x9FFFFFFF  }
0xc4: {  	(tm) =	ssettm $0x7FFFFFFF  }
0xc5: {  	_ =	shalt  }
tec
execute0_lowered:
.L_overlay_start_1:
0x0: {  	(tag) =	ssettag $0x1  }
0x1: {  	s0 =	rddreg [dreg:$0x0]  }
0x2: {  	s3 =	rddreg [dreg:$0x1]  }
0x3: {  	s2 =	rddreg [dreg:$0x2]  }
0x4: {  	s1 =	srdreg.scid;
	s4 =	rddreg [dreg:$0x3]  }
0x5: {  	s18 =	stileid.u32;
	s5 =	simm.s32 $0x0;
	s19 =	simm.s32 $0x80  }
0x6: {  	s21 =	simm.s32 $0xA00;
	s23 =	simm.s32 $0xA80;
	s8 =	smul.u32 $0x13C00, s18  }
0x7: {  	s24 =	simm.s32 $0x600;
	s25 =	simm.s32 $0xC0;
	s11 =	smul.u32 $0x1400, s18  }
0x8: {  	s26 =	simm.s32 $0xB00;
	s28 =	simm.s32 $0x9;
	s15 =	smul.u32 $0x4F000, s18  }
0x9: {  	s7 =	sand.u32 $0x1, s1;
	[smem:$0x7FF] =	sst s5;
	s17 =	smul.u32 $0x500, s18  }
0xa: {  	s20 =	smul.u32 $0x5000, s18;
	_ =	strace $0x80000047;
	[dreg:$0x6] =	wrdreg s19  }
0xb: {  	s29 =	simm.s32 $0x2;
	s1 =	smul.u32 $0x5000, s7;
	[dreg:$0x7] =	wrdreg s21  }
0xc: {  	s30 =	simm.s32 $0x5;
	s6 =	smul.u32 $0xA000, s7;
	[dreg:$0x8] =	wrdreg s23  }
0xd: {  	s31 =	simm.s32 $0x7;
	s9 =	smul.u32 $0x13C000, s7;
	[dreg:$0x9] =	wrdreg s24  }
0xe: {  	s13 =	sadd.s32 $0x22200, s3;
	s12 =	smul.u32 $0x14000, s7;
	[dreg:$0xa] =	wrdreg s25  }
0xf: {  	s14 =	ssub.s32 $0x2, s7;
	[dreg:$0xb] =	wrdreg s26;
	s19 =	simm.s32 $0x680  }
0x10: {  	s7 =	sshll.u32 s7, $0x8;
	s21 =	simm.s32 $0xB80;
	[dreg:$0xd] =	wrdreg s19  }
0x11: {  	s23 =	simm.s32 $0x300;
	s24 =	simm.s32 $0x700;
	[dreg:$0xf] =	wrdreg s21  }
0x12: {  	s25 =	smul.u32 $0xA00, s18;
	s26 =	simm.s32 $0x140;
	[dreg:$0x10] =	wrdreg s23  }
0x13: {  	s16 =	sshrl.u32 s14, $0x1;
	s15 =	sshrl.u32 s15, $0x2;
	[dreg:$0x11] =	wrdreg s24  }
0x14: {  	[dreg:$0x12] =	wrdreg s26;
	s19 =	simm.s32 $0x400;
	s21 =	simm.s32 $0x1C0  }
0x15: {  	s23 =	simm.s32 $0x480;
	s24 =	simm.s32 $0x880;
	s26 =	simm.s32 $0x500  }
0x16: {  	s10 =	sadd.s32 s1, s3;
	s1 =	sadd.s32 s6, s3;
	[dreg:$0x18] =	wrdreg s19  }
0x17: {  	s9 =	sadd.s32 s8, s9;
	s6 =	sadd.s32 $0x20200, s3;
	[dreg:$0x1a] =	wrdreg s21  }
0x18: {  	s12 =	sadd.s32 s11, s12;
	s8 =	sshrl.u32 s8, $0x3;
	[dreg:$0x1c] =	wrdreg s23  }
0x19: {  	s11 =	sshrl.u32 s11, $0x3;
	s19 =	simm.s32 $0xE00;
	[dreg:$0x1d] =	wrdreg s24  }
0x1a: {  	s21 =	simm.s32 $0x4E00;
	s23 =	simm.s32 $0x8E00;
	[dreg:$0x1f] =	wrdreg s26  }
0x1b: {  	s24 =	simm.s32 $0x1;
	s26 =	simm.s32 $0x6;
	s9 =	sshrl.u32 s9, $0x3  }
0x1c: {  	s12 =	sshrl.u32 s12, $0x3;
	s10 =	sadd.s32 s17, s10;
	s8 =	sadd.s32 s13, s8  }
0x1d: {  	s17 =	sshll.u32 s18, $0x6;
	s11 =	sadd.s32 s13, s11;
	s1 =	sadd.s32 s25, s1  }
0x1e: {  	s25 =	simm.s32 $0xD80;
	s9 =	sadd.s32 s9, s3;
	[smem:$0x7F5] =	sst s8  }
0x1f: {  	s3 =	sadd.s32 s12, s3;
	s12 =	ssub.s32 s14, s16;
	[smem:$0x7F6] =	sst s11  }
0x20: {  	s14 =	sadd.s32 s15, s2;
	s16 =	sadd.s32 $0x2200, s10;
	[dreg:$0x1e] =	wrdreg s25  }
0x21: {  	s15 =	sshrl.u32 s20, $0x2;
	s20 =	simm.s32 $0x100;
	[dreg:$0x5] =	wrdreg s16  }
0x22: {  	s22 =	sor.u32 $0x1C0B, s17;
	s11 =	simm.s32 $0xC00;
	[dreg:$0xe] =	wrdreg s20  }
0x23: {  	s17 =	sshll.u32 s18, $0x4;
	s1 =	sadd.s32 $0xC200, s1;
	[dreg:$0x13] =	wrdreg s11  }
0x24: {  	s18 =	simm.s32 $0xC80;
	s25 =	simm.s32 $0x4;
	[smem:$0x7FA] =	sst s1  }
0x25: {  	s16 =	sadd.s32 s15, s4;
	s15 =	simm.s32 $0x280;
	[dreg:$0x17] =	wrdreg s18  }
0x26: {  	s13 =	smov.u32 s22;
	s22 =	sadd.s32 $0x4EA00, s9;
	[dreg:$0xc] =	wrdreg s15  }
0x27: {  	s10 =	sor.u32 s17, s7;
	s3 =	sadd.s32 $0x49A00, s3;
	[smem:$0x7F7] =	sst s22  }
0x28: {  	s9 =	smax.u32 s12, $0x1;
	s12 =	simm.s32 $0x380;
	[smem:$0x7F8] =	sst s3  }
0x29: {  	s14 =	sshrl.u32 s14, $0x3;
	s17 =	simm.s32 $0x180;
	[smem:$0x7F9] =	sst s9  }
0x2a: {  	s20 =	simm.s32 $0x800;
	s18 =	simm.s32 $0x40;
	[dreg:$0x14] =	wrdreg s12  }
0x2b: {  	s1 =	simm.s32 $0xA;
	s7 =	simm.s32 $0x8;
	[dreg:$0x16] =	wrdreg s17  }
0x2c: {  	s11 =	simm.s32 $0x980;
	s15 =	simm.s32 $0x780;
	[dreg:$0x19] =	wrdreg s20  }
0x2d: {  	s16 =	sshrl.u32 s16, $0x3;
	s17 =	simm.s32 $0x200;
	[smem:$0x7FB] =	sst s13  }
0x2e: {  	s22 =	simm.s32 $0xD00;
	s20 =	simm.s32 $0x2E00;
	[smem:$0x7FC] =	sst s14  }
0x2f: {  	s3 =	simm.s32 $0x3;
	s9 =	simm.s32 $0x900;
	[dreg:$0x15] =	wrdreg s15  }
0x30: {  	v0 =	vmov s10;
	s10 =	simm.s32 $0x580;
	s12 =	simm.s32 $0x0;
	[dreg:$0x1b] =	wrdreg s22  }
0x31: {  	s15 =	simm.s32 $0xB;
	s22 =	simm.s32 $0x6E00;
	[smem:$0x7FD] =	sst s16  }
.LBB2_1:
0x32: {  	s8 =	sld [smem:$0x7F5];
	_ =	sdelay $0x2  }
0x33: {  	[spmem:s14], [sflag:s13] =	dma.local [hbm:s8], $0x2780  }
0x34: {  	_ =	swait.ge [sflag:s15], $0x2780  }
0x35: {  	s14 =	sld [smem:$0x7F6]  }
0x36: {  	[sflag:s15] =	ssyncset.done $0x0  }
0x37: {  	[sflag:s15] =	ssyncadd.s32 $0xFFFFD880  }
0x38: {  	[spmem:s16], [sflag:s13] =	dma.local [hbm:s14], $0x280  }
0x39: {  	_ =	swait.ge [sflag:s15], $0x280  }
0x3a: {  	[sflag:s15] =	ssyncset.done $0x0  }
0x3b: {  	[sflag:s15] =	ssyncadd.s32 $0xFFFFFD80  }
0x3c: {  	[bflag:$0x0] =	sbarrier.arrive $0xFFFF  }
0x3d: {  	s14 =	simm.s32 $0x0;
	s13 =	sld [smem:$0x7FA]  }
.LBB2_2:
0x3e: {  	s16 =	rddreg [dreg:$0x5]  }
0x3f: {  	s16 =	sadd.s32 s14, s16  }
0x40: {  	[tilespmem:s5], [sflag:$0xB] =	stream.linear.gather [hbm4b:s16+s5], $0x200, $0x38;
	[tilespmem:$0x1FE00] =	vst v63  }
0x41: {  	_ =	swait.ge [sflag:s15], $0x200  }
0x42: {  	[sflag:s15] =	ssyncset.done $0x0  }
0x43: {  	[sflag:s15] =	ssyncadd.s32 $0xFFFFFE00  }
0x44: {  	[tilespmem:s17], [sflag:$0xB] =	stream.linear.gather [hbm4b:s13+s5], $0x400, $0x38;
	[tilespmem:$0x1FE00] =	vst v63  }
0x45: {  	_ =	swait.ge [sflag:s15], $0x400  }
0x46: {  	[sflag:s15] =	ssyncset.done $0x0  }
0x47: {  	[sflag:s15] =	ssyncadd.s32 $0xFFFFFC00  }
0x48: {  	v1 =	vld [tilespmem:$0x200];
	_ =	sdelay $0x1  }
0x49: {  	v2 =	vld [tilespmem:$0x210];
	_ =	sdelay $0x1  }
0x4a: {  	v3 =	vld [tilespmem:$0x220]  }
0x4b: {  	v4 =	vshrl.u32 v1, $0x4;
	v1 =	vand.u32 $0xF, v1  }
0x4c: {  	v54 =	vld [tilespmem:$0x230];
	[tilespmem:$0x600] =	vst v4;
	v1 =	vor.u32 v0, v1  }
0x4d: {  	[tilespmem:$0xA00] =	vst v1;
	v1 =	vshrl.u32 v2, $0x4;
	v2 =	vand.u32 $0xF, v2  }
0x4e: {  	[tilespmem:$0x610] =	vst v1;
	v1 =	vor.u32 v0, v2;
	v2 =	vld [tilespmem:$0x280]  }
0x4f: {  	[tilespmem:$0xA10] =	vst v1;
	v1 =	vshrl.u32 v3, $0x4;
	v3 =	vand.u32 $0xF, v3  }
0x50: {  	[tilespmem:$0x620] =	vst v1;
	v1 =	vor.u32 v0, v3;
	v3 =	vld [tilespmem:$0x290]  }
0x51: {  	v4 =	vand.u32 $0xF, v54;
	[tilespmem:$0xA20] =	vst v1;
	v1 =	vshrl.u32 v54, $0x4  }
0x52: {  	v55 =	vld [tilespmem:$0x2A0];
	[tilespmem:$0x630] =	vst v1;
	v1 =	vor.u32 v0, v4  }
0x53: {  	[tilespmem:$0xA30] =	vst v1;
	v1 =	vshrl.u32 v2, $0x4;
	v2 =	vand.u32 $0xF, v2  }
0x54: {  	[tilespmem:$0x680] =	vst v1;
	v1 =	vor.u32 v0, v2;
	v2 =	vld [tilespmem:$0x2B0]  }
0x55: {  	[tilespmem:$0xA80] =	vst v1;
	v1 =	vshrl.u32 v3, $0x4;
	v3 =	vand.u32 $0xF, v3  }
0x56: {  	[tilespmem:$0x690] =	vst v1;
	v1 =	vor.u32 v0, v3;
	v3 =	vld [tilespmem:$0x300]  }
0x57: {  	v4 =	vand.u32 $0xF, v55;
	[tilespmem:$0xA90] =	vst v1;
	v1 =	vshrl.u32 v55, $0x4  }
0x58: {  	v56 =	vld [tilespmem:$0x310];
	[tilespmem:$0x6A0] =	vst v1;
	v1 =	vor.u32 v0, v4  }
0x59: {  	[tilespmem:$0xAA0] =	vst v1;
	v1 =	vshrl.u32 v2, $0x4;
	v2 =	vand.u32 $0xF, v2  }
0x5a: {  	[tilespmem:$0x6B0] =	vst v1;
	v1 =	vor.u32 v0, v2;
	v2 =	vld [tilespmem:$0x320]  }
0x5b: {  	[tilespmem:$0xAB0] =	vst v1;
	v1 =	vshrl.u32 v3, $0x4;
	v3 =	vand.u32 $0xF, v3  }
0x5c: {  	[tilespmem:$0x700] =	vst v1;
	v1 =	vor.u32 v0, v3;
	v3 =	vld [tilespmem:$0x330]  }
0x5d: {  	v4 =	vand.u32 $0xF, v56;
	[tilespmem:$0xB00] =	vst v1;
	v1 =	vshrl.u32 v56, $0x4  }
0x5e: {  	v57 =	vld [tilespmem:$0x380];
	[tilespmem:$0x710] =	vst v1;
	v1 =	vor.u32 v0, v4  }
0x5f: {  	[tilespmem:$0xB10] =	vst v1;
	v1 =	vshrl.u32 v2, $0x4;
	v2 =	vand.u32 $0xF, v2  }
0x60: {  	[tilespmem:$0x720] =	vst v1;
	v1 =	vor.u32 v0, v2;
	v2 =	vld [tilespmem:$0x390]  }
0x61: {  	[tilespmem:$0xB20] =	vst v1;
	v1 =	vshrl.u32 v3, $0x4;
	v3 =	vand.u32 $0xF, v3  }
0x62: {  	[tilespmem:$0x730] =	vst v1;
	v1 =	vor.u32 v0, v3;
	v3 =	vld [tilespmem:$0x3A0]  }
0x63: {  	v4 =	vand.u32 $0xF, v57;
	[tilespmem:$0xB30] =	vst v1;
	v1 =	vshrl.u32 v57, $0x4  }
0x64: {  	v58 =	vld [tilespmem:$0x3B0];
	[tilespmem:$0x780] =	vst v1;
	v1 =	vor.u32 v0, v4  }
0x65: {  	[tilespmem:$0xB80] =	vst v1;
	v1 =	vshrl.u32 v2, $0x4;
	v2 =	vand.u32 $0xF, v2  }
0x66: {  	[tilespmem:$0x790] =	vst v1;
	v1 =	vor.u32 v0, v2;
	v2 =	vld [tilespmem:$0x400]  }
0x67: {  	[tilespmem:$0xB90] =	vst v1;
	v1 =	vshrl.u32 v3, $0x4;
	v3 =	vand.u32 $0xF, v3  }
0x68: {  	[tilespmem:$0x7A0] =	vst v1;
	v1 =	vor.u32 v0, v3;
	v3 =	vld [tilespmem:$0x410]  }
0x69: {  	v4 =	vand.u32 $0xF, v58;
	[tilespmem:$0xBA0] =	vst v1;
	v1 =	vshrl.u32 v58, $0x4  }
0x6a: {  	v59 =	vld [tilespmem:$0x420];
	[tilespmem:$0x7B0] =	vst v1;
	v1 =	vor.u32 v0, v4  }
0x6b: {  	[tilespmem:$0xBB0] =	vst v1;
	v1 =	vshrl.u32 v2, $0x4;
	v2 =	vand.u32 $0xF, v2  }
0x6c: {  	[tilespmem:$0x800] =	vst v1;
	v1 =	vor.u32 v0, v2;
	v2 =	vld [tilespmem:$0x430]  }
0x6d: {  	[tilespmem:$0xC00] =	vst v1;
	v1 =	vshrl.u32 v3, $0x4;
	v3 =	vand.u32 $0xF, v3  }
0x6e: {  	[tilespmem:$0x810] =	vst v1;
	v1 =	vor.u32 v0, v3;
	v3 =	vld [tilespmem:$0x480]  }
0x6f: {  	v4 =	vand.u32 $0xF, v59;
	[tilespmem:$0xC10] =	vst v1;
	v1 =	vshrl.u32 v59, $0x4  }
0x70: {  	v60 =	vld [tilespmem:$0x490];
	[tilespmem:$0x820] =	vst v1;
	v1 =	vor.u32 v0, v4  }
0x71: {  	[tilespmem:$0xC20] =	vst v1;
	v1 =	vshrl.u32 v2, $0x4;
	v2 =	vand.u32 $0xF, v2  }
0x72: {  	[tilespmem:$0x830] =	vst v1;
	v1 =	vor.u32 v0, v2;
	v2 =	vld [tilespmem:$0x4A0]  }
0x73: {  	[tilespmem:$0xC30] =	vst v1;
	v1 =	vshrl.u32 v3, $0x4;
	v3 =	vand.u32 $0xF, v3  }
0x74: {  	[tilespmem:$0x880] =	vst v1;
	v1 =	vor.u32 v0, v3;
	v3 =	vld [tilespmem:$0x4B0]  }
0x75: {  	v4 =	vand.u32 $0xF, v60;
	[tilespmem:$0xC80] =	vst v1;
	v1 =	vshrl.u32 v60, $0x4  }
0x76: {  	v61 =	vld [tilespmem:$0x500];
	[tilespmem:$0x890] =	vst v1;
	v1 =	vor.u32 v0, v4  }
0x77: {  	[tilespmem:$0xC90] =	vst v1;
	v1 =	vshrl.u32 v2, $0x4;
	v2 =	vand.u32 $0xF, v2  }
0x78: {  	[tilespmem:$0x8A0] =	vst v1;
	v1 =	vor.u32 v0, v2;
	v2 =	vld [tilespmem:$0x510]  }
0x79: {  	[tilespmem:$0xCA0] =	vst v1;
	v1 =	vshrl.u32 v3, $0x4;
	v3 =	vand.u32 $0xF, v3  }
0x7a: {  	[tilespmem:$0x8B0] =	vst v1;
	v1 =	vor.u32 v0, v3;
	v3 =	vld [tilespmem:$0x520]  }
0x7b: {  	v4 =	vand.u32 $0xF, v61;
	[tilespmem:$0xCB0] =	vst v1;
	v1 =	vshrl.u32 v61, $0x4  }
0x7c: {  	v62 =	vld [tilespmem:$0x530];
	[tilespmem:$0x900] =	vst v1;
	v1 =	vor.u32 v0, v4  }
0x7d: {  	[tilespmem:$0xD00] =	vst v1;
	v1 =	vshrl.u32 v2, $0x4;
	v2 =	vand.u32 $0xF, v2  }
0x7e: {  	[tilespmem:$0x910] =	vst v1;
	v1 =	vor.u32 v0, v2;
	v2 =	vld [tilespmem:$0x580]  }
0x7f: {  	[tilespmem:$0xD10] =	vst v1;
	v1 =	vshrl.u32 v3, $0x4;
	v3 =	vand.u32 $0xF, v3  }
0x80: {  	[tilespmem:$0x920] =	vst v1;
	v1 =	vor.u32 v0, v3;
	v3 =	vld [tilespmem:$0x590]  }
0x81: {  	v4 =	vand.u32 $0xF, v62;
	[tilespmem:$0xD20] =	vst v1;
	v1 =	vshrl.u32 v62, $0x4  }
0x82: {  	v63 =	vld [tilespmem:$0x5A0];
	[tilespmem:$0x930] =	vst v1;
	v1 =	vor.u32 v0, v4  }
0x83: {  	[tilespmem:$0xD30] =	vst v1;
	v1 =	vshrl.u32 v2, $0x4;
	v2 =	vand.u32 $0xF, v2  }
0x84: {  	[tilespmem:$0x980] =	vst v1;
	v1 =	vor.u32 v0, v2;
	v2 =	vld [tilespmem:$0x5B0]  }
0x85: {  	[tilespmem:$0xD80] =	vst v1;
	v1 =	vshrl.u32 v3, $0x4;
	v3 =	vand.u32 $0xF, v3  }
0x86: {  	[tilespmem:$0x990] =	vst v1;
	v1 =	vor.u32 v0, v3  }
0x87: {  	v3 =	vand.u32 $0xF, v63;
	[tilespmem:$0xD90] =	vst v1;
	v1 =	vshrl.u32 v63, $0x4  }
0x88: {  	[tilespmem:$0x9A0] =	vst v1;
	v1 =	vor.u32 v0, v3  }
0x89: {  	[tilespmem:$0xDA0] =	vst v1;
	v1 =	vshrl.u32 v2, $0x4;
	v2 =	vand.u32 $0xF, v2  }
0x8a: {  	[tilespmem:$0x9B0] =	vst v1;
	v1 =	vor.u32 v0, v2  }
0x8b: {  	[tilespmem:$0xDB0] =	vst v1  }
0x8c: {  	[tilespmem:s19], [sflag:$0x1] =	stream.indirect.gather [hbm4b:s0+s18], $0x80, s5, s18, $0xb8;
	[tilespmem:$0x1FE00] =	vst v63  }
0x8d: {  	_ = 	snop  }
0x8e: {  	[tilespmem:s20], [sflag:$0x2] =	stream.indirect.gather [hbm4b:s0+s18], $0x80, s18, s18, $0xb8;
	[tilespmem:$0x1FE00] =	vst v63  }
0x8f: {  	s16 =	rddreg [dreg:$0x6]  }
0x90: {  	[tilespmem:s21], [sflag:$0x3] =	stream.indirect.gather [hbm4b:s0+s18], $0x80, s16, s18, $0xb8;
	[tilespmem:$0x1FE00] =	vst v63  }
0x91: {  	s8 =	rddreg [dreg:$0x7]  }
0x92: {  	[tilespmem:s22], [sflag:$0x4] =	stream.indirect.gather [hbm4b:s6+s18], $0x80, s8, s18, $0xb8;
	[tilespmem:$0x1FE00] =	vst v63  }
0x93: {  	s16 =	rddreg [dreg:$0x8]  }
0x94: {  	[tilespmem:s23], [sflag:$0x5] =	stream.indirect.gather [hbm4b:s6+s18], $0x80, s16, s18, $0xb8;
	[tilespmem:$0x1FE00] =	vst v63  }
0x95: {  	_ =	swait.ge [sflag:s24], $0x2000  }
0x96: {  	[sflag:s24] =	ssyncset.done $0x0  }
0x97: {  	[sflag:s24] =	ssyncadd.s32 $0xFFFFE000  }
0x98: {  	[spmem:s2] =	stream.indirect.scatter.add.f32 [tilespmem:s19], [sflag:$0x6], $0x80, s17, s18, $0xb8;
	[tilespmem:$0x1FE00] =	vst v63  }
0x99: {  	_ =	swait.ge [sflag:s25], $0x2000  }
0x9a: {  	[sflag:s25] =	ssyncset.done $0x0  }
0x9b: {  	s16 =	rddreg [dreg:$0x9];
	[sflag:s25] =	ssyncadd.s32 $0xFFFFE000  }
0x9c: {  	[spmem:s4] =	stream.indirect.scatter.add.f32 [tilespmem:s22], [sflag:$0x9], $0x80, s16, s18, $0xb8;
	[tilespmem:$0x1FE00] =	vst v63  }
0x9d: {  	_ =	swait.ge [sflag:s26], $0x2000  }
0x9e: {  	[sflag:s26] =	ssyncset.done $0x0  }
0x9f: {  	s16 =	rddreg [dreg:$0xa];
	[sflag:s26] =	ssyncadd.s32 $0xFFFFE000  }
0xa0: {  	[tilespmem:s19], [sflag:$0x1] =	stream.indirect.gather [hbm4b:s0+s18], $0x80, s16, s18, $0xb8;
	[tilespmem:$0x1FE00] =	vst v63  }
0xa1: {  	_ =	swait.ge [sflag:s28], $0x2000  }
0xa2: {  	[sflag:s28] =	ssyncset.done $0x0  }
0xa3: {  	s16 =	rddreg [dreg:$0xb];
	[sflag:s28] =	ssyncadd.s32 $0xFFFFE000  }
0xa4: {  	[tilespmem:s22], [sflag:$0x4] =	stream.indirect.gather [hbm4b:s6+s18], $0x80, s16, s18, $0xb8;
	[tilespmem:$0x1FE00] =	vst v63  }
0xa5: {  	_ =	swait.ge [sflag:s29], $0x2000  }
0xa6: {  	[sflag:s29] =	ssyncset.done $0x0  }
0xa7: {  	s16 =	rddreg [dreg:$0xc];
	[sflag:s29] =	ssyncadd.s32 $0xFFFFE000  }
0xa8: {  	[spmem:s2] =	stream.indirect.scatter.add.f32 [tilespmem:s20], [sflag:$0x7], $0x80, s16, s18, $0xb8;
	[tilespmem:$0x1FE00] =	vst v63  }
0xa9: {  	_ =	swait.ge [sflag:s30], $0x2000  }
0xaa: {  	[sflag:s30] =	ssyncset.done $0x0  }
0xab: {  	s16 =	rddreg [dreg:$0xd];
	[sflag:s30] =	ssyncadd.s32 $0xFFFFE000  }
0xac: {  	[spmem:s4] =	stream.indirect.scatter.add.f32 [tilespmem:s23], [sflag:$0xA], $0x80, s16, s18, $0xb8;
	[tilespmem:$0x1FE00] =	vst v63  }
0xad: {  	_ =	swait.ge [sflag:s31], $0x2000  }
0xae: {  	[sflag:s31] =	ssyncset.done $0x0  }
0xaf: {  	s16 =	rddreg [dreg:$0xe];
	[sflag:s31] =	ssyncadd.s32 $0xFFFFE000  }
0xb0: {  	[tilespmem:s20], [sflag:$0x2] =	stream.indirect.gather [hbm4b:s0+s18], $0x80, s16, s18, $0xb8;
	[tilespmem:$0x1FE00] =	vst v63  }
0xb1: {  	_ =	swait.ge [sflag:s1], $0x2000  }
0xb2: {  	[sflag:s1] =	ssyncset.done $0x0  }
0xb3: {  	s16 =	rddreg [dreg:$0xf];
	[sflag:s1] =	ssyncadd.s32 $0xFFFFE000  }
0xb4: {  	[tilespmem:s23], [sflag:$0x5] =	stream.indirect.gather [hbm4b:s6+s18], $0x80, s16, s18, $0xb8;
	[tilespmem:$0x1FE00] =	vst v63  }
0xb5: {  	_ =	swait.ge [sflag:s3], $0x2000  }
0xb6: {  	[sflag:s3] =	ssyncset.done $0x0  }
0xb7: {  	s16 =	rddreg [dreg:$0x10];
	[sflag:s3] =	ssyncadd.s32 $0xFFFFE000  }
0xb8: {  	[spmem:s2] =	stream.indirect.scatter.add.f32 [tilespmem:s21], [sflag:$0x8], $0x80, s16, s18, $0xb8;
	[tilespmem:$0x1FE00] =	vst v63  }
0xb9: {  	_ =	swait.ge [sflag:s25], $0x2000  }
0xba: {  	[sflag:s25] =	ssyncset.done $0x0  }
0xbb: {  	s16 =	rddreg [dreg:$0x11];
	[sflag:s25] =	ssyncadd.s32 $0xFFFFE000  }
0xbc: {  	[spmem:s4] =	stream.indirect.scatter.add.f32 [tilespmem:s22], [sflag:$0x9], $0x80, s16, s18, $0xb8;
	[tilespmem:$0x1FE00] =	vst v63  }
0xbd: {  	_ =	swait.ge [sflag:s7], $0x2000  }
0xbe: {  	[sflag:s7] =	ssyncset.done $0x0  }
0xbf: {  	s16 =	rddreg [dreg:$0x12];
	[sflag:s7] =	ssyncadd.s32 $0xFFFFE000  }
0xc0: {  	[tilespmem:s21], [sflag:$0x3] =	stream.indirect.gather [hbm4b:s0+s18], $0x80, s16, s18, $0xb8;
	[tilespmem:$0x1FE00] =	vst v63  }
0xc1: {  	_ =	swait.ge [sflag:s28], $0x2000  }
0xc2: {  	[sflag:s28] =	ssyncset.done $0x0  }
0xc3: {  	s16 =	rddreg [dreg:$0x13];
	[sflag:s28] =	ssyncadd.s32 $0xFFFFE000  }
0xc4: {  	[tilespmem:s22], [sflag:$0x4] =	stream.indirect.gather [hbm4b:s6+s18], $0x80, s16, s18, $0xb8;
	[tilespmem:$0x1FE00] =	vst v63  }
0xc5: {  	_ =	swait.ge [sflag:s24], $0x2000  }
0xc6: {  	[sflag:s24] =	ssyncset.done $0x0  }
0xc7: {  	s16 =	rddreg [dreg:$0x14];
	[sflag:s24] =	ssyncadd.s32 $0xFFFFE000  }
0xc8: {  	[spmem:s2] =	stream.indirect.scatter.add.f32 [tilespmem:s19], [sflag:$0x6], $0x80, s16, s18, $0xb8;
	[tilespmem:$0x1FE00] =	vst v63  }
0xc9: {  	_ =	swait.ge [sflag:s30], $0x2000  }
0xca: {  	[sflag:s30] =	ssyncset.done $0x0  }
0xcb: {  	s16 =	rddreg [dreg:$0x15];
	[sflag:s30] =	ssyncadd.s32 $0xFFFFE000  }
0xcc: {  	[spmem:s4] =	stream.indirect.scatter.add.f32 [tilespmem:s23], [sflag:$0xA], $0x80, s16, s18, $0xb8;
	[tilespmem:$0x1FE00] =	vst v63  }
0xcd: {  	_ =	swait.ge [sflag:s26], $0x2000  }
0xce: {  	[sflag:s26] =	ssyncset.done $0x0  }
0xcf: {  	s16 =	rddreg [dreg:$0x16];
	[sflag:s26] =	ssyncadd.s32 $0xFFFFE000  }
0xd0: {  	[tilespmem:s19], [sflag:$0x1] =	stream.indirect.gather [hbm4b:s0+s18], $0x80, s16, s18, $0xb8;
	[tilespmem:$0x1FE00] =	vst v63  }
0xd1: {  	_ =	swait.ge [sflag:s1], $0x2000  }
0xd2: {  	[sflag:s1] =	ssyncset.done $0x0  }
0xd3: {  	s16 =	rddreg [dreg:$0x17];
	[sflag:s1] =	ssyncadd.s32 $0xFFFFE000  }
0xd4: {  	[tilespmem:s23], [sflag:$0x5] =	stream.indirect.gather [hbm4b:s6+s18], $0x80, s16, s18, $0xb8;
	[tilespmem:$0x1FE00] =	vst v63  }
0xd5: {  	_ =	swait.ge [sflag:s29], $0x2000  }
0xd6: {  	[sflag:s29] =	ssyncset.done $0x0  }
0xd7: {  	s16 =	rddreg [dreg:$0x18];
	[sflag:s29] =	ssyncadd.s32 $0xFFFFE000  }
0xd8: {  	[spmem:s2] =	stream.indirect.scatter.add.f32 [tilespmem:s20], [sflag:$0x7], $0x80, s16, s18, $0xb8;
	[tilespmem:$0x1FE00] =	vst v63  }
0xd9: {  	_ =	swait.ge [sflag:s25], $0x2000  }
0xda: {  	[sflag:s25] =	ssyncset.done $0x0  }
0xdb: {  	s16 =	rddreg [dreg:$0x19];
	[sflag:s25] =	ssyncadd.s32 $0xFFFFE000  }
0xdc: {  	[spmem:s4] =	stream.indirect.scatter.add.f32 [tilespmem:s22], [sflag:$0x9], $0x80, s16, s18, $0xb8;
	[tilespmem:$0x1FE00] =	vst v63  }
0xdd: {  	_ =	swait.ge [sflag:s31], $0x2000  }
0xde: {  	[sflag:s31] =	ssyncset.done $0x0  }
0xdf: {  	s16 =	rddreg [dreg:$0x1a];
	[sflag:s31] =	ssyncadd.s32 $0xFFFFE000  }
0xe0: {  	[tilespmem:s20], [sflag:$0x2] =	stream.indirect.gather [hbm4b:s0+s18], $0x80, s16, s18, $0xb8;
	[tilespmem:$0x1FE00] =	vst v63  }
0xe1: {  	_ =	swait.ge [sflag:s28], $0x2000  }
0xe2: {  	[sflag:s28] =	ssyncset.done $0x0  }
0xe3: {  	s16 =	rddreg [dreg:$0x1b];
	[sflag:s28] =	ssyncadd.s32 $0xFFFFE000  }
0xe4: {  	[tilespmem:s22], [sflag:$0x4] =	stream.indirect.gather [hbm4b:s6+s18], $0x80, s16, s18, $0xb8;
	[tilespmem:$0x1FE00] =	vst v63  }
0xe5: {  	_ =	swait.ge [sflag:s3], $0x2000  }
0xe6: {  	[sflag:s3] =	ssyncset.done $0x0  }
0xe7: {  	s16 =	rddreg [dreg:$0x1c];
	[sflag:s3] =	ssyncadd.s32 $0xFFFFE000  }
0xe8: {  	[spmem:s2] =	stream.indirect.scatter.add.f32 [tilespmem:s21], [sflag:$0x8], $0x80, s16, s18, $0xb8;
	[tilespmem:$0x1FE00] =	vst v63  }
0xe9: {  	_ =	swait.ge [sflag:s30], $0x2000  }
0xea: {  	[sflag:s30] =	ssyncset.done $0x0  }
0xeb: {  	s16 =	rddreg [dreg:$0x1d];
	[sflag:s30] =	ssyncadd.s32 $0xFFFFE000  }
0xec: {  	[spmem:s4] =	stream.indirect.scatter.add.f32 [tilespmem:s23], [sflag:$0xA], $0x80, s16, s18, $0xb8;
	[tilespmem:$0x1FE00] =	vst v63  }
0xed: {  	_ =	swait.ge [sflag:s7], $0x2000  }
0xee: {  	[sflag:s7] =	ssyncset.done $0x0  }
0xef: {  	[sflag:s7] =	ssyncadd.s32 $0xFFFFE000  }
0xf0: {  	_ =	swait.ge [sflag:s1], $0x2000  }
0xf1: {  	[sflag:s1] =	ssyncset.done $0x0  }
0xf2: {  	s16 =	rddreg [dreg:$0x1e];
	[sflag:s1] =	ssyncadd.s32 $0xFFFFE000  }
0xf3: {  	[tilespmem:s23], [sflag:$0x5] =	stream.indirect.gather [hbm4b:s6+s18], $0x80, s16, s18, $0xb8;
	[tilespmem:$0x1FE00] =	vst v63  }
0xf4: {  	_ =	swait.ge [sflag:s24], $0x2000  }
0xf5: {  	[sflag:s24] =	ssyncset.done $0x0  }
0xf6: {  	s16 =	rddreg [dreg:$0x1f];
	[sflag:s24] =	ssyncadd.s32 $0xFFFFE000  }
0xf7: {  	[spmem:s2] =	stream.indirect.scatter.add.f32 [tilespmem:s19], [sflag:$0x6], $0x80, s16, s18, $0xb8;
	[tilespmem:$0x1FE00] =	vst v63  }
0xf8: {  	_ =	swait.ge [sflag:s25], $0x2000  }
0xf9: {  	[sflag:s25] =	ssyncset.done $0x0  }
0xfa: {  	[sflag:s25] =	ssyncadd.s32 $0xFFFFE000  }
0xfb: {  	[spmem:s4] =	stream.indirect.scatter.add.f32 [tilespmem:s22], [sflag:$0x9], $0x80, s9, s18, $0xb8;
	[tilespmem:$0x1FE00] =	vst v63  }
0xfc: {  	_ =	swait.ge [sflag:s26], $0x2000  }
0xfd: {  	[sflag:s26] =	ssyncset.done $0x0  }
0xfe: {  	[sflag:s26] =	ssyncadd.s32 $0xFFFFE000  }
0xff: {  	_ =	swait.ge [sflag:s28], $0x2000  }
0x100: {  	[sflag:s28] =	ssyncset.done $0x0  }
0x101: {  	[sflag:s28] =	ssyncadd.s32 $0xFFFFE000  }
0x102: {  	_ =	swait.ge [sflag:s29], $0x2000  }
0x103: {  	[sflag:s29] =	ssyncset.done $0x0  }
0x104: {  	[sflag:s29] =	ssyncadd.s32 $0xFFFFE000  }
0x105: {  	[spmem:s2] =	stream.indirect.scatter.add.f32 [tilespmem:s20], [sflag:$0x7], $0x80, s10, s18, $0xb8;
	[tilespmem:$0x1FE00] =	vst v63  }
0x106: {  	_ =	swait.ge [sflag:s30], $0x2000  }
0x107: {  	[sflag:s30] =	ssyncset.done $0x0  }
0x108: {  	[sflag:s30] =	ssyncadd.s32 $0xFFFFE000  }
0x109: {  	[spmem:s4] =	stream.indirect.scatter.add.f32 [tilespmem:s23], [sflag:$0xA], $0x80, s11, s18, $0xb8;
	[tilespmem:$0x1FE00] =	vst v63  }
0x10a: {  	p0 =	sne.s32 s14, $0x4C0;
	_ =	swait.ge [sflag:s31], $0x2000  }
.Ltmp0:
0x10b: {  	[sflag:s31] =	ssyncset.done $0x0;
	(pc) =	sbr.rel @p0 .LBB2_2-.Ltmp0, $4  }
0x10c: {  	[sflag:s31] =	ssyncadd.s32 $0xFFFFE000  }
0x10d: {  	_ =	swait.ge [sflag:s1], $0x2000  }
0x10e: {  	[sflag:s1] =	ssyncset.done $0x0  }
0x10f: {  	s14 =	sadd.s32 $0x40, s14;
	s13 =	sadd.s32 $0x80, s13;
	[sflag:s1] =	ssyncadd.s32 $0xFFFFE000  }
0x110: {  	[bflag:$0x0] =	sbarrier.arrive $0xFFFF  }
0x111: {  	s13 =	sld [smem:$0x7FB]  }
0x112: {  	s8 =	sld [smem:$0x7F7]  }
0x113: {  	s14 =	sld [smem:$0x7FC];
	_ =	sdelay $0x2  }
0x114: {  	[hbm:s8], [sflag:s13] =	dma.local [spmem:s14], $0x2780  }
0x115: {  	_ =	swait.ge [sflag:s15], $0x2780  }
0x116: {  	s8 =	sld [smem:$0x7F8]  }
0x117: {  	s16 =	sld [smem:$0x7FD]  }
0x118: {  	[sflag:s15] =	ssyncset.done $0x0  }
0x119: {  	[sflag:s15] =	ssyncadd.s32 $0xFFFFD880  }
0x11a: {  	[hbm:s8], [sflag:s13] =	dma.local [spmem:s16], $0x280  }
0x11b: {  	_ =	swait.ge [sflag:s15], $0x280  }
0x11c: {  	s8 =	sld [smem:$0x7F9];
	_ =	sdelay $0x1  }
0x11d: {  	s12 =	sadd.s32 $0x1, s12  }
0x11e: {  	p0 =	sne.s32 s12, s8  }
.Ltmp1:
0x11f: {  	_ = 	snop;
	(pc) =	sbr.rel @p0 .LBB2_1-.Ltmp1, $3  }
0x120: {  	_ =	sdelay $0x1  }
0x121: {  	[sflag:s15] =	ssyncset.done $0x0  }
0x122: {  	[sflag:s15] =	ssyncadd.s32 $0xFFFFFD80  }
0x123: {  	_ =	sfence.sel $0x180000  }
0x124: {  	[bflag:$0x0] =	sbarrier.arrive $0xFFFF  }
0x125: {  	_ =	strace $0x90000047  }
0x126: {  	s0 =	stileid.u32;
	[bflag:$0x2] =	sbarrier.arrive $0xFFFF  }
0x127: {  	p0 =	sne.s32 s0, $0x0;
	s0 =	rddreg [dreg:$0x4]  }
0x128: {  	s0 =	sadd.s32 @!p0 $0x100000, s0  }
0x129: {  	[sflag:s0] =	ssyncadd.tile.s32 @!p0 $0x1;
	_ =	shalt  }
.Lfunc_end2:
_tile_overlayer_lowered:
.L_overlay_start_2:
0x12a: {  	(tag) =	ssettag $0x2  }
0x12b: {  	s0 =	rddreg [dreg:$0x0];
	s2 =	stileid.u32  }
0x12c: {  	s1 =	rddreg [dreg:$0x1];
	p0 =	sne.s32 s2, $0x0  }
0x12d: {  	s3 =	rddreg [dreg:$0x2];
	[bflag:$0x3] =	sbarrier.arrive $0xFFFF;
	s2 =	simm.s32 @!p0 $0x1C0B  }
0x12e: {  	[timem:s3], [sflag:s2] =	dma.local @!p0 [hbm:s0], s1  }
0x12f: {  	s0 =	simm.s32 @!p0 $0xB  }
0x130: {  	_ =	swait.ge @!p0 [sflag:s0], s1  }
0x131: {  	s1 =	ssub.s32 @!p0 $0x0, s1;
	[sflag:s0] =	ssyncset.done @!p0 $0x0  }
0x132: {  	[sflag:s0] =	ssyncadd.s32 @!p0 s1  }
0x133: {  	[bflag:$0x3] =	sbarrier.arrive $0xFFFF  }
0x134: {  	_ =	shalt  }

</sc_bundles>
